<compile_context>
chip_gen: v7x
topology: tpu7x:2x2x1
jax: 0.10.2.dev20260603
libtpu: 0.0.44.dev20260713+nightly
codegen_flags: <defaults>
</compile_context>

<pallas_src>
import functools

import jax
import jax.numpy as jnp
from jax import lax
from jax.experimental import pallas as pl
from jax.experimental.pallas import tpu as pltpu
from jax.experimental.pallas import tpu_sc as plsc

NN = 50000
EE = 800000
HH = 64
XP = 16
NC = 2
NS = 16
CH = 128
EW = 25088
EPAD = EW * NC * NS
ET = EPAD // NS
HALF = NN // 2
SLAB = 1568
SH = HALF + 8
ILAST = SH - (NS - 1) * SLAB
LAST = HALF - (NS - 1) * SLAB

BE = 2048
BN = 5000

_SC_PARAMS = pltpu.CompilerParams(use_tc_tiling_on_sc=False)


def _silu(x):
    return x * jax.nn.sigmoid(x)


def _wt(Wb):
    W, b = Wb
    return W.T, b.reshape(1, -1)


def _embed_body(t_ref, s_ref, te_ref, w0, b0, w1, b1, w2, b2, o_ref):
    ids = t_ref[...]
    oh = (ids == lax.broadcasted_iota(jnp.int32, (BN, 5), 1)).astype(jnp.float32)
    h = oh @ te_ref[...]
    a = _silu(s_ref[...] @ w0[...] + b0[...])
    a = _silu(a @ w1[...] + b1[...])
    o_ref[...] = h + a @ w2[...] + b2[...]


def _embed(tids2, nscal, te, ps):
    w0, b0 = _wt(ps[0])
    w1, b1 = _wt(ps[1])
    w2, b2 = _wt(ps[2])
    full = lambda s: pl.BlockSpec(s, lambda i: (0, 0))
    return pl.pallas_call(
        _embed_body,
        grid=(NN // BN,),
        in_specs=[
            pl.BlockSpec((BN, 1), lambda i: (i, 0)),
            pl.BlockSpec((BN, 5), lambda i: (i, 0)),
            full((5, HH)), full((5, HH)), full((1, HH)),
            full((HH, HH)), full((1, HH)), full((HH, HH)), full((1, HH)),
        ],
        out_specs=pl.BlockSpec((BN, HH), lambda i: (i, 0)),
        out_shape=jax.ShapeDtypeStruct((NN, HH), jnp.float32),
    )(tids2, nscal, te, w0, b0, w1, b1, w2, b2)


def _edge_body(hs, hd, xs, xd, w1s, w1d, w1e, b1, w2, b2, w3, b3,
               wc1, bc1, wc2, bc2, m_ref, w_ref):
    rel = xs[...] - xd[...]
    d2 = jnp.sum(rel * rel, axis=1, keepdims=True)
    a = _silu(hs[...] @ w1s[...] + hd[...] @ w1d[...] + d2 * w1e[...] + b1[...])
    a = _silu(a @ w2[...] + b2[...])
    m = a @ w3[...] + b3[...]
    c = _silu(m @ wc1[...] + bc1[...])
    coef = jnp.tanh(c @ wc2[...] + bc2[...])
    m_ref[...] = m
    w_ref[...] = rel * coef


def _edge_tc(hs, hd, xs, xd, lp):
    W1, b1 = lp['edge'][0]
    w1s, w1d, w1e = W1[:, :HH].T, W1[:, HH:2 * HH].T, W1[:, 2 * HH:].T
    w2, b2 = _wt(lp['edge'][1])
    w3, b3 = _wt(lp['edge'][2])
    wc1, bc1 = _wt(lp['coord'][0])
    wc2, bc2 = _wt(lp['coord'][1])
    full = lambda s: pl.BlockSpec(s, lambda i: (0, 0))
    return pl.pallas_call(
        _edge_body,
        grid=(EPAD // BE,),
        in_specs=[
            pl.BlockSpec((BE, HH), lambda i: (i, 0)),
            pl.BlockSpec((BE, HH), lambda i: (i, 0)),
            pl.BlockSpec((BE, XP), lambda i: (i, 0)),
            pl.BlockSpec((BE, XP), lambda i: (i, 0)),
            full((HH, HH)), full((HH, HH)), full((1, HH)), full((1, HH)),
            full((HH, HH)), full((1, HH)), full((HH, HH)), full((1, HH)),
            full((HH, HH)), full((1, HH)), full((HH, 1)), full((1, 1)),
        ],
        out_specs=[
            pl.BlockSpec((BE, HH), lambda i: (i, 0)),
            pl.BlockSpec((BE, XP), lambda i: (i, 0)),
        ],
        out_shape=[
            jax.ShapeDtypeStruct((EPAD, HH), jnp.float32),
            jax.ShapeDtypeStruct((EPAD, XP), jnp.float32),
        ],
    )(hs, hd, xs, xd, w1s, w1d, w1e.reshape(1, HH), b1.reshape(1, HH),
      w2, b2, w3, b3, wc1, bc1, wc2, bc2.reshape(1, 1))


def _node_body(h, ma_ref, xp, dx_ref, w1h, w1m, b1, w2, b2, w3, b3,
               ho_ref, xo_ref):
    a = _silu(h[...] @ w1h[...] + ma_ref[...] @ w1m[...] + b1[...])
    a = _silu(a @ w2[...] + b2[...])
    ho_ref[...] = h[...] + a @ w3[...] + b3[...]
    xo_ref[...] = xp[...] + dx_ref[...]


def _node_tc(h, ma, xp, dx, lp):
    W1, b1 = lp['node'][0]
    w1h, w1m = W1[:, :HH].T, W1[:, HH:].T
    w2, b2 = _wt(lp['node'][1])
    w3, b3 = _wt(lp['node'][2])
    full = lambda s: pl.BlockSpec(s, lambda i: (0, 0))
    return pl.pallas_call(
        _node_body,
        grid=(NN // BN,),
        in_specs=[
            pl.BlockSpec((BN, HH), lambda i: (i, 0)),
            pl.BlockSpec((BN, HH), lambda i: (i, 0)),
            pl.BlockSpec((BN, XP), lambda i: (i, 0)),
            pl.BlockSpec((BN, XP), lambda i: (i, 0)),
            full((HH, HH)), full((HH, HH)), full((1, HH)),
            full((HH, HH)), full((1, HH)), full((HH, HH)), full((1, HH)),
        ],
        out_specs=[
            pl.BlockSpec((BN, HH), lambda i: (i, 0)),
            pl.BlockSpec((BN, XP), lambda i: (i, 0)),
        ],
        out_shape=[
            jax.ShapeDtypeStruct((NN, HH), jnp.float32),
            jax.ShapeDtypeStruct((NN, XP), jnp.float32),
        ],
    )(h, ma, xp, dx, w1h, w1m, b1.reshape(1, HH), w2, b2, w3, b3)


def _sc_gather(h, xp, sidx, didx):
    mesh = plsc.VectorSubcoreMesh(core_axis_name="c", subcore_axis_name="s")

    @functools.partial(
        pl.kernel,
        out_type=(
            jax.ShapeDtypeStruct((EPAD, HH), jnp.float32),
            jax.ShapeDtypeStruct((EPAD, HH), jnp.float32),
            jax.ShapeDtypeStruct((EPAD, XP), jnp.float32),
            jax.ShapeDtypeStruct((EPAD, XP), jnp.float32),
        ),
        mesh=mesh,
        scratch_types=[
            pltpu.VMEM((EW,), jnp.int32),
            pltpu.VMEM((EW,), jnp.int32),
            [pltpu.VMEM((CH, HH), jnp.float32) for _ in range(2)],
            [pltpu.VMEM((CH, HH), jnp.float32) for _ in range(2)],
            [pltpu.VMEM((CH, XP), jnp.float32) for _ in range(2)],
            [pltpu.VMEM((CH, XP), jnp.float32) for _ in range(2)],
            [pltpu.SemaphoreType.DMA for _ in range(2)],
            [pltpu.SemaphoreType.DMA for _ in range(2)],
        ],
        compiler_params=_SC_PARAMS,
    )
    def k(h_hbm, x_hbm, s_hbm, d_hbm, hs_hbm, hd_hbm, xs_hbm, xd_hbm,
          sv, dv, hsb, hdb, xsb, xdb, sg, sw):
        wid = lax.axis_index("s") * NC + lax.axis_index("c")
        base = wid * EW
        pltpu.sync_copy(s_hbm.at[pl.ds(base, EW)], sv)
        pltpu.sync_copy(d_hbm.at[pl.ds(base, EW)], dv)

        def fire_g(off, b):
            pltpu.async_copy(h_hbm.at[sv.at[pl.ds(off, CH)]], hsb[b], sg[b])
            pltpu.async_copy(h_hbm.at[dv.at[pl.ds(off, CH)]], hdb[b], sg[b])
            pltpu.async_copy(x_hbm.at[sv.at[pl.ds(off, CH)]], xsb[b], sg[b])
            pltpu.async_copy(x_hbm.at[dv.at[pl.ds(off, CH)]], xdb[b], sg[b])

        def wait_g(b):
            pltpu.make_async_copy(h_hbm.at[pl.ds(0, CH)], hsb[b], sg[b]).wait()
            pltpu.make_async_copy(h_hbm.at[pl.ds(0, CH)], hdb[b], sg[b]).wait()
            pltpu.make_async_copy(x_hbm.at[pl.ds(0, CH)], xsb[b], sg[b]).wait()
            pltpu.make_async_copy(x_hbm.at[pl.ds(0, CH)], xdb[b], sg[b]).wait()

        def fire_w(off, b):
            pltpu.async_copy(hsb[b], hs_hbm.at[pl.ds(base + off, CH)], sw[b])
            pltpu.async_copy(hdb[b], hd_hbm.at[pl.ds(base + off, CH)], sw[b])
            pltpu.async_copy(xsb[b], xs_hbm.at[pl.ds(base + off, CH)], sw[b])
            pltpu.async_copy(xdb[b], xd_hbm.at[pl.ds(base + off, CH)], sw[b])

        def wait_w(b):
            pltpu.make_async_copy(hsb[b], hs_hbm.at[pl.ds(0, CH)], sw[b]).wait()
            pltpu.make_async_copy(hdb[b], hd_hbm.at[pl.ds(0, CH)], sw[b]).wait()
            pltpu.make_async_copy(xsb[b], xs_hbm.at[pl.ds(0, CH)], sw[b]).wait()
            pltpu.make_async_copy(xdb[b], xd_hbm.at[pl.ds(0, CH)], sw[b]).wait()

        fire_g(0, 0)
        fire_g(CH, 1)

        def step(t, carry):
            off = 2 * t * CH
            wait_g(0)
            fire_w(off, 0)
            wait_g(1)
            fire_w(off + CH, 1)
            wait_w(0)

            @pl.when(t < EW // CH // 2 - 1)
            def _():
                fire_g(off + 2 * CH, 0)

            wait_w(1)

            @pl.when(t < EW // CH // 2 - 1)
            def _():
                fire_g(off + 3 * CH, 1)

            return carry

        lax.fori_loop(0, EW // CH // 2, step, 0)

    return k(h, xp, sidx, didx)


def _sc_scatter(vals, sidx, zeros, width, after):
    mesh = plsc.VectorSubcoreMesh(core_axis_name="c", subcore_axis_name="s")

    @functools.partial(
        pl.kernel,
        out_type=jax.ShapeDtypeStruct((NN, width), jnp.float32),
        mesh=mesh,
        scratch_types=[
            [pltpu.VMEM((CH,), jnp.int32) for _ in range(2)],
            [pltpu.VMEM((CH,), jnp.int32) for _ in range(2)],
            [pltpu.VMEM((CH, width), jnp.float32) for _ in range(2)],
            pltpu.VMEM_SHARED((SH, width), jnp.float32),
            [pltpu.SemaphoreType.DMA for _ in range(2)],
        ],
        compiler_params=_SC_PARAMS,
    )
    def k(v_hbm, s_hbm, z_hbm, a_hbm, o_hbm, srcb, idxb, vb, shacc, sr):
        del a_hbm
        c = lax.axis_index("c")
        s = lax.axis_index("s")
        nbase = c * HALF
        rb = s * SLAB

        @pl.when(s < NS - 1)
        def _():
            pltpu.sync_copy(z_hbm.at[pl.ds(rb, SLAB)], shacc.at[pl.ds(rb, SLAB)])

        @pl.when(s == NS - 1)
        def _():
            pltpu.sync_copy(z_hbm.at[pl.ds(rb, ILAST)], shacc.at[pl.ds(rb, ILAST)])

        plsc.subcore_barrier()
        ebase = s * ET

        def fire_r(off, b):
            pltpu.async_copy(s_hbm.at[pl.ds(off, CH)], srcb[b], sr[b])
            pltpu.async_copy(v_hbm.at[pl.ds(off, CH)], vb[b], sr[b])

        def wait_r(b):
            pltpu.make_async_copy(s_hbm.at[pl.ds(0, CH)], srcb[b], sr[b]).wait()
            pltpu.make_async_copy(v_hbm.at[pl.ds(0, CH)], vb[b], sr[b]).wait()

        def half(t, b):
            off = ebase + (2 * t + b) * CH
            wait_r(b)

            def ivec(v, cc):
                tt = srcb[b][pl.ds(v * 16, 16)] - nbase
                ok = (tt >= 0) & (tt < HALF)
                idxb[b][pl.ds(v * 16, 16)] = jnp.where(ok, tt, HALF)
                return cc

            lax.fori_loop(0, CH // 16, ivec, 0)
            pltpu.sync_copy(vb[b], shacc.at[idxb[b]], add=True)

            @pl.when(t < ET // CH // 2 - 1)
            def _():
                fire_r(off + 2 * CH, b)

        fire_r(ebase, 0)
        fire_r(ebase + CH, 1)

        def step(t, carry):
            half(t, 0)
            half(t, 1)
            return carry

        lax.fori_loop(0, ET // CH // 2, step, 0)
        plsc.subcore_barrier()

        @pl.when(s < NS - 1)
        def _():
            pltpu.sync_copy(shacc.at[pl.ds(rb, SLAB)],
                            o_hbm.at[pl.ds(nbase + rb, SLAB)])

        @pl.when(s == NS - 1)
        def _():
            pltpu.sync_copy(shacc.at[pl.ds(rb, LAST)],
                            o_hbm.at[pl.ds(nbase + rb, LAST)])

    return k(vals, sidx, zeros, after)


def kernel(node_pos, node_scalar, type_ids, edge_index, params):
    pad = EPAD - EE
    src = edge_index[0].astype(jnp.int32)
    dst = edge_index[1].astype(jnp.int32)
    src_g = jnp.concatenate([src, jnp.zeros((pad,), jnp.int32)])
    dst_g = jnp.concatenate([dst, jnp.zeros((pad,), jnp.int32)])
    src_s = jnp.concatenate([src, jnp.full((pad,), NN, jnp.int32)])
    z64 = jnp.zeros((SH, HH), jnp.float32)
    z16 = jnp.zeros((SH, XP), jnp.float32)

    xp = jnp.concatenate(
        [node_pos, jnp.zeros((NN, XP - 3), jnp.float32)], axis=1)
    h = _embed(type_ids.astype(jnp.int32).reshape(NN, 1), node_scalar,
               params['type_embed'], params['scalar'])

    for lp in params['layers']:
        hs, hd, xs, xd = _sc_gather(h, xp, src_g, dst_g)
        m, w = _edge_tc(hs, hd, xs, xd, lp)
        ma = _sc_scatter(m, src_s, z64, HH, w[:8])
        dx = _sc_scatter(w, src_s, z16, XP, ma[:8])
        h, xp = _node_tc(h, ma, xp, dx, lp)

    return h

# --- scband reference (transcript-rebuilt; emitter-appended) ---
"""Pipeline reference for scband-geo-encoder-781684048541 (READ-ONLY COPY).

The authoritative reference and input builder live on the scoring server;
editing this copy changes nothing except your own understanding.
"""

import jax, jax.numpy as jnp
import numpy as np

N = 50000
E = 800000
H = 64
L = 3


def _lin_params(key, fan_in, fan_out):
    kw, kb = jax.random.split(key)
    s = 1.0 / np.sqrt(fan_in)
    W = jax.random.uniform(kw, (fan_out, fan_in), minval=-s, maxval=s, dtype=jnp.float32)
    b = jax.random.uniform(kb, (fan_out,), minval=-s, maxval=s, dtype=jnp.float32)
    return (W, b)


def linear(x, Wb):
    W, b = Wb
    return x @ W.T + b


def mlp3(x, ps):
    # _mlp: Linear -> SiLU -> Linear -> SiLU -> Linear
    x = jax.nn.silu(linear(x, ps[0]))
    x = jax.nn.silu(linear(x, ps[1]))
    return linear(x, ps[2])


def setup_inputs(seed: int = 0) -> dict:
    key = jax.random.key(seed)
    ks = jax.random.split(key, 4)
    node_pos = jax.random.normal(ks[0], (N, 3), dtype=jnp.float32)
    node_scalar = jax.random.normal(ks[1], (N, 5), dtype=jnp.float32)
    type_ids = jax.random.randint(ks[2], (N,), 0, 5)
    edge_index = jax.random.randint(ks[3], (2, E), 0, N)
    pk = jax.random.fold_in(key, 100)
    params = {}
    params['type_embed'] = jax.random.normal(jax.random.fold_in(pk, 0), (5, H), dtype=jnp.float32) * 0.02
    params['scalar'] = [
        _lin_params(jax.random.fold_in(pk, 1), 5, H),
        _lin_params(jax.random.fold_in(pk, 2), H, H),
        _lin_params(jax.random.fold_in(pk, 3), H, H),
    ]
    layers = []
    for l in range(L):
        base = jax.random.fold_in(pk, 10 + l)
        edge = [
            _lin_params(jax.random.fold_in(base, 0), 2 * H + 1, H),
            _lin_params(jax.random.fold_in(base, 1), H, H),
            _lin_params(jax.random.fold_in(base, 2), H, H),
        ]
        coord = [
            _lin_params(jax.random.fold_in(base, 3), H, H),
            _lin_params(jax.random.fold_in(base, 4), H, 1),
        ]
        node = [
            _lin_params(jax.random.fold_in(base, 5), 2 * H, H),
            _lin_params(jax.random.fold_in(base, 6), H, H),
            _lin_params(jax.random.fold_in(base, 7), H, H),
        ]
        layers.append({'edge': edge, 'coord': coord, 'node': node})
    params['layers'] = layers
    return {
        'node_pos': node_pos,
        'node_scalar': node_scalar,
        'type_ids': type_ids,
        'edge_index': edge_index,
        'params': params,
    }


def _egnn_layer(x, h, src, dst, lp):
    rel = x[src] - x[dst]
    d2 = jnp.sum(rel * rel, axis=-1, keepdims=True)
    m_ij = mlp3(jnp.concatenate([h[src], h[dst], d2], axis=-1), lp['edge'])
    m_aggr = jax.ops.segment_sum(m_ij, src, num_segments=h.shape[0])
    coord_coef = jnp.tanh(linear(jax.nn.silu(linear(m_ij, lp['coord'][0])), lp['coord'][1]))
    delta_x = jax.ops.segment_sum(rel * coord_coef, src, num_segments=x.shape[0])
    x_out = x + delta_x
    h_out = h + mlp3(jnp.concatenate([h, m_aggr], axis=-1), lp['node'])
    return x_out, h_out


def reference(node_pos, node_scalar, type_ids, edge_index, params):
    # GeoEncoder.forward: embed node types + scalar features, then run EGNN layers.
    h = params['type_embed'][type_ids] + mlp3(node_scalar, params['scalar'])
    x = node_pos
    src = edge_index[0]
    dst = edge_index[1]
    for lp in params['layers']:
        x, h = _egnn_layer(x, h, src, dst, lp)
    return h

if __name__ == "__main__":
    import jax
    _d = setup_inputs()
    print(jax.jit(kernel)(*tuple(_d.values())))

</pallas_src>

<mosaic_0001>
#map = affine_map<(d0, d1) -> (0, 0)>
#map1 = affine_map<(d0, d1) -> (0)>
module attributes {stable_mosaic.version = 14 : i64} {
  func.func @k(%arg0: i32, %arg1: i32, %arg2: memref<50000x64xf32, #tpu.memory_space<hbm>>, %arg3: memref<50000x16xf32, #tpu.memory_space<hbm>>, %arg4: memref<802816xi32, #tpu.memory_space<hbm>>, %arg5: memref<802816xi32, #tpu.memory_space<hbm>>, %arg6: memref<802816x64xf32, #tpu.memory_space<hbm>>, %arg7: memref<802816x64xf32, #tpu.memory_space<hbm>>, %arg8: memref<802816x16xf32, #tpu.memory_space<hbm>>, %arg9: memref<802816x16xf32, #tpu.memory_space<hbm>>, %arg10: memref<25088xi32, #tpu.memory_space<vmem>>, %arg11: memref<25088xi32, #tpu.memory_space<vmem>>, %arg12: memref<128x64xf32, #tpu.memory_space<vmem>>, %arg13: memref<128x64xf32, #tpu.memory_space<vmem>>, %arg14: memref<128x64xf32, #tpu.memory_space<vmem>>, %arg15: memref<128x64xf32, #tpu.memory_space<vmem>>, %arg16: memref<128x16xf32, #tpu.memory_space<vmem>>, %arg17: memref<128x16xf32, #tpu.memory_space<vmem>>, %arg18: memref<128x16xf32, #tpu.memory_space<vmem>>, %arg19: memref<128x16xf32, #tpu.memory_space<vmem>>, %arg20: memref<!tpu.dma_semaphore, #tpu.memory_space<semaphore_mem>>, %arg21: memref<!tpu.dma_semaphore, #tpu.memory_space<semaphore_mem>>, %arg22: memref<!tpu.dma_semaphore, #tpu.memory_space<semaphore_mem>>, %arg23: memref<!tpu.dma_semaphore, #tpu.memory_space<semaphore_mem>>) attributes {dimension_semantics = [#tpu.dimension_semantics<core_parallel>, #tpu.dimension_semantics<subcore_parallel>], iteration_bounds = array<i64: 2, 16>, scalar_prefetch = 0 : i64, scratch_operands = 14 : i64, tpu.core_type = #tpu.core_type<sc_vector_subcore>, window_params = [{transform_indices = #map}, {transform_indices = #map}, {transform_indices = #map1}, {transform_indices = #map1}, {transform_indices = #map}, {transform_indices = #map}, {transform_indices = #map}, {transform_indices = #map}]} {
    %mul3A = arith.constant 2 : i32
    %mul3A_0 = arith.muli %arg1, %mul3A : i32
    %add3A = arith.addi %mul3A_0, %arg0 : i32
    %mul3A_1 = arith.constant 25088 : i32
    %mul3A_2 = arith.muli %add3A, %mul3A_1 : i32
    "tpu.region"() ({
      %run_scoped3A = tpu.sem_alloc : memref<!tpu.dma_semaphore, #tpu.memory_space<semaphore_mem>>
      %dma_start3A_47 = tpu.memref_slice %arg4[%mul3A_2] : memref<802816xi32, #tpu.memory_space<hbm>> -> memref<25088xi32, #tpu.memory_space<hbm>>
      %dma_start3A_48 = tpu.memref_slice %arg4[%mul3A_2] : memref<802816xi32, #tpu.memory_space<hbm>> -> memref<25088xi32, #tpu.memory_space<hbm>>
      tpu.enqueue_dma source(%dma_start3A_48 : memref<25088xi32, #tpu.memory_space<hbm>>) target(%arg10 : memref<25088xi32, #tpu.memory_space<vmem>>) target_semaphore(%run_scoped3A : memref<!tpu.dma_semaphore, #tpu.memory_space<semaphore_mem>>)
      %dma_wait3A = tpu.memref_slice %arg4[%mul3A_2] : memref<802816xi32, #tpu.memory_space<hbm>> -> memref<25088xi32, #tpu.memory_space<hbm>>
      %dma_wait3A_49 = tpu.memref_slice %arg4[%mul3A_2] : memref<802816xi32, #tpu.memory_space<hbm>> -> memref<25088xi32, #tpu.memory_space<hbm>>
      tpu.wait_dma2 semaphore(%run_scoped3A : memref<!tpu.dma_semaphore, #tpu.memory_space<semaphore_mem>>) src(%dma_wait3A_49 : memref<25088xi32, #tpu.memory_space<hbm>>) dst(%arg10 : memref<25088xi32, #tpu.memory_space<vmem>>)
      tpu.yield
    }) : () -> ()
    "tpu.region"() ({
      %run_scoped3A = tpu.sem_alloc : memref<!tpu.dma_semaphore, #tpu.memory_space<semaphore_mem>>
      %dma_start3A_47 = tpu.memref_slice %arg5[%mul3A_2] : memref<802816xi32, #tpu.memory_space<hbm>> -> memref<25088xi32, #tpu.memory_space<hbm>>
      %dma_start3A_48 = tpu.memref_slice %arg5[%mul3A_2] : memref<802816xi32, #tpu.memory_space<hbm>> -> memref<25088xi32, #tpu.memory_space<hbm>>
      tpu.enqueue_dma source(%dma_start3A_48 : memref<25088xi32, #tpu.memory_space<hbm>>) target(%arg11 : memref<25088xi32, #tpu.memory_space<vmem>>) target_semaphore(%run_scoped3A : memref<!tpu.dma_semaphore, #tpu.memory_space<semaphore_mem>>)
      %dma_wait3A = tpu.memref_slice %arg5[%mul3A_2] : memref<802816xi32, #tpu.memory_space<hbm>> -> memref<25088xi32, #tpu.memory_space<hbm>>
      %dma_wait3A_49 = tpu.memref_slice %arg5[%mul3A_2] : memref<802816xi32, #tpu.memory_space<hbm>> -> memref<25088xi32, #tpu.memory_space<hbm>>
      tpu.wait_dma2 semaphore(%run_scoped3A : memref<!tpu.dma_semaphore, #tpu.memory_space<semaphore_mem>>) src(%dma_wait3A_49 : memref<25088xi32, #tpu.memory_space<hbm>>) dst(%arg11 : memref<25088xi32, #tpu.memory_space<vmem>>)
      tpu.yield
    }) : () -> ()
    %dma_start3A = arith.constant 0 : i32
    %dma_start3A_3 = tpu.memref_slice %arg10[%dma_start3A] : memref<25088xi32, #tpu.memory_space<vmem>> -> memref<128xi32, #tpu.memory_space<vmem>>
    %dma_start3A_4 = arith.constant 0 : i32
    %dma_start3A_5 = arith.constant 0 : i32
    %dma_start3A_6 = tpu.memref_slice %arg2[%dma_start3A_4, %dma_start3A_5] : memref<50000x64xf32, #tpu.memory_space<hbm>> -> memref<50000x64xf32, #tpu.memory_space<hbm>>
    tpu.enqueue_indirect_dma source(%dma_start3A_6 : memref<50000x64xf32, #tpu.memory_space<hbm>>) target(%arg12 : memref<128x64xf32, #tpu.memory_space<vmem>>) offsets(%dma_start3A_3 : memref<128xi32, #tpu.memory_space<vmem>>) semaphore(%arg20 : memref<!tpu.dma_semaphore, #tpu.memory_space<semaphore_mem>>)
    %dma_start3A_7 = arith.constant 0 : i32
    %dma_start3A_8 = tpu.memref_slice %arg11[%dma_start3A_7] : memref<25088xi32, #tpu.memory_space<vmem>> -> memref<128xi32, #tpu.memory_space<vmem>>
    %dma_start3A_9 = arith.constant 0 : i32
    %dma_start3A_10 = arith.constant 0 : i32
    %dma_start3A_11 = tpu.memref_slice %arg2[%dma_start3A_9, %dma_start3A_10] : memref<50000x64xf32, #tpu.memory_space<hbm>> -> memref<50000x64xf32, #tpu.memory_space<hbm>>
    tpu.enqueue_indirect_dma source(%dma_start3A_11 : memref<50000x64xf32, #tpu.memory_space<hbm>>) target(%arg14 : memref<128x64xf32, #tpu.memory_space<vmem>>) offsets(%dma_start3A_8 : memref<128xi32, #tpu.memory_space<vmem>>) semaphore(%arg20 : memref<!tpu.dma_semaphore, #tpu.memory_space<semaphore_mem>>)
    %dma_start3A_12 = arith.constant 0 : i32
    %dma_start3A_13 = tpu.memref_slice %arg10[%dma_start3A_12] : memref<25088xi32, #tpu.memory_space<vmem>> -> memref<128xi32, #tpu.memory_space<vmem>>
    %dma_start3A_14 = arith.constant 0 : i32
    %dma_start3A_15 = arith.constant 0 : i32
    %dma_start3A_16 = tpu.memref_slice %arg3[%dma_start3A_14, %dma_start3A_15] : memref<50000x16xf32, #tpu.memory_space<hbm>> -> memref<50000x16xf32, #tpu.memory_space<hbm>>
    tpu.enqueue_indirect_dma source(%dma_start3A_16 : memref<50000x16xf32, #tpu.memory_space<hbm>>) target(%arg16 : memref<128x16xf32, #tpu.memory_space<vmem>>) offsets(%dma_start3A_13 : memref<128xi32, #tpu.memory_space<vmem>>) semaphore(%arg20 : memref<!tpu.dma_semaphore, #tpu.memory_space<semaphore_mem>>)
    %dma_start3A_17 = arith.constant 0 : i32
    %dma_start3A_18 = tpu.memref_slice %arg11[%dma_start3A_17] : memref<25088xi32, #tpu.memory_space<vmem>> -> memref<128xi32, #tpu.memory_space<vmem>>
    %dma_start3A_19 = arith.constant 0 : i32
    %dma_start3A_20 = arith.constant 0 : i32
    %dma_start3A_21 = tpu.memref_slice %arg3[%dma_start3A_19, %dma_start3A_20] : memref<50000x16xf32, #tpu.memory_space<hbm>> -> memref<50000x16xf32, #tpu.memory_space<hbm>>
    tpu.enqueue_indirect_dma source(%dma_start3A_21 : memref<50000x16xf32, #tpu.memory_space<hbm>>) target(%arg18 : memref<128x16xf32, #tpu.memory_space<vmem>>) offsets(%dma_start3A_18 : memref<128xi32, #tpu.memory_space<vmem>>) semaphore(%arg20 : memref<!tpu.dma_semaphore, #tpu.memory_space<semaphore_mem>>)
    %dma_start3A_22 = arith.constant 128 : i32
    %dma_start3A_23 = tpu.memref_slice %arg10[%dma_start3A_22] : memref<25088xi32, #tpu.memory_space<vmem>> -> memref<128xi32, #tpu.memory_space<vmem>>
    %dma_start3A_24 = arith.constant 0 : i32
    %dma_start3A_25 = arith.constant 0 : i32
    %dma_start3A_26 = tpu.memref_slice %arg2[%dma_start3A_24, %dma_start3A_25] : memref<50000x64xf32, #tpu.memory_space<hbm>> -> memref<50000x64xf32, #tpu.memory_space<hbm>>
    tpu.enqueue_indirect_dma source(%dma_start3A_26 : memref<50000x64xf32, #tpu.memory_space<hbm>>) target(%arg13 : memref<128x64xf32, #tpu.memory_space<vmem>>) offsets(%dma_start3A_23 : memref<128xi32, #tpu.memory_space<vmem>>) semaphore(%arg21 : memref<!tpu.dma_semaphore, #tpu.memory_space<semaphore_mem>>)
    %dma_start3A_27 = arith.constant 128 : i32
    %dma_start3A_28 = tpu.memref_slice %arg11[%dma_start3A_27] : memref<25088xi32, #tpu.memory_space<vmem>> -> memref<128xi32, #tpu.memory_space<vmem>>
    %dma_start3A_29 = arith.constant 0 : i32
    %dma_start3A_30 = arith.constant 0 : i32
    %dma_start3A_31 = tpu.memref_slice %arg2[%dma_start3A_29, %dma_start3A_30] : memref<50000x64xf32, #tpu.memory_space<hbm>> -> memref<50000x64xf32, #tpu.memory_space<hbm>>
    tpu.enqueue_indirect_dma source(%dma_start3A_31 : memref<50000x64xf32, #tpu.memory_space<hbm>>) target(%arg15 : memref<128x64xf32, #tpu.memory_space<vmem>>) offsets(%dma_start3A_28 : memref<128xi32, #tpu.memory_space<vmem>>) semaphore(%arg21 : memref<!tpu.dma_semaphore, #tpu.memory_space<semaphore_mem>>)
    %dma_start3A_32 = arith.constant 128 : i32
    %dma_start3A_33 = tpu.memref_slice %arg10[%dma_start3A_32] : memref<25088xi32, #tpu.memory_space<vmem>> -> memref<128xi32, #tpu.memory_space<vmem>>
    %dma_start3A_34 = arith.constant 0 : i32
    %dma_start3A_35 = arith.constant 0 : i32
    %dma_start3A_36 = tpu.memref_slice %arg3[%dma_start3A_34, %dma_start3A_35] : memref<50000x16xf32, #tpu.memory_space<hbm>> -> memref<50000x16xf32, #tpu.memory_space<hbm>>
    tpu.enqueue_indirect_dma source(%dma_start3A_36 : memref<50000x16xf32, #tpu.memory_space<hbm>>) target(%arg17 : memref<128x16xf32, #tpu.memory_space<vmem>>) offsets(%dma_start3A_33 : memref<128xi32, #tpu.memory_space<vmem>>) semaphore(%arg21 : memref<!tpu.dma_semaphore, #tpu.memory_space<semaphore_mem>>)
    %dma_start3A_37 = arith.constant 128 : i32
    %dma_start3A_38 = tpu.memref_slice %arg11[%dma_start3A_37] : memref<25088xi32, #tpu.memory_space<vmem>> -> memref<128xi32, #tpu.memory_space<vmem>>
    %dma_start3A_39 = arith.constant 0 : i32
    %dma_start3A_40 = arith.constant 0 : i32
    %dma_start3A_41 = tpu.memref_slice %arg3[%dma_start3A_39, %dma_start3A_40] : memref<50000x16xf32, #tpu.memory_space<hbm>> -> memref<50000x16xf32, #tpu.memory_space<hbm>>
    tpu.enqueue_indirect_dma source(%dma_start3A_41 : memref<50000x16xf32, #tpu.memory_space<hbm>>) target(%arg19 : memref<128x16xf32, #tpu.memory_space<vmem>>) offsets(%dma_start3A_38 : memref<128xi32, #tpu.memory_space<vmem>>) semaphore(%arg21 : memref<!tpu.dma_semaphore, #tpu.memory_space<semaphore_mem>>)
    %scan3A = arith.constant 0 : i32
    %scan3A_42 = arith.constant 0 : i32
    %scan3A_43 = arith.constant 98 : i32
    %scan3A_44 = arith.addi %scan3A_42, %scan3A_43 : i32
    %scan3A_45 = arith.constant 1 : i32
    scf.for %scan3A_47 = %scan3A_42 to %scan3A_44 step %scan3A_45  : i32 {
      %mul3A_48 = arith.constant 2 : i32
      %mul3A_49 = arith.muli %mul3A_48, %scan3A_47 : i32
      %mul3A_50 = arith.constant 128 : i32
      %mul3A_51 = arith.muli %mul3A_49, %mul3A_50 : i32
      %dma_wait3A = arith.constant 0 : i32
      %dma_wait3A_52 = arith.constant 0 : i32
      %dma_wait3A_53 = tpu.memref_slice %arg2[%dma_wait3A, %dma_wait3A_52] : memref<50000x64xf32, #tpu.memory_space<hbm>> -> memref<128x64xf32, #tpu.memory_space<hbm>>
      %dma_wait3A_54 = arith.constant 0 : i32
      %dma_wait3A_55 = arith.constant 0 : i32
      %dma_wait3A_56 = tpu.memref_slice %arg2[%dma_wait3A_54, %dma_wait3A_55] : memref<50000x64xf32, #tpu.memory_space<hbm>> -> memref<128x64xf32, #tpu.memory_space<hbm>>
      tpu.wait_dma2 semaphore(%arg20 : memref<!tpu.dma_semaphore, #tpu.memory_space<semaphore_mem>>) src(%dma_wait3A_56 : memref<128x64xf32, #tpu.memory_space<hbm>>) dst(%arg12 : memref<128x64xf32, #tpu.memory_space<vmem>>)
      %dma_wait3A_57 = arith.constant 0 : i32
      %dma_wait3A_58 = arith.constant 0 : i32
      %dma_wait3A_59 = tpu.memref_slice %arg2[%dma_wait3A_57, %dma_wait3A_58] : memref<50000x64xf32, #tpu.memory_space<hbm>> -> memref<128x64xf32, #tpu.memory_space<hbm>>
      %dma_wait3A_60 = arith.constant 0 : i32
      %dma_wait3A_61 = arith.constant 0 : i32
      %dma_wait3A_62 = tpu.memref_slice %arg2[%dma_wait3A_60, %dma_wait3A_61] : memref<50000x64xf32, #tpu.memory_space<hbm>> -> memref<128x64xf32, #tpu.memory_space<hbm>>
      tpu.wait_dma2 semaphore(%arg20 : memref<!tpu.dma_semaphore, #tpu.memory_space<semaphore_mem>>) src(%dma_wait3A_62 : memref<128x64xf32, #tpu.memory_space<hbm>>) dst(%arg14 : memref<128x64xf32, #tpu.memory_space<vmem>>)
      %dma_wait3A_63 = arith.constant 0 : i32
      %dma_wait3A_64 = arith.constant 0 : i32
      %dma_wait3A_65 = tpu.memref_slice %arg3[%dma_wait3A_63, %dma_wait3A_64] : memref<50000x16xf32, #tpu.memory_space<hbm>> -> memref<128x16xf32, #tpu.memory_space<hbm>>
      %dma_wait3A_66 = arith.constant 0 : i32
      %dma_wait3A_67 = arith.constant 0 : i32
      %dma_wait3A_68 = tpu.memref_slice %arg3[%dma_wait3A_66, %dma_wait3A_67] : memref<50000x16xf32, #tpu.memory_space<hbm>> -> memref<128x16xf32, #tpu.memory_space<hbm>>
      tpu.wait_dma2 semaphore(%arg20 : memref<!tpu.dma_semaphore, #tpu.memory_space<semaphore_mem>>) src(%dma_wait3A_68 : memref<128x16xf32, #tpu.memory_space<hbm>>) dst(%arg16 : memref<128x16xf32, #tpu.memory_space<vmem>>)
      %dma_wait3A_69 = arith.constant 0 : i32
      %dma_wait3A_70 = arith.constant 0 : i32
      %dma_wait3A_71 = tpu.memref_slice %arg3[%dma_wait3A_69, %dma_wait3A_70] : memref<50000x16xf32, #tpu.memory_space<hbm>> -> memref<128x16xf32, #tpu.memory_space<hbm>>
      %dma_wait3A_72 = arith.constant 0 : i32
      %dma_wait3A_73 = arith.constant 0 : i32
      %dma_wait3A_74 = tpu.memref_slice %arg3[%dma_wait3A_72, %dma_wait3A_73] : memref<50000x16xf32, #tpu.memory_space<hbm>> -> memref<128x16xf32, #tpu.memory_space<hbm>>
      tpu.wait_dma2 semaphore(%arg20 : memref<!tpu.dma_semaphore, #tpu.memory_space<semaphore_mem>>) src(%dma_wait3A_74 : memref<128x16xf32, #tpu.memory_space<hbm>>) dst(%arg18 : memref<128x16xf32, #tpu.memory_space<vmem>>)
      %add3A_75 = arith.addi %mul3A_2, %mul3A_51 : i32
      %dma_start3A_76 = arith.constant 0 : i32
      %dma_start3A_77 = tpu.memref_slice %arg6[%add3A_75, %dma_start3A_76] : memref<802816x64xf32, #tpu.memory_space<hbm>> -> memref<128x64xf32, #tpu.memory_space<hbm>>
      %dma_start3A_78 = arith.constant 0 : i32
      %dma_start3A_79 = tpu.memref_slice %arg6[%add3A_75, %dma_start3A_78] : memref<802816x64xf32, #tpu.memory_space<hbm>> -> memref<128x64xf32, #tpu.memory_space<hbm>>
      tpu.enqueue_dma source(%arg12 : memref<128x64xf32, #tpu.memory_space<vmem>>) target(%dma_start3A_79 : memref<128x64xf32, #tpu.memory_space<hbm>>) target_semaphore(%arg22 : memref<!tpu.dma_semaphore, #tpu.memory_space<semaphore_mem>>)
      %add3A_80 = arith.addi %mul3A_2, %mul3A_51 : i32
      %dma_start3A_81 = arith.constant 0 : i32
      %dma_start3A_82 = tpu.memref_slice %arg7[%add3A_80, %dma_start3A_81] : memref<802816x64xf32, #tpu.memory_space<hbm>> -> memref<128x64xf32, #tpu.memory_space<hbm>>
      %dma_start3A_83 = arith.constant 0 : i32
      %dma_start3A_84 = tpu.memref_slice %arg7[%add3A_80, %dma_start3A_83] : memref<802816x64xf32, #tpu.memory_space<hbm>> -> memref<128x64xf32, #tpu.memory_space<hbm>>
      tpu.enqueue_dma source(%arg14 : memref<128x64xf32, #tpu.memory_space<vmem>>) target(%dma_start3A_84 : memref<128x64xf32, #tpu.memory_space<hbm>>) target_semaphore(%arg22 : memref<!tpu.dma_semaphore, #tpu.memory_space<semaphore_mem>>)
      %add3A_85 = arith.addi %mul3A_2, %mul3A_51 : i32
      %dma_start3A_86 = arith.constant 0 : i32
      %dma_start3A_87 = tpu.memref_slice %arg8[%add3A_85, %dma_start3A_86] : memref<802816x16xf32, #tpu.memory_space<hbm>> -> memref<128x16xf32, #tpu.memory_space<hbm>>
      %dma_start3A_88 = arith.constant 0 : i32
      %dma_start3A_89 = tpu.memref_slice %arg8[%add3A_85, %dma_start3A_88] : memref<802816x16xf32, #tpu.memory_space<hbm>> -> memref<128x16xf32, #tpu.memory_space<hbm>>
      tpu.enqueue_dma source(%arg16 : memref<128x16xf32, #tpu.memory_space<vmem>>) target(%dma_start3A_89 : memref<128x16xf32, #tpu.memory_space<hbm>>) target_semaphore(%arg22 : memref<!tpu.dma_semaphore, #tpu.memory_space<semaphore_mem>>)
      %add3A_90 = arith.addi %mul3A_2, %mul3A_51 : i32
      %dma_start3A_91 = arith.constant 0 : i32
      %dma_start3A_92 = tpu.memref_slice %arg9[%add3A_90, %dma_start3A_91] : memref<802816x16xf32, #tpu.memory_space<hbm>> -> memref<128x16xf32, #tpu.memory_space<hbm>>
      %dma_start3A_93 = arith.constant 0 : i32
      %dma_start3A_94 = tpu.memref_slice %arg9[%add3A_90, %dma_start3A_93] : memref<802816x16xf32, #tpu.memory_space<hbm>> -> memref<128x16xf32, #tpu.memory_space<hbm>>
      tpu.enqueue_dma source(%arg18 : memref<128x16xf32, #tpu.memory_space<vmem>>) target(%dma_start3A_94 : memref<128x16xf32, #tpu.memory_space<hbm>>) target_semaphore(%arg22 : memref<!tpu.dma_semaphore, #tpu.memory_space<semaphore_mem>>)
      %dma_wait3A_95 = arith.constant 0 : i32
      %dma_wait3A_96 = arith.constant 0 : i32
      %dma_wait3A_97 = tpu.memref_slice %arg2[%dma_wait3A_95, %dma_wait3A_96] : memref<50000x64xf32, #tpu.memory_space<hbm>> -> memref<128x64xf32, #tpu.memory_space<hbm>>
      %dma_wait3A_98 = arith.constant 0 : i32
      %dma_wait3A_99 = arith.constant 0 : i32
      %dma_wait3A_100 = tpu.memref_slice %arg2[%dma_wait3A_98, %dma_wait3A_99] : memref<50000x64xf32, #tpu.memory_space<hbm>> -> memref<128x64xf32, #tpu.memory_space<hbm>>
      tpu.wait_dma2 semaphore(%arg21 : memref<!tpu.dma_semaphore, #tpu.memory_space<semaphore_mem>>) src(%dma_wait3A_100 : memref<128x64xf32, #tpu.memory_space<hbm>>) dst(%arg13 : memref<128x64xf32, #tpu.memory_space<vmem>>)
      %dma_wait3A_101 = arith.constant 0 : i32
      %dma_wait3A_102 = arith.constant 0 : i32
      %dma_wait3A_103 = tpu.memref_slice %arg2[%dma_wait3A_101, %dma_wait3A_102] : memref<50000x64xf32, #tpu.memory_space<hbm>> -> memref<128x64xf32, #tpu.memory_space<hbm>>
      %dma_wait3A_104 = arith.constant 0 : i32
      %dma_wait3A_105 = arith.constant 0 : i32
      %dma_wait3A_106 = tpu.memref_slice %arg2[%dma_wait3A_104, %dma_wait3A_105] : memref<50000x64xf32, #tpu.memory_space<hbm>> -> memref<128x64xf32, #tpu.memory_space<hbm>>
      tpu.wait_dma2 semaphore(%arg21 : memref<!tpu.dma_semaphore, #tpu.memory_space<semaphore_mem>>) src(%dma_wait3A_106 : memref<128x64xf32, #tpu.memory_space<hbm>>) dst(%arg15 : memref<128x64xf32, #tpu.memory_space<vmem>>)
      %dma_wait3A_107 = arith.constant 0 : i32
      %dma_wait3A_108 = arith.constant 0 : i32
      %dma_wait3A_109 = tpu.memref_slice %arg3[%dma_wait3A_107, %dma_wait3A_108] : memref<50000x16xf32, #tpu.memory_space<hbm>> -> memref<128x16xf32, #tpu.memory_space<hbm>>
      %dma_wait3A_110 = arith.constant 0 : i32
      %dma_wait3A_111 = arith.constant 0 : i32
      %dma_wait3A_112 = tpu.memref_slice %arg3[%dma_wait3A_110, %dma_wait3A_111] : memref<50000x16xf32, #tpu.memory_space<hbm>> -> memref<128x16xf32, #tpu.memory_space<hbm>>
      tpu.wait_dma2 semaphore(%arg21 : memref<!tpu.dma_semaphore, #tpu.memory_space<semaphore_mem>>) src(%dma_wait3A_112 : memref<128x16xf32, #tpu.memory_space<hbm>>) dst(%arg17 : memref<128x16xf32, #tpu.memory_space<vmem>>)
      %dma_wait3A_113 = arith.constant 0 : i32
      %dma_wait3A_114 = arith.constant 0 : i32
      %dma_wait3A_115 = tpu.memref_slice %arg3[%dma_wait3A_113, %dma_wait3A_114] : memref<50000x16xf32, #tpu.memory_space<hbm>> -> memref<128x16xf32, #tpu.memory_space<hbm>>
      %dma_wait3A_116 = arith.constant 0 : i32
      %dma_wait3A_117 = arith.constant 0 : i32
      %dma_wait3A_118 = tpu.memref_slice %arg3[%dma_wait3A_116, %dma_wait3A_117] : memref<50000x16xf32, #tpu.memory_space<hbm>> -> memref<128x16xf32, #tpu.memory_space<hbm>>
      tpu.wait_dma2 semaphore(%arg21 : memref<!tpu.dma_semaphore, #tpu.memory_space<semaphore_mem>>) src(%dma_wait3A_118 : memref<128x16xf32, #tpu.memory_space<hbm>>) dst(%arg19 : memref<128x16xf32, #tpu.memory_space<vmem>>)
      %add3A_119 = arith.constant 128 : i32
      %add3A_120 = arith.addi %mul3A_51, %add3A_119 : i32
      %add3A_121 = arith.addi %mul3A_2, %add3A_120 : i32
      %dma_start3A_122 = arith.constant 0 : i32
      %dma_start3A_123 = tpu.memref_slice %arg6[%add3A_121, %dma_start3A_122] : memref<802816x64xf32, #tpu.memory_space<hbm>> -> memref<128x64xf32, #tpu.memory_space<hbm>>
      %dma_start3A_124 = arith.constant 0 : i32
      %dma_start3A_125 = tpu.memref_slice %arg6[%add3A_121, %dma_start3A_124] : memref<802816x64xf32, #tpu.memory_space<hbm>> -> memref<128x64xf32, #tpu.memory_space<hbm>>
      tpu.enqueue_dma source(%arg13 : memref<128x64xf32, #tpu.memory_space<vmem>>) target(%dma_start3A_125 : memref<128x64xf32, #tpu.memory_space<hbm>>) target_semaphore(%arg23 : memref<!tpu.dma_semaphore, #tpu.memory_space<semaphore_mem>>)
      %add3A_126 = arith.addi %mul3A_2, %add3A_120 : i32
      %dma_start3A_127 = arith.constant 0 : i32
      %dma_start3A_128 = tpu.memref_slice %arg7[%add3A_126, %dma_start3A_127] : memref<802816x64xf32, #tpu.memory_space<hbm>> -> memref<128x64xf32, #tpu.memory_space<hbm>>
      %dma_start3A_129 = arith.constant 0 : i32
      %dma_start3A_130 = tpu.memref_slice %arg7[%add3A_126, %dma_start3A_129] : memref<802816x64xf32, #tpu.memory_space<hbm>> -> memref<128x64xf32, #tpu.memory_space<hbm>>
      tpu.enqueue_dma source(%arg15 : memref<128x64xf32, #tpu.memory_space<vmem>>) target(%dma_start3A_130 : memref<128x64xf32, #tpu.memory_space<hbm>>) target_semaphore(%arg23 : memref<!tpu.dma_semaphore, #tpu.memory_space<semaphore_mem>>)
      %add3A_131 = arith.addi %mul3A_2, %add3A_120 : i32
      %dma_start3A_132 = arith.constant 0 : i32
      %dma_start3A_133 = tpu.memref_slice %arg8[%add3A_131, %dma_start3A_132] : memref<802816x16xf32, #tpu.memory_space<hbm>> -> memref<128x16xf32, #tpu.memory_space<hbm>>
      %dma_start3A_134 = arith.constant 0 : i32
      %dma_start3A_135 = tpu.memref_slice %arg8[%add3A_131, %dma_start3A_134] : memref<802816x16xf32, #tpu.memory_space<hbm>> -> memref<128x16xf32, #tpu.memory_space<hbm>>
      tpu.enqueue_dma source(%arg17 : memref<128x16xf32, #tpu.memory_space<vmem>>) target(%dma_start3A_135 : memref<128x16xf32, #tpu.memory_space<hbm>>) target_semaphore(%arg23 : memref<!tpu.dma_semaphore, #tpu.memory_space<semaphore_mem>>)
      %add3A_136 = arith.addi %mul3A_2, %add3A_120 : i32
      %dma_start3A_137 = arith.constant 0 : i32
      %dma_start3A_138 = tpu.memref_slice %arg9[%add3A_136, %dma_start3A_137] : memref<802816x16xf32, #tpu.memory_space<hbm>> -> memref<128x16xf32, #tpu.memory_space<hbm>>
      %dma_start3A_139 = arith.constant 0 : i32
      %dma_start3A_140 = tpu.memref_slice %arg9[%add3A_136, %dma_start3A_139] : memref<802816x16xf32, #tpu.memory_space<hbm>> -> memref<128x16xf32, #tpu.memory_space<hbm>>
      tpu.enqueue_dma source(%arg19 : memref<128x16xf32, #tpu.memory_space<vmem>>) target(%dma_start3A_140 : memref<128x16xf32, #tpu.memory_space<hbm>>) target_semaphore(%arg23 : memref<!tpu.dma_semaphore, #tpu.memory_space<semaphore_mem>>)
      %dma_wait3A_141 = arith.constant 0 : i32
      %dma_wait3A_142 = arith.constant 0 : i32
      %dma_wait3A_143 = tpu.memref_slice %arg6[%dma_wait3A_141, %dma_wait3A_142] : memref<802816x64xf32, #tpu.memory_space<hbm>> -> memref<128x64xf32, #tpu.memory_space<hbm>>
      %dma_wait3A_144 = arith.constant 0 : i32
      %dma_wait3A_145 = arith.constant 0 : i32
      %dma_wait3A_146 = tpu.memref_slice %arg6[%dma_wait3A_144, %dma_wait3A_145] : memref<802816x64xf32, #tpu.memory_space<hbm>> -> memref<128x64xf32, #tpu.memory_space<hbm>>
      tpu.wait_dma2 semaphore(%arg22 : memref<!tpu.dma_semaphore, #tpu.memory_space<semaphore_mem>>) src(%arg12 : memref<128x64xf32, #tpu.memory_space<vmem>>) dst(%dma_wait3A_146 : memref<128x64xf32, #tpu.memory_space<hbm>>)
      %dma_wait3A_147 = arith.constant 0 : i32
      %dma_wait3A_148 = arith.constant 0 : i32
      %dma_wait3A_149 = tpu.memref_slice %arg7[%dma_wait3A_147, %dma_wait3A_148] : memref<802816x64xf32, #tpu.memory_space<hbm>> -> memref<128x64xf32, #tpu.memory_space<hbm>>
      %dma_wait3A_150 = arith.constant 0 : i32
      %dma_wait3A_151 = arith.constant 0 : i32
      %dma_wait3A_152 = tpu.memref_slice %arg7[%dma_wait3A_150, %dma_wait3A_151] : memref<802816x64xf32, #tpu.memory_space<hbm>> -> memref<128x64xf32, #tpu.memory_space<hbm>>
      tpu.wait_dma2 semaphore(%arg22 : memref<!tpu.dma_semaphore, #tpu.memory_space<semaphore_mem>>) src(%arg14 : memref<128x64xf32, #tpu.memory_space<vmem>>) dst(%dma_wait3A_152 : memref<128x64xf32, #tpu.memory_space<hbm>>)
      %dma_wait3A_153 = arith.constant 0 : i32
      %dma_wait3A_154 = arith.constant 0 : i32
      %dma_wait3A_155 = tpu.memref_slice %arg8[%dma_wait3A_153, %dma_wait3A_154] : memref<802816x16xf32, #tpu.memory_space<hbm>> -> memref<128x16xf32, #tpu.memory_space<hbm>>
      %dma_wait3A_156 = arith.constant 0 : i32
      %dma_wait3A_157 = arith.constant 0 : i32
      %dma_wait3A_158 = tpu.memref_slice %arg8[%dma_wait3A_156, %dma_wait3A_157] : memref<802816x16xf32, #tpu.memory_space<hbm>> -> memref<128x16xf32, #tpu.memory_space<hbm>>
      tpu.wait_dma2 semaphore(%arg22 : memref<!tpu.dma_semaphore, #tpu.memory_space<semaphore_mem>>) src(%arg16 : memref<128x16xf32, #tpu.memory_space<vmem>>) dst(%dma_wait3A_158 : memref<128x16xf32, #tpu.memory_space<hbm>>)
      %dma_wait3A_159 = arith.constant 0 : i32
      %dma_wait3A_160 = arith.constant 0 : i32
      %dma_wait3A_161 = tpu.memref_slice %arg9[%dma_wait3A_159, %dma_wait3A_160] : memref<802816x16xf32, #tpu.memory_space<hbm>> -> memref<128x16xf32, #tpu.memory_space<hbm>>
      %dma_wait3A_162 = arith.constant 0 : i32
      %dma_wait3A_163 = arith.constant 0 : i32
      %dma_wait3A_164 = tpu.memref_slice %arg9[%dma_wait3A_162, %dma_wait3A_163] : memref<802816x16xf32, #tpu.memory_space<hbm>> -> memref<128x16xf32, #tpu.memory_space<hbm>>
      tpu.wait_dma2 semaphore(%arg22 : memref<!tpu.dma_semaphore, #tpu.memory_space<semaphore_mem>>) src(%arg18 : memref<128x16xf32, #tpu.memory_space<vmem>>) dst(%dma_wait3A_164 : memref<128x16xf32, #tpu.memory_space<hbm>>)
      %lt3A = arith.constant 97 : i32
      %lt3A_165 = arith.cmpi slt, %scan3A_47, %lt3A : i32
      %convert_element_type3A = arith.extui %lt3A_165 : i1 to i32
      %cond3A = arith.constant 0 : i32
      %cond3A_166 = arith.cmpi ne, %convert_element_type3A, %cond3A : i32
      scf.if %cond3A_166 {
        %add3A_196 = arith.constant 256 : i32
        %add3A_197 = arith.addi %mul3A_51, %add3A_196 : i32
        %dma_start3A_198 = tpu.memref_slice %arg10[%add3A_197] : memref<25088xi32, #tpu.memory_space<vmem>> -> memref<128xi32, #tpu.memory_space<vmem>>
        %dma_start3A_199 = arith.constant 0 : i32
        %dma_start3A_200 = arith.constant 0 : i32
        %dma_start3A_201 = tpu.memref_slice %arg2[%dma_start3A_199, %dma_start3A_200] : memref<50000x64xf32, #tpu.memory_space<hbm>> -> memref<50000x64xf32, #tpu.memory_space<hbm>>
        tpu.enqueue_indirect_dma source(%dma_start3A_201 : memref<50000x64xf32, #tpu.memory_space<hbm>>) target(%arg12 : memref<128x64xf32, #tpu.memory_space<vmem>>) offsets(%dma_start3A_198 : memref<128xi32, #tpu.memory_space<vmem>>) semaphore(%arg20 : memref<!tpu.dma_semaphore, #tpu.memory_space<semaphore_mem>>)
        %dma_start3A_202 = tpu.memref_slice %arg11[%add3A_197] : memref<25088xi32, #tpu.memory_space<vmem>> -> memref<128xi32, #tpu.memory_space<vmem>>
        %dma_start3A_203 = arith.constant 0 : i32
        %dma_start3A_204 = arith.constant 0 : i32
        %dma_start3A_205 = tpu.memref_slice %arg2[%dma_start3A_203, %dma_start3A_204] : memref<50000x64xf32, #tpu.memory_space<hbm>> -> memref<50000x64xf32, #tpu.memory_space<hbm>>
        tpu.enqueue_indirect_dma source(%dma_start3A_205 : memref<50000x64xf32, #tpu.memory_space<hbm>>) target(%arg14 : memref<128x64xf32, #tpu.memory_space<vmem>>) offsets(%dma_start3A_202 : memref<128xi32, #tpu.memory_space<vmem>>) semaphore(%arg20 : memref<!tpu.dma_semaphore, #tpu.memory_space<semaphore_mem>>)
        %dma_start3A_206 = tpu.memref_slice %arg10[%add3A_197] : memref<25088xi32, #tpu.memory_space<vmem>> -> memref<128xi32, #tpu.memory_space<vmem>>
        %dma_start3A_207 = arith.constant 0 : i32
        %dma_start3A_208 = arith.constant 0 : i32
        %dma_start3A_209 = tpu.memref_slice %arg3[%dma_start3A_207, %dma_start3A_208] : memref<50000x16xf32, #tpu.memory_space<hbm>> -> memref<50000x16xf32, #tpu.memory_space<hbm>>
        tpu.enqueue_indirect_dma source(%dma_start3A_209 : memref<50000x16xf32, #tpu.memory_space<hbm>>) target(%arg16 : memref<128x16xf32, #tpu.memory_space<vmem>>) offsets(%dma_start3A_206 : memref<128xi32, #tpu.memory_space<vmem>>) semaphore(%arg20 : memref<!tpu.dma_semaphore, #tpu.memory_space<semaphore_mem>>)
        %dma_start3A_210 = tpu.memref_slice %arg11[%add3A_197] : memref<25088xi32, #tpu.memory_space<vmem>> -> memref<128xi32, #tpu.memory_space<vmem>>
        %dma_start3A_211 = arith.constant 0 : i32
        %dma_start3A_212 = arith.constant 0 : i32
        %dma_start3A_213 = tpu.memref_slice %arg3[%dma_start3A_211, %dma_start3A_212] : memref<50000x16xf32, #tpu.memory_space<hbm>> -> memref<50000x16xf32, #tpu.memory_space<hbm>>
        tpu.enqueue_indirect_dma source(%dma_start3A_213 : memref<50000x16xf32, #tpu.memory_space<hbm>>) target(%arg18 : memref<128x16xf32, #tpu.memory_space<vmem>>) offsets(%dma_start3A_210 : memref<128xi32, #tpu.memory_space<vmem>>) semaphore(%arg20 : memref<!tpu.dma_semaphore, #tpu.memory_space<semaphore_mem>>)
      } else {
      }
      %dma_wait3A_167 = arith.constant 0 : i32
      %dma_wait3A_168 = arith.constant 0 : i32
      %dma_wait3A_169 = tpu.memref_slice %arg6[%dma_wait3A_167, %dma_wait3A_168] : memref<802816x64xf32, #tpu.memory_space<hbm>> -> memref<128x64xf32, #tpu.memory_space<hbm>>
      %dma_wait3A_170 = arith.constant 0 : i32
      %dma_wait3A_171 = arith.constant 0 : i32
      %dma_wait3A_172 = tpu.memref_slice %arg6[%dma_wait3A_170, %dma_wait3A_171] : memref<802816x64xf32, #tpu.memory_space<hbm>> -> memref<128x64xf32, #tpu.memory_space<hbm>>
      tpu.wait_dma2 semaphore(%arg23 : memref<!tpu.dma_semaphore, #tpu.memory_space<semaphore_mem>>) src(%arg13 : memref<128x64xf32, #tpu.memory_space<vmem>>) dst(%dma_wait3A_172 : memref<128x64xf32, #tpu.memory_space<hbm>>)
      %dma_wait3A_173 = arith.constant 0 : i32
      %dma_wait3A_174 = arith.constant 0 : i32
      %dma_wait3A_175 = tpu.memref_slice %arg7[%dma_wait3A_173, %dma_wait3A_174] : memref<802816x64xf32, #tpu.memory_space<hbm>> -> memref<128x64xf32, #tpu.memory_space<hbm>>
      %dma_wait3A_176 = arith.constant 0 : i32
      %dma_wait3A_177 = arith.constant 0 : i32
      %dma_wait3A_178 = tpu.memref_slice %arg7[%dma_wait3A_176, %dma_wait3A_177] : memref<802816x64xf32, #tpu.memory_space<hbm>> -> memref<128x64xf32, #tpu.memory_space<hbm>>
      tpu.wait_dma2 semaphore(%arg23 : memref<!tpu.dma_semaphore, #tpu.memory_space<semaphore_mem>>) src(%arg15 : memref<128x64xf32, #tpu.memory_space<vmem>>) dst(%dma_wait3A_178 : memref<128x64xf32, #tpu.memory_space<hbm>>)
      %dma_wait3A_179 = arith.constant 0 : i32
      %dma_wait3A_180 = arith.constant 0 : i32
      %dma_wait3A_181 = tpu.memref_slice %arg8[%dma_wait3A_179, %dma_wait3A_180] : memref<802816x16xf32, #tpu.memory_space<hbm>> -> memref<128x16xf32, #tpu.memory_space<hbm>>
      %dma_wait3A_182 = arith.constant 0 : i32
      %dma_wait3A_183 = arith.constant 0 : i32
      %dma_wait3A_184 = tpu.memref_slice %arg8[%dma_wait3A_182, %dma_wait3A_183] : memref<802816x16xf32, #tpu.memory_space<hbm>> -> memref<128x16xf32, #tpu.memory_space<hbm>>
      tpu.wait_dma2 semaphore(%arg23 : memref<!tpu.dma_semaphore, #tpu.memory_space<semaphore_mem>>) src(%arg17 : memref<128x16xf32, #tpu.memory_space<vmem>>) dst(%dma_wait3A_184 : memref<128x16xf32, #tpu.memory_space<hbm>>)
      %dma_wait3A_185 = arith.constant 0 : i32
      %dma_wait3A_186 = arith.constant 0 : i32
      %dma_wait3A_187 = tpu.memref_slice %arg9[%dma_wait3A_185, %dma_wait3A_186] : memref<802816x16xf32, #tpu.memory_space<hbm>> -> memref<128x16xf32, #tpu.memory_space<hbm>>
      %dma_wait3A_188 = arith.constant 0 : i32
      %dma_wait3A_189 = arith.constant 0 : i32
      %dma_wait3A_190 = tpu.memref_slice %arg9[%dma_wait3A_188, %dma_wait3A_189] : memref<802816x16xf32, #tpu.memory_space<hbm>> -> memref<128x16xf32, #tpu.memory_space<hbm>>
      tpu.wait_dma2 semaphore(%arg23 : memref<!tpu.dma_semaphore, #tpu.memory_space<semaphore_mem>>) src(%arg19 : memref<128x16xf32, #tpu.memory_space<vmem>>) dst(%dma_wait3A_190 : memref<128x16xf32, #tpu.memory_space<hbm>>)
      %lt3A_191 = arith.constant 97 : i32
      %lt3A_192 = arith.cmpi slt, %scan3A_47, %lt3A_191 : i32
      %convert_element_type3A_193 = arith.extui %lt3A_192 : i1 to i32
      %cond3A_194 = arith.constant 0 : i32
      %cond3A_195 = arith.cmpi ne, %convert_element_type3A_193, %cond3A_194 : i32
      scf.if %cond3A_195 {
        %add3A_196 = arith.constant 384 : i32
        %add3A_197 = arith.addi %mul3A_51, %add3A_196 : i32
        %dma_start3A_198 = tpu.memref_slice %arg10[%add3A_197] : memref<25088xi32, #tpu.memory_space<vmem>> -> memref<128xi32, #tpu.memory_space<vmem>>
        %dma_start3A_199 = arith.constant 0 : i32
        %dma_start3A_200 = arith.constant 0 : i32
        %dma_start3A_201 = tpu.memref_slice %arg2[%dma_start3A_199, %dma_start3A_200] : memref<50000x64xf32, #tpu.memory_space<hbm>> -> memref<50000x64xf32, #tpu.memory_space<hbm>>
        tpu.enqueue_indirect_dma source(%dma_start3A_201 : memref<50000x64xf32, #tpu.memory_space<hbm>>) target(%arg13 : memref<128x64xf32, #tpu.memory_space<vmem>>) offsets(%dma_start3A_198 : memref<128xi32, #tpu.memory_space<vmem>>) semaphore(%arg21 : memref<!tpu.dma_semaphore, #tpu.memory_space<semaphore_mem>>)
        %dma_start3A_202 = tpu.memref_slice %arg11[%add3A_197] : memref<25088xi32, #tpu.memory_space<vmem>> -> memref<128xi32, #tpu.memory_space<vmem>>
        %dma_start3A_203 = arith.constant 0 : i32
        %dma_start3A_204 = arith.constant 0 : i32
        %dma_start3A_205 = tpu.memref_slice %arg2[%dma_start3A_203, %dma_start3A_204] : memref<50000x64xf32, #tpu.memory_space<hbm>> -> memref<50000x64xf32, #tpu.memory_space<hbm>>
        tpu.enqueue_indirect_dma source(%dma_start3A_205 : memref<50000x64xf32, #tpu.memory_space<hbm>>) target(%arg15 : memref<128x64xf32, #tpu.memory_space<vmem>>) offsets(%dma_start3A_202 : memref<128xi32, #tpu.memory_space<vmem>>) semaphore(%arg21 : memref<!tpu.dma_semaphore, #tpu.memory_space<semaphore_mem>>)
        %dma_start3A_206 = tpu.memref_slice %arg10[%add3A_197] : memref<25088xi32, #tpu.memory_space<vmem>> -> memref<128xi32, #tpu.memory_space<vmem>>
        %dma_start3A_207 = arith.constant 0 : i32
        %dma_start3A_208 = arith.constant 0 : i32
        %dma_start3A_209 = tpu.memref_slice %arg3[%dma_start3A_207, %dma_start3A_208] : memref<50000x16xf32, #tpu.memory_space<hbm>> -> memref<50000x16xf32, #tpu.memory_space<hbm>>
        tpu.enqueue_indirect_dma source(%dma_start3A_209 : memref<50000x16xf32, #tpu.memory_space<hbm>>) target(%arg17 : memref<128x16xf32, #tpu.memory_space<vmem>>) offsets(%dma_start3A_206 : memref<128xi32, #tpu.memory_space<vmem>>) semaphore(%arg21 : memref<!tpu.dma_semaphore, #tpu.memory_space<semaphore_mem>>)
        %dma_start3A_210 = tpu.memref_slice %arg11[%add3A_197] : memref<25088xi32, #tpu.memory_space<vmem>> -> memref<128xi32, #tpu.memory_space<vmem>>
        %dma_start3A_211 = arith.constant 0 : i32
        %dma_start3A_212 = arith.constant 0 : i32
        %dma_start3A_213 = tpu.memref_slice %arg3[%dma_start3A_211, %dma_start3A_212] : memref<50000x16xf32, #tpu.memory_space<hbm>> -> memref<50000x16xf32, #tpu.memory_space<hbm>>
        tpu.enqueue_indirect_dma source(%dma_start3A_213 : memref<50000x16xf32, #tpu.memory_space<hbm>>) target(%arg19 : memref<128x16xf32, #tpu.memory_space<vmem>>) offsets(%dma_start3A_210 : memref<128xi32, #tpu.memory_space<vmem>>) semaphore(%arg21 : memref<!tpu.dma_semaphore, #tpu.memory_space<semaphore_mem>>)
      } else {
      }
    }
    %scan3A_46 = arith.constant 98 : i32
    return
  }
}

#map = affine_map<(d0, d1) -> (0, 0)>
#map1 = affine_map<(d0, d1) -> (0)>
module attributes {stable_mosaic.version = 14 : i64} {
  func.func @k(%arg0: i32, %arg1: i32, %arg2: memref<802816x64xf32, #tpu.memory_space<hbm>>, %arg3: memref<802816xi32, #tpu.memory_space<hbm>>, %arg4: memref<25008x64xf32, #tpu.memory_space<hbm>>, %arg5: memref<8x16xf32, #tpu.memory_space<hbm>>, %arg6: memref<50000x64xf32, #tpu.memory_space<hbm>>, %arg7: memref<128xi32, #tpu.memory_space<vmem>>, %arg8: memref<128xi32, #tpu.memory_space<vmem>>, %arg9: memref<128xi32, #tpu.memory_space<vmem>>, %arg10: memref<128xi32, #tpu.memory_space<vmem>>, %arg11: memref<128x64xf32, #tpu.memory_space<vmem>>, %arg12: memref<128x64xf32, #tpu.memory_space<vmem>>, %arg13: memref<25008x64xf32, #tpu.memory_space<vmem_shared>>, %arg14: memref<!tpu.dma_semaphore, #tpu.memory_space<semaphore_mem>>, %arg15: memref<!tpu.dma_semaphore, #tpu.memory_space<semaphore_mem>>) attributes {dimension_semantics = [#tpu.dimension_semantics<core_parallel>, #tpu.dimension_semantics<subcore_parallel>], iteration_bounds = array<i64: 2, 16>, scalar_prefetch = 0 : i64, scratch_operands = 9 : i64, tpu.core_type = #tpu.core_type<sc_vector_subcore>, window_params = [{transform_indices = #map}, {transform_indices = #map1}, {transform_indices = #map}, {transform_indices = #map}, {transform_indices = #map}]} {
    %mul3A = arith.constant 25000 : i32
    %mul3A_0 = arith.muli %arg0, %mul3A : i32
    %mul3A_1 = arith.constant 1568 : i32
    %mul3A_2 = arith.muli %arg1, %mul3A_1 : i32
    %lt3A = arith.constant 15 : i32
    %lt3A_3 = arith.cmpi slt, %arg1, %lt3A : i32
    %convert_element_type3A = arith.extui %lt3A_3 : i1 to i32
    %cond3A = arith.constant 0 : i32
    %cond3A_4 = arith.cmpi ne, %convert_element_type3A, %cond3A : i32
    scf.if %cond3A_4 {
      "tpu.region"() ({
        %run_scoped3A = tpu.sem_alloc : memref<!tpu.dma_semaphore, #tpu.memory_space<semaphore_mem>>
        %dma_start3A_39 = arith.constant 0 : i32
        %dma_start3A_40 = tpu.memref_slice %arg13[%mul3A_2, %dma_start3A_39] : memref<25008x64xf32, #tpu.memory_space<vmem_shared>> -> memref<1568x64xf32, #tpu.memory_space<vmem_shared>>
        %dma_start3A_41 = arith.constant 0 : i32
        %dma_start3A_42 = tpu.memref_slice %arg4[%mul3A_2, %dma_start3A_41] : memref<25008x64xf32, #tpu.memory_space<hbm>> -> memref<1568x64xf32, #tpu.memory_space<hbm>>
        tpu.enqueue_dma source(%dma_start3A_42 : memref<1568x64xf32, #tpu.memory_space<hbm>>) target(%dma_start3A_40 : memref<1568x64xf32, #tpu.memory_space<vmem_shared>>) target_semaphore(%run_scoped3A : memref<!tpu.dma_semaphore, #tpu.memory_space<semaphore_mem>>)
        %dma_wait3A = arith.constant 0 : i32
        %dma_wait3A_43 = tpu.memref_slice %arg13[%mul3A_2, %dma_wait3A] : memref<25008x64xf32, #tpu.memory_space<vmem_shared>> -> memref<1568x64xf32, #tpu.memory_space<vmem_shared>>
        %dma_wait3A_44 = arith.constant 0 : i32
        %dma_wait3A_45 = tpu.memref_slice %arg4[%mul3A_2, %dma_wait3A_44] : memref<25008x64xf32, #tpu.memory_space<hbm>> -> memref<1568x64xf32, #tpu.memory_space<hbm>>
        tpu.wait_dma2 semaphore(%run_scoped3A : memref<!tpu.dma_semaphore, #tpu.memory_space<semaphore_mem>>) src(%dma_wait3A_45 : memref<1568x64xf32, #tpu.memory_space<hbm>>) dst(%dma_wait3A_43 : memref<1568x64xf32, #tpu.memory_space<vmem_shared>>)
        tpu.yield
      }) : () -> ()
    } else {
    }
    %eq3A = arith.constant 15 : i32
    %eq3A_5 = arith.cmpi eq, %arg1, %eq3A : i32
    %convert_element_type3A_6 = arith.extui %eq3A_5 : i1 to i32
    %cond3A_7 = arith.constant 0 : i32
    %cond3A_8 = arith.cmpi ne, %convert_element_type3A_6, %cond3A_7 : i32
    scf.if %cond3A_8 {
      "tpu.region"() ({
        %run_scoped3A = tpu.sem_alloc : memref<!tpu.dma_semaphore, #tpu.memory_space<semaphore_mem>>
        %dma_start3A_39 = arith.constant 0 : i32
        %dma_start3A_40 = tpu.memref_slice %arg13[%mul3A_2, %dma_start3A_39] : memref<25008x64xf32, #tpu.memory_space<vmem_shared>> -> memref<1488x64xf32, #tpu.memory_space<vmem_shared>>
        %dma_start3A_41 = arith.constant 0 : i32
        %dma_start3A_42 = tpu.memref_slice %arg4[%mul3A_2, %dma_start3A_41] : memref<25008x64xf32, #tpu.memory_space<hbm>> -> memref<1488x64xf32, #tpu.memory_space<hbm>>
        tpu.enqueue_dma source(%dma_start3A_42 : memref<1488x64xf32, #tpu.memory_space<hbm>>) target(%dma_start3A_40 : memref<1488x64xf32, #tpu.memory_space<vmem_shared>>) target_semaphore(%run_scoped3A : memref<!tpu.dma_semaphore, #tpu.memory_space<semaphore_mem>>)
        %dma_wait3A = arith.constant 0 : i32
        %dma_wait3A_43 = tpu.memref_slice %arg13[%mul3A_2, %dma_wait3A] : memref<25008x64xf32, #tpu.memory_space<vmem_shared>> -> memref<1488x64xf32, #tpu.memory_space<vmem_shared>>
        %dma_wait3A_44 = arith.constant 0 : i32
        %dma_wait3A_45 = tpu.memref_slice %arg4[%mul3A_2, %dma_wait3A_44] : memref<25008x64xf32, #tpu.memory_space<hbm>> -> memref<1488x64xf32, #tpu.memory_space<hbm>>
        tpu.wait_dma2 semaphore(%run_scoped3A : memref<!tpu.dma_semaphore, #tpu.memory_space<semaphore_mem>>) src(%dma_wait3A_45 : memref<1488x64xf32, #tpu.memory_space<hbm>>) dst(%dma_wait3A_43 : memref<1488x64xf32, #tpu.memory_space<vmem_shared>>)
        tpu.yield
      }) : () -> ()
    } else {
    }
    %barrier3A = arith.constant 0 : index
    tpu.barrier barrier_id(%barrier3A)
    %mul3A_9 = arith.constant 50176 : i32
    %mul3A_10 = arith.muli %arg1, %mul3A_9 : i32
    %dma_start3A = tpu.memref_slice %arg3[%mul3A_10] : memref<802816xi32, #tpu.memory_space<hbm>> -> memref<128xi32, #tpu.memory_space<hbm>>
    %dma_start3A_11 = tpu.memref_slice %arg3[%mul3A_10] : memref<802816xi32, #tpu.memory_space<hbm>> -> memref<128xi32, #tpu.memory_space<hbm>>
    tpu.enqueue_dma source(%dma_start3A_11 : memref<128xi32, #tpu.memory_space<hbm>>) target(%arg7 : memref<128xi32, #tpu.memory_space<vmem>>) target_semaphore(%arg14 : memref<!tpu.dma_semaphore, #tpu.memory_space<semaphore_mem>>)
    %dma_start3A_12 = arith.constant 0 : i32
    %dma_start3A_13 = tpu.memref_slice %arg2[%mul3A_10, %dma_start3A_12] : memref<802816x64xf32, #tpu.memory_space<hbm>> -> memref<128x64xf32, #tpu.memory_space<hbm>>
    %dma_start3A_14 = arith.constant 0 : i32
    %dma_start3A_15 = tpu.memref_slice %arg2[%mul3A_10, %dma_start3A_14] : memref<802816x64xf32, #tpu.memory_space<hbm>> -> memref<128x64xf32, #tpu.memory_space<hbm>>
    tpu.enqueue_dma source(%dma_start3A_15 : memref<128x64xf32, #tpu.memory_space<hbm>>) target(%arg11 : memref<128x64xf32, #tpu.memory_space<vmem>>) target_semaphore(%arg14 : memref<!tpu.dma_semaphore, #tpu.memory_space<semaphore_mem>>)
    %add3A = arith.constant 128 : i32
    %add3A_16 = arith.addi %mul3A_10, %add3A : i32
    %dma_start3A_17 = tpu.memref_slice %arg3[%add3A_16] : memref<802816xi32, #tpu.memory_space<hbm>> -> memref<128xi32, #tpu.memory_space<hbm>>
    %dma_start3A_18 = tpu.memref_slice %arg3[%add3A_16] : memref<802816xi32, #tpu.memory_space<hbm>> -> memref<128xi32, #tpu.memory_space<hbm>>
    tpu.enqueue_dma source(%dma_start3A_18 : memref<128xi32, #tpu.memory_space<hbm>>) target(%arg8 : memref<128xi32, #tpu.memory_space<vmem>>) target_semaphore(%arg15 : memref<!tpu.dma_semaphore, #tpu.memory_space<semaphore_mem>>)
    %dma_start3A_19 = arith.constant 0 : i32
    %dma_start3A_20 = tpu.memref_slice %arg2[%add3A_16, %dma_start3A_19] : memref<802816x64xf32, #tpu.memory_space<hbm>> -> memref<128x64xf32, #tpu.memory_space<hbm>>
    %dma_start3A_21 = arith.constant 0 : i32
    %dma_start3A_22 = tpu.memref_slice %arg2[%add3A_16, %dma_start3A_21] : memref<802816x64xf32, #tpu.memory_space<hbm>> -> memref<128x64xf32, #tpu.memory_space<hbm>>
    tpu.enqueue_dma source(%dma_start3A_22 : memref<128x64xf32, #tpu.memory_space<hbm>>) target(%arg12 : memref<128x64xf32, #tpu.memory_space<vmem>>) target_semaphore(%arg15 : memref<!tpu.dma_semaphore, #tpu.memory_space<semaphore_mem>>)
    %scan3A = arith.constant 0 : i32
    %scan3A_23 = arith.constant 0 : i32
    %scan3A_24 = arith.constant 196 : i32
    %scan3A_25 = arith.addi %scan3A_23, %scan3A_24 : i32
    %scan3A_26 = arith.constant 1 : i32
    scf.for %scan3A_39 = %scan3A_23 to %scan3A_25 step %scan3A_26  : i32 {
      %mul3A_40 = arith.constant 2 : i32
      %mul3A_41 = arith.muli %mul3A_40, %scan3A_39 : i32
      %add3A_42 = arith.constant 0 : i32
      %add3A_43 = arith.addi %mul3A_41, %add3A_42 : i32
      %mul3A_44 = arith.constant 128 : i32
      %mul3A_45 = arith.muli %add3A_43, %mul3A_44 : i32
      %add3A_46 = arith.addi %mul3A_10, %mul3A_45 : i32
      %dma_wait3A = arith.constant 0 : i32
      %dma_wait3A_47 = tpu.memref_slice %arg3[%dma_wait3A] : memref<802816xi32, #tpu.memory_space<hbm>> -> memref<128xi32, #tpu.memory_space<hbm>>
      %dma_wait3A_48 = arith.constant 0 : i32
      %dma_wait3A_49 = tpu.memref_slice %arg3[%dma_wait3A_48] : memref<802816xi32, #tpu.memory_space<hbm>> -> memref<128xi32, #tpu.memory_space<hbm>>
      tpu.wait_dma2 semaphore(%arg14 : memref<!tpu.dma_semaphore, #tpu.memory_space<semaphore_mem>>) src(%dma_wait3A_49 : memref<128xi32, #tpu.memory_space<hbm>>) dst(%arg7 : memref<128xi32, #tpu.memory_space<vmem>>)
      %dma_wait3A_50 = arith.constant 0 : i32
      %dma_wait3A_51 = arith.constant 0 : i32
      %dma_wait3A_52 = tpu.memref_slice %arg2[%dma_wait3A_50, %dma_wait3A_51] : memref<802816x64xf32, #tpu.memory_space<hbm>> -> memref<128x64xf32, #tpu.memory_space<hbm>>
      %dma_wait3A_53 = arith.constant 0 : i32
      %dma_wait3A_54 = arith.constant 0 : i32
      %dma_wait3A_55 = tpu.memref_slice %arg2[%dma_wait3A_53, %dma_wait3A_54] : memref<802816x64xf32, #tpu.memory_space<hbm>> -> memref<128x64xf32, #tpu.memory_space<hbm>>
      tpu.wait_dma2 semaphore(%arg14 : memref<!tpu.dma_semaphore, #tpu.memory_space<semaphore_mem>>) src(%dma_wait3A_55 : memref<128x64xf32, #tpu.memory_space<hbm>>) dst(%arg11 : memref<128x64xf32, #tpu.memory_space<vmem>>)
      %scan3A_56 = arith.constant 0 : i32
      %scan3A_57 = arith.constant 0 : i32
      %scan3A_58 = arith.constant 8 : i32
      %scan3A_59 = arith.addi %scan3A_57, %scan3A_58 : i32
      %scan3A_60 = arith.constant 1 : i32
      scf.for %scan3A_95 = %scan3A_57 to %scan3A_59 step %scan3A_60  : i32 {
        %mul3A_96 = arith.constant 16 : i32
        %mul3A_97 = arith.muli %scan3A_95, %mul3A_96 : i32
        %get3A = arith.index_cast %mul3A_97 : i32 to index
        %get3A_98 = tpu.vector_load %arg7[%get3A] {strides = array<i32>} : memref<128xi32, #tpu.memory_space<vmem>>, vector<16xi32>,
        %get3A_99 = vector.shape_cast %get3A_98 : vector<16xi32> to vector<16xi32>
        %sub3A = vector.broadcast %mul3A_0 : i32 to vector<16xi32>
        %sub3A_100 = arith.subi %get3A_99, %sub3A : vector<16xi32>
        %ge3A = arith.constant 0 : i32
        %ge3A_101 = vector.broadcast %ge3A : i32 to vector<16xi32>
        %ge3A_102 = arith.cmpi sge, %sub3A_100, %ge3A_101 : vector<16xi32>
        %lt3A_103 = arith.constant 25000 : i32
        %lt3A_104 = vector.broadcast %lt3A_103 : i32 to vector<16xi32>
        %lt3A_105 = arith.cmpi slt, %sub3A_100, %lt3A_104 : vector<16xi32>
        %and3A = arith.andi %ge3A_102, %lt3A_105 : vector<16xi1>
        %jit3A = arith.constant 25000 : i32
        %broadcast_in_dim3A = vector.broadcast %jit3A : i32 to vector<16xi32>
        %select_n3A = arith.select %and3A, %sub3A_100, %broadcast_in_dim3A : vector<16xi1>, vector<16xi32>
        %mul3A_106 = arith.constant 16 : i32
        %mul3A_107 = arith.muli %scan3A_95, %mul3A_106 : i32
        %swap3A = arith.index_cast %mul3A_107 : i32 to index
        %swap3A_108 = tpu.vector_load %arg9[%swap3A] {strides = array<i32>} : memref<128xi32, #tpu.memory_space<vmem>>, vector<16xi32>,
        %swap3A_109 = vector.shape_cast %swap3A_108 : vector<16xi32> to vector<16xi32>
        %swap3A_110 = vector.shape_cast %select_n3A : vector<16xi32> to vector<16xi32>
        tpu.vector_store %arg9[%swap3A], %swap3A_110 {strides = array<i32>} : memref<128xi32, #tpu.memory_space<vmem>>, vector<16xi32>,
      }
      %scan3A_61 = arith.constant 8 : i32
      "tpu.region"() ({
        %run_scoped3A = tpu.sem_alloc : memref<!tpu.dma_semaphore, #tpu.memory_space<semaphore_mem>>
        %dma_start3A_95 = arith.constant 0 : i32
        %dma_start3A_96 = arith.constant 0 : i32
        %dma_start3A_97 = tpu.memref_slice %arg13[%dma_start3A_95, %dma_start3A_96] : memref<25008x64xf32, #tpu.memory_space<vmem_shared>> -> memref<25008x64xf32, #tpu.memory_space<vmem_shared>>
        tpu.enqueue_indirect_dma source(%arg11 : memref<128x64xf32, #tpu.memory_space<vmem>>) target(%dma_start3A_97 : memref<25008x64xf32, #tpu.memory_space<vmem_shared>>) offsets(%arg9 : memref<128xi32, #tpu.memory_space<vmem>>) semaphore(%run_scoped3A : memref<!tpu.dma_semaphore, #tpu.memory_space<semaphore_mem>>) {add = true}
        %dma_wait3A_98 = arith.constant 0 : i32
        %dma_wait3A_99 = arith.constant 0 : i32
        %dma_wait3A_100 = tpu.memref_slice %arg13[%dma_wait3A_98, %dma_wait3A_99] : memref<25008x64xf32, #tpu.memory_space<vmem_shared>> -> memref<25008x64xf32, #tpu.memory_space<vmem_shared>>
        tpu.wait_indirect_dma semaphore(%run_scoped3A : memref<!tpu.dma_semaphore, #tpu.memory_space<semaphore_mem>>) src(%arg11 : memref<128x64xf32, #tpu.memory_space<vmem>>) dst(%dma_wait3A_100 : memref<25008x64xf32, #tpu.memory_space<vmem_shared>>)
        tpu.yield
      }) : () -> ()
      %lt3A_62 = arith.constant 195 : i32
      %lt3A_63 = arith.cmpi slt, %scan3A_39, %lt3A_62 : i32
      %convert_element_type3A_64 = arith.extui %lt3A_63 : i1 to i32
      %cond3A_65 = arith.constant 0 : i32
      %cond3A_66 = arith.cmpi ne, %convert_element_type3A_64, %cond3A_65 : i32
      scf.if %cond3A_66 {
        %add3A_95 = arith.constant 256 : i32
        %add3A_96 = arith.addi %add3A_46, %add3A_95 : i32
        %dma_start3A_97 = tpu.memref_slice %arg3[%add3A_96] : memref<802816xi32, #tpu.memory_space<hbm>> -> memref<128xi32, #tpu.memory_space<hbm>>
        %dma_start3A_98 = tpu.memref_slice %arg3[%add3A_96] : memref<802816xi32, #tpu.memory_space<hbm>> -> memref<128xi32, #tpu.memory_space<hbm>>
        tpu.enqueue_dma source(%dma_start3A_98 : memref<128xi32, #tpu.memory_space<hbm>>) target(%arg7 : memref<128xi32, #tpu.memory_space<vmem>>) target_semaphore(%arg14 : memref<!tpu.dma_semaphore, #tpu.memory_space<semaphore_mem>>)
        %dma_start3A_99 = arith.constant 0 : i32
        %dma_start3A_100 = tpu.memref_slice %arg2[%add3A_96, %dma_start3A_99] : memref<802816x64xf32, #tpu.memory_space<hbm>> -> memref<128x64xf32, #tpu.memory_space<hbm>>
        %dma_start3A_101 = arith.constant 0 : i32
        %dma_start3A_102 = tpu.memref_slice %arg2[%add3A_96, %dma_start3A_101] : memref<802816x64xf32, #tpu.memory_space<hbm>> -> memref<128x64xf32, #tpu.memory_space<hbm>>
        tpu.enqueue_dma source(%dma_start3A_102 : memref<128x64xf32, #tpu.memory_space<hbm>>) target(%arg11 : memref<128x64xf32, #tpu.memory_space<vmem>>) target_semaphore(%arg14 : memref<!tpu.dma_semaphore, #tpu.memory_space<semaphore_mem>>)
      } else {
      }
      %mul3A_67 = arith.constant 2 : i32
      %mul3A_68 = arith.muli %mul3A_67, %scan3A_39 : i32
      %add3A_69 = arith.constant 1 : i32
      %add3A_70 = arith.addi %mul3A_68, %add3A_69 : i32
      %mul3A_71 = arith.constant 128 : i32
      %mul3A_72 = arith.muli %add3A_70, %mul3A_71 : i32
      %add3A_73 = arith.addi %mul3A_10, %mul3A_72 : i32
      %dma_wait3A_74 = arith.constant 0 : i32
      %dma_wait3A_75 = tpu.memref_slice %arg3[%dma_wait3A_74] : memref<802816xi32, #tpu.memory_space<hbm>> -> memref<128xi32, #tpu.memory_space<hbm>>
      %dma_wait3A_76 = arith.constant 0 : i32
      %dma_wait3A_77 = tpu.memref_slice %arg3[%dma_wait3A_76] : memref<802816xi32, #tpu.memory_space<hbm>> -> memref<128xi32, #tpu.memory_space<hbm>>
      tpu.wait_dma2 semaphore(%arg15 : memref<!tpu.dma_semaphore, #tpu.memory_space<semaphore_mem>>) src(%dma_wait3A_77 : memref<128xi32, #tpu.memory_space<hbm>>) dst(%arg8 : memref<128xi32, #tpu.memory_space<vmem>>)
      %dma_wait3A_78 = arith.constant 0 : i32
      %dma_wait3A_79 = arith.constant 0 : i32
      %dma_wait3A_80 = tpu.memref_slice %arg2[%dma_wait3A_78, %dma_wait3A_79] : memref<802816x64xf32, #tpu.memory_space<hbm>> -> memref<128x64xf32, #tpu.memory_space<hbm>>
      %dma_wait3A_81 = arith.constant 0 : i32
      %dma_wait3A_82 = arith.constant 0 : i32
      %dma_wait3A_83 = tpu.memref_slice %arg2[%dma_wait3A_81, %dma_wait3A_82] : memref<802816x64xf32, #tpu.memory_space<hbm>> -> memref<128x64xf32, #tpu.memory_space<hbm>>
      tpu.wait_dma2 semaphore(%arg15 : memref<!tpu.dma_semaphore, #tpu.memory_space<semaphore_mem>>) src(%dma_wait3A_83 : memref<128x64xf32, #tpu.memory_space<hbm>>) dst(%arg12 : memref<128x64xf32, #tpu.memory_space<vmem>>)
      %scan3A_84 = arith.constant 0 : i32
      %scan3A_85 = arith.constant 0 : i32
      %scan3A_86 = arith.constant 8 : i32
      %scan3A_87 = arith.addi %scan3A_85, %scan3A_86 : i32
      %scan3A_88 = arith.constant 1 : i32
      scf.for %scan3A_95 = %scan3A_85 to %scan3A_87 step %scan3A_88  : i32 {
        %mul3A_96 = arith.constant 16 : i32
        %mul3A_97 = arith.muli %scan3A_95, %mul3A_96 : i32
        %get3A = arith.index_cast %mul3A_97 : i32 to index
        %get3A_98 = tpu.vector_load %arg8[%get3A] {strides = array<i32>} : memref<128xi32, #tpu.memory_space<vmem>>, vector<16xi32>,
        %get3A_99 = vector.shape_cast %get3A_98 : vector<16xi32> to vector<16xi32>
        %sub3A = vector.broadcast %mul3A_0 : i32 to vector<16xi32>
        %sub3A_100 = arith.subi %get3A_99, %sub3A : vector<16xi32>
        %ge3A = arith.constant 0 : i32
        %ge3A_101 = vector.broadcast %ge3A : i32 to vector<16xi32>
        %ge3A_102 = arith.cmpi sge, %sub3A_100, %ge3A_101 : vector<16xi32>
        %lt3A_103 = arith.constant 25000 : i32
        %lt3A_104 = vector.broadcast %lt3A_103 : i32 to vector<16xi32>
        %lt3A_105 = arith.cmpi slt, %sub3A_100, %lt3A_104 : vector<16xi32>
        %and3A = arith.andi %ge3A_102, %lt3A_105 : vector<16xi1>
        %jit3A = arith.constant 25000 : i32
        %broadcast_in_dim3A = vector.broadcast %jit3A : i32 to vector<16xi32>
        %select_n3A = arith.select %and3A, %sub3A_100, %broadcast_in_dim3A : vector<16xi1>, vector<16xi32>
        %mul3A_106 = arith.constant 16 : i32
        %mul3A_107 = arith.muli %scan3A_95, %mul3A_106 : i32
        %swap3A = arith.index_cast %mul3A_107 : i32 to index
        %swap3A_108 = tpu.vector_load %arg10[%swap3A] {strides = array<i32>} : memref<128xi32, #tpu.memory_space<vmem>>, vector<16xi32>,
        %swap3A_109 = vector.shape_cast %swap3A_108 : vector<16xi32> to vector<16xi32>
        %swap3A_110 = vector.shape_cast %select_n3A : vector<16xi32> to vector<16xi32>
        tpu.vector_store %arg10[%swap3A], %swap3A_110 {strides = array<i32>} : memref<128xi32, #tpu.memory_space<vmem>>, vector<16xi32>,
      }
      %scan3A_89 = arith.constant 8 : i32
      "tpu.region"() ({
        %run_scoped3A = tpu.sem_alloc : memref<!tpu.dma_semaphore, #tpu.memory_space<semaphore_mem>>
        %dma_start3A_95 = arith.constant 0 : i32
        %dma_start3A_96 = arith.constant 0 : i32
        %dma_start3A_97 = tpu.memref_slice %arg13[%dma_start3A_95, %dma_start3A_96] : memref<25008x64xf32, #tpu.memory_space<vmem_shared>> -> memref<25008x64xf32, #tpu.memory_space<vmem_shared>>
        tpu.enqueue_indirect_dma source(%arg12 : memref<128x64xf32, #tpu.memory_space<vmem>>) target(%dma_start3A_97 : memref<25008x64xf32, #tpu.memory_space<vmem_shared>>) offsets(%arg10 : memref<128xi32, #tpu.memory_space<vmem>>) semaphore(%run_scoped3A : memref<!tpu.dma_semaphore, #tpu.memory_space<semaphore_mem>>) {add = true}
        %dma_wait3A_98 = arith.constant 0 : i32
        %dma_wait3A_99 = arith.constant 0 : i32
        %dma_wait3A_100 = tpu.memref_slice %arg13[%dma_wait3A_98, %dma_wait3A_99] : memref<25008x64xf32, #tpu.memory_space<vmem_shared>> -> memref<25008x64xf32, #tpu.memory_space<vmem_shared>>
        tpu.wait_indirect_dma semaphore(%run_scoped3A : memref<!tpu.dma_semaphore, #tpu.memory_space<semaphore_mem>>) src(%arg12 : memref<128x64xf32, #tpu.memory_space<vmem>>) dst(%dma_wait3A_100 : memref<25008x64xf32, #tpu.memory_space<vmem_shared>>)
        tpu.yield
      }) : () -> ()
      %lt3A_90 = arith.constant 195 : i32
      %lt3A_91 = arith.cmpi slt, %scan3A_39, %lt3A_90 : i32
      %convert_element_type3A_92 = arith.extui %lt3A_91 : i1 to i32
      %cond3A_93 = arith.constant 0 : i32
      %cond3A_94 = arith.cmpi ne, %convert_element_type3A_92, %cond3A_93 : i32
      scf.if %cond3A_94 {
        %add3A_95 = arith.constant 256 : i32
        %add3A_96 = arith.addi %add3A_73, %add3A_95 : i32
        %dma_start3A_97 = tpu.memref_slice %arg3[%add3A_96] : memref<802816xi32, #tpu.memory_space<hbm>> -> memref<128xi32, #tpu.memory_space<hbm>>
        %dma_start3A_98 = tpu.memref_slice %arg3[%add3A_96] : memref<802816xi32, #tpu.memory_space<hbm>> -> memref<128xi32, #tpu.memory_space<hbm>>
        tpu.enqueue_dma source(%dma_start3A_98 : memref<128xi32, #tpu.memory_space<hbm>>) target(%arg8 : memref<128xi32, #tpu.memory_space<vmem>>) target_semaphore(%arg15 : memref<!tpu.dma_semaphore, #tpu.memory_space<semaphore_mem>>)
        %dma_start3A_99 = arith.constant 0 : i32
        %dma_start3A_100 = tpu.memref_slice %arg2[%add3A_96, %dma_start3A_99] : memref<802816x64xf32, #tpu.memory_space<hbm>> -> memref<128x64xf32, #tpu.memory_space<hbm>>
        %dma_start3A_101 = arith.constant 0 : i32
        %dma_start3A_102 = tpu.memref_slice %arg2[%add3A_96, %dma_start3A_101] : memref<802816x64xf32, #tpu.memory_space<hbm>> -> memref<128x64xf32, #tpu.memory_space<hbm>>
        tpu.enqueue_dma source(%dma_start3A_102 : memref<128x64xf32, #tpu.memory_space<hbm>>) target(%arg12 : memref<128x64xf32, #tpu.memory_space<vmem>>) target_semaphore(%arg15 : memref<!tpu.dma_semaphore, #tpu.memory_space<semaphore_mem>>)
      } else {
      }
    }
    %scan3A_27 = arith.constant 196 : i32
    %barrier3A_28 = arith.constant 0 : index
    tpu.barrier barrier_id(%barrier3A_28)
    %lt3A_29 = arith.constant 15 : i32
    %lt3A_30 = arith.cmpi slt, %arg1, %lt3A_29 : i32
    %convert_element_type3A_31 = arith.extui %lt3A_30 : i1 to i32
    %cond3A_32 = arith.constant 0 : i32
    %cond3A_33 = arith.cmpi ne, %convert_element_type3A_31, %cond3A_32 : i32
    scf.if %cond3A_33 {
      %add3A_39 = arith.addi %mul3A_0, %mul3A_2 : i32
      "tpu.region"() ({
        %run_scoped3A = tpu.sem_alloc : memref<!tpu.dma_semaphore, #tpu.memory_space<semaphore_mem>>
        %dma_start3A_40 = arith.constant 0 : i32
        %dma_start3A_41 = tpu.memref_slice %arg6[%add3A_39, %dma_start3A_40] : memref<50000x64xf32, #tpu.memory_space<hbm>> -> memref<1568x64xf32, #tpu.memory_space<hbm>>
        %dma_start3A_42 = arith.constant 0 : i32
        %dma_start3A_43 = tpu.memref_slice %arg13[%mul3A_2, %dma_start3A_42] : memref<25008x64xf32, #tpu.memory_space<vmem_shared>> -> memref<1568x64xf32, #tpu.memory_space<vmem_shared>>
        tpu.enqueue_dma source(%dma_start3A_43 : memref<1568x64xf32, #tpu.memory_space<vmem_shared>>) target(%dma_start3A_41 : memref<1568x64xf32, #tpu.memory_space<hbm>>) target_semaphore(%run_scoped3A : memref<!tpu.dma_semaphore, #tpu.memory_space<semaphore_mem>>)
        %dma_wait3A = arith.constant 0 : i32
        %dma_wait3A_44 = tpu.memref_slice %arg6[%add3A_39, %dma_wait3A] : memref<50000x64xf32, #tpu.memory_space<hbm>> -> memref<1568x64xf32, #tpu.memory_space<hbm>>
        %dma_wait3A_45 = arith.constant 0 : i32
        %dma_wait3A_46 = tpu.memref_slice %arg13[%mul3A_2, %dma_wait3A_45] : memref<25008x64xf32, #tpu.memory_space<vmem_shared>> -> memref<1568x64xf32, #tpu.memory_space<vmem_shared>>
        tpu.wait_dma2 semaphore(%run_scoped3A : memref<!tpu.dma_semaphore, #tpu.memory_space<semaphore_mem>>) src(%dma_wait3A_46 : memref<1568x64xf32, #tpu.memory_space<vmem_shared>>) dst(%dma_wait3A_44 : memref<1568x64xf32, #tpu.memory_space<hbm>>)
        tpu.yield
      }) : () -> ()
    } else {
    }
    %eq3A_34 = arith.constant 15 : i32
    %eq3A_35 = arith.cmpi eq, %arg1, %eq3A_34 : i32
    %convert_element_type3A_36 = arith.extui %eq3A_35 : i1 to i32
    %cond3A_37 = arith.constant 0 : i32
    %cond3A_38 = arith.cmpi ne, %convert_element_type3A_36, %cond3A_37 : i32
    scf.if %cond3A_38 {
      %add3A_39 = arith.addi %mul3A_0, %mul3A_2 : i32
      "tpu.region"() ({
        %run_scoped3A = tpu.sem_alloc : memref<!tpu.dma_semaphore, #tpu.memory_space<semaphore_mem>>
        %dma_start3A_40 = arith.constant 0 : i32
        %dma_start3A_41 = tpu.memref_slice %arg6[%add3A_39, %dma_start3A_40] : memref<50000x64xf32, #tpu.memory_space<hbm>> -> memref<1480x64xf32, #tpu.memory_space<hbm>>
        %dma_start3A_42 = arith.constant 0 : i32
        %dma_start3A_43 = tpu.memref_slice %arg13[%mul3A_2, %dma_start3A_42] : memref<25008x64xf32, #tpu.memory_space<vmem_shared>> -> memref<1480x64xf32, #tpu.memory_space<vmem_shared>>
        tpu.enqueue_dma source(%dma_start3A_43 : memref<1480x64xf32, #tpu.memory_space<vmem_shared>>) target(%dma_start3A_41 : memref<1480x64xf32, #tpu.memory_space<hbm>>) target_semaphore(%run_scoped3A : memref<!tpu.dma_semaphore, #tpu.memory_space<semaphore_mem>>)
        %dma_wait3A = arith.constant 0 : i32
        %dma_wait3A_44 = tpu.memref_slice %arg6[%add3A_39, %dma_wait3A] : memref<50000x64xf32, #tpu.memory_space<hbm>> -> memref<1480x64xf32, #tpu.memory_space<hbm>>
        %dma_wait3A_45 = arith.constant 0 : i32
        %dma_wait3A_46 = tpu.memref_slice %arg13[%mul3A_2, %dma_wait3A_45] : memref<25008x64xf32, #tpu.memory_space<vmem_shared>> -> memref<1480x64xf32, #tpu.memory_space<vmem_shared>>
        tpu.wait_dma2 semaphore(%run_scoped3A : memref<!tpu.dma_semaphore, #tpu.memory_space<semaphore_mem>>) src(%dma_wait3A_46 : memref<1480x64xf32, #tpu.memory_space<vmem_shared>>) dst(%dma_wait3A_44 : memref<1480x64xf32, #tpu.memory_space<hbm>>)
        tpu.yield
      }) : () -> ()
    } else {
    }
    return
  }
}

#map = affine_map<(d0, d1) -> (0, 0)>
#map1 = affine_map<(d0, d1) -> (0)>
module attributes {stable_mosaic.version = 14 : i64} {
  func.func @k(%arg0: i32, %arg1: i32, %arg2: memref<802816x16xf32, #tpu.memory_space<hbm>>, %arg3: memref<802816xi32, #tpu.memory_space<hbm>>, %arg4: memref<25008x16xf32, #tpu.memory_space<hbm>>, %arg5: memref<8x64xf32, #tpu.memory_space<hbm>>, %arg6: memref<50000x16xf32, #tpu.memory_space<hbm>>, %arg7: memref<128xi32, #tpu.memory_space<vmem>>, %arg8: memref<128xi32, #tpu.memory_space<vmem>>, %arg9: memref<128xi32, #tpu.memory_space<vmem>>, %arg10: memref<128xi32, #tpu.memory_space<vmem>>, %arg11: memref<128x16xf32, #tpu.memory_space<vmem>>, %arg12: memref<128x16xf32, #tpu.memory_space<vmem>>, %arg13: memref<25008x16xf32, #tpu.memory_space<vmem_shared>>, %arg14: memref<!tpu.dma_semaphore, #tpu.memory_space<semaphore_mem>>, %arg15: memref<!tpu.dma_semaphore, #tpu.memory_space<semaphore_mem>>) attributes {dimension_semantics = [#tpu.dimension_semantics<core_parallel>, #tpu.dimension_semantics<subcore_parallel>], iteration_bounds = array<i64: 2, 16>, scalar_prefetch = 0 : i64, scratch_operands = 9 : i64, tpu.core_type = #tpu.core_type<sc_vector_subcore>, window_params = [{transform_indices = #map}, {transform_indices = #map1}, {transform_indices = #map}, {transform_indices = #map}, {transform_indices = #map}]} {
    %mul3A = arith.constant 25000 : i32
    %mul3A_0 = arith.muli %arg0, %mul3A : i32
    %mul3A_1 = arith.constant 1568 : i32
    %mul3A_2 = arith.muli %arg1, %mul3A_1 : i32
    %lt3A = arith.constant 15 : i32
    %lt3A_3 = arith.cmpi slt, %arg1, %lt3A : i32
    %convert_element_type3A = arith.extui %lt3A_3 : i1 to i32
    %cond3A = arith.constant 0 : i32
    %cond3A_4 = arith.cmpi ne, %convert_element_type3A, %cond3A : i32
    scf.if %cond3A_4 {
      "tpu.region"() ({
        %run_scoped3A = tpu.sem_alloc : memref<!tpu.dma_semaphore, #tpu.memory_space<semaphore_mem>>
        %dma_start3A_39 = arith.constant 0 : i32
        %dma_start3A_40 = tpu.memref_slice %arg13[%mul3A_2, %dma_start3A_39] : memref<25008x16xf32, #tpu.memory_space<vmem_shared>> -> memref<1568x16xf32, #tpu.memory_space<vmem_shared>>
        %dma_start3A_41 = arith.constant 0 : i32
        %dma_start3A_42 = tpu.memref_slice %arg4[%mul3A_2, %dma_start3A_41] : memref<25008x16xf32, #tpu.memory_space<hbm>> -> memref<1568x16xf32, #tpu.memory_space<hbm>>
        tpu.enqueue_dma source(%dma_start3A_42 : memref<1568x16xf32, #tpu.memory_space<hbm>>) target(%dma_start3A_40 : memref<1568x16xf32, #tpu.memory_space<vmem_shared>>) target_semaphore(%run_scoped3A : memref<!tpu.dma_semaphore, #tpu.memory_space<semaphore_mem>>)
        %dma_wait3A = arith.constant 0 : i32
        %dma_wait3A_43 = tpu.memref_slice %arg13[%mul3A_2, %dma_wait3A] : memref<25008x16xf32, #tpu.memory_space<vmem_shared>> -> memref<1568x16xf32, #tpu.memory_space<vmem_shared>>
        %dma_wait3A_44 = arith.constant 0 : i32
        %dma_wait3A_45 = tpu.memref_slice %arg4[%mul3A_2, %dma_wait3A_44] : memref<25008x16xf32, #tpu.memory_space<hbm>> -> memref<1568x16xf32, #tpu.memory_space<hbm>>
        tpu.wait_dma2 semaphore(%run_scoped3A : memref<!tpu.dma_semaphore, #tpu.memory_space<semaphore_mem>>) src(%dma_wait3A_45 : memref<1568x16xf32, #tpu.memory_space<hbm>>) dst(%dma_wait3A_43 : memref<1568x16xf32, #tpu.memory_space<vmem_shared>>)
        tpu.yield
      }) : () -> ()
    } else {
    }
    %eq3A = arith.constant 15 : i32
    %eq3A_5 = arith.cmpi eq, %arg1, %eq3A : i32
    %convert_element_type3A_6 = arith.extui %eq3A_5 : i1 to i32
    %cond3A_7 = arith.constant 0 : i32
    %cond3A_8 = arith.cmpi ne, %convert_element_type3A_6, %cond3A_7 : i32
    scf.if %cond3A_8 {
      "tpu.region"() ({
        %run_scoped3A = tpu.sem_alloc : memref<!tpu.dma_semaphore, #tpu.memory_space<semaphore_mem>>
        %dma_start3A_39 = arith.constant 0 : i32
        %dma_start3A_40 = tpu.memref_slice %arg13[%mul3A_2, %dma_start3A_39] : memref<25008x16xf32, #tpu.memory_space<vmem_shared>> -> memref<1488x16xf32, #tpu.memory_space<vmem_shared>>
        %dma_start3A_41 = arith.constant 0 : i32
        %dma_start3A_42 = tpu.memref_slice %arg4[%mul3A_2, %dma_start3A_41] : memref<25008x16xf32, #tpu.memory_space<hbm>> -> memref<1488x16xf32, #tpu.memory_space<hbm>>
        tpu.enqueue_dma source(%dma_start3A_42 : memref<1488x16xf32, #tpu.memory_space<hbm>>) target(%dma_start3A_40 : memref<1488x16xf32, #tpu.memory_space<vmem_shared>>) target_semaphore(%run_scoped3A : memref<!tpu.dma_semaphore, #tpu.memory_space<semaphore_mem>>)
        %dma_wait3A = arith.constant 0 : i32
        %dma_wait3A_43 = tpu.memref_slice %arg13[%mul3A_2, %dma_wait3A] : memref<25008x16xf32, #tpu.memory_space<vmem_shared>> -> memref<1488x16xf32, #tpu.memory_space<vmem_shared>>
        %dma_wait3A_44 = arith.constant 0 : i32
        %dma_wait3A_45 = tpu.memref_slice %arg4[%mul3A_2, %dma_wait3A_44] : memref<25008x16xf32, #tpu.memory_space<hbm>> -> memref<1488x16xf32, #tpu.memory_space<hbm>>
        tpu.wait_dma2 semaphore(%run_scoped3A : memref<!tpu.dma_semaphore, #tpu.memory_space<semaphore_mem>>) src(%dma_wait3A_45 : memref<1488x16xf32, #tpu.memory_space<hbm>>) dst(%dma_wait3A_43 : memref<1488x16xf32, #tpu.memory_space<vmem_shared>>)
        tpu.yield
      }) : () -> ()
    } else {
    }
    %barrier3A = arith.constant 0 : index
    tpu.barrier barrier_id(%barrier3A)
    %mul3A_9 = arith.constant 50176 : i32
    %mul3A_10 = arith.muli %arg1, %mul3A_9 : i32
    %dma_start3A = tpu.memref_slice %arg3[%mul3A_10] : memref<802816xi32, #tpu.memory_space<hbm>> -> memref<128xi32, #tpu.memory_space<hbm>>
    %dma_start3A_11 = tpu.memref_slice %arg3[%mul3A_10] : memref<802816xi32, #tpu.memory_space<hbm>> -> memref<128xi32, #tpu.memory_space<hbm>>
    tpu.enqueue_dma source(%dma_start3A_11 : memref<128xi32, #tpu.memory_space<hbm>>) target(%arg7 : memref<128xi32, #tpu.memory_space<vmem>>) target_semaphore(%arg14 : memref<!tpu.dma_semaphore, #tpu.memory_space<semaphore_mem>>)
    %dma_start3A_12 = arith.constant 0 : i32
    %dma_start3A_13 = tpu.memref_slice %arg2[%mul3A_10, %dma_start3A_12] : memref<802816x16xf32, #tpu.memory_space<hbm>> -> memref<128x16xf32, #tpu.memory_space<hbm>>
    %dma_start3A_14 = arith.constant 0 : i32
    %dma_start3A_15 = tpu.memref_slice %arg2[%mul3A_10, %dma_start3A_14] : memref<802816x16xf32, #tpu.memory_space<hbm>> -> memref<128x16xf32, #tpu.memory_space<hbm>>
    tpu.enqueue_dma source(%dma_start3A_15 : memref<128x16xf32, #tpu.memory_space<hbm>>) target(%arg11 : memref<128x16xf32, #tpu.memory_space<vmem>>) target_semaphore(%arg14 : memref<!tpu.dma_semaphore, #tpu.memory_space<semaphore_mem>>)
    %add3A = arith.constant 128 : i32
    %add3A_16 = arith.addi %mul3A_10, %add3A : i32
    %dma_start3A_17 = tpu.memref_slice %arg3[%add3A_16] : memref<802816xi32, #tpu.memory_space<hbm>> -> memref<128xi32, #tpu.memory_space<hbm>>
    %dma_start3A_18 = tpu.memref_slice %arg3[%add3A_16] : memref<802816xi32, #tpu.memory_space<hbm>> -> memref<128xi32, #tpu.memory_space<hbm>>
    tpu.enqueue_dma source(%dma_start3A_18 : memref<128xi32, #tpu.memory_space<hbm>>) target(%arg8 : memref<128xi32, #tpu.memory_space<vmem>>) target_semaphore(%arg15 : memref<!tpu.dma_semaphore, #tpu.memory_space<semaphore_mem>>)
    %dma_start3A_19 = arith.constant 0 : i32
    %dma_start3A_20 = tpu.memref_slice %arg2[%add3A_16, %dma_start3A_19] : memref<802816x16xf32, #tpu.memory_space<hbm>> -> memref<128x16xf32, #tpu.memory_space<hbm>>
    %dma_start3A_21 = arith.constant 0 : i32
    %dma_start3A_22 = tpu.memref_slice %arg2[%add3A_16, %dma_start3A_21] : memref<802816x16xf32, #tpu.memory_space<hbm>> -> memref<128x16xf32, #tpu.memory_space<hbm>>
    tpu.enqueue_dma source(%dma_start3A_22 : memref<128x16xf32, #tpu.memory_space<hbm>>) target(%arg12 : memref<128x16xf32, #tpu.memory_space<vmem>>) target_semaphore(%arg15 : memref<!tpu.dma_semaphore, #tpu.memory_space<semaphore_mem>>)
    %scan3A = arith.constant 0 : i32
    %scan3A_23 = arith.constant 0 : i32
    %scan3A_24 = arith.constant 196 : i32
    %scan3A_25 = arith.addi %scan3A_23, %scan3A_24 : i32
    %scan3A_26 = arith.constant 1 : i32
    scf.for %scan3A_39 = %scan3A_23 to %scan3A_25 step %scan3A_26  : i32 {
      %mul3A_40 = arith.constant 2 : i32
      %mul3A_41 = arith.muli %mul3A_40, %scan3A_39 : i32
      %add3A_42 = arith.constant 0 : i32
      %add3A_43 = arith.addi %mul3A_41, %add3A_42 : i32
      %mul3A_44 = arith.constant 128 : i32
      %mul3A_45 = arith.muli %add3A_43, %mul3A_44 : i32
      %add3A_46 = arith.addi %mul3A_10, %mul3A_45 : i32
      %dma_wait3A = arith.constant 0 : i32
      %dma_wait3A_47 = tpu.memref_slice %arg3[%dma_wait3A] : memref<802816xi32, #tpu.memory_space<hbm>> -> memref<128xi32, #tpu.memory_space<hbm>>
      %dma_wait3A_48 = arith.constant 0 : i32
      %dma_wait3A_49 = tpu.memref_slice %arg3[%dma_wait3A_48] : memref<802816xi32, #tpu.memory_space<hbm>> -> memref<128xi32, #tpu.memory_space<hbm>>
      tpu.wait_dma2 semaphore(%arg14 : memref<!tpu.dma_semaphore, #tpu.memory_space<semaphore_mem>>) src(%dma_wait3A_49 : memref<128xi32, #tpu.memory_space<hbm>>) dst(%arg7 : memref<128xi32, #tpu.memory_space<vmem>>)
      %dma_wait3A_50 = arith.constant 0 : i32
      %dma_wait3A_51 = arith.constant 0 : i32
      %dma_wait3A_52 = tpu.memref_slice %arg2[%dma_wait3A_50, %dma_wait3A_51] : memref<802816x16xf32, #tpu.memory_space<hbm>> -> memref<128x16xf32, #tpu.memory_space<hbm>>
      %dma_wait3A_53 = arith.constant 0 : i32
      %dma_wait3A_54 = arith.constant 0 : i32
      %dma_wait3A_55 = tpu.memref_slice %arg2[%dma_wait3A_53, %dma_wait3A_54] : memref<802816x16xf32, #tpu.memory_space<hbm>> -> memref<128x16xf32, #tpu.memory_space<hbm>>
      tpu.wait_dma2 semaphore(%arg14 : memref<!tpu.dma_semaphore, #tpu.memory_space<semaphore_mem>>) src(%dma_wait3A_55 : memref<128x16xf32, #tpu.memory_space<hbm>>) dst(%arg11 : memref<128x16xf32, #tpu.memory_space<vmem>>)
      %scan3A_56 = arith.constant 0 : i32
      %scan3A_57 = arith.constant 0 : i32
      %scan3A_58 = arith.constant 8 : i32
      %scan3A_59 = arith.addi %scan3A_57, %scan3A_58 : i32
      %scan3A_60 = arith.constant 1 : i32
      scf.for %scan3A_95 = %scan3A_57 to %scan3A_59 step %scan3A_60  : i32 {
        %mul3A_96 = arith.constant 16 : i32
        %mul3A_97 = arith.muli %scan3A_95, %mul3A_96 : i32
        %get3A = arith.index_cast %mul3A_97 : i32 to index
        %get3A_98 = tpu.vector_load %arg7[%get3A] {strides = array<i32>} : memref<128xi32, #tpu.memory_space<vmem>>, vector<16xi32>,
        %get3A_99 = vector.shape_cast %get3A_98 : vector<16xi32> to vector<16xi32>
        %sub3A = vector.broadcast %mul3A_0 : i32 to vector<16xi32>
        %sub3A_100 = arith.subi %get3A_99, %sub3A : vector<16xi32>
        %ge3A = arith.constant 0 : i32
        %ge3A_101 = vector.broadcast %ge3A : i32 to vector<16xi32>
        %ge3A_102 = arith.cmpi sge, %sub3A_100, %ge3A_101 : vector<16xi32>
        %lt3A_103 = arith.constant 25000 : i32
        %lt3A_104 = vector.broadcast %lt3A_103 : i32 to vector<16xi32>
        %lt3A_105 = arith.cmpi slt, %sub3A_100, %lt3A_104 : vector<16xi32>
        %and3A = arith.andi %ge3A_102, %lt3A_105 : vector<16xi1>
        %jit3A = arith.constant 25000 : i32
        %broadcast_in_dim3A = vector.broadcast %jit3A : i32 to vector<16xi32>
        %select_n3A = arith.select %and3A, %sub3A_100, %broadcast_in_dim3A : vector<16xi1>, vector<16xi32>
        %mul3A_106 = arith.constant 16 : i32
        %mul3A_107 = arith.muli %scan3A_95, %mul3A_106 : i32
        %swap3A = arith.index_cast %mul3A_107 : i32 to index
        %swap3A_108 = tpu.vector_load %arg9[%swap3A] {strides = array<i32>} : memref<128xi32, #tpu.memory_space<vmem>>, vector<16xi32>,
        %swap3A_109 = vector.shape_cast %swap3A_108 : vector<16xi32> to vector<16xi32>
        %swap3A_110 = vector.shape_cast %select_n3A : vector<16xi32> to vector<16xi32>
        tpu.vector_store %arg9[%swap3A], %swap3A_110 {strides = array<i32>} : memref<128xi32, #tpu.memory_space<vmem>>, vector<16xi32>,
      }
      %scan3A_61 = arith.constant 8 : i32
      "tpu.region"() ({
        %run_scoped3A = tpu.sem_alloc : memref<!tpu.dma_semaphore, #tpu.memory_space<semaphore_mem>>
        %dma_start3A_95 = arith.constant 0 : i32
        %dma_start3A_96 = arith.constant 0 : i32
        %dma_start3A_97 = tpu.memref_slice %arg13[%dma_start3A_95, %dma_start3A_96] : memref<25008x16xf32, #tpu.memory_space<vmem_shared>> -> memref<25008x16xf32, #tpu.memory_space<vmem_shared>>
        tpu.enqueue_indirect_dma source(%arg11 : memref<128x16xf32, #tpu.memory_space<vmem>>) target(%dma_start3A_97 : memref<25008x16xf32, #tpu.memory_space<vmem_shared>>) offsets(%arg9 : memref<128xi32, #tpu.memory_space<vmem>>) semaphore(%run_scoped3A : memref<!tpu.dma_semaphore, #tpu.memory_space<semaphore_mem>>) {add = true}
        %dma_wait3A_98 = arith.constant 0 : i32
        %dma_wait3A_99 = arith.constant 0 : i32
        %dma_wait3A_100 = tpu.memref_slice %arg13[%dma_wait3A_98, %dma_wait3A_99] : memref<25008x16xf32, #tpu.memory_space<vmem_shared>> -> memref<25008x16xf32, #tpu.memory_space<vmem_shared>>
        tpu.wait_indirect_dma semaphore(%run_scoped3A : memref<!tpu.dma_semaphore, #tpu.memory_space<semaphore_mem>>) src(%arg11 : memref<128x16xf32, #tpu.memory_space<vmem>>) dst(%dma_wait3A_100 : memref<25008x16xf32, #tpu.memory_space<vmem_shared>>)
        tpu.yield
      }) : () -> ()
      %lt3A_62 = arith.constant 195 : i32
      %lt3A_63 = arith.cmpi slt, %scan3A_39, %lt3A_62 : i32
      %convert_element_type3A_64 = arith.extui %lt3A_63 : i1 to i32
      %cond3A_65 = arith.constant 0 : i32
      %cond3A_66 = arith.cmpi ne, %convert_element_type3A_64, %cond3A_65 : i32
      scf.if %cond3A_66 {
        %add3A_95 = arith.constant 256 : i32
        %add3A_96 = arith.addi %add3A_46, %add3A_95 : i32
        %dma_start3A_97 = tpu.memref_slice %arg3[%add3A_96] : memref<802816xi32, #tpu.memory_space<hbm>> -> memref<128xi32, #tpu.memory_space<hbm>>
        %dma_start3A_98 = tpu.memref_slice %arg3[%add3A_96] : memref<802816xi32, #tpu.memory_space<hbm>> -> memref<128xi32, #tpu.memory_space<hbm>>
        tpu.enqueue_dma source(%dma_start3A_98 : memref<128xi32, #tpu.memory_space<hbm>>) target(%arg7 : memref<128xi32, #tpu.memory_space<vmem>>) target_semaphore(%arg14 : memref<!tpu.dma_semaphore, #tpu.memory_space<semaphore_mem>>)
        %dma_start3A_99 = arith.constant 0 : i32
        %dma_start3A_100 = tpu.memref_slice %arg2[%add3A_96, %dma_start3A_99] : memref<802816x16xf32, #tpu.memory_space<hbm>> -> memref<128x16xf32, #tpu.memory_space<hbm>>
        %dma_start3A_101 = arith.constant 0 : i32
        %dma_start3A_102 = tpu.memref_slice %arg2[%add3A_96, %dma_start3A_101] : memref<802816x16xf32, #tpu.memory_space<hbm>> -> memref<128x16xf32, #tpu.memory_space<hbm>>
        tpu.enqueue_dma source(%dma_start3A_102 : memref<128x16xf32, #tpu.memory_space<hbm>>) target(%arg11 : memref<128x16xf32, #tpu.memory_space<vmem>>) target_semaphore(%arg14 : memref<!tpu.dma_semaphore, #tpu.memory_space<semaphore_mem>>)
      } else {
      }
      %mul3A_67 = arith.constant 2 : i32
      %mul3A_68 = arith.muli %mul3A_67, %scan3A_39 : i32
      %add3A_69 = arith.constant 1 : i32
      %add3A_70 = arith.addi %mul3A_68, %add3A_69 : i32
      %mul3A_71 = arith.constant 128 : i32
      %mul3A_72 = arith.muli %add3A_70, %mul3A_71 : i32
      %add3A_73 = arith.addi %mul3A_10, %mul3A_72 : i32
      %dma_wait3A_74 = arith.constant 0 : i32
      %dma_wait3A_75 = tpu.memref_slice %arg3[%dma_wait3A_74] : memref<802816xi32, #tpu.memory_space<hbm>> -> memref<128xi32, #tpu.memory_space<hbm>>
      %dma_wait3A_76 = arith.constant 0 : i32
      %dma_wait3A_77 = tpu.memref_slice %arg3[%dma_wait3A_76] : memref<802816xi32, #tpu.memory_space<hbm>> -> memref<128xi32, #tpu.memory_space<hbm>>
      tpu.wait_dma2 semaphore(%arg15 : memref<!tpu.dma_semaphore, #tpu.memory_space<semaphore_mem>>) src(%dma_wait3A_77 : memref<128xi32, #tpu.memory_space<hbm>>) dst(%arg8 : memref<128xi32, #tpu.memory_space<vmem>>)
      %dma_wait3A_78 = arith.constant 0 : i32
      %dma_wait3A_79 = arith.constant 0 : i32
      %dma_wait3A_80 = tpu.memref_slice %arg2[%dma_wait3A_78, %dma_wait3A_79] : memref<802816x16xf32, #tpu.memory_space<hbm>> -> memref<128x16xf32, #tpu.memory_space<hbm>>
      %dma_wait3A_81 = arith.constant 0 : i32
      %dma_wait3A_82 = arith.constant 0 : i32
      %dma_wait3A_83 = tpu.memref_slice %arg2[%dma_wait3A_81, %dma_wait3A_82] : memref<802816x16xf32, #tpu.memory_space<hbm>> -> memref<128x16xf32, #tpu.memory_space<hbm>>
      tpu.wait_dma2 semaphore(%arg15 : memref<!tpu.dma_semaphore, #tpu.memory_space<semaphore_mem>>) src(%dma_wait3A_83 : memref<128x16xf32, #tpu.memory_space<hbm>>) dst(%arg12 : memref<128x16xf32, #tpu.memory_space<vmem>>)
      %scan3A_84 = arith.constant 0 : i32
      %scan3A_85 = arith.constant 0 : i32
      %scan3A_86 = arith.constant 8 : i32
      %scan3A_87 = arith.addi %scan3A_85, %scan3A_86 : i32
      %scan3A_88 = arith.constant 1 : i32
      scf.for %scan3A_95 = %scan3A_85 to %scan3A_87 step %scan3A_88  : i32 {
        %mul3A_96 = arith.constant 16 : i32
        %mul3A_97 = arith.muli %scan3A_95, %mul3A_96 : i32
        %get3A = arith.index_cast %mul3A_97 : i32 to index
        %get3A_98 = tpu.vector_load %arg8[%get3A] {strides = array<i32>} : memref<128xi32, #tpu.memory_space<vmem>>, vector<16xi32>,
        %get3A_99 = vector.shape_cast %get3A_98 : vector<16xi32> to vector<16xi32>
        %sub3A = vector.broadcast %mul3A_0 : i32 to vector<16xi32>
        %sub3A_100 = arith.subi %get3A_99, %sub3A : vector<16xi32>
        %ge3A = arith.constant 0 : i32
        %ge3A_101 = vector.broadcast %ge3A : i32 to vector<16xi32>
        %ge3A_102 = arith.cmpi sge, %sub3A_100, %ge3A_101 : vector<16xi32>
        %lt3A_103 = arith.constant 25000 : i32
        %lt3A_104 = vector.broadcast %lt3A_103 : i32 to vector<16xi32>
        %lt3A_105 = arith.cmpi slt, %sub3A_100, %lt3A_104 : vector<16xi32>
        %and3A = arith.andi %ge3A_102, %lt3A_105 : vector<16xi1>
        %jit3A = arith.constant 25000 : i32
        %broadcast_in_dim3A = vector.broadcast %jit3A : i32 to vector<16xi32>
        %select_n3A = arith.select %and3A, %sub3A_100, %broadcast_in_dim3A : vector<16xi1>, vector<16xi32>
        %mul3A_106 = arith.constant 16 : i32
        %mul3A_107 = arith.muli %scan3A_95, %mul3A_106 : i32
        %swap3A = arith.index_cast %mul3A_107 : i32 to index
        %swap3A_108 = tpu.vector_load %arg10[%swap3A] {strides = array<i32>} : memref<128xi32, #tpu.memory_space<vmem>>, vector<16xi32>,
        %swap3A_109 = vector.shape_cast %swap3A_108 : vector<16xi32> to vector<16xi32>
        %swap3A_110 = vector.shape_cast %select_n3A : vector<16xi32> to vector<16xi32>
        tpu.vector_store %arg10[%swap3A], %swap3A_110 {strides = array<i32>} : memref<128xi32, #tpu.memory_space<vmem>>, vector<16xi32>,
      }
      %scan3A_89 = arith.constant 8 : i32
      "tpu.region"() ({
        %run_scoped3A = tpu.sem_alloc : memref<!tpu.dma_semaphore, #tpu.memory_space<semaphore_mem>>
        %dma_start3A_95 = arith.constant 0 : i32
        %dma_start3A_96 = arith.constant 0 : i32
        %dma_start3A_97 = tpu.memref_slice %arg13[%dma_start3A_95, %dma_start3A_96] : memref<25008x16xf32, #tpu.memory_space<vmem_shared>> -> memref<25008x16xf32, #tpu.memory_space<vmem_shared>>
        tpu.enqueue_indirect_dma source(%arg12 : memref<128x16xf32, #tpu.memory_space<vmem>>) target(%dma_start3A_97 : memref<25008x16xf32, #tpu.memory_space<vmem_shared>>) offsets(%arg10 : memref<128xi32, #tpu.memory_space<vmem>>) semaphore(%run_scoped3A : memref<!tpu.dma_semaphore, #tpu.memory_space<semaphore_mem>>) {add = true}
        %dma_wait3A_98 = arith.constant 0 : i32
        %dma_wait3A_99 = arith.constant 0 : i32
        %dma_wait3A_100 = tpu.memref_slice %arg13[%dma_wait3A_98, %dma_wait3A_99] : memref<25008x16xf32, #tpu.memory_space<vmem_shared>> -> memref<25008x16xf32, #tpu.memory_space<vmem_shared>>
        tpu.wait_indirect_dma semaphore(%run_scoped3A : memref<!tpu.dma_semaphore, #tpu.memory_space<semaphore_mem>>) src(%arg12 : memref<128x16xf32, #tpu.memory_space<vmem>>) dst(%dma_wait3A_100 : memref<25008x16xf32, #tpu.memory_space<vmem_shared>>)
        tpu.yield
      }) : () -> ()
      %lt3A_90 = arith.constant 195 : i32
      %lt3A_91 = arith.cmpi slt, %scan3A_39, %lt3A_90 : i32
      %convert_element_type3A_92 = arith.extui %lt3A_91 : i1 to i32
      %cond3A_93 = arith.constant 0 : i32
      %cond3A_94 = arith.cmpi ne, %convert_element_type3A_92, %cond3A_93 : i32
      scf.if %cond3A_94 {
        %add3A_95 = arith.constant 256 : i32
        %add3A_96 = arith.addi %add3A_73, %add3A_95 : i32
        %dma_start3A_97 = tpu.memref_slice %arg3[%add3A_96] : memref<802816xi32, #tpu.memory_space<hbm>> -> memref<128xi32, #tpu.memory_space<hbm>>
        %dma_start3A_98 = tpu.memref_slice %arg3[%add3A_96] : memref<802816xi32, #tpu.memory_space<hbm>> -> memref<128xi32, #tpu.memory_space<hbm>>
        tpu.enqueue_dma source(%dma_start3A_98 : memref<128xi32, #tpu.memory_space<hbm>>) target(%arg8 : memref<128xi32, #tpu.memory_space<vmem>>) target_semaphore(%arg15 : memref<!tpu.dma_semaphore, #tpu.memory_space<semaphore_mem>>)
        %dma_start3A_99 = arith.constant 0 : i32
        %dma_start3A_100 = tpu.memref_slice %arg2[%add3A_96, %dma_start3A_99] : memref<802816x16xf32, #tpu.memory_space<hbm>> -> memref<128x16xf32, #tpu.memory_space<hbm>>
        %dma_start3A_101 = arith.constant 0 : i32
        %dma_start3A_102 = tpu.memref_slice %arg2[%add3A_96, %dma_start3A_101] : memref<802816x16xf32, #tpu.memory_space<hbm>> -> memref<128x16xf32, #tpu.memory_space<hbm>>
        tpu.enqueue_dma source(%dma_start3A_102 : memref<128x16xf32, #tpu.memory_space<hbm>>) target(%arg12 : memref<128x16xf32, #tpu.memory_space<vmem>>) target_semaphore(%arg15 : memref<!tpu.dma_semaphore, #tpu.memory_space<semaphore_mem>>)
      } else {
      }
    }
    %scan3A_27 = arith.constant 196 : i32
    %barrier3A_28 = arith.constant 0 : index
    tpu.barrier barrier_id(%barrier3A_28)
    %lt3A_29 = arith.constant 15 : i32
    %lt3A_30 = arith.cmpi slt, %arg1, %lt3A_29 : i32
    %convert_element_type3A_31 = arith.extui %lt3A_30 : i1 to i32
    %cond3A_32 = arith.constant 0 : i32
    %cond3A_33 = arith.cmpi ne, %convert_element_type3A_31, %cond3A_32 : i32
    scf.if %cond3A_33 {
      %add3A_39 = arith.addi %mul3A_0, %mul3A_2 : i32
      "tpu.region"() ({
        %run_scoped3A = tpu.sem_alloc : memref<!tpu.dma_semaphore, #tpu.memory_space<semaphore_mem>>
        %dma_start3A_40 = arith.constant 0 : i32
        %dma_start3A_41 = tpu.memref_slice %arg6[%add3A_39, %dma_start3A_40] : memref<50000x16xf32, #tpu.memory_space<hbm>> -> memref<1568x16xf32, #tpu.memory_space<hbm>>
        %dma_start3A_42 = arith.constant 0 : i32
        %dma_start3A_43 = tpu.memref_slice %arg13[%mul3A_2, %dma_start3A_42] : memref<25008x16xf32, #tpu.memory_space<vmem_shared>> -> memref<1568x16xf32, #tpu.memory_space<vmem_shared>>
        tpu.enqueue_dma source(%dma_start3A_43 : memref<1568x16xf32, #tpu.memory_space<vmem_shared>>) target(%dma_start3A_41 : memref<1568x16xf32, #tpu.memory_space<hbm>>) target_semaphore(%run_scoped3A : memref<!tpu.dma_semaphore, #tpu.memory_space<semaphore_mem>>)
        %dma_wait3A = arith.constant 0 : i32
        %dma_wait3A_44 = tpu.memref_slice %arg6[%add3A_39, %dma_wait3A] : memref<50000x16xf32, #tpu.memory_space<hbm>> -> memref<1568x16xf32, #tpu.memory_space<hbm>>
        %dma_wait3A_45 = arith.constant 0 : i32
        %dma_wait3A_46 = tpu.memref_slice %arg13[%mul3A_2, %dma_wait3A_45] : memref<25008x16xf32, #tpu.memory_space<vmem_shared>> -> memref<1568x16xf32, #tpu.memory_space<vmem_shared>>
        tpu.wait_dma2 semaphore(%run_scoped3A : memref<!tpu.dma_semaphore, #tpu.memory_space<semaphore_mem>>) src(%dma_wait3A_46 : memref<1568x16xf32, #tpu.memory_space<vmem_shared>>) dst(%dma_wait3A_44 : memref<1568x16xf32, #tpu.memory_space<hbm>>)
        tpu.yield
      }) : () -> ()
    } else {
    }
    %eq3A_34 = arith.constant 15 : i32
    %eq3A_35 = arith.cmpi eq, %arg1, %eq3A_34 : i32
    %convert_element_type3A_36 = arith.extui %eq3A_35 : i1 to i32
    %cond3A_37 = arith.constant 0 : i32
    %cond3A_38 = arith.cmpi ne, %convert_element_type3A_36, %cond3A_37 : i32
    scf.if %cond3A_38 {
      %add3A_39 = arith.addi %mul3A_0, %mul3A_2 : i32
      "tpu.region"() ({
        %run_scoped3A = tpu.sem_alloc : memref<!tpu.dma_semaphore, #tpu.memory_space<semaphore_mem>>
        %dma_start3A_40 = arith.constant 0 : i32
        %dma_start3A_41 = tpu.memref_slice %arg6[%add3A_39, %dma_start3A_40] : memref<50000x16xf32, #tpu.memory_space<hbm>> -> memref<1480x16xf32, #tpu.memory_space<hbm>>
        %dma_start3A_42 = arith.constant 0 : i32
        %dma_start3A_43 = tpu.memref_slice %arg13[%mul3A_2, %dma_start3A_42] : memref<25008x16xf32, #tpu.memory_space<vmem_shared>> -> memref<1480x16xf32, #tpu.memory_space<vmem_shared>>
        tpu.enqueue_dma source(%dma_start3A_43 : memref<1480x16xf32, #tpu.memory_space<vmem_shared>>) target(%dma_start3A_41 : memref<1480x16xf32, #tpu.memory_space<hbm>>) target_semaphore(%run_scoped3A : memref<!tpu.dma_semaphore, #tpu.memory_space<semaphore_mem>>)
        %dma_wait3A = arith.constant 0 : i32
        %dma_wait3A_44 = tpu.memref_slice %arg6[%add3A_39, %dma_wait3A] : memref<50000x16xf32, #tpu.memory_space<hbm>> -> memref<1480x16xf32, #tpu.memory_space<hbm>>
        %dma_wait3A_45 = arith.constant 0 : i32
        %dma_wait3A_46 = tpu.memref_slice %arg13[%mul3A_2, %dma_wait3A_45] : memref<25008x16xf32, #tpu.memory_space<vmem_shared>> -> memref<1480x16xf32, #tpu.memory_space<vmem_shared>>
        tpu.wait_dma2 semaphore(%run_scoped3A : memref<!tpu.dma_semaphore, #tpu.memory_space<semaphore_mem>>) src(%dma_wait3A_46 : memref<1480x16xf32, #tpu.memory_space<vmem_shared>>) dst(%dma_wait3A_44 : memref<1480x16xf32, #tpu.memory_space<hbm>>)
        tpu.yield
      }) : () -> ()
    } else {
    }
    return
  }
}

#map = affine_map<(d0, d1) -> (0, 0)>
#map1 = affine_map<(d0, d1) -> (0)>
module attributes {stable_mosaic.version = 14 : i64} {
  func.func @k(%arg0: i32, %arg1: i32, %arg2: memref<50000x64xf32, #tpu.memory_space<hbm>>, %arg3: memref<50000x16xf32, #tpu.memory_space<hbm>>, %arg4: memref<802816xi32, #tpu.memory_space<hbm>>, %arg5: memref<802816xi32, #tpu.memory_space<hbm>>, %arg6: memref<802816x64xf32, #tpu.memory_space<hbm>>, %arg7: memref<802816x64xf32, #tpu.memory_space<hbm>>, %arg8: memref<802816x16xf32, #tpu.memory_space<hbm>>, %arg9: memref<802816x16xf32, #tpu.memory_space<hbm>>, %arg10: memref<25088xi32, #tpu.memory_space<vmem>>, %arg11: memref<25088xi32, #tpu.memory_space<vmem>>, %arg12: memref<128x64xf32, #tpu.memory_space<vmem>>, %arg13: memref<128x64xf32, #tpu.memory_space<vmem>>, %arg14: memref<128x64xf32, #tpu.memory_space<vmem>>, %arg15: memref<128x64xf32, #tpu.memory_space<vmem>>, %arg16: memref<128x16xf32, #tpu.memory_space<vmem>>, %arg17: memref<128x16xf32, #tpu.memory_space<vmem>>, %arg18: memref<128x16xf32, #tpu.memory_space<vmem>>, %arg19: memref<128x16xf32, #tpu.memory_space<vmem>>, %arg20: memref<!tpu.dma_semaphore, #tpu.memory_space<semaphore_mem>>, %arg21: memref<!tpu.dma_semaphore, #tpu.memory_space<semaphore_mem>>, %arg22: memref<!tpu.dma_semaphore, #tpu.memory_space<semaphore_mem>>, %arg23: memref<!tpu.dma_semaphore, #tpu.memory_space<semaphore_mem>>) attributes {dimension_semantics = [#tpu.dimension_semantics<core_parallel>, #tpu.dimension_semantics<subcore_parallel>], iteration_bounds = array<i64: 2, 16>, scalar_prefetch = 0 : i64, scratch_operands = 14 : i64, tpu.core_type = #tpu.core_type<sc_vector_subcore>, window_params = [{transform_indices = #map}, {transform_indices = #map}, {transform_indices = #map1}, {transform_indices = #map1}, {transform_indices = #map}, {transform_indices = #map}, {transform_indices = #map}, {transform_indices = #map}]} {
    %mul3A = arith.constant 2 : i32
    %mul3A_0 = arith.muli %arg1, %mul3A : i32
    %add3A = arith.addi %mul3A_0, %arg0 : i32
    %mul3A_1 = arith.constant 25088 : i32
    %mul3A_2 = arith.muli %add3A, %mul3A_1 : i32
    "tpu.region"() ({
      %run_scoped3A = tpu.sem_alloc : memref<!tpu.dma_semaphore, #tpu.memory_space<semaphore_mem>>
      %dma_start3A_47 = tpu.memref_slice %arg4[%mul3A_2] : memref<802816xi32, #tpu.memory_space<hbm>> -> memref<25088xi32, #tpu.memory_space<hbm>>
      %dma_start3A_48 = tpu.memref_slice %arg4[%mul3A_2] : memref<802816xi32, #tpu.memory_space<hbm>> -> memref<25088xi32, #tpu.memory_space<hbm>>
      tpu.enqueue_dma source(%dma_start3A_48 : memref<25088xi32, #tpu.memory_space<hbm>>) target(%arg10 : memref<25088xi32, #tpu.memory_space<vmem>>) target_semaphore(%run_scoped3A : memref<!tpu.dma_semaphore, #tpu.memory_space<semaphore_mem>>)
      %dma_wait3A = tpu.memref_slice %arg4[%mul3A_2] : memref<802816xi32, #tpu.memory_space<hbm>> -> memref<25088xi32, #tpu.memory_space<hbm>>
      %dma_wait3A_49 = tpu.memref_slice %arg4[%mul3A_2] : memref<802816xi32, #tpu.memory_space<hbm>> -> memref<25088xi32, #tpu.memory_space<hbm>>
      tpu.wait_dma2 semaphore(%run_scoped3A : memref<!tpu.dma_semaphore, #tpu.memory_space<semaphore_mem>>) src(%dma_wait3A_49 : memref<25088xi32, #tpu.memory_space<hbm>>) dst(%arg10 : memref<25088xi32, #tpu.memory_space<vmem>>)
      tpu.yield
    }) : () -> ()
    "tpu.region"() ({
      %run_scoped3A = tpu.sem_alloc : memref<!tpu.dma_semaphore, #tpu.memory_space<semaphore_mem>>
      %dma_start3A_47 = tpu.memref_slice %arg5[%mul3A_2] : memref<802816xi32, #tpu.memory_space<hbm>> -> memref<25088xi32, #tpu.memory_space<hbm>>
      %dma_start3A_48 = tpu.memref_slice %arg5[%mul3A_2] : memref<802816xi32, #tpu.memory_space<hbm>> -> memref<25088xi32, #tpu.memory_space<hbm>>
      tpu.enqueue_dma source(%dma_start3A_48 : memref<25088xi32, #tpu.memory_space<hbm>>) target(%arg11 : memref<25088xi32, #tpu.memory_space<vmem>>) target_semaphore(%run_scoped3A : memref<!tpu.dma_semaphore, #tpu.memory_space<semaphore_mem>>)
      %dma_wait3A = tpu.memref_slice %arg5[%mul3A_2] : memref<802816xi32, #tpu.memory_space<hbm>> -> memref<25088xi32, #tpu.memory_space<hbm>>
      %dma_wait3A_49 = tpu.memref_slice %arg5[%mul3A_2] : memref<802816xi32, #tpu.memory_space<hbm>> -> memref<25088xi32, #tpu.memory_space<hbm>>
      tpu.wait_dma2 semaphore(%run_scoped3A : memref<!tpu.dma_semaphore, #tpu.memory_space<semaphore_mem>>) src(%dma_wait3A_49 : memref<25088xi32, #tpu.memory_space<hbm>>) dst(%arg11 : memref<25088xi32, #tpu.memory_space<vmem>>)
      tpu.yield
    }) : () -> ()
    %dma_start3A = arith.constant 0 : i32
    %dma_start3A_3 = tpu.memref_slice %arg10[%dma_start3A] : memref<25088xi32, #tpu.memory_space<vmem>> -> memref<128xi32, #tpu.memory_space<vmem>>
    %dma_start3A_4 = arith.constant 0 : i32
    %dma_start3A_5 = arith.constant 0 : i32
    %dma_start3A_6 = tpu.memref_slice %arg2[%dma_start3A_4, %dma_start3A_5] : memref<50000x64xf32, #tpu.memory_space<hbm>> -> memref<50000x64xf32, #tpu.memory_space<hbm>>
    tpu.enqueue_indirect_dma source(%dma_start3A_6 : memref<50000x64xf32, #tpu.memory_space<hbm>>) target(%arg12 : memref<128x64xf32, #tpu.memory_space<vmem>>) offsets(%dma_start3A_3 : memref<128xi32, #tpu.memory_space<vmem>>) semaphore(%arg20 : memref<!tpu.dma_semaphore, #tpu.memory_space<semaphore_mem>>)
    %dma_start3A_7 = arith.constant 0 : i32
    %dma_start3A_8 = tpu.memref_slice %arg11[%dma_start3A_7] : memref<25088xi32, #tpu.memory_space<vmem>> -> memref<128xi32, #tpu.memory_space<vmem>>
    %dma_start3A_9 = arith.constant 0 : i32
    %dma_start3A_10 = arith.constant 0 : i32
    %dma_start3A_11 = tpu.memref_slice %arg2[%dma_start3A_9, %dma_start3A_10] : memref<50000x64xf32, #tpu.memory_space<hbm>> -> memref<50000x64xf32, #tpu.memory_space<hbm>>
    tpu.enqueue_indirect_dma source(%dma_start3A_11 : memref<50000x64xf32, #tpu.memory_space<hbm>>) target(%arg14 : memref<128x64xf32, #tpu.memory_space<vmem>>) offsets(%dma_start3A_8 : memref<128xi32, #tpu.memory_space<vmem>>) semaphore(%arg20 : memref<!tpu.dma_semaphore, #tpu.memory_space<semaphore_mem>>)
    %dma_start3A_12 = arith.constant 0 : i32
    %dma_start3A_13 = tpu.memref_slice %arg10[%dma_start3A_12] : memref<25088xi32, #tpu.memory_space<vmem>> -> memref<128xi32, #tpu.memory_space<vmem>>
    %dma_start3A_14 = arith.constant 0 : i32
    %dma_start3A_15 = arith.constant 0 : i32
    %dma_start3A_16 = tpu.memref_slice %arg3[%dma_start3A_14, %dma_start3A_15] : memref<50000x16xf32, #tpu.memory_space<hbm>> -> memref<50000x16xf32, #tpu.memory_space<hbm>>
    tpu.enqueue_indirect_dma source(%dma_start3A_16 : memref<50000x16xf32, #tpu.memory_space<hbm>>) target(%arg16 : memref<128x16xf32, #tpu.memory_space<vmem>>) offsets(%dma_start3A_13 : memref<128xi32, #tpu.memory_space<vmem>>) semaphore(%arg20 : memref<!tpu.dma_semaphore, #tpu.memory_space<semaphore_mem>>)
    %dma_start3A_17 = arith.constant 0 : i32
    %dma_start3A_18 = tpu.memref_slice %arg11[%dma_start3A_17] : memref<25088xi32, #tpu.memory_space<vmem>> -> memref<128xi32, #tpu.memory_space<vmem>>
    %dma_start3A_19 = arith.constant 0 : i32
    %dma_start3A_20 = arith.constant 0 : i32
    %dma_start3A_21 = tpu.memref_slice %arg3[%dma_start3A_19, %dma_start3A_20] : memref<50000x16xf32, #tpu.memory_space<hbm>> -> memref<50000x16xf32, #tpu.memory_space<hbm>>
    tpu.enqueue_indirect_dma source(%dma_start3A_21 : memref<50000x16xf32, #tpu.memory_space<hbm>>) target(%arg18 : memref<128x16xf32, #tpu.memory_space<vmem>>) offsets(%dma_start3A_18 : memref<128xi32, #tpu.memory_space<vmem>>) semaphore(%arg20 : memref<!tpu.dma_semaphore, #tpu.memory_space<semaphore_mem>>)
    %dma_start3A_22 = arith.constant 128 : i32
    %dma_start3A_23 = tpu.memref_slice %arg10[%dma_start3A_22] : memref<25088xi32, #tpu.memory_space<vmem>> -> memref<128xi32, #tpu.memory_space<vmem>>
    %dma_start3A_24 = arith.constant 0 : i32
    %dma_start3A_25 = arith.constant 0 : i32
    %dma_start3A_26 = tpu.memref_slice %arg2[%dma_start3A_24, %dma_start3A_25] : memref<50000x64xf32, #tpu.memory_space<hbm>> -> memref<50000x64xf32, #tpu.memory_space<hbm>>
    tpu.enqueue_indirect_dma source(%dma_start3A_26 : memref<50000x64xf32, #tpu.memory_space<hbm>>) target(%arg13 : memref<128x64xf32, #tpu.memory_space<vmem>>) offsets(%dma_start3A_23 : memref<128xi32, #tpu.memory_space<vmem>>) semaphore(%arg21 : memref<!tpu.dma_semaphore, #tpu.memory_space<semaphore_mem>>)
    %dma_start3A_27 = arith.constant 128 : i32
    %dma_start3A_28 = tpu.memref_slice %arg11[%dma_start3A_27] : memref<25088xi32, #tpu.memory_space<vmem>> -> memref<128xi32, #tpu.memory_space<vmem>>
    %dma_start3A_29 = arith.constant 0 : i32
    %dma_start3A_30 = arith.constant 0 : i32
    %dma_start3A_31 = tpu.memref_slice %arg2[%dma_start3A_29, %dma_start3A_30] : memref<50000x64xf32, #tpu.memory_space<hbm>> -> memref<50000x64xf32, #tpu.memory_space<hbm>>
    tpu.enqueue_indirect_dma source(%dma_start3A_31 : memref<50000x64xf32, #tpu.memory_space<hbm>>) target(%arg15 : memref<128x64xf32, #tpu.memory_space<vmem>>) offsets(%dma_start3A_28 : memref<128xi32, #tpu.memory_space<vmem>>) semaphore(%arg21 : memref<!tpu.dma_semaphore, #tpu.memory_space<semaphore_mem>>)
    %dma_start3A_32 = arith.constant 128 : i32
    %dma_start3A_33 = tpu.memref_slice %arg10[%dma_start3A_32] : memref<25088xi32, #tpu.memory_space<vmem>> -> memref<128xi32, #tpu.memory_space<vmem>>
    %dma_start3A_34 = arith.constant 0 : i32
    %dma_start3A_35 = arith.constant 0 : i32
    %dma_start3A_36 = tpu.memref_slice %arg3[%dma_start3A_34, %dma_start3A_35] : memref<50000x16xf32, #tpu.memory_space<hbm>> -> memref<50000x16xf32, #tpu.memory_space<hbm>>
    tpu.enqueue_indirect_dma source(%dma_start3A_36 : memref<50000x16xf32, #tpu.memory_space<hbm>>) target(%arg17 : memref<128x16xf32, #tpu.memory_space<vmem>>) offsets(%dma_start3A_33 : memref<128xi32, #tpu.memory_space<vmem>>) semaphore(%arg21 : memref<!tpu.dma_semaphore, #tpu.memory_space<semaphore_mem>>)
    %dma_start3A_37 = arith.constant 128 : i32
    %dma_start3A_38 = tpu.memref_slice %arg11[%dma_start3A_37] : memref<25088xi32, #tpu.memory_space<vmem>> -> memref<128xi32, #tpu.memory_space<vmem>>
    %dma_start3A_39 = arith.constant 0 : i32
    %dma_start3A_40 = arith.constant 0 : i32
    %dma_start3A_41 = tpu.memref_slice %arg3[%dma_start3A_39, %dma_start3A_40] : memref<50000x16xf32, #tpu.memory_space<hbm>> -> memref<50000x16xf32, #tpu.memory_space<hbm>>
    tpu.enqueue_indirect_dma source(%dma_start3A_41 : memref<50000x16xf32, #tpu.memory_space<hbm>>) target(%arg19 : memref<128x16xf32, #tpu.memory_space<vmem>>) offsets(%dma_start3A_38 : memref<128xi32, #tpu.memory_space<vmem>>) semaphore(%arg21 : memref<!tpu.dma_semaphore, #tpu.memory_space<semaphore_mem>>)
    %scan3A = arith.constant 0 : i32
    %scan3A_42 = arith.constant 0 : i32
    %scan3A_43 = arith.constant 98 : i32
    %scan3A_44 = arith.addi %scan3A_42, %scan3A_43 : i32
    %scan3A_45 = arith.constant 1 : i32
    scf.for %scan3A_47 = %scan3A_42 to %scan3A_44 step %scan3A_45  : i32 {
      %mul3A_48 = arith.constant 2 : i32
      %mul3A_49 = arith.muli %mul3A_48, %scan3A_47 : i32
      %mul3A_50 = arith.constant 128 : i32
      %mul3A_51 = arith.muli %mul3A_49, %mul3A_50 : i32
      %dma_wait3A = arith.constant 0 : i32
      %dma_wait3A_52 = arith.constant 0 : i32
      %dma_wait3A_53 = tpu.memref_slice %arg2[%dma_wait3A, %dma_wait3A_52] : memref<50000x64xf32, #tpu.memory_space<hbm>> -> memref<128x64xf32, #tpu.memory_space<hbm>>
      %dma_wait3A_54 = arith.constant 0 : i32
      %dma_wait3A_55 = arith.constant 0 : i32
      %dma_wait3A_56 = tpu.memref_slice %arg2[%dma_wait3A_54, %dma_wait3A_55] : memref<50000x64xf32, #tpu.memory_space<hbm>> -> memref<128x64xf32, #tpu.memory_space<hbm>>
      tpu.wait_dma2 semaphore(%arg20 : memref<!tpu.dma_semaphore, #tpu.memory_space<semaphore_mem>>) src(%dma_wait3A_56 : memref<128x64xf32, #tpu.memory_space<hbm>>) dst(%arg12 : memref<128x64xf32, #tpu.memory_space<vmem>>)
      %dma_wait3A_57 = arith.constant 0 : i32
      %dma_wait3A_58 = arith.constant 0 : i32
      %dma_wait3A_59 = tpu.memref_slice %arg2[%dma_wait3A_57, %dma_wait3A_58] : memref<50000x64xf32, #tpu.memory_space<hbm>> -> memref<128x64xf32, #tpu.memory_space<hbm>>
      %dma_wait3A_60 = arith.constant 0 : i32
      %dma_wait3A_61 = arith.constant 0 : i32
      %dma_wait3A_62 = tpu.memref_slice %arg2[%dma_wait3A_60, %dma_wait3A_61] : memref<50000x64xf32, #tpu.memory_space<hbm>> -> memref<128x64xf32, #tpu.memory_space<hbm>>
      tpu.wait_dma2 semaphore(%arg20 : memref<!tpu.dma_semaphore, #tpu.memory_space<semaphore_mem>>) src(%dma_wait3A_62 : memref<128x64xf32, #tpu.memory_space<hbm>>) dst(%arg14 : memref<128x64xf32, #tpu.memory_space<vmem>>)
      %dma_wait3A_63 = arith.constant 0 : i32
      %dma_wait3A_64 = arith.constant 0 : i32
      %dma_wait3A_65 = tpu.memref_slice %arg3[%dma_wait3A_63, %dma_wait3A_64] : memref<50000x16xf32, #tpu.memory_space<hbm>> -> memref<128x16xf32, #tpu.memory_space<hbm>>
      %dma_wait3A_66 = arith.constant 0 : i32
      %dma_wait3A_67 = arith.constant 0 : i32
      %dma_wait3A_68 = tpu.memref_slice %arg3[%dma_wait3A_66, %dma_wait3A_67] : memref<50000x16xf32, #tpu.memory_space<hbm>> -> memref<128x16xf32, #tpu.memory_space<hbm>>
      tpu.wait_dma2 semaphore(%arg20 : memref<!tpu.dma_semaphore, #tpu.memory_space<semaphore_mem>>) src(%dma_wait3A_68 : memref<128x16xf32, #tpu.memory_space<hbm>>) dst(%arg16 : memref<128x16xf32, #tpu.memory_space<vmem>>)
      %dma_wait3A_69 = arith.constant 0 : i32
      %dma_wait3A_70 = arith.constant 0 : i32
      %dma_wait3A_71 = tpu.memref_slice %arg3[%dma_wait3A_69, %dma_wait3A_70] : memref<50000x16xf32, #tpu.memory_space<hbm>> -> memref<128x16xf32, #tpu.memory_space<hbm>>
      %dma_wait3A_72 = arith.constant 0 : i32
      %dma_wait3A_73 = arith.constant 0 : i32
      %dma_wait3A_74 = tpu.memref_slice %arg3[%dma_wait3A_72, %dma_wait3A_73] : memref<50000x16xf32, #tpu.memory_space<hbm>> -> memref<128x16xf32, #tpu.memory_space<hbm>>
      tpu.wait_dma2 semaphore(%arg20 : memref<!tpu.dma_semaphore, #tpu.memory_space<semaphore_mem>>) src(%dma_wait3A_74 : memref<128x16xf32, #tpu.memory_space<hbm>>) dst(%arg18 : memref<128x16xf32, #tpu.memory_space<vmem>>)
      %add3A_75 = arith.addi %mul3A_2, %mul3A_51 : i32
      %dma_start3A_76 = arith.constant 0 : i32
      %dma_start3A_77 = tpu.memref_slice %arg6[%add3A_75, %dma_start3A_76] : memref<802816x64xf32, #tpu.memory_space<hbm>> -> memref<128x64xf32, #tpu.memory_space<hbm>>
      %dma_start3A_78 = arith.constant 0 : i32
      %dma_start3A_79 = tpu.memref_slice %arg6[%add3A_75, %dma_start3A_78] : memref<802816x64xf32, #tpu.memory_space<hbm>> -> memref<128x64xf32, #tpu.memory_space<hbm>>
      tpu.enqueue_dma source(%arg12 : memref<128x64xf32, #tpu.memory_space<vmem>>) target(%dma_start3A_79 : memref<128x64xf32, #tpu.memory_space<hbm>>) target_semaphore(%arg22 : memref<!tpu.dma_semaphore, #tpu.memory_space<semaphore_mem>>)
      %add3A_80 = arith.addi %mul3A_2, %mul3A_51 : i32
      %dma_start3A_81 = arith.constant 0 : i32
      %dma_start3A_82 = tpu.memref_slice %arg7[%add3A_80, %dma_start3A_81] : memref<802816x64xf32, #tpu.memory_space<hbm>> -> memref<128x64xf32, #tpu.memory_space<hbm>>
      %dma_start3A_83 = arith.constant 0 : i32
      %dma_start3A_84 = tpu.memref_slice %arg7[%add3A_80, %dma_start3A_83] : memref<802816x64xf32, #tpu.memory_space<hbm>> -> memref<128x64xf32, #tpu.memory_space<hbm>>
      tpu.enqueue_dma source(%arg14 : memref<128x64xf32, #tpu.memory_space<vmem>>) target(%dma_start3A_84 : memref<128x64xf32, #tpu.memory_space<hbm>>) target_semaphore(%arg22 : memref<!tpu.dma_semaphore, #tpu.memory_space<semaphore_mem>>)
      %add3A_85 = arith.addi %mul3A_2, %mul3A_51 : i32
      %dma_start3A_86 = arith.constant 0 : i32
      %dma_start3A_87 = tpu.memref_slice %arg8[%add3A_85, %dma_start3A_86] : memref<802816x16xf32, #tpu.memory_space<hbm>> -> memref<128x16xf32, #tpu.memory_space<hbm>>
      %dma_start3A_88 = arith.constant 0 : i32
      %dma_start3A_89 = tpu.memref_slice %arg8[%add3A_85, %dma_start3A_88] : memref<802816x16xf32, #tpu.memory_space<hbm>> -> memref<128x16xf32, #tpu.memory_space<hbm>>
      tpu.enqueue_dma source(%arg16 : memref<128x16xf32, #tpu.memory_space<vmem>>) target(%dma_start3A_89 : memref<128x16xf32, #tpu.memory_space<hbm>>) target_semaphore(%arg22 : memref<!tpu.dma_semaphore, #tpu.memory_space<semaphore_mem>>)
      %add3A_90 = arith.addi %mul3A_2, %mul3A_51 : i32
      %dma_start3A_91 = arith.constant 0 : i32
      %dma_start3A_92 = tpu.memref_slice %arg9[%add3A_90, %dma_start3A_91] : memref<802816x16xf32, #tpu.memory_space<hbm>> -> memref<128x16xf32, #tpu.memory_space<hbm>>
      %dma_start3A_93 = arith.constant 0 : i32
      %dma_start3A_94 = tpu.memref_slice %arg9[%add3A_90, %dma_start3A_93] : memref<802816x16xf32, #tpu.memory_space<hbm>> -> memref<128x16xf32, #tpu.memory_space<hbm>>
      tpu.enqueue_dma source(%arg18 : memref<128x16xf32, #tpu.memory_space<vmem>>) target(%dma_start3A_94 : memref<128x16xf32, #tpu.memory_space<hbm>>) target_semaphore(%arg22 : memref<!tpu.dma_semaphore, #tpu.memory_space<semaphore_mem>>)
      %dma_wait3A_95 = arith.constant 0 : i32
      %dma_wait3A_96 = arith.constant 0 : i32
      %dma_wait3A_97 = tpu.memref_slice %arg2[%dma_wait3A_95, %dma_wait3A_96] : memref<50000x64xf32, #tpu.memory_space<hbm>> -> memref<128x64xf32, #tpu.memory_space<hbm>>
      %dma_wait3A_98 = arith.constant 0 : i32
      %dma_wait3A_99 = arith.constant 0 : i32
      %dma_wait3A_100 = tpu.memref_slice %arg2[%dma_wait3A_98, %dma_wait3A_99] : memref<50000x64xf32, #tpu.memory_space<hbm>> -> memref<128x64xf32, #tpu.memory_space<hbm>>
      tpu.wait_dma2 semaphore(%arg21 : memref<!tpu.dma_semaphore, #tpu.memory_space<semaphore_mem>>) src(%dma_wait3A_100 : memref<128x64xf32, #tpu.memory_space<hbm>>) dst(%arg13 : memref<128x64xf32, #tpu.memory_space<vmem>>)
      %dma_wait3A_101 = arith.constant 0 : i32
      %dma_wait3A_102 = arith.constant 0 : i32
      %dma_wait3A_103 = tpu.memref_slice %arg2[%dma_wait3A_101, %dma_wait3A_102] : memref<50000x64xf32, #tpu.memory_space<hbm>> -> memref<128x64xf32, #tpu.memory_space<hbm>>
      %dma_wait3A_104 = arith.constant 0 : i32
      %dma_wait3A_105 = arith.constant 0 : i32
      %dma_wait3A_106 = tpu.memref_slice %arg2[%dma_wait3A_104, %dma_wait3A_105] : memref<50000x64xf32, #tpu.memory_space<hbm>> -> memref<128x64xf32, #tpu.memory_space<hbm>>
      tpu.wait_dma2 semaphore(%arg21 : memref<!tpu.dma_semaphore, #tpu.memory_space<semaphore_mem>>) src(%dma_wait3A_106 : memref<128x64xf32, #tpu.memory_space<hbm>>) dst(%arg15 : memref<128x64xf32, #tpu.memory_space<vmem>>)
      %dma_wait3A_107 = arith.constant 0 : i32
      %dma_wait3A_108 = arith.constant 0 : i32
      %dma_wait3A_109 = tpu.memref_slice %arg3[%dma_wait3A_107, %dma_wait3A_108] : memref<50000x16xf32, #tpu.memory_space<hbm>> -> memref<128x16xf32, #tpu.memory_space<hbm>>
      %dma_wait3A_110 = arith.constant 0 : i32
      %dma_wait3A_111 = arith.constant 0 : i32
      %dma_wait3A_112 = tpu.memref_slice %arg3[%dma_wait3A_110, %dma_wait3A_111] : memref<50000x16xf32, #tpu.memory_space<hbm>> -> memref<128x16xf32, #tpu.memory_space<hbm>>
      tpu.wait_dma2 semaphore(%arg21 : memref<!tpu.dma_semaphore, #tpu.memory_space<semaphore_mem>>) src(%dma_wait3A_112 : memref<128x16xf32, #tpu.memory_space<hbm>>) dst(%arg17 : memref<128x16xf32, #tpu.memory_space<vmem>>)
      %dma_wait3A_113 = arith.constant 0 : i32
      %dma_wait3A_114 = arith.constant 0 : i32
      %dma_wait3A_115 = tpu.memref_slice %arg3[%dma_wait3A_113, %dma_wait3A_114] : memref<50000x16xf32, #tpu.memory_space<hbm>> -> memref<128x16xf32, #tpu.memory_space<hbm>>
      %dma_wait3A_116 = arith.constant 0 : i32
      %dma_wait3A_117 = arith.constant 0 : i32
      %dma_wait3A_118 = tpu.memref_slice %arg3[%dma_wait3A_116, %dma_wait3A_117] : memref<50000x16xf32, #tpu.memory_space<hbm>> -> memref<128x16xf32, #tpu.memory_space<hbm>>
      tpu.wait_dma2 semaphore(%arg21 : memref<!tpu.dma_semaphore, #tpu.memory_space<semaphore_mem>>) src(%dma_wait3A_118 : memref<128x16xf32, #tpu.memory_space<hbm>>) dst(%arg19 : memref<128x16xf32, #tpu.memory_space<vmem>>)
      %add3A_119 = arith.constant 128 : i32
      %add3A_120 = arith.addi %mul3A_51, %add3A_119 : i32
      %add3A_121 = arith.addi %mul3A_2, %add3A_120 : i32
      %dma_start3A_122 = arith.constant 0 : i32
      %dma_start3A_123 = tpu.memref_slice %arg6[%add3A_121, %dma_start3A_122] : memref<802816x64xf32, #tpu.memory_space<hbm>> -> memref<128x64xf32, #tpu.memory_space<hbm>>
      %dma_start3A_124 = arith.constant 0 : i32
      %dma_start3A_125 = tpu.memref_slice %arg6[%add3A_121, %dma_start3A_124] : memref<802816x64xf32, #tpu.memory_space<hbm>> -> memref<128x64xf32, #tpu.memory_space<hbm>>
      tpu.enqueue_dma source(%arg13 : memref<128x64xf32, #tpu.memory_space<vmem>>) target(%dma_start3A_125 : memref<128x64xf32, #tpu.memory_space<hbm>>) target_semaphore(%arg23 : memref<!tpu.dma_semaphore, #tpu.memory_space<semaphore_mem>>)
      %add3A_126 = arith.addi %mul3A_2, %add3A_120 : i32
      %dma_start3A_127 = arith.constant 0 : i32
      %dma_start3A_128 = tpu.memref_slice %arg7[%add3A_126, %dma_start3A_127] : memref<802816x64xf32, #tpu.memory_space<hbm>> -> memref<128x64xf32, #tpu.memory_space<hbm>>
      %dma_start3A_129 = arith.constant 0 : i32
      %dma_start3A_130 = tpu.memref_slice %arg7[%add3A_126, %dma_start3A_129] : memref<802816x64xf32, #tpu.memory_space<hbm>> -> memref<128x64xf32, #tpu.memory_space<hbm>>
      tpu.enqueue_dma source(%arg15 : memref<128x64xf32, #tpu.memory_space<vmem>>) target(%dma_start3A_130 : memref<128x64xf32, #tpu.memory_space<hbm>>) target_semaphore(%arg23 : memref<!tpu.dma_semaphore, #tpu.memory_space<semaphore_mem>>)
      %add3A_131 = arith.addi %mul3A_2, %add3A_120 : i32
      %dma_start3A_132 = arith.constant 0 : i32
      %dma_start3A_133 = tpu.memref_slice %arg8[%add3A_131, %dma_start3A_132] : memref<802816x16xf32, #tpu.memory_space<hbm>> -> memref<128x16xf32, #tpu.memory_space<hbm>>
      %dma_start3A_134 = arith.constant 0 : i32
      %dma_start3A_135 = tpu.memref_slice %arg8[%add3A_131, %dma_start3A_134] : memref<802816x16xf32, #tpu.memory_space<hbm>> -> memref<128x16xf32, #tpu.memory_space<hbm>>
      tpu.enqueue_dma source(%arg17 : memref<128x16xf32, #tpu.memory_space<vmem>>) target(%dma_start3A_135 : memref<128x16xf32, #tpu.memory_space<hbm>>) target_semaphore(%arg23 : memref<!tpu.dma_semaphore, #tpu.memory_space<semaphore_mem>>)
      %add3A_136 = arith.addi %mul3A_2, %add3A_120 : i32
      %dma_start3A_137 = arith.constant 0 : i32
      %dma_start3A_138 = tpu.memref_slice %arg9[%add3A_136, %dma_start3A_137] : memref<802816x16xf32, #tpu.memory_space<hbm>> -> memref<128x16xf32, #tpu.memory_space<hbm>>
      %dma_start3A_139 = arith.constant 0 : i32
      %dma_start3A_140 = tpu.memref_slice %arg9[%add3A_136, %dma_start3A_139] : memref<802816x16xf32, #tpu.memory_space<hbm>> -> memref<128x16xf32, #tpu.memory_space<hbm>>
      tpu.enqueue_dma source(%arg19 : memref<128x16xf32, #tpu.memory_space<vmem>>) target(%dma_start3A_140 : memref<128x16xf32, #tpu.memory_space<hbm>>) target_semaphore(%arg23 : memref<!tpu.dma_semaphore, #tpu.memory_space<semaphore_mem>>)
      %dma_wait3A_141 = arith.constant 0 : i32
      %dma_wait3A_142 = arith.constant 0 : i32
      %dma_wait3A_143 = tpu.memref_slice %arg6[%dma_wait3A_141, %dma_wait3A_142] : memref<802816x64xf32, #tpu.memory_space<hbm>> -> memref<128x64xf32, #tpu.memory_space<hbm>>
      %dma_wait3A_144 = arith.constant 0 : i32
      %dma_wait3A_145 = arith.constant 0 : i32
      %dma_wait3A_146 = tpu.memref_slice %arg6[%dma_wait3A_144, %dma_wait3A_145] : memref<802816x64xf32, #tpu.memory_space<hbm>> -> memref<128x64xf32, #tpu.memory_space<hbm>>
      tpu.wait_dma2 semaphore(%arg22 : memref<!tpu.dma_semaphore, #tpu.memory_space<semaphore_mem>>) src(%arg12 : memref<128x64xf32, #tpu.memory_space<vmem>>) dst(%dma_wait3A_146 : memref<128x64xf32, #tpu.memory_space<hbm>>)
      %dma_wait3A_147 = arith.constant 0 : i32
      %dma_wait3A_148 = arith.constant 0 : i32
      %dma_wait3A_149 = tpu.memref_slice %arg7[%dma_wait3A_147, %dma_wait3A_148] : memref<802816x64xf32, #tpu.memory_space<hbm>> -> memref<128x64xf32, #tpu.memory_space<hbm>>
      %dma_wait3A_150 = arith.constant 0 : i32
      %dma_wait3A_151 = arith.constant 0 : i32
      %dma_wait3A_152 = tpu.memref_slice %arg7[%dma_wait3A_150, %dma_wait3A_151] : memref<802816x64xf32, #tpu.memory_space<hbm>> -> memref<128x64xf32, #tpu.memory_space<hbm>>
      tpu.wait_dma2 semaphore(%arg22 : memref<!tpu.dma_semaphore, #tpu.memory_space<semaphore_mem>>) src(%arg14 : memref<128x64xf32, #tpu.memory_space<vmem>>) dst(%dma_wait3A_152 : memref<128x64xf32, #tpu.memory_space<hbm>>)
      %dma_wait3A_153 = arith.constant 0 : i32
      %dma_wait3A_154 = arith.constant 0 : i32
      %dma_wait3A_155 = tpu.memref_slice %arg8[%dma_wait3A_153, %dma_wait3A_154] : memref<802816x16xf32, #tpu.memory_space<hbm>> -> memref<128x16xf32, #tpu.memory_space<hbm>>
      %dma_wait3A_156 = arith.constant 0 : i32
      %dma_wait3A_157 = arith.constant 0 : i32
      %dma_wait3A_158 = tpu.memref_slice %arg8[%dma_wait3A_156, %dma_wait3A_157] : memref<802816x16xf32, #tpu.memory_space<hbm>> -> memref<128x16xf32, #tpu.memory_space<hbm>>
      tpu.wait_dma2 semaphore(%arg22 : memref<!tpu.dma_semaphore, #tpu.memory_space<semaphore_mem>>) src(%arg16 : memref<128x16xf32, #tpu.memory_space<vmem>>) dst(%dma_wait3A_158 : memref<128x16xf32, #tpu.memory_space<hbm>>)
      %dma_wait3A_159 = arith.constant 0 : i32
      %dma_wait3A_160 = arith.constant 0 : i32
      %dma_wait3A_161 = tpu.memref_slice %arg9[%dma_wait3A_159, %dma_wait3A_160] : memref<802816x16xf32, #tpu.memory_space<hbm>> -> memref<128x16xf32, #tpu.memory_space<hbm>>
      %dma_wait3A_162 = arith.constant 0 : i32
      %dma_wait3A_163 = arith.constant 0 : i32
      %dma_wait3A_164 = tpu.memref_slice %arg9[%dma_wait3A_162, %dma_wait3A_163] : memref<802816x16xf32, #tpu.memory_space<hbm>> -> memref<128x16xf32, #tpu.memory_space<hbm>>
      tpu.wait_dma2 semaphore(%arg22 : memref<!tpu.dma_semaphore, #tpu.memory_space<semaphore_mem>>) src(%arg18 : memref<128x16xf32, #tpu.memory_space<vmem>>) dst(%dma_wait3A_164 : memref<128x16xf32, #tpu.memory_space<hbm>>)
      %lt3A = arith.constant 97 : i32
      %lt3A_165 = arith.cmpi slt, %scan3A_47, %lt3A : i32
      %convert_element_type3A = arith.extui %lt3A_165 : i1 to i32
      %cond3A = arith.constant 0 : i32
      %cond3A_166 = arith.cmpi ne, %convert_element_type3A, %cond3A : i32
      scf.if %cond3A_166 {
        %add3A_196 = arith.constant 256 : i32
        %add3A_197 = arith.addi %mul3A_51, %add3A_196 : i32
        %dma_start3A_198 = tpu.memref_slice %arg10[%add3A_197] : memref<25088xi32, #tpu.memory_space<vmem>> -> memref<128xi32, #tpu.memory_space<vmem>>
        %dma_start3A_199 = arith.constant 0 : i32
        %dma_start3A_200 = arith.constant 0 : i32
        %dma_start3A_201 = tpu.memref_slice %arg2[%dma_start3A_199, %dma_start3A_200] : memref<50000x64xf32, #tpu.memory_space<hbm>> -> memref<50000x64xf32, #tpu.memory_space<hbm>>
        tpu.enqueue_indirect_dma source(%dma_start3A_201 : memref<50000x64xf32, #tpu.memory_space<hbm>>) target(%arg12 : memref<128x64xf32, #tpu.memory_space<vmem>>) offsets(%dma_start3A_198 : memref<128xi32, #tpu.memory_space<vmem>>) semaphore(%arg20 : memref<!tpu.dma_semaphore, #tpu.memory_space<semaphore_mem>>)
        %dma_start3A_202 = tpu.memref_slice %arg11[%add3A_197] : memref<25088xi32, #tpu.memory_space<vmem>> -> memref<128xi32, #tpu.memory_space<vmem>>
        %dma_start3A_203 = arith.constant 0 : i32
        %dma_start3A_204 = arith.constant 0 : i32
        %dma_start3A_205 = tpu.memref_slice %arg2[%dma_start3A_203, %dma_start3A_204] : memref<50000x64xf32, #tpu.memory_space<hbm>> -> memref<50000x64xf32, #tpu.memory_space<hbm>>
        tpu.enqueue_indirect_dma source(%dma_start3A_205 : memref<50000x64xf32, #tpu.memory_space<hbm>>) target(%arg14 : memref<128x64xf32, #tpu.memory_space<vmem>>) offsets(%dma_start3A_202 : memref<128xi32, #tpu.memory_space<vmem>>) semaphore(%arg20 : memref<!tpu.dma_semaphore, #tpu.memory_space<semaphore_mem>>)
        %dma_start3A_206 = tpu.memref_slice %arg10[%add3A_197] : memref<25088xi32, #tpu.memory_space<vmem>> -> memref<128xi32, #tpu.memory_space<vmem>>
        %dma_start3A_207 = arith.constant 0 : i32
        %dma_start3A_208 = arith.constant 0 : i32
        %dma_start3A_209 = tpu.memref_slice %arg3[%dma_start3A_207, %dma_start3A_208] : memref<50000x16xf32, #tpu.memory_space<hbm>> -> memref<50000x16xf32, #tpu.memory_space<hbm>>
        tpu.enqueue_indirect_dma source(%dma_start3A_209 : memref<50000x16xf32, #tpu.memory_space<hbm>>) target(%arg16 : memref<128x16xf32, #tpu.memory_space<vmem>>) offsets(%dma_start3A_206 : memref<128xi32, #tpu.memory_space<vmem>>) semaphore(%arg20 : memref<!tpu.dma_semaphore, #tpu.memory_space<semaphore_mem>>)
        %dma_start3A_210 = tpu.memref_slice %arg11[%add3A_197] : memref<25088xi32, #tpu.memory_space<vmem>> -> memref<128xi32, #tpu.memory_space<vmem>>
        %dma_start3A_211 = arith.constant 0 : i32
        %dma_start3A_212 = arith.constant 0 : i32
        %dma_start3A_213 = tpu.memref_slice %arg3[%dma_start3A_211, %dma_start3A_212] : memref<50000x16xf32, #tpu.memory_space<hbm>> -> memref<50000x16xf32, #tpu.memory_space<hbm>>
        tpu.enqueue_indirect_dma source(%dma_start3A_213 : memref<50000x16xf32, #tpu.memory_space<hbm>>) target(%arg18 : memref<128x16xf32, #tpu.memory_space<vmem>>) offsets(%dma_start3A_210 : memref<128xi32, #tpu.memory_space<vmem>>) semaphore(%arg20 : memref<!tpu.dma_semaphore, #tpu.memory_space<semaphore_mem>>)
      } else {
      }
      %dma_wait3A_167 = arith.constant 0 : i32
      %dma_wait3A_168 = arith.constant 0 : i32
      %dma_wait3A_169 = tpu.memref_slice %arg6[%dma_wait3A_167, %dma_wait3A_168] : memref<802816x64xf32, #tpu.memory_space<hbm>> -> memref<128x64xf32, #tpu.memory_space<hbm>>
      %dma_wait3A_170 = arith.constant 0 : i32
      %dma_wait3A_171 = arith.constant 0 : i32
      %dma_wait3A_172 = tpu.memref_slice %arg6[%dma_wait3A_170, %dma_wait3A_171] : memref<802816x64xf32, #tpu.memory_space<hbm>> -> memref<128x64xf32, #tpu.memory_space<hbm>>
      tpu.wait_dma2 semaphore(%arg23 : memref<!tpu.dma_semaphore, #tpu.memory_space<semaphore_mem>>) src(%arg13 : memref<128x64xf32, #tpu.memory_space<vmem>>) dst(%dma_wait3A_172 : memref<128x64xf32, #tpu.memory_space<hbm>>)
      %dma_wait3A_173 = arith.constant 0 : i32
      %dma_wait3A_174 = arith.constant 0 : i32
      %dma_wait3A_175 = tpu.memref_slice %arg7[%dma_wait3A_173, %dma_wait3A_174] : memref<802816x64xf32, #tpu.memory_space<hbm>> -> memref<128x64xf32, #tpu.memory_space<hbm>>
      %dma_wait3A_176 = arith.constant 0 : i32
      %dma_wait3A_177 = arith.constant 0 : i32
      %dma_wait3A_178 = tpu.memref_slice %arg7[%dma_wait3A_176, %dma_wait3A_177] : memref<802816x64xf32, #tpu.memory_space<hbm>> -> memref<128x64xf32, #tpu.memory_space<hbm>>
      tpu.wait_dma2 semaphore(%arg23 : memref<!tpu.dma_semaphore, #tpu.memory_space<semaphore_mem>>) src(%arg15 : memref<128x64xf32, #tpu.memory_space<vmem>>) dst(%dma_wait3A_178 : memref<128x64xf32, #tpu.memory_space<hbm>>)
      %dma_wait3A_179 = arith.constant 0 : i32
      %dma_wait3A_180 = arith.constant 0 : i32
      %dma_wait3A_181 = tpu.memref_slice %arg8[%dma_wait3A_179, %dma_wait3A_180] : memref<802816x16xf32, #tpu.memory_space<hbm>> -> memref<128x16xf32, #tpu.memory_space<hbm>>
      %dma_wait3A_182 = arith.constant 0 : i32
      %dma_wait3A_183 = arith.constant 0 : i32
      %dma_wait3A_184 = tpu.memref_slice %arg8[%dma_wait3A_182, %dma_wait3A_183] : memref<802816x16xf32, #tpu.memory_space<hbm>> -> memref<128x16xf32, #tpu.memory_space<hbm>>
      tpu.wait_dma2 semaphore(%arg23 : memref<!tpu.dma_semaphore, #tpu.memory_space<semaphore_mem>>) src(%arg17 : memref<128x16xf32, #tpu.memory_space<vmem>>) dst(%dma_wait3A_184 : memref<128x16xf32, #tpu.memory_space<hbm>>)
      %dma_wait3A_185 = arith.constant 0 : i32
      %dma_wait3A_186 = arith.constant 0 : i32
      %dma_wait3A_187 = tpu.memref_slice %arg9[%dma_wait3A_185, %dma_wait3A_186] : memref<802816x16xf32, #tpu.memory_space<hbm>> -> memref<128x16xf32, #tpu.memory_space<hbm>>
      %dma_wait3A_188 = arith.constant 0 : i32
      %dma_wait3A_189 = arith.constant 0 : i32
      %dma_wait3A_190 = tpu.memref_slice %arg9[%dma_wait3A_188, %dma_wait3A_189] : memref<802816x16xf32, #tpu.memory_space<hbm>> -> memref<128x16xf32, #tpu.memory_space<hbm>>
      tpu.wait_dma2 semaphore(%arg23 : memref<!tpu.dma_semaphore, #tpu.memory_space<semaphore_mem>>) src(%arg19 : memref<128x16xf32, #tpu.memory_space<vmem>>) dst(%dma_wait3A_190 : memref<128x16xf32, #tpu.memory_space<hbm>>)
      %lt3A_191 = arith.constant 97 : i32
      %lt3A_192 = arith.cmpi slt, %scan3A_47, %lt3A_191 : i32
      %convert_element_type3A_193 = arith.extui %lt3A_192 : i1 to i32
      %cond3A_194 = arith.constant 0 : i32
      %cond3A_195 = arith.cmpi ne, %convert_element_type3A_193, %cond3A_194 : i32
      scf.if %cond3A_195 {
        %add3A_196 = arith.constant 384 : i32
        %add3A_197 = arith.addi %mul3A_51, %add3A_196 : i32
        %dma_start3A_198 = tpu.memref_slice %arg10[%add3A_197] : memref<25088xi32, #tpu.memory_space<vmem>> -> memref<128xi32, #tpu.memory_space<vmem>>
        %dma_start3A_199 = arith.constant 0 : i32
        %dma_start3A_200 = arith.constant 0 : i32
        %dma_start3A_201 = tpu.memref_slice %arg2[%dma_start3A_199, %dma_start3A_200] : memref<50000x64xf32, #tpu.memory_space<hbm>> -> memref<50000x64xf32, #tpu.memory_space<hbm>>
        tpu.enqueue_indirect_dma source(%dma_start3A_201 : memref<50000x64xf32, #tpu.memory_space<hbm>>) target(%arg13 : memref<128x64xf32, #tpu.memory_space<vmem>>) offsets(%dma_start3A_198 : memref<128xi32, #tpu.memory_space<vmem>>) semaphore(%arg21 : memref<!tpu.dma_semaphore, #tpu.memory_space<semaphore_mem>>)
        %dma_start3A_202 = tpu.memref_slice %arg11[%add3A_197] : memref<25088xi32, #tpu.memory_space<vmem>> -> memref<128xi32, #tpu.memory_space<vmem>>
        %dma_start3A_203 = arith.constant 0 : i32
        %dma_start3A_204 = arith.constant 0 : i32
        %dma_start3A_205 = tpu.memref_slice %arg2[%dma_start3A_203, %dma_start3A_204] : memref<50000x64xf32, #tpu.memory_space<hbm>> -> memref<50000x64xf32, #tpu.memory_space<hbm>>
        tpu.enqueue_indirect_dma source(%dma_start3A_205 : memref<50000x64xf32, #tpu.memory_space<hbm>>) target(%arg15 : memref<128x64xf32, #tpu.memory_space<vmem>>) offsets(%dma_start3A_202 : memref<128xi32, #tpu.memory_space<vmem>>) semaphore(%arg21 : memref<!tpu.dma_semaphore, #tpu.memory_space<semaphore_mem>>)
        %dma_start3A_206 = tpu.memref_slice %arg10[%add3A_197] : memref<25088xi32, #tpu.memory_space<vmem>> -> memref<128xi32, #tpu.memory_space<vmem>>
        %dma_start3A_207 = arith.constant 0 : i32
        %dma_start3A_208 = arith.constant 0 : i32
        %dma_start3A_209 = tpu.memref_slice %arg3[%dma_start3A_207, %dma_start3A_208] : memref<50000x16xf32, #tpu.memory_space<hbm>> -> memref<50000x16xf32, #tpu.memory_space<hbm>>
        tpu.enqueue_indirect_dma source(%dma_start3A_209 : memref<50000x16xf32, #tpu.memory_space<hbm>>) target(%arg17 : memref<128x16xf32, #tpu.memory_space<vmem>>) offsets(%dma_start3A_206 : memref<128xi32, #tpu.memory_space<vmem>>) semaphore(%arg21 : memref<!tpu.dma_semaphore, #tpu.memory_space<semaphore_mem>>)
        %dma_start3A_210 = tpu.memref_slice %arg11[%add3A_197] : memref<25088xi32, #tpu.memory_space<vmem>> -> memref<128xi32, #tpu.memory_space<vmem>>
        %dma_start3A_211 = arith.constant 0 : i32
        %dma_start3A_212 = arith.constant 0 : i32
        %dma_start3A_213 = tpu.memref_slice %arg3[%dma_start3A_211, %dma_start3A_212] : memref<50000x16xf32, #tpu.memory_space<hbm>> -> memref<50000x16xf32, #tpu.memory_space<hbm>>
        tpu.enqueue_indirect_dma source(%dma_start3A_213 : memref<50000x16xf32, #tpu.memory_space<hbm>>) target(%arg19 : memref<128x16xf32, #tpu.memory_space<vmem>>) offsets(%dma_start3A_210 : memref<128xi32, #tpu.memory_space<vmem>>) semaphore(%arg21 : memref<!tpu.dma_semaphore, #tpu.memory_space<semaphore_mem>>)
      } else {
      }
    }
    %scan3A_46 = arith.constant 98 : i32
    return
  }
}

#map = affine_map<(d0, d1) -> (0, 0)>
#map1 = affine_map<(d0, d1) -> (0)>
module attributes {stable_mosaic.version = 14 : i64} {
  func.func @k(%arg0: i32, %arg1: i32, %arg2: memref<802816x16xf32, #tpu.memory_space<hbm>>, %arg3: memref<802816xi32, #tpu.memory_space<hbm>>, %arg4: memref<25008x16xf32, #tpu.memory_space<hbm>>, %arg5: memref<8x64xf32, #tpu.memory_space<hbm>>, %arg6: memref<50000x16xf32, #tpu.memory_space<hbm>>, %arg7: memref<128xi32, #tpu.memory_space<vmem>>, %arg8: memref<128xi32, #tpu.memory_space<vmem>>, %arg9: memref<128xi32, #tpu.memory_space<vmem>>, %arg10: memref<128xi32, #tpu.memory_space<vmem>>, %arg11: memref<128x16xf32, #tpu.memory_space<vmem>>, %arg12: memref<128x16xf32, #tpu.memory_space<vmem>>, %arg13: memref<25008x16xf32, #tpu.memory_space<vmem_shared>>, %arg14: memref<!tpu.dma_semaphore, #tpu.memory_space<semaphore_mem>>, %arg15: memref<!tpu.dma_semaphore, #tpu.memory_space<semaphore_mem>>) attributes {dimension_semantics = [#tpu.dimension_semantics<core_parallel>, #tpu.dimension_semantics<subcore_parallel>], iteration_bounds = array<i64: 2, 16>, scalar_prefetch = 0 : i64, scratch_operands = 9 : i64, tpu.core_type = #tpu.core_type<sc_vector_subcore>, window_params = [{transform_indices = #map}, {transform_indices = #map1}, {transform_indices = #map}, {transform_indices = #map}, {transform_indices = #map}]} {
    %mul3A = arith.constant 25000 : i32
    %mul3A_0 = arith.muli %arg0, %mul3A : i32
    %mul3A_1 = arith.constant 1568 : i32
    %mul3A_2 = arith.muli %arg1, %mul3A_1 : i32
    %lt3A = arith.constant 15 : i32
    %lt3A_3 = arith.cmpi slt, %arg1, %lt3A : i32
    %convert_element_type3A = arith.extui %lt3A_3 : i1 to i32
    %cond3A = arith.constant 0 : i32
    %cond3A_4 = arith.cmpi ne, %convert_element_type3A, %cond3A : i32
    scf.if %cond3A_4 {
      "tpu.region"() ({
        %run_scoped3A = tpu.sem_alloc : memref<!tpu.dma_semaphore, #tpu.memory_space<semaphore_mem>>
        %dma_start3A_39 = arith.constant 0 : i32
        %dma_start3A_40 = tpu.memref_slice %arg13[%mul3A_2, %dma_start3A_39] : memref<25008x16xf32, #tpu.memory_space<vmem_shared>> -> memref<1568x16xf32, #tpu.memory_space<vmem_shared>>
        %dma_start3A_41 = arith.constant 0 : i32
        %dma_start3A_42 = tpu.memref_slice %arg4[%mul3A_2, %dma_start3A_41] : memref<25008x16xf32, #tpu.memory_space<hbm>> -> memref<1568x16xf32, #tpu.memory_space<hbm>>
        tpu.enqueue_dma source(%dma_start3A_42 : memref<1568x16xf32, #tpu.memory_space<hbm>>) target(%dma_start3A_40 : memref<1568x16xf32, #tpu.memory_space<vmem_shared>>) target_semaphore(%run_scoped3A : memref<!tpu.dma_semaphore, #tpu.memory_space<semaphore_mem>>)
        %dma_wait3A = arith.constant 0 : i32
        %dma_wait3A_43 = tpu.memref_slice %arg13[%mul3A_2, %dma_wait3A] : memref<25008x16xf32, #tpu.memory_space<vmem_shared>> -> memref<1568x16xf32, #tpu.memory_space<vmem_shared>>
        %dma_wait3A_44 = arith.constant 0 : i32
        %dma_wait3A_45 = tpu.memref_slice %arg4[%mul3A_2, %dma_wait3A_44] : memref<25008x16xf32, #tpu.memory_space<hbm>> -> memref<1568x16xf32, #tpu.memory_space<hbm>>
        tpu.wait_dma2 semaphore(%run_scoped3A : memref<!tpu.dma_semaphore, #tpu.memory_space<semaphore_mem>>) src(%dma_wait3A_45 : memref<1568x16xf32, #tpu.memory_space<hbm>>) dst(%dma_wait3A_43 : memref<1568x16xf32, #tpu.memory_space<vmem_shared>>)
        tpu.yield
      }) : () -> ()
    } else {
    }
    %eq3A = arith.constant 15 : i32
    %eq3A_5 = arith.cmpi eq, %arg1, %eq3A : i32
    %convert_element_type3A_6 = arith.extui %eq3A_5 : i1 to i32
    %cond3A_7 = arith.constant 0 : i32
    %cond3A_8 = arith.cmpi ne, %convert_element_type3A_6, %cond3A_7 : i32
    scf.if %cond3A_8 {
      "tpu.region"() ({
        %run_scoped3A = tpu.sem_alloc : memref<!tpu.dma_semaphore, #tpu.memory_space<semaphore_mem>>
        %dma_start3A_39 = arith.constant 0 : i32
        %dma_start3A_40 = tpu.memref_slice %arg13[%mul3A_2, %dma_start3A_39] : memref<25008x16xf32, #tpu.memory_space<vmem_shared>> -> memref<1488x16xf32, #tpu.memory_space<vmem_shared>>
        %dma_start3A_41 = arith.constant 0 : i32
        %dma_start3A_42 = tpu.memref_slice %arg4[%mul3A_2, %dma_start3A_41] : memref<25008x16xf32, #tpu.memory_space<hbm>> -> memref<1488x16xf32, #tpu.memory_space<hbm>>
        tpu.enqueue_dma source(%dma_start3A_42 : memref<1488x16xf32, #tpu.memory_space<hbm>>) target(%dma_start3A_40 : memref<1488x16xf32, #tpu.memory_space<vmem_shared>>) target_semaphore(%run_scoped3A : memref<!tpu.dma_semaphore, #tpu.memory_space<semaphore_mem>>)
        %dma_wait3A = arith.constant 0 : i32
        %dma_wait3A_43 = tpu.memref_slice %arg13[%mul3A_2, %dma_wait3A] : memref<25008x16xf32, #tpu.memory_space<vmem_shared>> -> memref<1488x16xf32, #tpu.memory_space<vmem_shared>>
        %dma_wait3A_44 = arith.constant 0 : i32
        %dma_wait3A_45 = tpu.memref_slice %arg4[%mul3A_2, %dma_wait3A_44] : memref<25008x16xf32, #tpu.memory_space<hbm>> -> memref<1488x16xf32, #tpu.memory_space<hbm>>
        tpu.wait_dma2 semaphore(%run_scoped3A : memref<!tpu.dma_semaphore, #tpu.memory_space<semaphore_mem>>) src(%dma_wait3A_45 : memref<1488x16xf32, #tpu.memory_space<hbm>>) dst(%dma_wait3A_43 : memref<1488x16xf32, #tpu.memory_space<vmem_shared>>)
        tpu.yield
      }) : () -> ()
    } else {
    }
    %barrier3A = arith.constant 0 : index
    tpu.barrier barrier_id(%barrier3A)
    %mul3A_9 = arith.constant 50176 : i32
    %mul3A_10 = arith.muli %arg1, %mul3A_9 : i32
    %dma_start3A = tpu.memref_slice %arg3[%mul3A_10] : memref<802816xi32, #tpu.memory_space<hbm>> -> memref<128xi32, #tpu.memory_space<hbm>>
    %dma_start3A_11 = tpu.memref_slice %arg3[%mul3A_10] : memref<802816xi32, #tpu.memory_space<hbm>> -> memref<128xi32, #tpu.memory_space<hbm>>
    tpu.enqueue_dma source(%dma_start3A_11 : memref<128xi32, #tpu.memory_space<hbm>>) target(%arg7 : memref<128xi32, #tpu.memory_space<vmem>>) target_semaphore(%arg14 : memref<!tpu.dma_semaphore, #tpu.memory_space<semaphore_mem>>)
    %dma_start3A_12 = arith.constant 0 : i32
    %dma_start3A_13 = tpu.memref_slice %arg2[%mul3A_10, %dma_start3A_12] : memref<802816x16xf32, #tpu.memory_space<hbm>> -> memref<128x16xf32, #tpu.memory_space<hbm>>
    %dma_start3A_14 = arith.constant 0 : i32
    %dma_start3A_15 = tpu.memref_slice %arg2[%mul3A_10, %dma_start3A_14] : memref<802816x16xf32, #tpu.memory_space<hbm>> -> memref<128x16xf32, #tpu.memory_space<hbm>>
    tpu.enqueue_dma source(%dma_start3A_15 : memref<128x16xf32, #tpu.memory_space<hbm>>) target(%arg11 : memref<128x16xf32, #tpu.memory_space<vmem>>) target_semaphore(%arg14 : memref<!tpu.dma_semaphore, #tpu.memory_space<semaphore_mem>>)
    %add3A = arith.constant 128 : i32
    %add3A_16 = arith.addi %mul3A_10, %add3A : i32
    %dma_start3A_17 = tpu.memref_slice %arg3[%add3A_16] : memref<802816xi32, #tpu.memory_space<hbm>> -> memref<128xi32, #tpu.memory_space<hbm>>
    %dma_start3A_18 = tpu.memref_slice %arg3[%add3A_16] : memref<802816xi32, #tpu.memory_space<hbm>> -> memref<128xi32, #tpu.memory_space<hbm>>
    tpu.enqueue_dma source(%dma_start3A_18 : memref<128xi32, #tpu.memory_space<hbm>>) target(%arg8 : memref<128xi32, #tpu.memory_space<vmem>>) target_semaphore(%arg15 : memref<!tpu.dma_semaphore, #tpu.memory_space<semaphore_mem>>)
    %dma_start3A_19 = arith.constant 0 : i32
    %dma_start3A_20 = tpu.memref_slice %arg2[%add3A_16, %dma_start3A_19] : memref<802816x16xf32, #tpu.memory_space<hbm>> -> memref<128x16xf32, #tpu.memory_space<hbm>>
    %dma_start3A_21 = arith.constant 0 : i32
    %dma_start3A_22 = tpu.memref_slice %arg2[%add3A_16, %dma_start3A_21] : memref<802816x16xf32, #tpu.memory_space<hbm>> -> memref<128x16xf32, #tpu.memory_space<hbm>>
    tpu.enqueue_dma source(%dma_start3A_22 : memref<128x16xf32, #tpu.memory_space<hbm>>) target(%arg12 : memref<128x16xf32, #tpu.memory_space<vmem>>) target_semaphore(%arg15 : memref<!tpu.dma_semaphore, #tpu.memory_space<semaphore_mem>>)
    %scan3A = arith.constant 0 : i32
    %scan3A_23 = arith.constant 0 : i32
    %scan3A_24 = arith.constant 196 : i32
    %scan3A_25 = arith.addi %scan3A_23, %scan3A_24 : i32
    %scan3A_26 = arith.constant 1 : i32
    scf.for %scan3A_39 = %scan3A_23 to %scan3A_25 step %scan3A_26  : i32 {
      %mul3A_40 = arith.constant 2 : i32
      %mul3A_41 = arith.muli %mul3A_40, %scan3A_39 : i32
      %add3A_42 = arith.constant 0 : i32
      %add3A_43 = arith.addi %mul3A_41, %add3A_42 : i32
      %mul3A_44 = arith.constant 128 : i32
      %mul3A_45 = arith.muli %add3A_43, %mul3A_44 : i32
      %add3A_46 = arith.addi %mul3A_10, %mul3A_45 : i32
      %dma_wait3A = arith.constant 0 : i32
      %dma_wait3A_47 = tpu.memref_slice %arg3[%dma_wait3A] : memref<802816xi32, #tpu.memory_space<hbm>> -> memref<128xi32, #tpu.memory_space<hbm>>
      %dma_wait3A_48 = arith.constant 0 : i32
      %dma_wait3A_49 = tpu.memref_slice %arg3[%dma_wait3A_48] : memref<802816xi32, #tpu.memory_space<hbm>> -> memref<128xi32, #tpu.memory_space<hbm>>
      tpu.wait_dma2 semaphore(%arg14 : memref<!tpu.dma_semaphore, #tpu.memory_space<semaphore_mem>>) src(%dma_wait3A_49 : memref<128xi32, #tpu.memory_space<hbm>>) dst(%arg7 : memref<128xi32, #tpu.memory_space<vmem>>)
      %dma_wait3A_50 = arith.constant 0 : i32
      %dma_wait3A_51 = arith.constant 0 : i32
      %dma_wait3A_52 = tpu.memref_slice %arg2[%dma_wait3A_50, %dma_wait3A_51] : memref<802816x16xf32, #tpu.memory_space<hbm>> -> memref<128x16xf32, #tpu.memory_space<hbm>>
      %dma_wait3A_53 = arith.constant 0 : i32
      %dma_wait3A_54 = arith.constant 0 : i32
      %dma_wait3A_55 = tpu.memref_slice %arg2[%dma_wait3A_53, %dma_wait3A_54] : memref<802816x16xf32, #tpu.memory_space<hbm>> -> memref<128x16xf32, #tpu.memory_space<hbm>>
      tpu.wait_dma2 semaphore(%arg14 : memref<!tpu.dma_semaphore, #tpu.memory_space<semaphore_mem>>) src(%dma_wait3A_55 : memref<128x16xf32, #tpu.memory_space<hbm>>) dst(%arg11 : memref<128x16xf32, #tpu.memory_space<vmem>>)
      %scan3A_56 = arith.constant 0 : i32
      %scan3A_57 = arith.constant 0 : i32
      %scan3A_58 = arith.constant 8 : i32
      %scan3A_59 = arith.addi %scan3A_57, %scan3A_58 : i32
      %scan3A_60 = arith.constant 1 : i32
      scf.for %scan3A_95 = %scan3A_57 to %scan3A_59 step %scan3A_60  : i32 {
        %mul3A_96 = arith.constant 16 : i32
        %mul3A_97 = arith.muli %scan3A_95, %mul3A_96 : i32
        %get3A = arith.index_cast %mul3A_97 : i32 to index
        %get3A_98 = tpu.vector_load %arg7[%get3A] {strides = array<i32>} : memref<128xi32, #tpu.memory_space<vmem>>, vector<16xi32>,
        %get3A_99 = vector.shape_cast %get3A_98 : vector<16xi32> to vector<16xi32>
        %sub3A = vector.broadcast %mul3A_0 : i32 to vector<16xi32>
        %sub3A_100 = arith.subi %get3A_99, %sub3A : vector<16xi32>
        %ge3A = arith.constant 0 : i32
        %ge3A_101 = vector.broadcast %ge3A : i32 to vector<16xi32>
        %ge3A_102 = arith.cmpi sge, %sub3A_100, %ge3A_101 : vector<16xi32>
        %lt3A_103 = arith.constant 25000 : i32
        %lt3A_104 = vector.broadcast %lt3A_103 : i32 to vector<16xi32>
        %lt3A_105 = arith.cmpi slt, %sub3A_100, %lt3A_104 : vector<16xi32>
        %and3A = arith.andi %ge3A_102, %lt3A_105 : vector<16xi1>
        %jit3A = arith.constant 25000 : i32
        %broadcast_in_dim3A = vector.broadcast %jit3A : i32 to vector<16xi32>
        %select_n3A = arith.select %and3A, %sub3A_100, %broadcast_in_dim3A : vector<16xi1>, vector<16xi32>
        %mul3A_106 = arith.constant 16 : i32
        %mul3A_107 = arith.muli %scan3A_95, %mul3A_106 : i32
        %swap3A = arith.index_cast %mul3A_107 : i32 to index
        %swap3A_108 = tpu.vector_load %arg9[%swap3A] {strides = array<i32>} : memref<128xi32, #tpu.memory_space<vmem>>, vector<16xi32>,
        %swap3A_109 = vector.shape_cast %swap3A_108 : vector<16xi32> to vector<16xi32>
        %swap3A_110 = vector.shape_cast %select_n3A : vector<16xi32> to vector<16xi32>
        tpu.vector_store %arg9[%swap3A], %swap3A_110 {strides = array<i32>} : memref<128xi32, #tpu.memory_space<vmem>>, vector<16xi32>,
      }
      %scan3A_61 = arith.constant 8 : i32
      "tpu.region"() ({
        %run_scoped3A = tpu.sem_alloc : memref<!tpu.dma_semaphore, #tpu.memory_space<semaphore_mem>>
        %dma_start3A_95 = arith.constant 0 : i32
        %dma_start3A_96 = arith.constant 0 : i32
        %dma_start3A_97 = tpu.memref_slice %arg13[%dma_start3A_95, %dma_start3A_96] : memref<25008x16xf32, #tpu.memory_space<vmem_shared>> -> memref<25008x16xf32, #tpu.memory_space<vmem_shared>>
        tpu.enqueue_indirect_dma source(%arg11 : memref<128x16xf32, #tpu.memory_space<vmem>>) target(%dma_start3A_97 : memref<25008x16xf32, #tpu.memory_space<vmem_shared>>) offsets(%arg9 : memref<128xi32, #tpu.memory_space<vmem>>) semaphore(%run_scoped3A : memref<!tpu.dma_semaphore, #tpu.memory_space<semaphore_mem>>) {add = true}
        %dma_wait3A_98 = arith.constant 0 : i32
        %dma_wait3A_99 = arith.constant 0 : i32
        %dma_wait3A_100 = tpu.memref_slice %arg13[%dma_wait3A_98, %dma_wait3A_99] : memref<25008x16xf32, #tpu.memory_space<vmem_shared>> -> memref<25008x16xf32, #tpu.memory_space<vmem_shared>>
        tpu.wait_indirect_dma semaphore(%run_scoped3A : memref<!tpu.dma_semaphore, #tpu.memory_space<semaphore_mem>>) src(%arg11 : memref<128x16xf32, #tpu.memory_space<vmem>>) dst(%dma_wait3A_100 : memref<25008x16xf32, #tpu.memory_space<vmem_shared>>)
        tpu.yield
      }) : () -> ()
      %lt3A_62 = arith.constant 195 : i32
      %lt3A_63 = arith.cmpi slt, %scan3A_39, %lt3A_62 : i32
      %convert_element_type3A_64 = arith.extui %lt3A_63 : i1 to i32
      %cond3A_65 = arith.constant 0 : i32
      %cond3A_66 = arith.cmpi ne, %convert_element_type3A_64, %cond3A_65 : i32
      scf.if %cond3A_66 {
        %add3A_95 = arith.constant 256 : i32
        %add3A_96 = arith.addi %add3A_46, %add3A_95 : i32
        %dma_start3A_97 = tpu.memref_slice %arg3[%add3A_96] : memref<802816xi32, #tpu.memory_space<hbm>> -> memref<128xi32, #tpu.memory_space<hbm>>
        %dma_start3A_98 = tpu.memref_slice %arg3[%add3A_96] : memref<802816xi32, #tpu.memory_space<hbm>> -> memref<128xi32, #tpu.memory_space<hbm>>
        tpu.enqueue_dma source(%dma_start3A_98 : memref<128xi32, #tpu.memory_space<hbm>>) target(%arg7 : memref<128xi32, #tpu.memory_space<vmem>>) target_semaphore(%arg14 : memref<!tpu.dma_semaphore, #tpu.memory_space<semaphore_mem>>)
        %dma_start3A_99 = arith.constant 0 : i32
        %dma_start3A_100 = tpu.memref_slice %arg2[%add3A_96, %dma_start3A_99] : memref<802816x16xf32, #tpu.memory_space<hbm>> -> memref<128x16xf32, #tpu.memory_space<hbm>>
        %dma_start3A_101 = arith.constant 0 : i32
        %dma_start3A_102 = tpu.memref_slice %arg2[%add3A_96, %dma_start3A_101] : memref<802816x16xf32, #tpu.memory_space<hbm>> -> memref<128x16xf32, #tpu.memory_space<hbm>>
        tpu.enqueue_dma source(%dma_start3A_102 : memref<128x16xf32, #tpu.memory_space<hbm>>) target(%arg11 : memref<128x16xf32, #tpu.memory_space<vmem>>) target_semaphore(%arg14 : memref<!tpu.dma_semaphore, #tpu.memory_space<semaphore_mem>>)
      } else {
      }
      %mul3A_67 = arith.constant 2 : i32
      %mul3A_68 = arith.muli %mul3A_67, %scan3A_39 : i32
      %add3A_69 = arith.constant 1 : i32
      %add3A_70 = arith.addi %mul3A_68, %add3A_69 : i32
      %mul3A_71 = arith.constant 128 : i32
      %mul3A_72 = arith.muli %add3A_70, %mul3A_71 : i32
      %add3A_73 = arith.addi %mul3A_10, %mul3A_72 : i32
      %dma_wait3A_74 = arith.constant 0 : i32
      %dma_wait3A_75 = tpu.memref_slice %arg3[%dma_wait3A_74] : memref<802816xi32, #tpu.memory_space<hbm>> -> memref<128xi32, #tpu.memory_space<hbm>>
      %dma_wait3A_76 = arith.constant 0 : i32
      %dma_wait3A_77 = tpu.memref_slice %arg3[%dma_wait3A_76] : memref<802816xi32, #tpu.memory_space<hbm>> -> memref<128xi32, #tpu.memory_space<hbm>>
      tpu.wait_dma2 semaphore(%arg15 : memref<!tpu.dma_semaphore, #tpu.memory_space<semaphore_mem>>) src(%dma_wait3A_77 : memref<128xi32, #tpu.memory_space<hbm>>) dst(%arg8 : memref<128xi32, #tpu.memory_space<vmem>>)
      %dma_wait3A_78 = arith.constant 0 : i32
      %dma_wait3A_79 = arith.constant 0 : i32
      %dma_wait3A_80 = tpu.memref_slice %arg2[%dma_wait3A_78, %dma_wait3A_79] : memref<802816x16xf32, #tpu.memory_space<hbm>> -> memref<128x16xf32, #tpu.memory_space<hbm>>
      %dma_wait3A_81 = arith.constant 0 : i32
      %dma_wait3A_82 = arith.constant 0 : i32
      %dma_wait3A_83 = tpu.memref_slice %arg2[%dma_wait3A_81, %dma_wait3A_82] : memref<802816x16xf32, #tpu.memory_space<hbm>> -> memref<128x16xf32, #tpu.memory_space<hbm>>
      tpu.wait_dma2 semaphore(%arg15 : memref<!tpu.dma_semaphore, #tpu.memory_space<semaphore_mem>>) src(%dma_wait3A_83 : memref<128x16xf32, #tpu.memory_space<hbm>>) dst(%arg12 : memref<128x16xf32, #tpu.memory_space<vmem>>)
      %scan3A_84 = arith.constant 0 : i32
      %scan3A_85 = arith.constant 0 : i32
      %scan3A_86 = arith.constant 8 : i32
      %scan3A_87 = arith.addi %scan3A_85, %scan3A_86 : i32
      %scan3A_88 = arith.constant 1 : i32
      scf.for %scan3A_95 = %scan3A_85 to %scan3A_87 step %scan3A_88  : i32 {
        %mul3A_96 = arith.constant 16 : i32
        %mul3A_97 = arith.muli %scan3A_95, %mul3A_96 : i32
        %get3A = arith.index_cast %mul3A_97 : i32 to index
        %get3A_98 = tpu.vector_load %arg8[%get3A] {strides = array<i32>} : memref<128xi32, #tpu.memory_space<vmem>>, vector<16xi32>,
        %get3A_99 = vector.shape_cast %get3A_98 : vector<16xi32> to vector<16xi32>
        %sub3A = vector.broadcast %mul3A_0 : i32 to vector<16xi32>
        %sub3A_100 = arith.subi %get3A_99, %sub3A : vector<16xi32>
        %ge3A = arith.constant 0 : i32
        %ge3A_101 = vector.broadcast %ge3A : i32 to vector<16xi32>
        %ge3A_102 = arith.cmpi sge, %sub3A_100, %ge3A_101 : vector<16xi32>
        %lt3A_103 = arith.constant 25000 : i32
        %lt3A_104 = vector.broadcast %lt3A_103 : i32 to vector<16xi32>
        %lt3A_105 = arith.cmpi slt, %sub3A_100, %lt3A_104 : vector<16xi32>
        %and3A = arith.andi %ge3A_102, %lt3A_105 : vector<16xi1>
        %jit3A = arith.constant 25000 : i32
        %broadcast_in_dim3A = vector.broadcast %jit3A : i32 to vector<16xi32>
        %select_n3A = arith.select %and3A, %sub3A_100, %broadcast_in_dim3A : vector<16xi1>, vector<16xi32>
        %mul3A_106 = arith.constant 16 : i32
        %mul3A_107 = arith.muli %scan3A_95, %mul3A_106 : i32
        %swap3A = arith.index_cast %mul3A_107 : i32 to index
        %swap3A_108 = tpu.vector_load %arg10[%swap3A] {strides = array<i32>} : memref<128xi32, #tpu.memory_space<vmem>>, vector<16xi32>,
        %swap3A_109 = vector.shape_cast %swap3A_108 : vector<16xi32> to vector<16xi32>
        %swap3A_110 = vector.shape_cast %select_n3A : vector<16xi32> to vector<16xi32>
        tpu.vector_store %arg10[%swap3A], %swap3A_110 {strides = array<i32>} : memref<128xi32, #tpu.memory_space<vmem>>, vector<16xi32>,
      }
      %scan3A_89 = arith.constant 8 : i32
      "tpu.region"() ({
        %run_scoped3A = tpu.sem_alloc : memref<!tpu.dma_semaphore, #tpu.memory_space<semaphore_mem>>
        %dma_start3A_95 = arith.constant 0 : i32
        %dma_start3A_96 = arith.constant 0 : i32
        %dma_start3A_97 = tpu.memref_slice %arg13[%dma_start3A_95, %dma_start3A_96] : memref<25008x16xf32, #tpu.memory_space<vmem_shared>> -> memref<25008x16xf32, #tpu.memory_space<vmem_shared>>
        tpu.enqueue_indirect_dma source(%arg12 : memref<128x16xf32, #tpu.memory_space<vmem>>) target(%dma_start3A_97 : memref<25008x16xf32, #tpu.memory_space<vmem_shared>>) offsets(%arg10 : memref<128xi32, #tpu.memory_space<vmem>>) semaphore(%run_scoped3A : memref<!tpu.dma_semaphore, #tpu.memory_space<semaphore_mem>>) {add = true}
        %dma_wait3A_98 = arith.constant 0 : i32
        %dma_wait3A_99 = arith.constant 0 : i32
        %dma_wait3A_100 = tpu.memref_slice %arg13[%dma_wait3A_98, %dma_wait3A_99] : memref<25008x16xf32, #tpu.memory_space<vmem_shared>> -> memref<25008x16xf32, #tpu.memory_space<vmem_shared>>
        tpu.wait_indirect_dma semaphore(%run_scoped3A : memref<!tpu.dma_semaphore, #tpu.memory_space<semaphore_mem>>) src(%arg12 : memref<128x16xf32, #tpu.memory_space<vmem>>) dst(%dma_wait3A_100 : memref<25008x16xf32, #tpu.memory_space<vmem_shared>>)
        tpu.yield
      }) : () -> ()
      %lt3A_90 = arith.constant 195 : i32
      %lt3A_91 = arith.cmpi slt, %scan3A_39, %lt3A_90 : i32
      %convert_element_type3A_92 = arith.extui %lt3A_91 : i1 to i32
      %cond3A_93 = arith.constant 0 : i32
      %cond3A_94 = arith.cmpi ne, %convert_element_type3A_92, %cond3A_93 : i32
      scf.if %cond3A_94 {
        %add3A_95 = arith.constant 256 : i32
        %add3A_96 = arith.addi %add3A_73, %add3A_95 : i32
        %dma_start3A_97 = tpu.memref_slice %arg3[%add3A_96] : memref<802816xi32, #tpu.memory_space<hbm>> -> memref<128xi32, #tpu.memory_space<hbm>>
        %dma_start3A_98 = tpu.memref_slice %arg3[%add3A_96] : memref<802816xi32, #tpu.memory_space<hbm>> -> memref<128xi32, #tpu.memory_space<hbm>>
        tpu.enqueue_dma source(%dma_start3A_98 : memref<128xi32, #tpu.memory_space<hbm>>) target(%arg8 : memref<128xi32, #tpu.memory_space<vmem>>) target_semaphore(%arg15 : memref<!tpu.dma_semaphore, #tpu.memory_space<semaphore_mem>>)
        %dma_start3A_99 = arith.constant 0 : i32
        %dma_start3A_100 = tpu.memref_slice %arg2[%add3A_96, %dma_start3A_99] : memref<802816x16xf32, #tpu.memory_space<hbm>> -> memref<128x16xf32, #tpu.memory_space<hbm>>
        %dma_start3A_101 = arith.constant 0 : i32
        %dma_start3A_102 = tpu.memref_slice %arg2[%add3A_96, %dma_start3A_101] : memref<802816x16xf32, #tpu.memory_space<hbm>> -> memref<128x16xf32, #tpu.memory_space<hbm>>
        tpu.enqueue_dma source(%dma_start3A_102 : memref<128x16xf32, #tpu.memory_space<hbm>>) target(%arg12 : memref<128x16xf32, #tpu.memory_space<vmem>>) target_semaphore(%arg15 : memref<!tpu.dma_semaphore, #tpu.memory_space<semaphore_mem>>)
      } else {
      }
    }
    %scan3A_27 = arith.constant 196 : i32
    %barrier3A_28 = arith.constant 0 : index
    tpu.barrier barrier_id(%barrier3A_28)
    %lt3A_29 = arith.constant 15 : i32
    %lt3A_30 = arith.cmpi slt, %arg1, %lt3A_29 : i32
    %convert_element_type3A_31 = arith.extui %lt3A_30 : i1 to i32
    %cond3A_32 = arith.constant 0 : i32
    %cond3A_33 = arith.cmpi ne, %convert_element_type3A_31, %cond3A_32 : i32
    scf.if %cond3A_33 {
      %add3A_39 = arith.addi %mul3A_0, %mul3A_2 : i32
      "tpu.region"() ({
        %run_scoped3A = tpu.sem_alloc : memref<!tpu.dma_semaphore, #tpu.memory_space<semaphore_mem>>
        %dma_start3A_40 = arith.constant 0 : i32
        %dma_start3A_41 = tpu.memref_slice %arg6[%add3A_39, %dma_start3A_40] : memref<50000x16xf32, #tpu.memory_space<hbm>> -> memref<1568x16xf32, #tpu.memory_space<hbm>>
        %dma_start3A_42 = arith.constant 0 : i32
        %dma_start3A_43 = tpu.memref_slice %arg13[%mul3A_2, %dma_start3A_42] : memref<25008x16xf32, #tpu.memory_space<vmem_shared>> -> memref<1568x16xf32, #tpu.memory_space<vmem_shared>>
        tpu.enqueue_dma source(%dma_start3A_43 : memref<1568x16xf32, #tpu.memory_space<vmem_shared>>) target(%dma_start3A_41 : memref<1568x16xf32, #tpu.memory_space<hbm>>) target_semaphore(%run_scoped3A : memref<!tpu.dma_semaphore, #tpu.memory_space<semaphore_mem>>)
        %dma_wait3A = arith.constant 0 : i32
        %dma_wait3A_44 = tpu.memref_slice %arg6[%add3A_39, %dma_wait3A] : memref<50000x16xf32, #tpu.memory_space<hbm>> -> memref<1568x16xf32, #tpu.memory_space<hbm>>
        %dma_wait3A_45 = arith.constant 0 : i32
        %dma_wait3A_46 = tpu.memref_slice %arg13[%mul3A_2, %dma_wait3A_45] : memref<25008x16xf32, #tpu.memory_space<vmem_shared>> -> memref<1568x16xf32, #tpu.memory_space<vmem_shared>>
        tpu.wait_dma2 semaphore(%run_scoped3A : memref<!tpu.dma_semaphore, #tpu.memory_space<semaphore_mem>>) src(%dma_wait3A_46 : memref<1568x16xf32, #tpu.memory_space<vmem_shared>>) dst(%dma_wait3A_44 : memref<1568x16xf32, #tpu.memory_space<hbm>>)
        tpu.yield
      }) : () -> ()
    } else {
    }
    %eq3A_34 = arith.constant 15 : i32
    %eq3A_35 = arith.cmpi eq, %arg1, %eq3A_34 : i32
    %convert_element_type3A_36 = arith.extui %eq3A_35 : i1 to i32
    %cond3A_37 = arith.constant 0 : i32
    %cond3A_38 = arith.cmpi ne, %convert_element_type3A_36, %cond3A_37 : i32
    scf.if %cond3A_38 {
      %add3A_39 = arith.addi %mul3A_0, %mul3A_2 : i32
      "tpu.region"() ({
        %run_scoped3A = tpu.sem_alloc : memref<!tpu.dma_semaphore, #tpu.memory_space<semaphore_mem>>
        %dma_start3A_40 = arith.constant 0 : i32
        %dma_start3A_41 = tpu.memref_slice %arg6[%add3A_39, %dma_start3A_40] : memref<50000x16xf32, #tpu.memory_space<hbm>> -> memref<1480x16xf32, #tpu.memory_space<hbm>>
        %dma_start3A_42 = arith.constant 0 : i32
        %dma_start3A_43 = tpu.memref_slice %arg13[%mul3A_2, %dma_start3A_42] : memref<25008x16xf32, #tpu.memory_space<vmem_shared>> -> memref<1480x16xf32, #tpu.memory_space<vmem_shared>>
        tpu.enqueue_dma source(%dma_start3A_43 : memref<1480x16xf32, #tpu.memory_space<vmem_shared>>) target(%dma_start3A_41 : memref<1480x16xf32, #tpu.memory_space<hbm>>) target_semaphore(%run_scoped3A : memref<!tpu.dma_semaphore, #tpu.memory_space<semaphore_mem>>)
        %dma_wait3A = arith.constant 0 : i32
        %dma_wait3A_44 = tpu.memref_slice %arg6[%add3A_39, %dma_wait3A] : memref<50000x16xf32, #tpu.memory_space<hbm>> -> memref<1480x16xf32, #tpu.memory_space<hbm>>
        %dma_wait3A_45 = arith.constant 0 : i32
        %dma_wait3A_46 = tpu.memref_slice %arg13[%mul3A_2, %dma_wait3A_45] : memref<25008x16xf32, #tpu.memory_space<vmem_shared>> -> memref<1480x16xf32, #tpu.memory_space<vmem_shared>>
        tpu.wait_dma2 semaphore(%run_scoped3A : memref<!tpu.dma_semaphore, #tpu.memory_space<semaphore_mem>>) src(%dma_wait3A_46 : memref<1480x16xf32, #tpu.memory_space<vmem_shared>>) dst(%dma_wait3A_44 : memref<1480x16xf32, #tpu.memory_space<hbm>>)
        tpu.yield
      }) : () -> ()
    } else {
    }
    return
  }
}

#map = affine_map<(d0, d1) -> (0, 0)>
#map1 = affine_map<(d0, d1) -> (0)>
module attributes {stable_mosaic.version = 14 : i64} {
  func.func @k(%arg0: i32, %arg1: i32, %arg2: memref<802816x64xf32, #tpu.memory_space<hbm>>, %arg3: memref<802816xi32, #tpu.memory_space<hbm>>, %arg4: memref<25008x64xf32, #tpu.memory_space<hbm>>, %arg5: memref<8x16xf32, #tpu.memory_space<hbm>>, %arg6: memref<50000x64xf32, #tpu.memory_space<hbm>>, %arg7: memref<128xi32, #tpu.memory_space<vmem>>, %arg8: memref<128xi32, #tpu.memory_space<vmem>>, %arg9: memref<128xi32, #tpu.memory_space<vmem>>, %arg10: memref<128xi32, #tpu.memory_space<vmem>>, %arg11: memref<128x64xf32, #tpu.memory_space<vmem>>, %arg12: memref<128x64xf32, #tpu.memory_space<vmem>>, %arg13: memref<25008x64xf32, #tpu.memory_space<vmem_shared>>, %arg14: memref<!tpu.dma_semaphore, #tpu.memory_space<semaphore_mem>>, %arg15: memref<!tpu.dma_semaphore, #tpu.memory_space<semaphore_mem>>) attributes {dimension_semantics = [#tpu.dimension_semantics<core_parallel>, #tpu.dimension_semantics<subcore_parallel>], iteration_bounds = array<i64: 2, 16>, scalar_prefetch = 0 : i64, scratch_operands = 9 : i64, tpu.core_type = #tpu.core_type<sc_vector_subcore>, window_params = [{transform_indices = #map}, {transform_indices = #map1}, {transform_indices = #map}, {transform_indices = #map}, {transform_indices = #map}]} {
    %mul3A = arith.constant 25000 : i32
    %mul3A_0 = arith.muli %arg0, %mul3A : i32
    %mul3A_1 = arith.constant 1568 : i32
    %mul3A_2 = arith.muli %arg1, %mul3A_1 : i32
    %lt3A = arith.constant 15 : i32
    %lt3A_3 = arith.cmpi slt, %arg1, %lt3A : i32
    %convert_element_type3A = arith.extui %lt3A_3 : i1 to i32
    %cond3A = arith.constant 0 : i32
    %cond3A_4 = arith.cmpi ne, %convert_element_type3A, %cond3A : i32
    scf.if %cond3A_4 {
      "tpu.region"() ({
        %run_scoped3A = tpu.sem_alloc : memref<!tpu.dma_semaphore, #tpu.memory_space<semaphore_mem>>
        %dma_start3A_39 = arith.constant 0 : i32
        %dma_start3A_40 = tpu.memref_slice %arg13[%mul3A_2, %dma_start3A_39] : memref<25008x64xf32, #tpu.memory_space<vmem_shared>> -> memref<1568x64xf32, #tpu.memory_space<vmem_shared>>
        %dma_start3A_41 = arith.constant 0 : i32
        %dma_start3A_42 = tpu.memref_slice %arg4[%mul3A_2, %dma_start3A_41] : memref<25008x64xf32, #tpu.memory_space<hbm>> -> memref<1568x64xf32, #tpu.memory_space<hbm>>
        tpu.enqueue_dma source(%dma_start3A_42 : memref<1568x64xf32, #tpu.memory_space<hbm>>) target(%dma_start3A_40 : memref<1568x64xf32, #tpu.memory_space<vmem_shared>>) target_semaphore(%run_scoped3A : memref<!tpu.dma_semaphore, #tpu.memory_space<semaphore_mem>>)
        %dma_wait3A = arith.constant 0 : i32
        %dma_wait3A_43 = tpu.memref_slice %arg13[%mul3A_2, %dma_wait3A] : memref<25008x64xf32, #tpu.memory_space<vmem_shared>> -> memref<1568x64xf32, #tpu.memory_space<vmem_shared>>
        %dma_wait3A_44 = arith.constant 0 : i32
        %dma_wait3A_45 = tpu.memref_slice %arg4[%mul3A_2, %dma_wait3A_44] : memref<25008x64xf32, #tpu.memory_space<hbm>> -> memref<1568x64xf32, #tpu.memory_space<hbm>>
        tpu.wait_dma2 semaphore(%run_scoped3A : memref<!tpu.dma_semaphore, #tpu.memory_space<semaphore_mem>>) src(%dma_wait3A_45 : memref<1568x64xf32, #tpu.memory_space<hbm>>) dst(%dma_wait3A_43 : memref<1568x64xf32, #tpu.memory_space<vmem_shared>>)
        tpu.yield
      }) : () -> ()
    } else {
    }
    %eq3A = arith.constant 15 : i32
    %eq3A_5 = arith.cmpi eq, %arg1, %eq3A : i32
    %convert_element_type3A_6 = arith.extui %eq3A_5 : i1 to i32
    %cond3A_7 = arith.constant 0 : i32
    %cond3A_8 = arith.cmpi ne, %convert_element_type3A_6, %cond3A_7 : i32
    scf.if %cond3A_8 {
      "tpu.region"() ({
        %run_scoped3A = tpu.sem_alloc : memref<!tpu.dma_semaphore, #tpu.memory_space<semaphore_mem>>
        %dma_start3A_39 = arith.constant 0 : i32
        %dma_start3A_40 = tpu.memref_slice %arg13[%mul3A_2, %dma_start3A_39] : memref<25008x64xf32, #tpu.memory_space<vmem_shared>> -> memref<1488x64xf32, #tpu.memory_space<vmem_shared>>
        %dma_start3A_41 = arith.constant 0 : i32
        %dma_start3A_42 = tpu.memref_slice %arg4[%mul3A_2, %dma_start3A_41] : memref<25008x64xf32, #tpu.memory_space<hbm>> -> memref<1488x64xf32, #tpu.memory_space<hbm>>
        tpu.enqueue_dma source(%dma_start3A_42 : memref<1488x64xf32, #tpu.memory_space<hbm>>) target(%dma_start3A_40 : memref<1488x64xf32, #tpu.memory_space<vmem_shared>>) target_semaphore(%run_scoped3A : memref<!tpu.dma_semaphore, #tpu.memory_space<semaphore_mem>>)
        %dma_wait3A = arith.constant 0 : i32
        %dma_wait3A_43 = tpu.memref_slice %arg13[%mul3A_2, %dma_wait3A] : memref<25008x64xf32, #tpu.memory_space<vmem_shared>> -> memref<1488x64xf32, #tpu.memory_space<vmem_shared>>
        %dma_wait3A_44 = arith.constant 0 : i32
        %dma_wait3A_45 = tpu.memref_slice %arg4[%mul3A_2, %dma_wait3A_44] : memref<25008x64xf32, #tpu.memory_space<hbm>> -> memref<1488x64xf32, #tpu.memory_space<hbm>>
        tpu.wait_dma2 semaphore(%run_scoped3A : memref<!tpu.dma_semaphore, #tpu.memory_space<semaphore_mem>>) src(%dma_wait3A_45 : memref<1488x64xf32, #tpu.memory_space<hbm>>) dst(%dma_wait3A_43 : memref<1488x64xf32, #tpu.memory_space<vmem_shared>>)
        tpu.yield
      }) : () -> ()
    } else {
    }
    %barrier3A = arith.constant 0 : index
    tpu.barrier barrier_id(%barrier3A)
    %mul3A_9 = arith.constant 50176 : i32
    %mul3A_10 = arith.muli %arg1, %mul3A_9 : i32
    %dma_start3A = tpu.memref_slice %arg3[%mul3A_10] : memref<802816xi32, #tpu.memory_space<hbm>> -> memref<128xi32, #tpu.memory_space<hbm>>
    %dma_start3A_11 = tpu.memref_slice %arg3[%mul3A_10] : memref<802816xi32, #tpu.memory_space<hbm>> -> memref<128xi32, #tpu.memory_space<hbm>>
    tpu.enqueue_dma source(%dma_start3A_11 : memref<128xi32, #tpu.memory_space<hbm>>) target(%arg7 : memref<128xi32, #tpu.memory_space<vmem>>) target_semaphore(%arg14 : memref<!tpu.dma_semaphore, #tpu.memory_space<semaphore_mem>>)
    %dma_start3A_12 = arith.constant 0 : i32
    %dma_start3A_13 = tpu.memref_slice %arg2[%mul3A_10, %dma_start3A_12] : memref<802816x64xf32, #tpu.memory_space<hbm>> -> memref<128x64xf32, #tpu.memory_space<hbm>>
    %dma_start3A_14 = arith.constant 0 : i32
    %dma_start3A_15 = tpu.memref_slice %arg2[%mul3A_10, %dma_start3A_14] : memref<802816x64xf32, #tpu.memory_space<hbm>> -> memref<128x64xf32, #tpu.memory_space<hbm>>
    tpu.enqueue_dma source(%dma_start3A_15 : memref<128x64xf32, #tpu.memory_space<hbm>>) target(%arg11 : memref<128x64xf32, #tpu.memory_space<vmem>>) target_semaphore(%arg14 : memref<!tpu.dma_semaphore, #tpu.memory_space<semaphore_mem>>)
    %add3A = arith.constant 128 : i32
    %add3A_16 = arith.addi %mul3A_10, %add3A : i32
    %dma_start3A_17 = tpu.memref_slice %arg3[%add3A_16] : memref<802816xi32, #tpu.memory_space<hbm>> -> memref<128xi32, #tpu.memory_space<hbm>>
    %dma_start3A_18 = tpu.memref_slice %arg3[%add3A_16] : memref<802816xi32, #tpu.memory_space<hbm>> -> memref<128xi32, #tpu.memory_space<hbm>>
    tpu.enqueue_dma source(%dma_start3A_18 : memref<128xi32, #tpu.memory_space<hbm>>) target(%arg8 : memref<128xi32, #tpu.memory_space<vmem>>) target_semaphore(%arg15 : memref<!tpu.dma_semaphore, #tpu.memory_space<semaphore_mem>>)
    %dma_start3A_19 = arith.constant 0 : i32
    %dma_start3A_20 = tpu.memref_slice %arg2[%add3A_16, %dma_start3A_19] : memref<802816x64xf32, #tpu.memory_space<hbm>> -> memref<128x64xf32, #tpu.memory_space<hbm>>
    %dma_start3A_21 = arith.constant 0 : i32
    %dma_start3A_22 = tpu.memref_slice %arg2[%add3A_16, %dma_start3A_21] : memref<802816x64xf32, #tpu.memory_space<hbm>> -> memref<128x64xf32, #tpu.memory_space<hbm>>
    tpu.enqueue_dma source(%dma_start3A_22 : memref<128x64xf32, #tpu.memory_space<hbm>>) target(%arg12 : memref<128x64xf32, #tpu.memory_space<vmem>>) target_semaphore(%arg15 : memref<!tpu.dma_semaphore, #tpu.memory_space<semaphore_mem>>)
    %scan3A = arith.constant 0 : i32
    %scan3A_23 = arith.constant 0 : i32
    %scan3A_24 = arith.constant 196 : i32
    %scan3A_25 = arith.addi %scan3A_23, %scan3A_24 : i32
    %scan3A_26 = arith.constant 1 : i32
    scf.for %scan3A_39 = %scan3A_23 to %scan3A_25 step %scan3A_26  : i32 {
      %mul3A_40 = arith.constant 2 : i32
      %mul3A_41 = arith.muli %mul3A_40, %scan3A_39 : i32
      %add3A_42 = arith.constant 0 : i32
      %add3A_43 = arith.addi %mul3A_41, %add3A_42 : i32
      %mul3A_44 = arith.constant 128 : i32
      %mul3A_45 = arith.muli %add3A_43, %mul3A_44 : i32
      %add3A_46 = arith.addi %mul3A_10, %mul3A_45 : i32
      %dma_wait3A = arith.constant 0 : i32
      %dma_wait3A_47 = tpu.memref_slice %arg3[%dma_wait3A] : memref<802816xi32, #tpu.memory_space<hbm>> -> memref<128xi32, #tpu.memory_space<hbm>>
      %dma_wait3A_48 = arith.constant 0 : i32
      %dma_wait3A_49 = tpu.memref_slice %arg3[%dma_wait3A_48] : memref<802816xi32, #tpu.memory_space<hbm>> -> memref<128xi32, #tpu.memory_space<hbm>>
      tpu.wait_dma2 semaphore(%arg14 : memref<!tpu.dma_semaphore, #tpu.memory_space<semaphore_mem>>) src(%dma_wait3A_49 : memref<128xi32, #tpu.memory_space<hbm>>) dst(%arg7 : memref<128xi32, #tpu.memory_space<vmem>>)
      %dma_wait3A_50 = arith.constant 0 : i32
      %dma_wait3A_51 = arith.constant 0 : i32
      %dma_wait3A_52 = tpu.memref_slice %arg2[%dma_wait3A_50, %dma_wait3A_51] : memref<802816x64xf32, #tpu.memory_space<hbm>> -> memref<128x64xf32, #tpu.memory_space<hbm>>
      %dma_wait3A_53 = arith.constant 0 : i32
      %dma_wait3A_54 = arith.constant 0 : i32
      %dma_wait3A_55 = tpu.memref_slice %arg2[%dma_wait3A_53, %dma_wait3A_54] : memref<802816x64xf32, #tpu.memory_space<hbm>> -> memref<128x64xf32, #tpu.memory_space<hbm>>
      tpu.wait_dma2 semaphore(%arg14 : memref<!tpu.dma_semaphore, #tpu.memory_space<semaphore_mem>>) src(%dma_wait3A_55 : memref<128x64xf32, #tpu.memory_space<hbm>>) dst(%arg11 : memref<128x64xf32, #tpu.memory_space<vmem>>)
      %scan3A_56 = arith.constant 0 : i32
      %scan3A_57 = arith.constant 0 : i32
      %scan3A_58 = arith.constant 8 : i32
      %scan3A_59 = arith.addi %scan3A_57, %scan3A_58 : i32
      %scan3A_60 = arith.constant 1 : i32
      scf.for %scan3A_95 = %scan3A_57 to %scan3A_59 step %scan3A_60  : i32 {
        %mul3A_96 = arith.constant 16 : i32
        %mul3A_97 = arith.muli %scan3A_95, %mul3A_96 : i32
        %get3A = arith.index_cast %mul3A_97 : i32 to index
        %get3A_98 = tpu.vector_load %arg7[%get3A] {strides = array<i32>} : memref<128xi32, #tpu.memory_space<vmem>>, vector<16xi32>,
        %get3A_99 = vector.shape_cast %get3A_98 : vector<16xi32> to vector<16xi32>
        %sub3A = vector.broadcast %mul3A_0 : i32 to vector<16xi32>
        %sub3A_100 = arith.subi %get3A_99, %sub3A : vector<16xi32>
        %ge3A = arith.constant 0 : i32
        %ge3A_101 = vector.broadcast %ge3A : i32 to vector<16xi32>
        %ge3A_102 = arith.cmpi sge, %sub3A_100, %ge3A_101 : vector<16xi32>
        %lt3A_103 = arith.constant 25000 : i32
        %lt3A_104 = vector.broadcast %lt3A_103 : i32 to vector<16xi32>
        %lt3A_105 = arith.cmpi slt, %sub3A_100, %lt3A_104 : vector<16xi32>
        %and3A = arith.andi %ge3A_102, %lt3A_105 : vector<16xi1>
        %jit3A = arith.constant 25000 : i32
        %broadcast_in_dim3A = vector.broadcast %jit3A : i32 to vector<16xi32>
        %select_n3A = arith.select %and3A, %sub3A_100, %broadcast_in_dim3A : vector<16xi1>, vector<16xi32>
        %mul3A_106 = arith.constant 16 : i32
        %mul3A_107 = arith.muli %scan3A_95, %mul3A_106 : i32
        %swap3A = arith.index_cast %mul3A_107 : i32 to index
        %swap3A_108 = tpu.vector_load %arg9[%swap3A] {strides = array<i32>} : memref<128xi32, #tpu.memory_space<vmem>>, vector<16xi32>,
        %swap3A_109 = vector.shape_cast %swap3A_108 : vector<16xi32> to vector<16xi32>
        %swap3A_110 = vector.shape_cast %select_n3A : vector<16xi32> to vector<16xi32>
        tpu.vector_store %arg9[%swap3A], %swap3A_110 {strides = array<i32>} : memref<128xi32, #tpu.memory_space<vmem>>, vector<16xi32>,
      }
      %scan3A_61 = arith.constant 8 : i32
      "tpu.region"() ({
        %run_scoped3A = tpu.sem_alloc : memref<!tpu.dma_semaphore, #tpu.memory_space<semaphore_mem>>
        %dma_start3A_95 = arith.constant 0 : i32
        %dma_start3A_96 = arith.constant 0 : i32
        %dma_start3A_97 = tpu.memref_slice %arg13[%dma_start3A_95, %dma_start3A_96] : memref<25008x64xf32, #tpu.memory_space<vmem_shared>> -> memref<25008x64xf32, #tpu.memory_space<vmem_shared>>
        tpu.enqueue_indirect_dma source(%arg11 : memref<128x64xf32, #tpu.memory_space<vmem>>) target(%dma_start3A_97 : memref<25008x64xf32, #tpu.memory_space<vmem_shared>>) offsets(%arg9 : memref<128xi32, #tpu.memory_space<vmem>>) semaphore(%run_scoped3A : memref<!tpu.dma_semaphore, #tpu.memory_space<semaphore_mem>>) {add = true}
        %dma_wait3A_98 = arith.constant 0 : i32
        %dma_wait3A_99 = arith.constant 0 : i32
        %dma_wait3A_100 = tpu.memref_slice %arg13[%dma_wait3A_98, %dma_wait3A_99] : memref<25008x64xf32, #tpu.memory_space<vmem_shared>> -> memref<25008x64xf32, #tpu.memory_space<vmem_shared>>
        tpu.wait_indirect_dma semaphore(%run_scoped3A : memref<!tpu.dma_semaphore, #tpu.memory_space<semaphore_mem>>) src(%arg11 : memref<128x64xf32, #tpu.memory_space<vmem>>) dst(%dma_wait3A_100 : memref<25008x64xf32, #tpu.memory_space<vmem_shared>>)
        tpu.yield
      }) : () -> ()
      %lt3A_62 = arith.constant 195 : i32
      %lt3A_63 = arith.cmpi slt, %scan3A_39, %lt3A_62 : i32
      %convert_element_type3A_64 = arith.extui %lt3A_63 : i1 to i32
      %cond3A_65 = arith.constant 0 : i32
      %cond3A_66 = arith.cmpi ne, %convert_element_type3A_64, %cond3A_65 : i32
      scf.if %cond3A_66 {
        %add3A_95 = arith.constant 256 : i32
        %add3A_96 = arith.addi %add3A_46, %add3A_95 : i32
        %dma_start3A_97 = tpu.memref_slice %arg3[%add3A_96] : memref<802816xi32, #tpu.memory_space<hbm>> -> memref<128xi32, #tpu.memory_space<hbm>>
        %dma_start3A_98 = tpu.memref_slice %arg3[%add3A_96] : memref<802816xi32, #tpu.memory_space<hbm>> -> memref<128xi32, #tpu.memory_space<hbm>>
        tpu.enqueue_dma source(%dma_start3A_98 : memref<128xi32, #tpu.memory_space<hbm>>) target(%arg7 : memref<128xi32, #tpu.memory_space<vmem>>) target_semaphore(%arg14 : memref<!tpu.dma_semaphore, #tpu.memory_space<semaphore_mem>>)
        %dma_start3A_99 = arith.constant 0 : i32
        %dma_start3A_100 = tpu.memref_slice %arg2[%add3A_96, %dma_start3A_99] : memref<802816x64xf32, #tpu.memory_space<hbm>> -> memref<128x64xf32, #tpu.memory_space<hbm>>
        %dma_start3A_101 = arith.constant 0 : i32
        %dma_start3A_102 = tpu.memref_slice %arg2[%add3A_96, %dma_start3A_101] : memref<802816x64xf32, #tpu.memory_space<hbm>> -> memref<128x64xf32, #tpu.memory_space<hbm>>
        tpu.enqueue_dma source(%dma_start3A_102 : memref<128x64xf32, #tpu.memory_space<hbm>>) target(%arg11 : memref<128x64xf32, #tpu.memory_space<vmem>>) target_semaphore(%arg14 : memref<!tpu.dma_semaphore, #tpu.memory_space<semaphore_mem>>)
      } else {
      }
      %mul3A_67 = arith.constant 2 : i32
      %mul3A_68 = arith.muli %mul3A_67, %scan3A_39 : i32
      %add3A_69 = arith.constant 1 : i32
      %add3A_70 = arith.addi %mul3A_68, %add3A_69 : i32
      %mul3A_71 = arith.constant 128 : i32
      %mul3A_72 = arith.muli %add3A_70, %mul3A_71 : i32
      %add3A_73 = arith.addi %mul3A_10, %mul3A_72 : i32
      %dma_wait3A_74 = arith.constant 0 : i32
      %dma_wait3A_75 = tpu.memref_slice %arg3[%dma_wait3A_74] : memref<802816xi32, #tpu.memory_space<hbm>> -> memref<128xi32, #tpu.memory_space<hbm>>
      %dma_wait3A_76 = arith.constant 0 : i32
      %dma_wait3A_77 = tpu.memref_slice %arg3[%dma_wait3A_76] : memref<802816xi32, #tpu.memory_space<hbm>> -> memref<128xi32, #tpu.memory_space<hbm>>
      tpu.wait_dma2 semaphore(%arg15 : memref<!tpu.dma_semaphore, #tpu.memory_space<semaphore_mem>>) src(%dma_wait3A_77 : memref<128xi32, #tpu.memory_space<hbm>>) dst(%arg8 : memref<128xi32, #tpu.memory_space<vmem>>)
      %dma_wait3A_78 = arith.constant 0 : i32
      %dma_wait3A_79 = arith.constant 0 : i32
      %dma_wait3A_80 = tpu.memref_slice %arg2[%dma_wait3A_78, %dma_wait3A_79] : memref<802816x64xf32, #tpu.memory_space<hbm>> -> memref<128x64xf32, #tpu.memory_space<hbm>>
      %dma_wait3A_81 = arith.constant 0 : i32
      %dma_wait3A_82 = arith.constant 0 : i32
      %dma_wait3A_83 = tpu.memref_slice %arg2[%dma_wait3A_81, %dma_wait3A_82] : memref<802816x64xf32, #tpu.memory_space<hbm>> -> memref<128x64xf32, #tpu.memory_space<hbm>>
      tpu.wait_dma2 semaphore(%arg15 : memref<!tpu.dma_semaphore, #tpu.memory_space<semaphore_mem>>) src(%dma_wait3A_83 : memref<128x64xf32, #tpu.memory_space<hbm>>) dst(%arg12 : memref<128x64xf32, #tpu.memory_space<vmem>>)
      %scan3A_84 = arith.constant 0 : i32
      %scan3A_85 = arith.constant 0 : i32
      %scan3A_86 = arith.constant 8 : i32
      %scan3A_87 = arith.addi %scan3A_85, %scan3A_86 : i32
      %scan3A_88 = arith.constant 1 : i32
      scf.for %scan3A_95 = %scan3A_85 to %scan3A_87 step %scan3A_88  : i32 {
        %mul3A_96 = arith.constant 16 : i32
        %mul3A_97 = arith.muli %scan3A_95, %mul3A_96 : i32
        %get3A = arith.index_cast %mul3A_97 : i32 to index
        %get3A_98 = tpu.vector_load %arg8[%get3A] {strides = array<i32>} : memref<128xi32, #tpu.memory_space<vmem>>, vector<16xi32>,
        %get3A_99 = vector.shape_cast %get3A_98 : vector<16xi32> to vector<16xi32>
        %sub3A = vector.broadcast %mul3A_0 : i32 to vector<16xi32>
        %sub3A_100 = arith.subi %get3A_99, %sub3A : vector<16xi32>
        %ge3A = arith.constant 0 : i32
        %ge3A_101 = vector.broadcast %ge3A : i32 to vector<16xi32>
        %ge3A_102 = arith.cmpi sge, %sub3A_100, %ge3A_101 : vector<16xi32>
        %lt3A_103 = arith.constant 25000 : i32
        %lt3A_104 = vector.broadcast %lt3A_103 : i32 to vector<16xi32>
        %lt3A_105 = arith.cmpi slt, %sub3A_100, %lt3A_104 : vector<16xi32>
        %and3A = arith.andi %ge3A_102, %lt3A_105 : vector<16xi1>
        %jit3A = arith.constant 25000 : i32
        %broadcast_in_dim3A = vector.broadcast %jit3A : i32 to vector<16xi32>
        %select_n3A = arith.select %and3A, %sub3A_100, %broadcast_in_dim3A : vector<16xi1>, vector<16xi32>
        %mul3A_106 = arith.constant 16 : i32
        %mul3A_107 = arith.muli %scan3A_95, %mul3A_106 : i32
        %swap3A = arith.index_cast %mul3A_107 : i32 to index
        %swap3A_108 = tpu.vector_load %arg10[%swap3A] {strides = array<i32>} : memref<128xi32, #tpu.memory_space<vmem>>, vector<16xi32>,
        %swap3A_109 = vector.shape_cast %swap3A_108 : vector<16xi32> to vector<16xi32>
        %swap3A_110 = vector.shape_cast %select_n3A : vector<16xi32> to vector<16xi32>
        tpu.vector_store %arg10[%swap3A], %swap3A_110 {strides = array<i32>} : memref<128xi32, #tpu.memory_space<vmem>>, vector<16xi32>,
      }
      %scan3A_89 = arith.constant 8 : i32
      "tpu.region"() ({
        %run_scoped3A = tpu.sem_alloc : memref<!tpu.dma_semaphore, #tpu.memory_space<semaphore_mem>>
        %dma_start3A_95 = arith.constant 0 : i32
        %dma_start3A_96 = arith.constant 0 : i32
        %dma_start3A_97 = tpu.memref_slice %arg13[%dma_start3A_95, %dma_start3A_96] : memref<25008x64xf32, #tpu.memory_space<vmem_shared>> -> memref<25008x64xf32, #tpu.memory_space<vmem_shared>>
        tpu.enqueue_indirect_dma source(%arg12 : memref<128x64xf32, #tpu.memory_space<vmem>>) target(%dma_start3A_97 : memref<25008x64xf32, #tpu.memory_space<vmem_shared>>) offsets(%arg10 : memref<128xi32, #tpu.memory_space<vmem>>) semaphore(%run_scoped3A : memref<!tpu.dma_semaphore, #tpu.memory_space<semaphore_mem>>) {add = true}
        %dma_wait3A_98 = arith.constant 0 : i32
        %dma_wait3A_99 = arith.constant 0 : i32
        %dma_wait3A_100 = tpu.memref_slice %arg13[%dma_wait3A_98, %dma_wait3A_99] : memref<25008x64xf32, #tpu.memory_space<vmem_shared>> -> memref<25008x64xf32, #tpu.memory_space<vmem_shared>>
        tpu.wait_indirect_dma semaphore(%run_scoped3A : memref<!tpu.dma_semaphore, #tpu.memory_space<semaphore_mem>>) src(%arg12 : memref<128x64xf32, #tpu.memory_space<vmem>>) dst(%dma_wait3A_100 : memref<25008x64xf32, #tpu.memory_space<vmem_shared>>)
        tpu.yield
      }) : () -> ()
      %lt3A_90 = arith.constant 195 : i32
      %lt3A_91 = arith.cmpi slt, %scan3A_39, %lt3A_90 : i32
      %convert_element_type3A_92 = arith.extui %lt3A_91 : i1 to i32
      %cond3A_93 = arith.constant 0 : i32
      %cond3A_94 = arith.cmpi ne, %convert_element_type3A_92, %cond3A_93 : i32
      scf.if %cond3A_94 {
        %add3A_95 = arith.constant 256 : i32
        %add3A_96 = arith.addi %add3A_73, %add3A_95 : i32
        %dma_start3A_97 = tpu.memref_slice %arg3[%add3A_96] : memref<802816xi32, #tpu.memory_space<hbm>> -> memref<128xi32, #tpu.memory_space<hbm>>
        %dma_start3A_98 = tpu.memref_slice %arg3[%add3A_96] : memref<802816xi32, #tpu.memory_space<hbm>> -> memref<128xi32, #tpu.memory_space<hbm>>
        tpu.enqueue_dma source(%dma_start3A_98 : memref<128xi32, #tpu.memory_space<hbm>>) target(%arg8 : memref<128xi32, #tpu.memory_space<vmem>>) target_semaphore(%arg15 : memref<!tpu.dma_semaphore, #tpu.memory_space<semaphore_mem>>)
        %dma_start3A_99 = arith.constant 0 : i32
        %dma_start3A_100 = tpu.memref_slice %arg2[%add3A_96, %dma_start3A_99] : memref<802816x64xf32, #tpu.memory_space<hbm>> -> memref<128x64xf32, #tpu.memory_space<hbm>>
        %dma_start3A_101 = arith.constant 0 : i32
        %dma_start3A_102 = tpu.memref_slice %arg2[%add3A_96, %dma_start3A_101] : memref<802816x64xf32, #tpu.memory_space<hbm>> -> memref<128x64xf32, #tpu.memory_space<hbm>>
        tpu.enqueue_dma source(%dma_start3A_102 : memref<128x64xf32, #tpu.memory_space<hbm>>) target(%arg12 : memref<128x64xf32, #tpu.memory_space<vmem>>) target_semaphore(%arg15 : memref<!tpu.dma_semaphore, #tpu.memory_space<semaphore_mem>>)
      } else {
      }
    }
    %scan3A_27 = arith.constant 196 : i32
    %barrier3A_28 = arith.constant 0 : index
    tpu.barrier barrier_id(%barrier3A_28)
    %lt3A_29 = arith.constant 15 : i32
    %lt3A_30 = arith.cmpi slt, %arg1, %lt3A_29 : i32
    %convert_element_type3A_31 = arith.extui %lt3A_30 : i1 to i32
    %cond3A_32 = arith.constant 0 : i32
    %cond3A_33 = arith.cmpi ne, %convert_element_type3A_31, %cond3A_32 : i32
    scf.if %cond3A_33 {
      %add3A_39 = arith.addi %mul3A_0, %mul3A_2 : i32
      "tpu.region"() ({
        %run_scoped3A = tpu.sem_alloc : memref<!tpu.dma_semaphore, #tpu.memory_space<semaphore_mem>>
        %dma_start3A_40 = arith.constant 0 : i32
        %dma_start3A_41 = tpu.memref_slice %arg6[%add3A_39, %dma_start3A_40] : memref<50000x64xf32, #tpu.memory_space<hbm>> -> memref<1568x64xf32, #tpu.memory_space<hbm>>
        %dma_start3A_42 = arith.constant 0 : i32
        %dma_start3A_43 = tpu.memref_slice %arg13[%mul3A_2, %dma_start3A_42] : memref<25008x64xf32, #tpu.memory_space<vmem_shared>> -> memref<1568x64xf32, #tpu.memory_space<vmem_shared>>
        tpu.enqueue_dma source(%dma_start3A_43 : memref<1568x64xf32, #tpu.memory_space<vmem_shared>>) target(%dma_start3A_41 : memref<1568x64xf32, #tpu.memory_space<hbm>>) target_semaphore(%run_scoped3A : memref<!tpu.dma_semaphore, #tpu.memory_space<semaphore_mem>>)
        %dma_wait3A = arith.constant 0 : i32
        %dma_wait3A_44 = tpu.memref_slice %arg6[%add3A_39, %dma_wait3A] : memref<50000x64xf32, #tpu.memory_space<hbm>> -> memref<1568x64xf32, #tpu.memory_space<hbm>>
        %dma_wait3A_45 = arith.constant 0 : i32
        %dma_wait3A_46 = tpu.memref_slice %arg13[%mul3A_2, %dma_wait3A_45] : memref<25008x64xf32, #tpu.memory_space<vmem_shared>> -> memref<1568x64xf32, #tpu.memory_space<vmem_shared>>
        tpu.wait_dma2 semaphore(%run_scoped3A : memref<!tpu.dma_semaphore, #tpu.memory_space<semaphore_mem>>) src(%dma_wait3A_46 : memref<1568x64xf32, #tpu.memory_space<vmem_shared>>) dst(%dma_wait3A_44 : memref<1568x64xf32, #tpu.memory_space<hbm>>)
        tpu.yield
      }) : () -> ()
    } else {
    }
    %eq3A_34 = arith.constant 15 : i32
    %eq3A_35 = arith.cmpi eq, %arg1, %eq3A_34 : i32
    %convert_element_type3A_36 = arith.extui %eq3A_35 : i1 to i32
    %cond3A_37 = arith.constant 0 : i32
    %cond3A_38 = arith.cmpi ne, %convert_element_type3A_36, %cond3A_37 : i32
    scf.if %cond3A_38 {
      %add3A_39 = arith.addi %mul3A_0, %mul3A_2 : i32
      "tpu.region"() ({
        %run_scoped3A = tpu.sem_alloc : memref<!tpu.dma_semaphore, #tpu.memory_space<semaphore_mem>>
        %dma_start3A_40 = arith.constant 0 : i32
        %dma_start3A_41 = tpu.memref_slice %arg6[%add3A_39, %dma_start3A_40] : memref<50000x64xf32, #tpu.memory_space<hbm>> -> memref<1480x64xf32, #tpu.memory_space<hbm>>
        %dma_start3A_42 = arith.constant 0 : i32
        %dma_start3A_43 = tpu.memref_slice %arg13[%mul3A_2, %dma_start3A_42] : memref<25008x64xf32, #tpu.memory_space<vmem_shared>> -> memref<1480x64xf32, #tpu.memory_space<vmem_shared>>
        tpu.enqueue_dma source(%dma_start3A_43 : memref<1480x64xf32, #tpu.memory_space<vmem_shared>>) target(%dma_start3A_41 : memref<1480x64xf32, #tpu.memory_space<hbm>>) target_semaphore(%run_scoped3A : memref<!tpu.dma_semaphore, #tpu.memory_space<semaphore_mem>>)
        %dma_wait3A = arith.constant 0 : i32
        %dma_wait3A_44 = tpu.memref_slice %arg6[%add3A_39, %dma_wait3A] : memref<50000x64xf32, #tpu.memory_space<hbm>> -> memref<1480x64xf32, #tpu.memory_space<hbm>>
        %dma_wait3A_45 = arith.constant 0 : i32
        %dma_wait3A_46 = tpu.memref_slice %arg13[%mul3A_2, %dma_wait3A_45] : memref<25008x64xf32, #tpu.memory_space<vmem_shared>> -> memref<1480x64xf32, #tpu.memory_space<vmem_shared>>
        tpu.wait_dma2 semaphore(%run_scoped3A : memref<!tpu.dma_semaphore, #tpu.memory_space<semaphore_mem>>) src(%dma_wait3A_46 : memref<1480x64xf32, #tpu.memory_space<vmem_shared>>) dst(%dma_wait3A_44 : memref<1480x64xf32, #tpu.memory_space<hbm>>)
        tpu.yield
      }) : () -> ()
    } else {
    }
    return
  }
}

#map = affine_map<(d0, d1) -> (0, 0)>
#map1 = affine_map<(d0, d1) -> (0)>
module attributes {stable_mosaic.version = 14 : i64} {
  func.func @k(%arg0: i32, %arg1: i32, %arg2: memref<50000x64xf32, #tpu.memory_space<hbm>>, %arg3: memref<50000x16xf32, #tpu.memory_space<hbm>>, %arg4: memref<802816xi32, #tpu.memory_space<hbm>>, %arg5: memref<802816xi32, #tpu.memory_space<hbm>>, %arg6: memref<802816x64xf32, #tpu.memory_space<hbm>>, %arg7: memref<802816x64xf32, #tpu.memory_space<hbm>>, %arg8: memref<802816x16xf32, #tpu.memory_space<hbm>>, %arg9: memref<802816x16xf32, #tpu.memory_space<hbm>>, %arg10: memref<25088xi32, #tpu.memory_space<vmem>>, %arg11: memref<25088xi32, #tpu.memory_space<vmem>>, %arg12: memref<128x64xf32, #tpu.memory_space<vmem>>, %arg13: memref<128x64xf32, #tpu.memory_space<vmem>>, %arg14: memref<128x64xf32, #tpu.memory_space<vmem>>, %arg15: memref<128x64xf32, #tpu.memory_space<vmem>>, %arg16: memref<128x16xf32, #tpu.memory_space<vmem>>, %arg17: memref<128x16xf32, #tpu.memory_space<vmem>>, %arg18: memref<128x16xf32, #tpu.memory_space<vmem>>, %arg19: memref<128x16xf32, #tpu.memory_space<vmem>>, %arg20: memref<!tpu.dma_semaphore, #tpu.memory_space<semaphore_mem>>, %arg21: memref<!tpu.dma_semaphore, #tpu.memory_space<semaphore_mem>>, %arg22: memref<!tpu.dma_semaphore, #tpu.memory_space<semaphore_mem>>, %arg23: memref<!tpu.dma_semaphore, #tpu.memory_space<semaphore_mem>>) attributes {dimension_semantics = [#tpu.dimension_semantics<core_parallel>, #tpu.dimension_semantics<subcore_parallel>], iteration_bounds = array<i64: 2, 16>, scalar_prefetch = 0 : i64, scratch_operands = 14 : i64, tpu.core_type = #tpu.core_type<sc_vector_subcore>, window_params = [{transform_indices = #map}, {transform_indices = #map}, {transform_indices = #map1}, {transform_indices = #map1}, {transform_indices = #map}, {transform_indices = #map}, {transform_indices = #map}, {transform_indices = #map}]} {
    %mul3A = arith.constant 2 : i32
    %mul3A_0 = arith.muli %arg1, %mul3A : i32
    %add3A = arith.addi %mul3A_0, %arg0 : i32
    %mul3A_1 = arith.constant 25088 : i32
    %mul3A_2 = arith.muli %add3A, %mul3A_1 : i32
    "tpu.region"() ({
      %run_scoped3A = tpu.sem_alloc : memref<!tpu.dma_semaphore, #tpu.memory_space<semaphore_mem>>
      %dma_start3A_47 = tpu.memref_slice %arg4[%mul3A_2] : memref<802816xi32, #tpu.memory_space<hbm>> -> memref<25088xi32, #tpu.memory_space<hbm>>
      %dma_start3A_48 = tpu.memref_slice %arg4[%mul3A_2] : memref<802816xi32, #tpu.memory_space<hbm>> -> memref<25088xi32, #tpu.memory_space<hbm>>
      tpu.enqueue_dma source(%dma_start3A_48 : memref<25088xi32, #tpu.memory_space<hbm>>) target(%arg10 : memref<25088xi32, #tpu.memory_space<vmem>>) target_semaphore(%run_scoped3A : memref<!tpu.dma_semaphore, #tpu.memory_space<semaphore_mem>>)
      %dma_wait3A = tpu.memref_slice %arg4[%mul3A_2] : memref<802816xi32, #tpu.memory_space<hbm>> -> memref<25088xi32, #tpu.memory_space<hbm>>
      %dma_wait3A_49 = tpu.memref_slice %arg4[%mul3A_2] : memref<802816xi32, #tpu.memory_space<hbm>> -> memref<25088xi32, #tpu.memory_space<hbm>>
      tpu.wait_dma2 semaphore(%run_scoped3A : memref<!tpu.dma_semaphore, #tpu.memory_space<semaphore_mem>>) src(%dma_wait3A_49 : memref<25088xi32, #tpu.memory_space<hbm>>) dst(%arg10 : memref<25088xi32, #tpu.memory_space<vmem>>)
      tpu.yield
    }) : () -> ()
    "tpu.region"() ({
      %run_scoped3A = tpu.sem_alloc : memref<!tpu.dma_semaphore, #tpu.memory_space<semaphore_mem>>
      %dma_start3A_47 = tpu.memref_slice %arg5[%mul3A_2] : memref<802816xi32, #tpu.memory_space<hbm>> -> memref<25088xi32, #tpu.memory_space<hbm>>
      %dma_start3A_48 = tpu.memref_slice %arg5[%mul3A_2] : memref<802816xi32, #tpu.memory_space<hbm>> -> memref<25088xi32, #tpu.memory_space<hbm>>
      tpu.enqueue_dma source(%dma_start3A_48 : memref<25088xi32, #tpu.memory_space<hbm>>) target(%arg11 : memref<25088xi32, #tpu.memory_space<vmem>>) target_semaphore(%run_scoped3A : memref<!tpu.dma_semaphore, #tpu.memory_space<semaphore_mem>>)
      %dma_wait3A = tpu.memref_slice %arg5[%mul3A_2] : memref<802816xi32, #tpu.memory_space<hbm>> -> memref<25088xi32, #tpu.memory_space<hbm>>
      %dma_wait3A_49 = tpu.memref_slice %arg5[%mul3A_2] : memref<802816xi32, #tpu.memory_space<hbm>> -> memref<25088xi32, #tpu.memory_space<hbm>>
      tpu.wait_dma2 semaphore(%run_scoped3A : memref<!tpu.dma_semaphore, #tpu.memory_space<semaphore_mem>>) src(%dma_wait3A_49 : memref<25088xi32, #tpu.memory_space<hbm>>) dst(%arg11 : memref<25088xi32, #tpu.memory_space<vmem>>)
      tpu.yield
    }) : () -> ()
    %dma_start3A = arith.constant 0 : i32
    %dma_start3A_3 = tpu.memref_slice %arg10[%dma_start3A] : memref<25088xi32, #tpu.memory_space<vmem>> -> memref<128xi32, #tpu.memory_space<vmem>>
    %dma_start3A_4 = arith.constant 0 : i32
    %dma_start3A_5 = arith.constant 0 : i32
    %dma_start3A_6 = tpu.memref_slice %arg2[%dma_start3A_4, %dma_start3A_5] : memref<50000x64xf32, #tpu.memory_space<hbm>> -> memref<50000x64xf32, #tpu.memory_space<hbm>>
    tpu.enqueue_indirect_dma source(%dma_start3A_6 : memref<50000x64xf32, #tpu.memory_space<hbm>>) target(%arg12 : memref<128x64xf32, #tpu.memory_space<vmem>>) offsets(%dma_start3A_3 : memref<128xi32, #tpu.memory_space<vmem>>) semaphore(%arg20 : memref<!tpu.dma_semaphore, #tpu.memory_space<semaphore_mem>>)
    %dma_start3A_7 = arith.constant 0 : i32
    %dma_start3A_8 = tpu.memref_slice %arg11[%dma_start3A_7] : memref<25088xi32, #tpu.memory_space<vmem>> -> memref<128xi32, #tpu.memory_space<vmem>>
    %dma_start3A_9 = arith.constant 0 : i32
    %dma_start3A_10 = arith.constant 0 : i32
    %dma_start3A_11 = tpu.memref_slice %arg2[%dma_start3A_9, %dma_start3A_10] : memref<50000x64xf32, #tpu.memory_space<hbm>> -> memref<50000x64xf32, #tpu.memory_space<hbm>>
    tpu.enqueue_indirect_dma source(%dma_start3A_11 : memref<50000x64xf32, #tpu.memory_space<hbm>>) target(%arg14 : memref<128x64xf32, #tpu.memory_space<vmem>>) offsets(%dma_start3A_8 : memref<128xi32, #tpu.memory_space<vmem>>) semaphore(%arg20 : memref<!tpu.dma_semaphore, #tpu.memory_space<semaphore_mem>>)
    %dma_start3A_12 = arith.constant 0 : i32
    %dma_start3A_13 = tpu.memref_slice %arg10[%dma_start3A_12] : memref<25088xi32, #tpu.memory_space<vmem>> -> memref<128xi32, #tpu.memory_space<vmem>>
    %dma_start3A_14 = arith.constant 0 : i32
    %dma_start3A_15 = arith.constant 0 : i32
    %dma_start3A_16 = tpu.memref_slice %arg3[%dma_start3A_14, %dma_start3A_15] : memref<50000x16xf32, #tpu.memory_space<hbm>> -> memref<50000x16xf32, #tpu.memory_space<hbm>>
    tpu.enqueue_indirect_dma source(%dma_start3A_16 : memref<50000x16xf32, #tpu.memory_space<hbm>>) target(%arg16 : memref<128x16xf32, #tpu.memory_space<vmem>>) offsets(%dma_start3A_13 : memref<128xi32, #tpu.memory_space<vmem>>) semaphore(%arg20 : memref<!tpu.dma_semaphore, #tpu.memory_space<semaphore_mem>>)
    %dma_start3A_17 = arith.constant 0 : i32
    %dma_start3A_18 = tpu.memref_slice %arg11[%dma_start3A_17] : memref<25088xi32, #tpu.memory_space<vmem>> -> memref<128xi32, #tpu.memory_space<vmem>>
    %dma_start3A_19 = arith.constant 0 : i32
    %dma_start3A_20 = arith.constant 0 : i32
    %dma_start3A_21 = tpu.memref_slice %arg3[%dma_start3A_19, %dma_start3A_20] : memref<50000x16xf32, #tpu.memory_space<hbm>> -> memref<50000x16xf32, #tpu.memory_space<hbm>>
    tpu.enqueue_indirect_dma source(%dma_start3A_21 : memref<50000x16xf32, #tpu.memory_space<hbm>>) target(%arg18 : memref<128x16xf32, #tpu.memory_space<vmem>>) offsets(%dma_start3A_18 : memref<128xi32, #tpu.memory_space<vmem>>) semaphore(%arg20 : memref<!tpu.dma_semaphore, #tpu.memory_space<semaphore_mem>>)
    %dma_start3A_22 = arith.constant 128 : i32
    %dma_start3A_23 = tpu.memref_slice %arg10[%dma_start3A_22] : memref<25088xi32, #tpu.memory_space<vmem>> -> memref<128xi32, #tpu.memory_space<vmem>>
    %dma_start3A_24 = arith.constant 0 : i32
    %dma_start3A_25 = arith.constant 0 : i32
    %dma_start3A_26 = tpu.memref_slice %arg2[%dma_start3A_24, %dma_start3A_25] : memref<50000x64xf32, #tpu.memory_space<hbm>> -> memref<50000x64xf32, #tpu.memory_space<hbm>>
    tpu.enqueue_indirect_dma source(%dma_start3A_26 : memref<50000x64xf32, #tpu.memory_space<hbm>>) target(%arg13 : memref<128x64xf32, #tpu.memory_space<vmem>>) offsets(%dma_start3A_23 : memref<128xi32, #tpu.memory_space<vmem>>) semaphore(%arg21 : memref<!tpu.dma_semaphore, #tpu.memory_space<semaphore_mem>>)
    %dma_start3A_27 = arith.constant 128 : i32
    %dma_start3A_28 = tpu.memref_slice %arg11[%dma_start3A_27] : memref<25088xi32, #tpu.memory_space<vmem>> -> memref<128xi32, #tpu.memory_space<vmem>>
    %dma_start3A_29 = arith.constant 0 : i32
    %dma_start3A_30 = arith.constant 0 : i32
    %dma_start3A_31 = tpu.memref_slice %arg2[%dma_start3A_29, %dma_start3A_30] : memref<50000x64xf32, #tpu.memory_space<hbm>> -> memref<50000x64xf32, #tpu.memory_space<hbm>>
    tpu.enqueue_indirect_dma source(%dma_start3A_31 : memref<50000x64xf32, #tpu.memory_space<hbm>>) target(%arg15 : memref<128x64xf32, #tpu.memory_space<vmem>>) offsets(%dma_start3A_28 : memref<128xi32, #tpu.memory_space<vmem>>) semaphore(%arg21 : memref<!tpu.dma_semaphore, #tpu.memory_space<semaphore_mem>>)
    %dma_start3A_32 = arith.constant 128 : i32
    %dma_start3A_33 = tpu.memref_slice %arg10[%dma_start3A_32] : memref<25088xi32, #tpu.memory_space<vmem>> -> memref<128xi32, #tpu.memory_space<vmem>>
    %dma_start3A_34 = arith.constant 0 : i32
    %dma_start3A_35 = arith.constant 0 : i32
    %dma_start3A_36 = tpu.memref_slice %arg3[%dma_start3A_34, %dma_start3A_35] : memref<50000x16xf32, #tpu.memory_space<hbm>> -> memref<50000x16xf32, #tpu.memory_space<hbm>>
    tpu.enqueue_indirect_dma source(%dma_start3A_36 : memref<50000x16xf32, #tpu.memory_space<hbm>>) target(%arg17 : memref<128x16xf32, #tpu.memory_space<vmem>>) offsets(%dma_start3A_33 : memref<128xi32, #tpu.memory_space<vmem>>) semaphore(%arg21 : memref<!tpu.dma_semaphore, #tpu.memory_space<semaphore_mem>>)
    %dma_start3A_37 = arith.constant 128 : i32
    %dma_start3A_38 = tpu.memref_slice %arg11[%dma_start3A_37] : memref<25088xi32, #tpu.memory_space<vmem>> -> memref<128xi32, #tpu.memory_space<vmem>>
    %dma_start3A_39 = arith.constant 0 : i32
    %dma_start3A_40 = arith.constant 0 : i32
    %dma_start3A_41 = tpu.memref_slice %arg3[%dma_start3A_39, %dma_start3A_40] : memref<50000x16xf32, #tpu.memory_space<hbm>> -> memref<50000x16xf32, #tpu.memory_space<hbm>>
    tpu.enqueue_indirect_dma source(%dma_start3A_41 : memref<50000x16xf32, #tpu.memory_space<hbm>>) target(%arg19 : memref<128x16xf32, #tpu.memory_space<vmem>>) offsets(%dma_start3A_38 : memref<128xi32, #tpu.memory_space<vmem>>) semaphore(%arg21 : memref<!tpu.dma_semaphore, #tpu.memory_space<semaphore_mem>>)
    %scan3A = arith.constant 0 : i32
    %scan3A_42 = arith.constant 0 : i32
    %scan3A_43 = arith.constant 98 : i32
    %scan3A_44 = arith.addi %scan3A_42, %scan3A_43 : i32
    %scan3A_45 = arith.constant 1 : i32
    scf.for %scan3A_47 = %scan3A_42 to %scan3A_44 step %scan3A_45  : i32 {
      %mul3A_48 = arith.constant 2 : i32
      %mul3A_49 = arith.muli %mul3A_48, %scan3A_47 : i32
      %mul3A_50 = arith.constant 128 : i32
      %mul3A_51 = arith.muli %mul3A_49, %mul3A_50 : i32
      %dma_wait3A = arith.constant 0 : i32
      %dma_wait3A_52 = arith.constant 0 : i32
      %dma_wait3A_53 = tpu.memref_slice %arg2[%dma_wait3A, %dma_wait3A_52] : memref<50000x64xf32, #tpu.memory_space<hbm>> -> memref<128x64xf32, #tpu.memory_space<hbm>>
      %dma_wait3A_54 = arith.constant 0 : i32
      %dma_wait3A_55 = arith.constant 0 : i32
      %dma_wait3A_56 = tpu.memref_slice %arg2[%dma_wait3A_54, %dma_wait3A_55] : memref<50000x64xf32, #tpu.memory_space<hbm>> -> memref<128x64xf32, #tpu.memory_space<hbm>>
      tpu.wait_dma2 semaphore(%arg20 : memref<!tpu.dma_semaphore, #tpu.memory_space<semaphore_mem>>) src(%dma_wait3A_56 : memref<128x64xf32, #tpu.memory_space<hbm>>) dst(%arg12 : memref<128x64xf32, #tpu.memory_space<vmem>>)
      %dma_wait3A_57 = arith.constant 0 : i32
      %dma_wait3A_58 = arith.constant 0 : i32
      %dma_wait3A_59 = tpu.memref_slice %arg2[%dma_wait3A_57, %dma_wait3A_58] : memref<50000x64xf32, #tpu.memory_space<hbm>> -> memref<128x64xf32, #tpu.memory_space<hbm>>
      %dma_wait3A_60 = arith.constant 0 : i32
      %dma_wait3A_61 = arith.constant 0 : i32
      %dma_wait3A_62 = tpu.memref_slice %arg2[%dma_wait3A_60, %dma_wait3A_61] : memref<50000x64xf32, #tpu.memory_space<hbm>> -> memref<128x64xf32, #tpu.memory_space<hbm>>
      tpu.wait_dma2 semaphore(%arg20 : memref<!tpu.dma_semaphore, #tpu.memory_space<semaphore_mem>>) src(%dma_wait3A_62 : memref<128x64xf32, #tpu.memory_space<hbm>>) dst(%arg14 : memref<128x64xf32, #tpu.memory_space<vmem>>)
      %dma_wait3A_63 = arith.constant 0 : i32
      %dma_wait3A_64 = arith.constant 0 : i32
      %dma_wait3A_65 = tpu.memref_slice %arg3[%dma_wait3A_63, %dma_wait3A_64] : memref<50000x16xf32, #tpu.memory_space<hbm>> -> memref<128x16xf32, #tpu.memory_space<hbm>>
      %dma_wait3A_66 = arith.constant 0 : i32
      %dma_wait3A_67 = arith.constant 0 : i32
      %dma_wait3A_68 = tpu.memref_slice %arg3[%dma_wait3A_66, %dma_wait3A_67] : memref<50000x16xf32, #tpu.memory_space<hbm>> -> memref<128x16xf32, #tpu.memory_space<hbm>>
      tpu.wait_dma2 semaphore(%arg20 : memref<!tpu.dma_semaphore, #tpu.memory_space<semaphore_mem>>) src(%dma_wait3A_68 : memref<128x16xf32, #tpu.memory_space<hbm>>) dst(%arg16 : memref<128x16xf32, #tpu.memory_space<vmem>>)
      %dma_wait3A_69 = arith.constant 0 : i32
      %dma_wait3A_70 = arith.constant 0 : i32
      %dma_wait3A_71 = tpu.memref_slice %arg3[%dma_wait3A_69, %dma_wait3A_70] : memref<50000x16xf32, #tpu.memory_space<hbm>> -> memref<128x16xf32, #tpu.memory_space<hbm>>
      %dma_wait3A_72 = arith.constant 0 : i32
      %dma_wait3A_73 = arith.constant 0 : i32
      %dma_wait3A_74 = tpu.memref_slice %arg3[%dma_wait3A_72, %dma_wait3A_73] : memref<50000x16xf32, #tpu.memory_space<hbm>> -> memref<128x16xf32, #tpu.memory_space<hbm>>
      tpu.wait_dma2 semaphore(%arg20 : memref<!tpu.dma_semaphore, #tpu.memory_space<semaphore_mem>>) src(%dma_wait3A_74 : memref<128x16xf32, #tpu.memory_space<hbm>>) dst(%arg18 : memref<128x16xf32, #tpu.memory_space<vmem>>)
      %add3A_75 = arith.addi %mul3A_2, %mul3A_51 : i32
      %dma_start3A_76 = arith.constant 0 : i32
      %dma_start3A_77 = tpu.memref_slice %arg6[%add3A_75, %dma_start3A_76] : memref<802816x64xf32, #tpu.memory_space<hbm>> -> memref<128x64xf32, #tpu.memory_space<hbm>>
      %dma_start3A_78 = arith.constant 0 : i32
      %dma_start3A_79 = tpu.memref_slice %arg6[%add3A_75, %dma_start3A_78] : memref<802816x64xf32, #tpu.memory_space<hbm>> -> memref<128x64xf32, #tpu.memory_space<hbm>>
      tpu.enqueue_dma source(%arg12 : memref<128x64xf32, #tpu.memory_space<vmem>>) target(%dma_start3A_79 : memref<128x64xf32, #tpu.memory_space<hbm>>) target_semaphore(%arg22 : memref<!tpu.dma_semaphore, #tpu.memory_space<semaphore_mem>>)
      %add3A_80 = arith.addi %mul3A_2, %mul3A_51 : i32
      %dma_start3A_81 = arith.constant 0 : i32
      %dma_start3A_82 = tpu.memref_slice %arg7[%add3A_80, %dma_start3A_81] : memref<802816x64xf32, #tpu.memory_space<hbm>> -> memref<128x64xf32, #tpu.memory_space<hbm>>
      %dma_start3A_83 = arith.constant 0 : i32
      %dma_start3A_84 = tpu.memref_slice %arg7[%add3A_80, %dma_start3A_83] : memref<802816x64xf32, #tpu.memory_space<hbm>> -> memref<128x64xf32, #tpu.memory_space<hbm>>
      tpu.enqueue_dma source(%arg14 : memref<128x64xf32, #tpu.memory_space<vmem>>) target(%dma_start3A_84 : memref<128x64xf32, #tpu.memory_space<hbm>>) target_semaphore(%arg22 : memref<!tpu.dma_semaphore, #tpu.memory_space<semaphore_mem>>)
      %add3A_85 = arith.addi %mul3A_2, %mul3A_51 : i32
      %dma_start3A_86 = arith.constant 0 : i32
      %dma_start3A_87 = tpu.memref_slice %arg8[%add3A_85, %dma_start3A_86] : memref<802816x16xf32, #tpu.memory_space<hbm>> -> memref<128x16xf32, #tpu.memory_space<hbm>>
      %dma_start3A_88 = arith.constant 0 : i32
      %dma_start3A_89 = tpu.memref_slice %arg8[%add3A_85, %dma_start3A_88] : memref<802816x16xf32, #tpu.memory_space<hbm>> -> memref<128x16xf32, #tpu.memory_space<hbm>>
      tpu.enqueue_dma source(%arg16 : memref<128x16xf32, #tpu.memory_space<vmem>>) target(%dma_start3A_89 : memref<128x16xf32, #tpu.memory_space<hbm>>) target_semaphore(%arg22 : memref<!tpu.dma_semaphore, #tpu.memory_space<semaphore_mem>>)
      %add3A_90 = arith.addi %mul3A_2, %mul3A_51 : i32
      %dma_start3A_91 = arith.constant 0 : i32
      %dma_start3A_92 = tpu.memref_slice %arg9[%add3A_90, %dma_start3A_91] : memref<802816x16xf32, #tpu.memory_space<hbm>> -> memref<128x16xf32, #tpu.memory_space<hbm>>
      %dma_start3A_93 = arith.constant 0 : i32
      %dma_start3A_94 = tpu.memref_slice %arg9[%add3A_90, %dma_start3A_93] : memref<802816x16xf32, #tpu.memory_space<hbm>> -> memref<128x16xf32, #tpu.memory_space<hbm>>
      tpu.enqueue_dma source(%arg18 : memref<128x16xf32, #tpu.memory_space<vmem>>) target(%dma_start3A_94 : memref<128x16xf32, #tpu.memory_space<hbm>>) target_semaphore(%arg22 : memref<!tpu.dma_semaphore, #tpu.memory_space<semaphore_mem>>)
      %dma_wait3A_95 = arith.constant 0 : i32
      %dma_wait3A_96 = arith.constant 0 : i32
      %dma_wait3A_97 = tpu.memref_slice %arg2[%dma_wait3A_95, %dma_wait3A_96] : memref<50000x64xf32, #tpu.memory_space<hbm>> -> memref<128x64xf32, #tpu.memory_space<hbm>>
      %dma_wait3A_98 = arith.constant 0 : i32
      %dma_wait3A_99 = arith.constant 0 : i32
      %dma_wait3A_100 = tpu.memref_slice %arg2[%dma_wait3A_98, %dma_wait3A_99] : memref<50000x64xf32, #tpu.memory_space<hbm>> -> memref<128x64xf32, #tpu.memory_space<hbm>>
      tpu.wait_dma2 semaphore(%arg21 : memref<!tpu.dma_semaphore, #tpu.memory_space<semaphore_mem>>) src(%dma_wait3A_100 : memref<128x64xf32, #tpu.memory_space<hbm>>) dst(%arg13 : memref<128x64xf32, #tpu.memory_space<vmem>>)
      %dma_wait3A_101 = arith.constant 0 : i32
      %dma_wait3A_102 = arith.constant 0 : i32
      %dma_wait3A_103 = tpu.memref_slice %arg2[%dma_wait3A_101, %dma_wait3A_102] : memref<50000x64xf32, #tpu.memory_space<hbm>> -> memref<128x64xf32, #tpu.memory_space<hbm>>
      %dma_wait3A_104 = arith.constant 0 : i32
      %dma_wait3A_105 = arith.constant 0 : i32
      %dma_wait3A_106 = tpu.memref_slice %arg2[%dma_wait3A_104, %dma_wait3A_105] : memref<50000x64xf32, #tpu.memory_space<hbm>> -> memref<128x64xf32, #tpu.memory_space<hbm>>
      tpu.wait_dma2 semaphore(%arg21 : memref<!tpu.dma_semaphore, #tpu.memory_space<semaphore_mem>>) src(%dma_wait3A_106 : memref<128x64xf32, #tpu.memory_space<hbm>>) dst(%arg15 : memref<128x64xf32, #tpu.memory_space<vmem>>)
      %dma_wait3A_107 = arith.constant 0 : i32
      %dma_wait3A_108 = arith.constant 0 : i32
      %dma_wait3A_109 = tpu.memref_slice %arg3[%dma_wait3A_107, %dma_wait3A_108] : memref<50000x16xf32, #tpu.memory_space<hbm>> -> memref<128x16xf32, #tpu.memory_space<hbm>>
      %dma_wait3A_110 = arith.constant 0 : i32
      %dma_wait3A_111 = arith.constant 0 : i32
      %dma_wait3A_112 = tpu.memref_slice %arg3[%dma_wait3A_110, %dma_wait3A_111] : memref<50000x16xf32, #tpu.memory_space<hbm>> -> memref<128x16xf32, #tpu.memory_space<hbm>>
      tpu.wait_dma2 semaphore(%arg21 : memref<!tpu.dma_semaphore, #tpu.memory_space<semaphore_mem>>) src(%dma_wait3A_112 : memref<128x16xf32, #tpu.memory_space<hbm>>) dst(%arg17 : memref<128x16xf32, #tpu.memory_space<vmem>>)
      %dma_wait3A_113 = arith.constant 0 : i32
      %dma_wait3A_114 = arith.constant 0 : i32
      %dma_wait3A_115 = tpu.memref_slice %arg3[%dma_wait3A_113, %dma_wait3A_114] : memref<50000x16xf32, #tpu.memory_space<hbm>> -> memref<128x16xf32, #tpu.memory_space<hbm>>
      %dma_wait3A_116 = arith.constant 0 : i32
      %dma_wait3A_117 = arith.constant 0 : i32
      %dma_wait3A_118 = tpu.memref_slice %arg3[%dma_wait3A_116, %dma_wait3A_117] : memref<50000x16xf32, #tpu.memory_space<hbm>> -> memref<128x16xf32, #tpu.memory_space<hbm>>
      tpu.wait_dma2 semaphore(%arg21 : memref<!tpu.dma_semaphore, #tpu.memory_space<semaphore_mem>>) src(%dma_wait3A_118 : memref<128x16xf32, #tpu.memory_space<hbm>>) dst(%arg19 : memref<128x16xf32, #tpu.memory_space<vmem>>)
      %add3A_119 = arith.constant 128 : i32
      %add3A_120 = arith.addi %mul3A_51, %add3A_119 : i32
      %add3A_121 = arith.addi %mul3A_2, %add3A_120 : i32
      %dma_start3A_122 = arith.constant 0 : i32
      %dma_start3A_123 = tpu.memref_slice %arg6[%add3A_121, %dma_start3A_122] : memref<802816x64xf32, #tpu.memory_space<hbm>> -> memref<128x64xf32, #tpu.memory_space<hbm>>
      %dma_start3A_124 = arith.constant 0 : i32
      %dma_start3A_125 = tpu.memref_slice %arg6[%add3A_121, %dma_start3A_124] : memref<802816x64xf32, #tpu.memory_space<hbm>> -> memref<128x64xf32, #tpu.memory_space<hbm>>
      tpu.enqueue_dma source(%arg13 : memref<128x64xf32, #tpu.memory_space<vmem>>) target(%dma_start3A_125 : memref<128x64xf32, #tpu.memory_space<hbm>>) target_semaphore(%arg23 : memref<!tpu.dma_semaphore, #tpu.memory_space<semaphore_mem>>)
      %add3A_126 = arith.addi %mul3A_2, %add3A_120 : i32
      %dma_start3A_127 = arith.constant 0 : i32
      %dma_start3A_128 = tpu.memref_slice %arg7[%add3A_126, %dma_start3A_127] : memref<802816x64xf32, #tpu.memory_space<hbm>> -> memref<128x64xf32, #tpu.memory_space<hbm>>
      %dma_start3A_129 = arith.constant 0 : i32
      %dma_start3A_130 = tpu.memref_slice %arg7[%add3A_126, %dma_start3A_129] : memref<802816x64xf32, #tpu.memory_space<hbm>> -> memref<128x64xf32, #tpu.memory_space<hbm>>
      tpu.enqueue_dma source(%arg15 : memref<128x64xf32, #tpu.memory_space<vmem>>) target(%dma_start3A_130 : memref<128x64xf32, #tpu.memory_space<hbm>>) target_semaphore(%arg23 : memref<!tpu.dma_semaphore, #tpu.memory_space<semaphore_mem>>)
      %add3A_131 = arith.addi %mul3A_2, %add3A_120 : i32
      %dma_start3A_132 = arith.constant 0 : i32
      %dma_start3A_133 = tpu.memref_slice %arg8[%add3A_131, %dma_start3A_132] : memref<802816x16xf32, #tpu.memory_space<hbm>> -> memref<128x16xf32, #tpu.memory_space<hbm>>
      %dma_start3A_134 = arith.constant 0 : i32
      %dma_start3A_135 = tpu.memref_slice %arg8[%add3A_131, %dma_start3A_134] : memref<802816x16xf32, #tpu.memory_space<hbm>> -> memref<128x16xf32, #tpu.memory_space<hbm>>
      tpu.enqueue_dma source(%arg17 : memref<128x16xf32, #tpu.memory_space<vmem>>) target(%dma_start3A_135 : memref<128x16xf32, #tpu.memory_space<hbm>>) target_semaphore(%arg23 : memref<!tpu.dma_semaphore, #tpu.memory_space<semaphore_mem>>)
      %add3A_136 = arith.addi %mul3A_2, %add3A_120 : i32
      %dma_start3A_137 = arith.constant 0 : i32
      %dma_start3A_138 = tpu.memref_slice %arg9[%add3A_136, %dma_start3A_137] : memref<802816x16xf32, #tpu.memory_space<hbm>> -> memref<128x16xf32, #tpu.memory_space<hbm>>
      %dma_start3A_139 = arith.constant 0 : i32
      %dma_start3A_140 = tpu.memref_slice %arg9[%add3A_136, %dma_start3A_139] : memref<802816x16xf32, #tpu.memory_space<hbm>> -> memref<128x16xf32, #tpu.memory_space<hbm>>
      tpu.enqueue_dma source(%arg19 : memref<128x16xf32, #tpu.memory_space<vmem>>) target(%dma_start3A_140 : memref<128x16xf32, #tpu.memory_space<hbm>>) target_semaphore(%arg23 : memref<!tpu.dma_semaphore, #tpu.memory_space<semaphore_mem>>)
      %dma_wait3A_141 = arith.constant 0 : i32
      %dma_wait3A_142 = arith.constant 0 : i32
      %dma_wait3A_143 = tpu.memref_slice %arg6[%dma_wait3A_141, %dma_wait3A_142] : memref<802816x64xf32, #tpu.memory_space<hbm>> -> memref<128x64xf32, #tpu.memory_space<hbm>>
      %dma_wait3A_144 = arith.constant 0 : i32
      %dma_wait3A_145 = arith.constant 0 : i32
      %dma_wait3A_146 = tpu.memref_slice %arg6[%dma_wait3A_144, %dma_wait3A_145] : memref<802816x64xf32, #tpu.memory_space<hbm>> -> memref<128x64xf32, #tpu.memory_space<hbm>>
      tpu.wait_dma2 semaphore(%arg22 : memref<!tpu.dma_semaphore, #tpu.memory_space<semaphore_mem>>) src(%arg12 : memref<128x64xf32, #tpu.memory_space<vmem>>) dst(%dma_wait3A_146 : memref<128x64xf32, #tpu.memory_space<hbm>>)
      %dma_wait3A_147 = arith.constant 0 : i32
      %dma_wait3A_148 = arith.constant 0 : i32
      %dma_wait3A_149 = tpu.memref_slice %arg7[%dma_wait3A_147, %dma_wait3A_148] : memref<802816x64xf32, #tpu.memory_space<hbm>> -> memref<128x64xf32, #tpu.memory_space<hbm>>
      %dma_wait3A_150 = arith.constant 0 : i32
      %dma_wait3A_151 = arith.constant 0 : i32
      %dma_wait3A_152 = tpu.memref_slice %arg7[%dma_wait3A_150, %dma_wait3A_151] : memref<802816x64xf32, #tpu.memory_space<hbm>> -> memref<128x64xf32, #tpu.memory_space<hbm>>
      tpu.wait_dma2 semaphore(%arg22 : memref<!tpu.dma_semaphore, #tpu.memory_space<semaphore_mem>>) src(%arg14 : memref<128x64xf32, #tpu.memory_space<vmem>>) dst(%dma_wait3A_152 : memref<128x64xf32, #tpu.memory_space<hbm>>)
      %dma_wait3A_153 = arith.constant 0 : i32
      %dma_wait3A_154 = arith.constant 0 : i32
      %dma_wait3A_155 = tpu.memref_slice %arg8[%dma_wait3A_153, %dma_wait3A_154] : memref<802816x16xf32, #tpu.memory_space<hbm>> -> memref<128x16xf32, #tpu.memory_space<hbm>>
      %dma_wait3A_156 = arith.constant 0 : i32
      %dma_wait3A_157 = arith.constant 0 : i32
      %dma_wait3A_158 = tpu.memref_slice %arg8[%dma_wait3A_156, %dma_wait3A_157] : memref<802816x16xf32, #tpu.memory_space<hbm>> -> memref<128x16xf32, #tpu.memory_space<hbm>>
      tpu.wait_dma2 semaphore(%arg22 : memref<!tpu.dma_semaphore, #tpu.memory_space<semaphore_mem>>) src(%arg16 : memref<128x16xf32, #tpu.memory_space<vmem>>) dst(%dma_wait3A_158 : memref<128x16xf32, #tpu.memory_space<hbm>>)
      %dma_wait3A_159 = arith.constant 0 : i32
      %dma_wait3A_160 = arith.constant 0 : i32
      %dma_wait3A_161 = tpu.memref_slice %arg9[%dma_wait3A_159, %dma_wait3A_160] : memref<802816x16xf32, #tpu.memory_space<hbm>> -> memref<128x16xf32, #tpu.memory_space<hbm>>
      %dma_wait3A_162 = arith.constant 0 : i32
      %dma_wait3A_163 = arith.constant 0 : i32
      %dma_wait3A_164 = tpu.memref_slice %arg9[%dma_wait3A_162, %dma_wait3A_163] : memref<802816x16xf32, #tpu.memory_space<hbm>> -> memref<128x16xf32, #tpu.memory_space<hbm>>
      tpu.wait_dma2 semaphore(%arg22 : memref<!tpu.dma_semaphore, #tpu.memory_space<semaphore_mem>>) src(%arg18 : memref<128x16xf32, #tpu.memory_space<vmem>>) dst(%dma_wait3A_164 : memref<128x16xf32, #tpu.memory_space<hbm>>)
      %lt3A = arith.constant 97 : i32
      %lt3A_165 = arith.cmpi slt, %scan3A_47, %lt3A : i32
      %convert_element_type3A = arith.extui %lt3A_165 : i1 to i32
      %cond3A = arith.constant 0 : i32
      %cond3A_166 = arith.cmpi ne, %convert_element_type3A, %cond3A : i32
      scf.if %cond3A_166 {
        %add3A_196 = arith.constant 256 : i32
        %add3A_197 = arith.addi %mul3A_51, %add3A_196 : i32
        %dma_start3A_198 = tpu.memref_slice %arg10[%add3A_197] : memref<25088xi32, #tpu.memory_space<vmem>> -> memref<128xi32, #tpu.memory_space<vmem>>
        %dma_start3A_199 = arith.constant 0 : i32
        %dma_start3A_200 = arith.constant 0 : i32
        %dma_start3A_201 = tpu.memref_slice %arg2[%dma_start3A_199, %dma_start3A_200] : memref<50000x64xf32, #tpu.memory_space<hbm>> -> memref<50000x64xf32, #tpu.memory_space<hbm>>
        tpu.enqueue_indirect_dma source(%dma_start3A_201 : memref<50000x64xf32, #tpu.memory_space<hbm>>) target(%arg12 : memref<128x64xf32, #tpu.memory_space<vmem>>) offsets(%dma_start3A_198 : memref<128xi32, #tpu.memory_space<vmem>>) semaphore(%arg20 : memref<!tpu.dma_semaphore, #tpu.memory_space<semaphore_mem>>)
        %dma_start3A_202 = tpu.memref_slice %arg11[%add3A_197] : memref<25088xi32, #tpu.memory_space<vmem>> -> memref<128xi32, #tpu.memory_space<vmem>>
        %dma_start3A_203 = arith.constant 0 : i32
        %dma_start3A_204 = arith.constant 0 : i32
        %dma_start3A_205 = tpu.memref_slice %arg2[%dma_start3A_203, %dma_start3A_204] : memref<50000x64xf32, #tpu.memory_space<hbm>> -> memref<50000x64xf32, #tpu.memory_space<hbm>>
        tpu.enqueue_indirect_dma source(%dma_start3A_205 : memref<50000x64xf32, #tpu.memory_space<hbm>>) target(%arg14 : memref<128x64xf32, #tpu.memory_space<vmem>>) offsets(%dma_start3A_202 : memref<128xi32, #tpu.memory_space<vmem>>) semaphore(%arg20 : memref<!tpu.dma_semaphore, #tpu.memory_space<semaphore_mem>>)
        %dma_start3A_206 = tpu.memref_slice %arg10[%add3A_197] : memref<25088xi32, #tpu.memory_space<vmem>> -> memref<128xi32, #tpu.memory_space<vmem>>
        %dma_start3A_207 = arith.constant 0 : i32
        %dma_start3A_208 = arith.constant 0 : i32
        %dma_start3A_209 = tpu.memref_slice %arg3[%dma_start3A_207, %dma_start3A_208] : memref<50000x16xf32, #tpu.memory_space<hbm>> -> memref<50000x16xf32, #tpu.memory_space<hbm>>
        tpu.enqueue_indirect_dma source(%dma_start3A_209 : memref<50000x16xf32, #tpu.memory_space<hbm>>) target(%arg16 : memref<128x16xf32, #tpu.memory_space<vmem>>) offsets(%dma_start3A_206 : memref<128xi32, #tpu.memory_space<vmem>>) semaphore(%arg20 : memref<!tpu.dma_semaphore, #tpu.memory_space<semaphore_mem>>)
        %dma_start3A_210 = tpu.memref_slice %arg11[%add3A_197] : memref<25088xi32, #tpu.memory_space<vmem>> -> memref<128xi32, #tpu.memory_space<vmem>>
        %dma_start3A_211 = arith.constant 0 : i32
        %dma_start3A_212 = arith.constant 0 : i32
        %dma_start3A_213 = tpu.memref_slice %arg3[%dma_start3A_211, %dma_start3A_212] : memref<50000x16xf32, #tpu.memory_space<hbm>> -> memref<50000x16xf32, #tpu.memory_space<hbm>>
        tpu.enqueue_indirect_dma source(%dma_start3A_213 : memref<50000x16xf32, #tpu.memory_space<hbm>>) target(%arg18 : memref<128x16xf32, #tpu.memory_space<vmem>>) offsets(%dma_start3A_210 : memref<128xi32, #tpu.memory_space<vmem>>) semaphore(%arg20 : memref<!tpu.dma_semaphore, #tpu.memory_space<semaphore_mem>>)
      } else {
      }
      %dma_wait3A_167 = arith.constant 0 : i32
      %dma_wait3A_168 = arith.constant 0 : i32
      %dma_wait3A_169 = tpu.memref_slice %arg6[%dma_wait3A_167, %dma_wait3A_168] : memref<802816x64xf32, #tpu.memory_space<hbm>> -> memref<128x64xf32, #tpu.memory_space<hbm>>
      %dma_wait3A_170 = arith.constant 0 : i32
      %dma_wait3A_171 = arith.constant 0 : i32
      %dma_wait3A_172 = tpu.memref_slice %arg6[%dma_wait3A_170, %dma_wait3A_171] : memref<802816x64xf32, #tpu.memory_space<hbm>> -> memref<128x64xf32, #tpu.memory_space<hbm>>
      tpu.wait_dma2 semaphore(%arg23 : memref<!tpu.dma_semaphore, #tpu.memory_space<semaphore_mem>>) src(%arg13 : memref<128x64xf32, #tpu.memory_space<vmem>>) dst(%dma_wait3A_172 : memref<128x64xf32, #tpu.memory_space<hbm>>)
      %dma_wait3A_173 = arith.constant 0 : i32
      %dma_wait3A_174 = arith.constant 0 : i32
      %dma_wait3A_175 = tpu.memref_slice %arg7[%dma_wait3A_173, %dma_wait3A_174] : memref<802816x64xf32, #tpu.memory_space<hbm>> -> memref<128x64xf32, #tpu.memory_space<hbm>>
      %dma_wait3A_176 = arith.constant 0 : i32
      %dma_wait3A_177 = arith.constant 0 : i32
      %dma_wait3A_178 = tpu.memref_slice %arg7[%dma_wait3A_176, %dma_wait3A_177] : memref<802816x64xf32, #tpu.memory_space<hbm>> -> memref<128x64xf32, #tpu.memory_space<hbm>>
      tpu.wait_dma2 semaphore(%arg23 : memref<!tpu.dma_semaphore, #tpu.memory_space<semaphore_mem>>) src(%arg15 : memref<128x64xf32, #tpu.memory_space<vmem>>) dst(%dma_wait3A_178 : memref<128x64xf32, #tpu.memory_space<hbm>>)
      %dma_wait3A_179 = arith.constant 0 : i32
      %dma_wait3A_180 = arith.constant 0 : i32
      %dma_wait3A_181 = tpu.memref_slice %arg8[%dma_wait3A_179, %dma_wait3A_180] : memref<802816x16xf32, #tpu.memory_space<hbm>> -> memref<128x16xf32, #tpu.memory_space<hbm>>
      %dma_wait3A_182 = arith.constant 0 : i32
      %dma_wait3A_183 = arith.constant 0 : i32
      %dma_wait3A_184 = tpu.memref_slice %arg8[%dma_wait3A_182, %dma_wait3A_183] : memref<802816x16xf32, #tpu.memory_space<hbm>> -> memref<128x16xf32, #tpu.memory_space<hbm>>
      tpu.wait_dma2 semaphore(%arg23 : memref<!tpu.dma_semaphore, #tpu.memory_space<semaphore_mem>>) src(%arg17 : memref<128x16xf32, #tpu.memory_space<vmem>>) dst(%dma_wait3A_184 : memref<128x16xf32, #tpu.memory_space<hbm>>)
      %dma_wait3A_185 = arith.constant 0 : i32
      %dma_wait3A_186 = arith.constant 0 : i32
      %dma_wait3A_187 = tpu.memref_slice %arg9[%dma_wait3A_185, %dma_wait3A_186] : memref<802816x16xf32, #tpu.memory_space<hbm>> -> memref<128x16xf32, #tpu.memory_space<hbm>>
      %dma_wait3A_188 = arith.constant 0 : i32
      %dma_wait3A_189 = arith.constant 0 : i32
      %dma_wait3A_190 = tpu.memref_slice %arg9[%dma_wait3A_188, %dma_wait3A_189] : memref<802816x16xf32, #tpu.memory_space<hbm>> -> memref<128x16xf32, #tpu.memory_space<hbm>>
      tpu.wait_dma2 semaphore(%arg23 : memref<!tpu.dma_semaphore, #tpu.memory_space<semaphore_mem>>) src(%arg19 : memref<128x16xf32, #tpu.memory_space<vmem>>) dst(%dma_wait3A_190 : memref<128x16xf32, #tpu.memory_space<hbm>>)
      %lt3A_191 = arith.constant 97 : i32
      %lt3A_192 = arith.cmpi slt, %scan3A_47, %lt3A_191 : i32
      %convert_element_type3A_193 = arith.extui %lt3A_192 : i1 to i32
      %cond3A_194 = arith.constant 0 : i32
      %cond3A_195 = arith.cmpi ne, %convert_element_type3A_193, %cond3A_194 : i32
      scf.if %cond3A_195 {
        %add3A_196 = arith.constant 384 : i32
        %add3A_197 = arith.addi %mul3A_51, %add3A_196 : i32
        %dma_start3A_198 = tpu.memref_slice %arg10[%add3A_197] : memref<25088xi32, #tpu.memory_space<vmem>> -> memref<128xi32, #tpu.memory_space<vmem>>
        %dma_start3A_199 = arith.constant 0 : i32
        %dma_start3A_200 = arith.constant 0 : i32
        %dma_start3A_201 = tpu.memref_slice %arg2[%dma_start3A_199, %dma_start3A_200] : memref<50000x64xf32, #tpu.memory_space<hbm>> -> memref<50000x64xf32, #tpu.memory_space<hbm>>
        tpu.enqueue_indirect_dma source(%dma_start3A_201 : memref<50000x64xf32, #tpu.memory_space<hbm>>) target(%arg13 : memref<128x64xf32, #tpu.memory_space<vmem>>) offsets(%dma_start3A_198 : memref<128xi32, #tpu.memory_space<vmem>>) semaphore(%arg21 : memref<!tpu.dma_semaphore, #tpu.memory_space<semaphore_mem>>)
        %dma_start3A_202 = tpu.memref_slice %arg11[%add3A_197] : memref<25088xi32, #tpu.memory_space<vmem>> -> memref<128xi32, #tpu.memory_space<vmem>>
        %dma_start3A_203 = arith.constant 0 : i32
        %dma_start3A_204 = arith.constant 0 : i32
        %dma_start3A_205 = tpu.memref_slice %arg2[%dma_start3A_203, %dma_start3A_204] : memref<50000x64xf32, #tpu.memory_space<hbm>> -> memref<50000x64xf32, #tpu.memory_space<hbm>>
        tpu.enqueue_indirect_dma source(%dma_start3A_205 : memref<50000x64xf32, #tpu.memory_space<hbm>>) target(%arg15 : memref<128x64xf32, #tpu.memory_space<vmem>>) offsets(%dma_start3A_202 : memref<128xi32, #tpu.memory_space<vmem>>) semaphore(%arg21 : memref<!tpu.dma_semaphore, #tpu.memory_space<semaphore_mem>>)
        %dma_start3A_206 = tpu.memref_slice %arg10[%add3A_197] : memref<25088xi32, #tpu.memory_space<vmem>> -> memref<128xi32, #tpu.memory_space<vmem>>
        %dma_start3A_207 = arith.constant 0 : i32
        %dma_start3A_208 = arith.constant 0 : i32
        %dma_start3A_209 = tpu.memref_slice %arg3[%dma_start3A_207, %dma_start3A_208] : memref<50000x16xf32, #tpu.memory_space<hbm>> -> memref<50000x16xf32, #tpu.memory_space<hbm>>
        tpu.enqueue_indirect_dma source(%dma_start3A_209 : memref<50000x16xf32, #tpu.memory_space<hbm>>) target(%arg17 : memref<128x16xf32, #tpu.memory_space<vmem>>) offsets(%dma_start3A_206 : memref<128xi32, #tpu.memory_space<vmem>>) semaphore(%arg21 : memref<!tpu.dma_semaphore, #tpu.memory_space<semaphore_mem>>)
        %dma_start3A_210 = tpu.memref_slice %arg11[%add3A_197] : memref<25088xi32, #tpu.memory_space<vmem>> -> memref<128xi32, #tpu.memory_space<vmem>>
        %dma_start3A_211 = arith.constant 0 : i32
        %dma_start3A_212 = arith.constant 0 : i32
        %dma_start3A_213 = tpu.memref_slice %arg3[%dma_start3A_211, %dma_start3A_212] : memref<50000x16xf32, #tpu.memory_space<hbm>> -> memref<50000x16xf32, #tpu.memory_space<hbm>>
        tpu.enqueue_indirect_dma source(%dma_start3A_213 : memref<50000x16xf32, #tpu.memory_space<hbm>>) target(%arg19 : memref<128x16xf32, #tpu.memory_space<vmem>>) offsets(%dma_start3A_210 : memref<128xi32, #tpu.memory_space<vmem>>) semaphore(%arg21 : memref<!tpu.dma_semaphore, #tpu.memory_space<semaphore_mem>>)
      } else {
      }
    }
    %scan3A_46 = arith.constant 98 : i32
    return
  }
}

#map = affine_map<(d0, d1) -> (0, 0)>
#map1 = affine_map<(d0, d1) -> (0)>
module attributes {stable_mosaic.version = 14 : i64} {
  func.func @k(%arg0: i32, %arg1: i32, %arg2: memref<802816x64xf32, #tpu.memory_space<hbm>>, %arg3: memref<802816xi32, #tpu.memory_space<hbm>>, %arg4: memref<25008x64xf32, #tpu.memory_space<hbm>>, %arg5: memref<8x16xf32, #tpu.memory_space<hbm>>, %arg6: memref<50000x64xf32, #tpu.memory_space<hbm>>, %arg7: memref<128xi32, #tpu.memory_space<vmem>>, %arg8: memref<128xi32, #tpu.memory_space<vmem>>, %arg9: memref<128xi32, #tpu.memory_space<vmem>>, %arg10: memref<128xi32, #tpu.memory_space<vmem>>, %arg11: memref<128x64xf32, #tpu.memory_space<vmem>>, %arg12: memref<128x64xf32, #tpu.memory_space<vmem>>, %arg13: memref<25008x64xf32, #tpu.memory_space<vmem_shared>>, %arg14: memref<!tpu.dma_semaphore, #tpu.memory_space<semaphore_mem>>, %arg15: memref<!tpu.dma_semaphore, #tpu.memory_space<semaphore_mem>>) attributes {dimension_semantics = [#tpu.dimension_semantics<core_parallel>, #tpu.dimension_semantics<subcore_parallel>], iteration_bounds = array<i64: 2, 16>, scalar_prefetch = 0 : i64, scratch_operands = 9 : i64, tpu.core_type = #tpu.core_type<sc_vector_subcore>, window_params = [{transform_indices = #map}, {transform_indices = #map1}, {transform_indices = #map}, {transform_indices = #map}, {transform_indices = #map}]} {
    %mul3A = arith.constant 25000 : i32
    %mul3A_0 = arith.muli %arg0, %mul3A : i32
    %mul3A_1 = arith.constant 1568 : i32
    %mul3A_2 = arith.muli %arg1, %mul3A_1 : i32
    %lt3A = arith.constant 15 : i32
    %lt3A_3 = arith.cmpi slt, %arg1, %lt3A : i32
    %convert_element_type3A = arith.extui %lt3A_3 : i1 to i32
    %cond3A = arith.constant 0 : i32
    %cond3A_4 = arith.cmpi ne, %convert_element_type3A, %cond3A : i32
    scf.if %cond3A_4 {
      "tpu.region"() ({
        %run_scoped3A = tpu.sem_alloc : memref<!tpu.dma_semaphore, #tpu.memory_space<semaphore_mem>>
        %dma_start3A_39 = arith.constant 0 : i32
        %dma_start3A_40 = tpu.memref_slice %arg13[%mul3A_2, %dma_start3A_39] : memref<25008x64xf32, #tpu.memory_space<vmem_shared>> -> memref<1568x64xf32, #tpu.memory_space<vmem_shared>>
        %dma_start3A_41 = arith.constant 0 : i32
        %dma_start3A_42 = tpu.memref_slice %arg4[%mul3A_2, %dma_start3A_41] : memref<25008x64xf32, #tpu.memory_space<hbm>> -> memref<1568x64xf32, #tpu.memory_space<hbm>>
        tpu.enqueue_dma source(%dma_start3A_42 : memref<1568x64xf32, #tpu.memory_space<hbm>>) target(%dma_start3A_40 : memref<1568x64xf32, #tpu.memory_space<vmem_shared>>) target_semaphore(%run_scoped3A : memref<!tpu.dma_semaphore, #tpu.memory_space<semaphore_mem>>)
        %dma_wait3A = arith.constant 0 : i32
        %dma_wait3A_43 = tpu.memref_slice %arg13[%mul3A_2, %dma_wait3A] : memref<25008x64xf32, #tpu.memory_space<vmem_shared>> -> memref<1568x64xf32, #tpu.memory_space<vmem_shared>>
        %dma_wait3A_44 = arith.constant 0 : i32
        %dma_wait3A_45 = tpu.memref_slice %arg4[%mul3A_2, %dma_wait3A_44] : memref<25008x64xf32, #tpu.memory_space<hbm>> -> memref<1568x64xf32, #tpu.memory_space<hbm>>
        tpu.wait_dma2 semaphore(%run_scoped3A : memref<!tpu.dma_semaphore, #tpu.memory_space<semaphore_mem>>) src(%dma_wait3A_45 : memref<1568x64xf32, #tpu.memory_space<hbm>>) dst(%dma_wait3A_43 : memref<1568x64xf32, #tpu.memory_space<vmem_shared>>)
        tpu.yield
      }) : () -> ()
    } else {
    }
    %eq3A = arith.constant 15 : i32
    %eq3A_5 = arith.cmpi eq, %arg1, %eq3A : i32
    %convert_element_type3A_6 = arith.extui %eq3A_5 : i1 to i32
    %cond3A_7 = arith.constant 0 : i32
    %cond3A_8 = arith.cmpi ne, %convert_element_type3A_6, %cond3A_7 : i32
    scf.if %cond3A_8 {
      "tpu.region"() ({
        %run_scoped3A = tpu.sem_alloc : memref<!tpu.dma_semaphore, #tpu.memory_space<semaphore_mem>>
        %dma_start3A_39 = arith.constant 0 : i32
        %dma_start3A_40 = tpu.memref_slice %arg13[%mul3A_2, %dma_start3A_39] : memref<25008x64xf32, #tpu.memory_space<vmem_shared>> -> memref<1488x64xf32, #tpu.memory_space<vmem_shared>>
        %dma_start3A_41 = arith.constant 0 : i32
        %dma_start3A_42 = tpu.memref_slice %arg4[%mul3A_2, %dma_start3A_41] : memref<25008x64xf32, #tpu.memory_space<hbm>> -> memref<1488x64xf32, #tpu.memory_space<hbm>>
        tpu.enqueue_dma source(%dma_start3A_42 : memref<1488x64xf32, #tpu.memory_space<hbm>>) target(%dma_start3A_40 : memref<1488x64xf32, #tpu.memory_space<vmem_shared>>) target_semaphore(%run_scoped3A : memref<!tpu.dma_semaphore, #tpu.memory_space<semaphore_mem>>)
        %dma_wait3A = arith.constant 0 : i32
        %dma_wait3A_43 = tpu.memref_slice %arg13[%mul3A_2, %dma_wait3A] : memref<25008x64xf32, #tpu.memory_space<vmem_shared>> -> memref<1488x64xf32, #tpu.memory_space<vmem_shared>>
        %dma_wait3A_44 = arith.constant 0 : i32
        %dma_wait3A_45 = tpu.memref_slice %arg4[%mul3A_2, %dma_wait3A_44] : memref<25008x64xf32, #tpu.memory_space<hbm>> -> memref<1488x64xf32, #tpu.memory_space<hbm>>
        tpu.wait_dma2 semaphore(%run_scoped3A : memref<!tpu.dma_semaphore, #tpu.memory_space<semaphore_mem>>) src(%dma_wait3A_45 : memref<1488x64xf32, #tpu.memory_space<hbm>>) dst(%dma_wait3A_43 : memref<1488x64xf32, #tpu.memory_space<vmem_shared>>)
        tpu.yield
      }) : () -> ()
    } else {
    }
    %barrier3A = arith.constant 0 : index
    tpu.barrier barrier_id(%barrier3A)
    %mul3A_9 = arith.constant 50176 : i32
    %mul3A_10 = arith.muli %arg1, %mul3A_9 : i32
    %dma_start3A = tpu.memref_slice %arg3[%mul3A_10] : memref<802816xi32, #tpu.memory_space<hbm>> -> memref<128xi32, #tpu.memory_space<hbm>>
    %dma_start3A_11 = tpu.memref_slice %arg3[%mul3A_10] : memref<802816xi32, #tpu.memory_space<hbm>> -> memref<128xi32, #tpu.memory_space<hbm>>
    tpu.enqueue_dma source(%dma_start3A_11 : memref<128xi32, #tpu.memory_space<hbm>>) target(%arg7 : memref<128xi32, #tpu.memory_space<vmem>>) target_semaphore(%arg14 : memref<!tpu.dma_semaphore, #tpu.memory_space<semaphore_mem>>)
    %dma_start3A_12 = arith.constant 0 : i32
    %dma_start3A_13 = tpu.memref_slice %arg2[%mul3A_10, %dma_start3A_12] : memref<802816x64xf32, #tpu.memory_space<hbm>> -> memref<128x64xf32, #tpu.memory_space<hbm>>
    %dma_start3A_14 = arith.constant 0 : i32
    %dma_start3A_15 = tpu.memref_slice %arg2[%mul3A_10, %dma_start3A_14] : memref<802816x64xf32, #tpu.memory_space<hbm>> -> memref<128x64xf32, #tpu.memory_space<hbm>>
    tpu.enqueue_dma source(%dma_start3A_15 : memref<128x64xf32, #tpu.memory_space<hbm>>) target(%arg11 : memref<128x64xf32, #tpu.memory_space<vmem>>) target_semaphore(%arg14 : memref<!tpu.dma_semaphore, #tpu.memory_space<semaphore_mem>>)
    %add3A = arith.constant 128 : i32
    %add3A_16 = arith.addi %mul3A_10, %add3A : i32
    %dma_start3A_17 = tpu.memref_slice %arg3[%add3A_16] : memref<802816xi32, #tpu.memory_space<hbm>> -> memref<128xi32, #tpu.memory_space<hbm>>
    %dma_start3A_18 = tpu.memref_slice %arg3[%add3A_16] : memref<802816xi32, #tpu.memory_space<hbm>> -> memref<128xi32, #tpu.memory_space<hbm>>
    tpu.enqueue_dma source(%dma_start3A_18 : memref<128xi32, #tpu.memory_space<hbm>>) target(%arg8 : memref<128xi32, #tpu.memory_space<vmem>>) target_semaphore(%arg15 : memref<!tpu.dma_semaphore, #tpu.memory_space<semaphore_mem>>)
    %dma_start3A_19 = arith.constant 0 : i32
    %dma_start3A_20 = tpu.memref_slice %arg2[%add3A_16, %dma_start3A_19] : memref<802816x64xf32, #tpu.memory_space<hbm>> -> memref<128x64xf32, #tpu.memory_space<hbm>>
    %dma_start3A_21 = arith.constant 0 : i32
    %dma_start3A_22 = tpu.memref_slice %arg2[%add3A_16, %dma_start3A_21] : memref<802816x64xf32, #tpu.memory_space<hbm>> -> memref<128x64xf32, #tpu.memory_space<hbm>>
    tpu.enqueue_dma source(%dma_start3A_22 : memref<128x64xf32, #tpu.memory_space<hbm>>) target(%arg12 : memref<128x64xf32, #tpu.memory_space<vmem>>) target_semaphore(%arg15 : memref<!tpu.dma_semaphore, #tpu.memory_space<semaphore_mem>>)
    %scan3A = arith.constant 0 : i32
    %scan3A_23 = arith.constant 0 : i32
    %scan3A_24 = arith.constant 196 : i32
    %scan3A_25 = arith.addi %scan3A_23, %scan3A_24 : i32
    %scan3A_26 = arith.constant 1 : i32
    scf.for %scan3A_39 = %scan3A_23 to %scan3A_25 step %scan3A_26  : i32 {
      %mul3A_40 = arith.constant 2 : i32
      %mul3A_41 = arith.muli %mul3A_40, %scan3A_39 : i32
      %add3A_42 = arith.constant 0 : i32
      %add3A_43 = arith.addi %mul3A_41, %add3A_42 : i32
      %mul3A_44 = arith.constant 128 : i32
      %mul3A_45 = arith.muli %add3A_43, %mul3A_44 : i32
      %add3A_46 = arith.addi %mul3A_10, %mul3A_45 : i32
      %dma_wait3A = arith.constant 0 : i32
      %dma_wait3A_47 = tpu.memref_slice %arg3[%dma_wait3A] : memref<802816xi32, #tpu.memory_space<hbm>> -> memref<128xi32, #tpu.memory_space<hbm>>
      %dma_wait3A_48 = arith.constant 0 : i32
      %dma_wait3A_49 = tpu.memref_slice %arg3[%dma_wait3A_48] : memref<802816xi32, #tpu.memory_space<hbm>> -> memref<128xi32, #tpu.memory_space<hbm>>
      tpu.wait_dma2 semaphore(%arg14 : memref<!tpu.dma_semaphore, #tpu.memory_space<semaphore_mem>>) src(%dma_wait3A_49 : memref<128xi32, #tpu.memory_space<hbm>>) dst(%arg7 : memref<128xi32, #tpu.memory_space<vmem>>)
      %dma_wait3A_50 = arith.constant 0 : i32
      %dma_wait3A_51 = arith.constant 0 : i32
      %dma_wait3A_52 = tpu.memref_slice %arg2[%dma_wait3A_50, %dma_wait3A_51] : memref<802816x64xf32, #tpu.memory_space<hbm>> -> memref<128x64xf32, #tpu.memory_space<hbm>>
      %dma_wait3A_53 = arith.constant 0 : i32
      %dma_wait3A_54 = arith.constant 0 : i32
      %dma_wait3A_55 = tpu.memref_slice %arg2[%dma_wait3A_53, %dma_wait3A_54] : memref<802816x64xf32, #tpu.memory_space<hbm>> -> memref<128x64xf32, #tpu.memory_space<hbm>>
      tpu.wait_dma2 semaphore(%arg14 : memref<!tpu.dma_semaphore, #tpu.memory_space<semaphore_mem>>) src(%dma_wait3A_55 : memref<128x64xf32, #tpu.memory_space<hbm>>) dst(%arg11 : memref<128x64xf32, #tpu.memory_space<vmem>>)
      %scan3A_56 = arith.constant 0 : i32
      %scan3A_57 = arith.constant 0 : i32
      %scan3A_58 = arith.constant 8 : i32
      %scan3A_59 = arith.addi %scan3A_57, %scan3A_58 : i32
      %scan3A_60 = arith.constant 1 : i32
      scf.for %scan3A_95 = %scan3A_57 to %scan3A_59 step %scan3A_60  : i32 {
        %mul3A_96 = arith.constant 16 : i32
        %mul3A_97 = arith.muli %scan3A_95, %mul3A_96 : i32
        %get3A = arith.index_cast %mul3A_97 : i32 to index
        %get3A_98 = tpu.vector_load %arg7[%get3A] {strides = array<i32>} : memref<128xi32, #tpu.memory_space<vmem>>, vector<16xi32>,
        %get3A_99 = vector.shape_cast %get3A_98 : vector<16xi32> to vector<16xi32>
        %sub3A = vector.broadcast %mul3A_0 : i32 to vector<16xi32>
        %sub3A_100 = arith.subi %get3A_99, %sub3A : vector<16xi32>
        %ge3A = arith.constant 0 : i32
        %ge3A_101 = vector.broadcast %ge3A : i32 to vector<16xi32>
        %ge3A_102 = arith.cmpi sge, %sub3A_100, %ge3A_101 : vector<16xi32>
        %lt3A_103 = arith.constant 25000 : i32
        %lt3A_104 = vector.broadcast %lt3A_103 : i32 to vector<16xi32>
        %lt3A_105 = arith.cmpi slt, %sub3A_100, %lt3A_104 : vector<16xi32>
        %and3A = arith.andi %ge3A_102, %lt3A_105 : vector<16xi1>
        %jit3A = arith.constant 25000 : i32
        %broadcast_in_dim3A = vector.broadcast %jit3A : i32 to vector<16xi32>
        %select_n3A = arith.select %and3A, %sub3A_100, %broadcast_in_dim3A : vector<16xi1>, vector<16xi32>
        %mul3A_106 = arith.constant 16 : i32
        %mul3A_107 = arith.muli %scan3A_95, %mul3A_106 : i32
        %swap3A = arith.index_cast %mul3A_107 : i32 to index
        %swap3A_108 = tpu.vector_load %arg9[%swap3A] {strides = array<i32>} : memref<128xi32, #tpu.memory_space<vmem>>, vector<16xi32>,
        %swap3A_109 = vector.shape_cast %swap3A_108 : vector<16xi32> to vector<16xi32>
        %swap3A_110 = vector.shape_cast %select_n3A : vector<16xi32> to vector<16xi32>
        tpu.vector_store %arg9[%swap3A], %swap3A_110 {strides = array<i32>} : memref<128xi32, #tpu.memory_space<vmem>>, vector<16xi32>,
      }
      %scan3A_61 = arith.constant 8 : i32
      "tpu.region"() ({
        %run_scoped3A = tpu.sem_alloc : memref<!tpu.dma_semaphore, #tpu.memory_space<semaphore_mem>>
        %dma_start3A_95 = arith.constant 0 : i32
        %dma_start3A_96 = arith.constant 0 : i32
        %dma_start3A_97 = tpu.memref_slice %arg13[%dma_start3A_95, %dma_start3A_96] : memref<25008x64xf32, #tpu.memory_space<vmem_shared>> -> memref<25008x64xf32, #tpu.memory_space<vmem_shared>>
        tpu.enqueue_indirect_dma source(%arg11 : memref<128x64xf32, #tpu.memory_space<vmem>>) target(%dma_start3A_97 : memref<25008x64xf32, #tpu.memory_space<vmem_shared>>) offsets(%arg9 : memref<128xi32, #tpu.memory_space<vmem>>) semaphore(%run_scoped3A : memref<!tpu.dma_semaphore, #tpu.memory_space<semaphore_mem>>) {add = true}
        %dma_wait3A_98 = arith.constant 0 : i32
        %dma_wait3A_99 = arith.constant 0 : i32
        %dma_wait3A_100 = tpu.memref_slice %arg13[%dma_wait3A_98, %dma_wait3A_99] : memref<25008x64xf32, #tpu.memory_space<vmem_shared>> -> memref<25008x64xf32, #tpu.memory_space<vmem_shared>>
        tpu.wait_indirect_dma semaphore(%run_scoped3A : memref<!tpu.dma_semaphore, #tpu.memory_space<semaphore_mem>>) src(%arg11 : memref<128x64xf32, #tpu.memory_space<vmem>>) dst(%dma_wait3A_100 : memref<25008x64xf32, #tpu.memory_space<vmem_shared>>)
        tpu.yield
      }) : () -> ()
      %lt3A_62 = arith.constant 195 : i32
      %lt3A_63 = arith.cmpi slt, %scan3A_39, %lt3A_62 : i32
      %convert_element_type3A_64 = arith.extui %lt3A_63 : i1 to i32
      %cond3A_65 = arith.constant 0 : i32
      %cond3A_66 = arith.cmpi ne, %convert_element_type3A_64, %cond3A_65 : i32
      scf.if %cond3A_66 {
        %add3A_95 = arith.constant 256 : i32
        %add3A_96 = arith.addi %add3A_46, %add3A_95 : i32
        %dma_start3A_97 = tpu.memref_slice %arg3[%add3A_96] : memref<802816xi32, #tpu.memory_space<hbm>> -> memref<128xi32, #tpu.memory_space<hbm>>
        %dma_start3A_98 = tpu.memref_slice %arg3[%add3A_96] : memref<802816xi32, #tpu.memory_space<hbm>> -> memref<128xi32, #tpu.memory_space<hbm>>
        tpu.enqueue_dma source(%dma_start3A_98 : memref<128xi32, #tpu.memory_space<hbm>>) target(%arg7 : memref<128xi32, #tpu.memory_space<vmem>>) target_semaphore(%arg14 : memref<!tpu.dma_semaphore, #tpu.memory_space<semaphore_mem>>)
        %dma_start3A_99 = arith.constant 0 : i32
        %dma_start3A_100 = tpu.memref_slice %arg2[%add3A_96, %dma_start3A_99] : memref<802816x64xf32, #tpu.memory_space<hbm>> -> memref<128x64xf32, #tpu.memory_space<hbm>>
        %dma_start3A_101 = arith.constant 0 : i32
        %dma_start3A_102 = tpu.memref_slice %arg2[%add3A_96, %dma_start3A_101] : memref<802816x64xf32, #tpu.memory_space<hbm>> -> memref<128x64xf32, #tpu.memory_space<hbm>>
        tpu.enqueue_dma source(%dma_start3A_102 : memref<128x64xf32, #tpu.memory_space<hbm>>) target(%arg11 : memref<128x64xf32, #tpu.memory_space<vmem>>) target_semaphore(%arg14 : memref<!tpu.dma_semaphore, #tpu.memory_space<semaphore_mem>>)
      } else {
      }
      %mul3A_67 = arith.constant 2 : i32
      %mul3A_68 = arith.muli %mul3A_67, %scan3A_39 : i32
      %add3A_69 = arith.constant 1 : i32
      %add3A_70 = arith.addi %mul3A_68, %add3A_69 : i32
      %mul3A_71 = arith.constant 128 : i32
      %mul3A_72 = arith.muli %add3A_70, %mul3A_71 : i32
      %add3A_73 = arith.addi %mul3A_10, %mul3A_72 : i32
      %dma_wait3A_74 = arith.constant 0 : i32
      %dma_wait3A_75 = tpu.memref_slice %arg3[%dma_wait3A_74] : memref<802816xi32, #tpu.memory_space<hbm>> -> memref<128xi32, #tpu.memory_space<hbm>>
      %dma_wait3A_76 = arith.constant 0 : i32
      %dma_wait3A_77 = tpu.memref_slice %arg3[%dma_wait3A_76] : memref<802816xi32, #tpu.memory_space<hbm>> -> memref<128xi32, #tpu.memory_space<hbm>>
      tpu.wait_dma2 semaphore(%arg15 : memref<!tpu.dma_semaphore, #tpu.memory_space<semaphore_mem>>) src(%dma_wait3A_77 : memref<128xi32, #tpu.memory_space<hbm>>) dst(%arg8 : memref<128xi32, #tpu.memory_space<vmem>>)
      %dma_wait3A_78 = arith.constant 0 : i32
      %dma_wait3A_79 = arith.constant 0 : i32
      %dma_wait3A_80 = tpu.memref_slice %arg2[%dma_wait3A_78, %dma_wait3A_79] : memref<802816x64xf32, #tpu.memory_space<hbm>> -> memref<128x64xf32, #tpu.memory_space<hbm>>
      %dma_wait3A_81 = arith.constant 0 : i32
      %dma_wait3A_82 = arith.constant 0 : i32
      %dma_wait3A_83 = tpu.memref_slice %arg2[%dma_wait3A_81, %dma_wait3A_82] : memref<802816x64xf32, #tpu.memory_space<hbm>> -> memref<128x64xf32, #tpu.memory_space<hbm>>
      tpu.wait_dma2 semaphore(%arg15 : memref<!tpu.dma_semaphore, #tpu.memory_space<semaphore_mem>>) src(%dma_wait3A_83 : memref<128x64xf32, #tpu.memory_space<hbm>>) dst(%arg12 : memref<128x64xf32, #tpu.memory_space<vmem>>)
      %scan3A_84 = arith.constant 0 : i32
      %scan3A_85 = arith.constant 0 : i32
      %scan3A_86 = arith.constant 8 : i32
      %scan3A_87 = arith.addi %scan3A_85, %scan3A_86 : i32
      %scan3A_88 = arith.constant 1 : i32
      scf.for %scan3A_95 = %scan3A_85 to %scan3A_87 step %scan3A_88  : i32 {
        %mul3A_96 = arith.constant 16 : i32
        %mul3A_97 = arith.muli %scan3A_95, %mul3A_96 : i32
        %get3A = arith.index_cast %mul3A_97 : i32 to index
        %get3A_98 = tpu.vector_load %arg8[%get3A] {strides = array<i32>} : memref<128xi32, #tpu.memory_space<vmem>>, vector<16xi32>,
        %get3A_99 = vector.shape_cast %get3A_98 : vector<16xi32> to vector<16xi32>
        %sub3A = vector.broadcast %mul3A_0 : i32 to vector<16xi32>
        %sub3A_100 = arith.subi %get3A_99, %sub3A : vector<16xi32>
        %ge3A = arith.constant 0 : i32
        %ge3A_101 = vector.broadcast %ge3A : i32 to vector<16xi32>
        %ge3A_102 = arith.cmpi sge, %sub3A_100, %ge3A_101 : vector<16xi32>
        %lt3A_103 = arith.constant 25000 : i32
        %lt3A_104 = vector.broadcast %lt3A_103 : i32 to vector<16xi32>
        %lt3A_105 = arith.cmpi slt, %sub3A_100, %lt3A_104 : vector<16xi32>
        %and3A = arith.andi %ge3A_102, %lt3A_105 : vector<16xi1>
        %jit3A = arith.constant 25000 : i32
        %broadcast_in_dim3A = vector.broadcast %jit3A : i32 to vector<16xi32>
        %select_n3A = arith.select %and3A, %sub3A_100, %broadcast_in_dim3A : vector<16xi1>, vector<16xi32>
        %mul3A_106 = arith.constant 16 : i32
        %mul3A_107 = arith.muli %scan3A_95, %mul3A_106 : i32
        %swap3A = arith.index_cast %mul3A_107 : i32 to index
        %swap3A_108 = tpu.vector_load %arg10[%swap3A] {strides = array<i32>} : memref<128xi32, #tpu.memory_space<vmem>>, vector<16xi32>,
        %swap3A_109 = vector.shape_cast %swap3A_108 : vector<16xi32> to vector<16xi32>
        %swap3A_110 = vector.shape_cast %select_n3A : vector<16xi32> to vector<16xi32>
        tpu.vector_store %arg10[%swap3A], %swap3A_110 {strides = array<i32>} : memref<128xi32, #tpu.memory_space<vmem>>, vector<16xi32>,
      }
      %scan3A_89 = arith.constant 8 : i32
      "tpu.region"() ({
        %run_scoped3A = tpu.sem_alloc : memref<!tpu.dma_semaphore, #tpu.memory_space<semaphore_mem>>
        %dma_start3A_95 = arith.constant 0 : i32
        %dma_start3A_96 = arith.constant 0 : i32
        %dma_start3A_97 = tpu.memref_slice %arg13[%dma_start3A_95, %dma_start3A_96] : memref<25008x64xf32, #tpu.memory_space<vmem_shared>> -> memref<25008x64xf32, #tpu.memory_space<vmem_shared>>
        tpu.enqueue_indirect_dma source(%arg12 : memref<128x64xf32, #tpu.memory_space<vmem>>) target(%dma_start3A_97 : memref<25008x64xf32, #tpu.memory_space<vmem_shared>>) offsets(%arg10 : memref<128xi32, #tpu.memory_space<vmem>>) semaphore(%run_scoped3A : memref<!tpu.dma_semaphore, #tpu.memory_space<semaphore_mem>>) {add = true}
        %dma_wait3A_98 = arith.constant 0 : i32
        %dma_wait3A_99 = arith.constant 0 : i32
        %dma_wait3A_100 = tpu.memref_slice %arg13[%dma_wait3A_98, %dma_wait3A_99] : memref<25008x64xf32, #tpu.memory_space<vmem_shared>> -> memref<25008x64xf32, #tpu.memory_space<vmem_shared>>
        tpu.wait_indirect_dma semaphore(%run_scoped3A : memref<!tpu.dma_semaphore, #tpu.memory_space<semaphore_mem>>) src(%arg12 : memref<128x64xf32, #tpu.memory_space<vmem>>) dst(%dma_wait3A_100 : memref<25008x64xf32, #tpu.memory_space<vmem_shared>>)
        tpu.yield
      }) : () -> ()
      %lt3A_90 = arith.constant 195 : i32
      %lt3A_91 = arith.cmpi slt, %scan3A_39, %lt3A_90 : i32
      %convert_element_type3A_92 = arith.extui %lt3A_91 : i1 to i32
      %cond3A_93 = arith.constant 0 : i32
      %cond3A_94 = arith.cmpi ne, %convert_element_type3A_92, %cond3A_93 : i32
      scf.if %cond3A_94 {
        %add3A_95 = arith.constant 256 : i32
        %add3A_96 = arith.addi %add3A_73, %add3A_95 : i32
        %dma_start3A_97 = tpu.memref_slice %arg3[%add3A_96] : memref<802816xi32, #tpu.memory_space<hbm>> -> memref<128xi32, #tpu.memory_space<hbm>>
        %dma_start3A_98 = tpu.memref_slice %arg3[%add3A_96] : memref<802816xi32, #tpu.memory_space<hbm>> -> memref<128xi32, #tpu.memory_space<hbm>>
        tpu.enqueue_dma source(%dma_start3A_98 : memref<128xi32, #tpu.memory_space<hbm>>) target(%arg8 : memref<128xi32, #tpu.memory_space<vmem>>) target_semaphore(%arg15 : memref<!tpu.dma_semaphore, #tpu.memory_space<semaphore_mem>>)
        %dma_start3A_99 = arith.constant 0 : i32
        %dma_start3A_100 = tpu.memref_slice %arg2[%add3A_96, %dma_start3A_99] : memref<802816x64xf32, #tpu.memory_space<hbm>> -> memref<128x64xf32, #tpu.memory_space<hbm>>
        %dma_start3A_101 = arith.constant 0 : i32
        %dma_start3A_102 = tpu.memref_slice %arg2[%add3A_96, %dma_start3A_101] : memref<802816x64xf32, #tpu.memory_space<hbm>> -> memref<128x64xf32, #tpu.memory_space<hbm>>
        tpu.enqueue_dma source(%dma_start3A_102 : memref<128x64xf32, #tpu.memory_space<hbm>>) target(%arg12 : memref<128x64xf32, #tpu.memory_space<vmem>>) target_semaphore(%arg15 : memref<!tpu.dma_semaphore, #tpu.memory_space<semaphore_mem>>)
      } else {
      }
    }
    %scan3A_27 = arith.constant 196 : i32
    %barrier3A_28 = arith.constant 0 : index
    tpu.barrier barrier_id(%barrier3A_28)
    %lt3A_29 = arith.constant 15 : i32
    %lt3A_30 = arith.cmpi slt, %arg1, %lt3A_29 : i32
    %convert_element_type3A_31 = arith.extui %lt3A_30 : i1 to i32
    %cond3A_32 = arith.constant 0 : i32
    %cond3A_33 = arith.cmpi ne, %convert_element_type3A_31, %cond3A_32 : i32
    scf.if %cond3A_33 {
      %add3A_39 = arith.addi %mul3A_0, %mul3A_2 : i32
      "tpu.region"() ({
        %run_scoped3A = tpu.sem_alloc : memref<!tpu.dma_semaphore, #tpu.memory_space<semaphore_mem>>
        %dma_start3A_40 = arith.constant 0 : i32
        %dma_start3A_41 = tpu.memref_slice %arg6[%add3A_39, %dma_start3A_40] : memref<50000x64xf32, #tpu.memory_space<hbm>> -> memref<1568x64xf32, #tpu.memory_space<hbm>>
        %dma_start3A_42 = arith.constant 0 : i32
        %dma_start3A_43 = tpu.memref_slice %arg13[%mul3A_2, %dma_start3A_42] : memref<25008x64xf32, #tpu.memory_space<vmem_shared>> -> memref<1568x64xf32, #tpu.memory_space<vmem_shared>>
        tpu.enqueue_dma source(%dma_start3A_43 : memref<1568x64xf32, #tpu.memory_space<vmem_shared>>) target(%dma_start3A_41 : memref<1568x64xf32, #tpu.memory_space<hbm>>) target_semaphore(%run_scoped3A : memref<!tpu.dma_semaphore, #tpu.memory_space<semaphore_mem>>)
        %dma_wait3A = arith.constant 0 : i32
        %dma_wait3A_44 = tpu.memref_slice %arg6[%add3A_39, %dma_wait3A] : memref<50000x64xf32, #tpu.memory_space<hbm>> -> memref<1568x64xf32, #tpu.memory_space<hbm>>
        %dma_wait3A_45 = arith.constant 0 : i32
        %dma_wait3A_46 = tpu.memref_slice %arg13[%mul3A_2, %dma_wait3A_45] : memref<25008x64xf32, #tpu.memory_space<vmem_shared>> -> memref<1568x64xf32, #tpu.memory_space<vmem_shared>>
        tpu.wait_dma2 semaphore(%run_scoped3A : memref<!tpu.dma_semaphore, #tpu.memory_space<semaphore_mem>>) src(%dma_wait3A_46 : memref<1568x64xf32, #tpu.memory_space<vmem_shared>>) dst(%dma_wait3A_44 : memref<1568x64xf32, #tpu.memory_space<hbm>>)
        tpu.yield
      }) : () -> ()
    } else {
    }
    %eq3A_34 = arith.constant 15 : i32
    %eq3A_35 = arith.cmpi eq, %arg1, %eq3A_34 : i32
    %convert_element_type3A_36 = arith.extui %eq3A_35 : i1 to i32
    %cond3A_37 = arith.constant 0 : i32
    %cond3A_38 = arith.cmpi ne, %convert_element_type3A_36, %cond3A_37 : i32
    scf.if %cond3A_38 {
      %add3A_39 = arith.addi %mul3A_0, %mul3A_2 : i32
      "tpu.region"() ({
        %run_scoped3A = tpu.sem_alloc : memref<!tpu.dma_semaphore, #tpu.memory_space<semaphore_mem>>
        %dma_start3A_40 = arith.constant 0 : i32
        %dma_start3A_41 = tpu.memref_slice %arg6[%add3A_39, %dma_start3A_40] : memref<50000x64xf32, #tpu.memory_space<hbm>> -> memref<1480x64xf32, #tpu.memory_space<hbm>>
        %dma_start3A_42 = arith.constant 0 : i32
        %dma_start3A_43 = tpu.memref_slice %arg13[%mul3A_2, %dma_start3A_42] : memref<25008x64xf32, #tpu.memory_space<vmem_shared>> -> memref<1480x64xf32, #tpu.memory_space<vmem_shared>>
        tpu.enqueue_dma source(%dma_start3A_43 : memref<1480x64xf32, #tpu.memory_space<vmem_shared>>) target(%dma_start3A_41 : memref<1480x64xf32, #tpu.memory_space<hbm>>) target_semaphore(%run_scoped3A : memref<!tpu.dma_semaphore, #tpu.memory_space<semaphore_mem>>)
        %dma_wait3A = arith.constant 0 : i32
        %dma_wait3A_44 = tpu.memref_slice %arg6[%add3A_39, %dma_wait3A] : memref<50000x64xf32, #tpu.memory_space<hbm>> -> memref<1480x64xf32, #tpu.memory_space<hbm>>
        %dma_wait3A_45 = arith.constant 0 : i32
        %dma_wait3A_46 = tpu.memref_slice %arg13[%mul3A_2, %dma_wait3A_45] : memref<25008x64xf32, #tpu.memory_space<vmem_shared>> -> memref<1480x64xf32, #tpu.memory_space<vmem_shared>>
        tpu.wait_dma2 semaphore(%run_scoped3A : memref<!tpu.dma_semaphore, #tpu.memory_space<semaphore_mem>>) src(%dma_wait3A_46 : memref<1480x64xf32, #tpu.memory_space<vmem_shared>>) dst(%dma_wait3A_44 : memref<1480x64xf32, #tpu.memory_space<hbm>>)
        tpu.yield
      }) : () -> ()
    } else {
    }
    return
  }
}

#map = affine_map<(d0, d1) -> (0, 0)>
#map1 = affine_map<(d0, d1) -> (0)>
module attributes {stable_mosaic.version = 14 : i64} {
  func.func @k(%arg0: i32, %arg1: i32, %arg2: memref<802816x16xf32, #tpu.memory_space<hbm>>, %arg3: memref<802816xi32, #tpu.memory_space<hbm>>, %arg4: memref<25008x16xf32, #tpu.memory_space<hbm>>, %arg5: memref<8x64xf32, #tpu.memory_space<hbm>>, %arg6: memref<50000x16xf32, #tpu.memory_space<hbm>>, %arg7: memref<128xi32, #tpu.memory_space<vmem>>, %arg8: memref<128xi32, #tpu.memory_space<vmem>>, %arg9: memref<128xi32, #tpu.memory_space<vmem>>, %arg10: memref<128xi32, #tpu.memory_space<vmem>>, %arg11: memref<128x16xf32, #tpu.memory_space<vmem>>, %arg12: memref<128x16xf32, #tpu.memory_space<vmem>>, %arg13: memref<25008x16xf32, #tpu.memory_space<vmem_shared>>, %arg14: memref<!tpu.dma_semaphore, #tpu.memory_space<semaphore_mem>>, %arg15: memref<!tpu.dma_semaphore, #tpu.memory_space<semaphore_mem>>) attributes {dimension_semantics = [#tpu.dimension_semantics<core_parallel>, #tpu.dimension_semantics<subcore_parallel>], iteration_bounds = array<i64: 2, 16>, scalar_prefetch = 0 : i64, scratch_operands = 9 : i64, tpu.core_type = #tpu.core_type<sc_vector_subcore>, window_params = [{transform_indices = #map}, {transform_indices = #map1}, {transform_indices = #map}, {transform_indices = #map}, {transform_indices = #map}]} {
    %mul3A = arith.constant 25000 : i32
    %mul3A_0 = arith.muli %arg0, %mul3A : i32
    %mul3A_1 = arith.constant 1568 : i32
    %mul3A_2 = arith.muli %arg1, %mul3A_1 : i32
    %lt3A = arith.constant 15 : i32
    %lt3A_3 = arith.cmpi slt, %arg1, %lt3A : i32
    %convert_element_type3A = arith.extui %lt3A_3 : i1 to i32
    %cond3A = arith.constant 0 : i32
    %cond3A_4 = arith.cmpi ne, %convert_element_type3A, %cond3A : i32
    scf.if %cond3A_4 {
      "tpu.region"() ({
        %run_scoped3A = tpu.sem_alloc : memref<!tpu.dma_semaphore, #tpu.memory_space<semaphore_mem>>
        %dma_start3A_39 = arith.constant 0 : i32
        %dma_start3A_40 = tpu.memref_slice %arg13[%mul3A_2, %dma_start3A_39] : memref<25008x16xf32, #tpu.memory_space<vmem_shared>> -> memref<1568x16xf32, #tpu.memory_space<vmem_shared>>
        %dma_start3A_41 = arith.constant 0 : i32
        %dma_start3A_42 = tpu.memref_slice %arg4[%mul3A_2, %dma_start3A_41] : memref<25008x16xf32, #tpu.memory_space<hbm>> -> memref<1568x16xf32, #tpu.memory_space<hbm>>
        tpu.enqueue_dma source(%dma_start3A_42 : memref<1568x16xf32, #tpu.memory_space<hbm>>) target(%dma_start3A_40 : memref<1568x16xf32, #tpu.memory_space<vmem_shared>>) target_semaphore(%run_scoped3A : memref<!tpu.dma_semaphore, #tpu.memory_space<semaphore_mem>>)
        %dma_wait3A = arith.constant 0 : i32
        %dma_wait3A_43 = tpu.memref_slice %arg13[%mul3A_2, %dma_wait3A] : memref<25008x16xf32, #tpu.memory_space<vmem_shared>> -> memref<1568x16xf32, #tpu.memory_space<vmem_shared>>
        %dma_wait3A_44 = arith.constant 0 : i32
        %dma_wait3A_45 = tpu.memref_slice %arg4[%mul3A_2, %dma_wait3A_44] : memref<25008x16xf32, #tpu.memory_space<hbm>> -> memref<1568x16xf32, #tpu.memory_space<hbm>>
        tpu.wait_dma2 semaphore(%run_scoped3A : memref<!tpu.dma_semaphore, #tpu.memory_space<semaphore_mem>>) src(%dma_wait3A_45 : memref<1568x16xf32, #tpu.memory_space<hbm>>) dst(%dma_wait3A_43 : memref<1568x16xf32, #tpu.memory_space<vmem_shared>>)
        tpu.yield
      }) : () -> ()
    } else {
    }
    %eq3A = arith.constant 15 : i32
    %eq3A_5 = arith.cmpi eq, %arg1, %eq3A : i32
    %convert_element_type3A_6 = arith.extui %eq3A_5 : i1 to i32
    %cond3A_7 = arith.constant 0 : i32
    %cond3A_8 = arith.cmpi ne, %convert_element_type3A_6, %cond3A_7 : i32
    scf.if %cond3A_8 {
      "tpu.region"() ({
        %run_scoped3A = tpu.sem_alloc : memref<!tpu.dma_semaphore, #tpu.memory_space<semaphore_mem>>
        %dma_start3A_39 = arith.constant 0 : i32
        %dma_start3A_40 = tpu.memref_slice %arg13[%mul3A_2, %dma_start3A_39] : memref<25008x16xf32, #tpu.memory_space<vmem_shared>> -> memref<1488x16xf32, #tpu.memory_space<vmem_shared>>
        %dma_start3A_41 = arith.constant 0 : i32
        %dma_start3A_42 = tpu.memref_slice %arg4[%mul3A_2, %dma_start3A_41] : memref<25008x16xf32, #tpu.memory_space<hbm>> -> memref<1488x16xf32, #tpu.memory_space<hbm>>
        tpu.enqueue_dma source(%dma_start3A_42 : memref<1488x16xf32, #tpu.memory_space<hbm>>) target(%dma_start3A_40 : memref<1488x16xf32, #tpu.memory_space<vmem_shared>>) target_semaphore(%run_scoped3A : memref<!tpu.dma_semaphore, #tpu.memory_space<semaphore_mem>>)
        %dma_wait3A = arith.constant 0 : i32
        %dma_wait3A_43 = tpu.memref_slice %arg13[%mul3A_2, %dma_wait3A] : memref<25008x16xf32, #tpu.memory_space<vmem_shared>> -> memref<1488x16xf32, #tpu.memory_space<vmem_shared>>
        %dma_wait3A_44 = arith.constant 0 : i32
        %dma_wait3A_45 = tpu.memref_slice %arg4[%mul3A_2, %dma_wait3A_44] : memref<25008x16xf32, #tpu.memory_space<hbm>> -> memref<1488x16xf32, #tpu.memory_space<hbm>>
        tpu.wait_dma2 semaphore(%run_scoped3A : memref<!tpu.dma_semaphore, #tpu.memory_space<semaphore_mem>>) src(%dma_wait3A_45 : memref<1488x16xf32, #tpu.memory_space<hbm>>) dst(%dma_wait3A_43 : memref<1488x16xf32, #tpu.memory_space<vmem_shared>>)
        tpu.yield
      }) : () -> ()
    } else {
    }
    %barrier3A = arith.constant 0 : index
    tpu.barrier barrier_id(%barrier3A)
    %mul3A_9 = arith.constant 50176 : i32
    %mul3A_10 = arith.muli %arg1, %mul3A_9 : i32
    %dma_start3A = tpu.memref_slice %arg3[%mul3A_10] : memref<802816xi32, #tpu.memory_space<hbm>> -> memref<128xi32, #tpu.memory_space<hbm>>
    %dma_start3A_11 = tpu.memref_slice %arg3[%mul3A_10] : memref<802816xi32, #tpu.memory_space<hbm>> -> memref<128xi32, #tpu.memory_space<hbm>>
    tpu.enqueue_dma source(%dma_start3A_11 : memref<128xi32, #tpu.memory_space<hbm>>) target(%arg7 : memref<128xi32, #tpu.memory_space<vmem>>) target_semaphore(%arg14 : memref<!tpu.dma_semaphore, #tpu.memory_space<semaphore_mem>>)
    %dma_start3A_12 = arith.constant 0 : i32
    %dma_start3A_13 = tpu.memref_slice %arg2[%mul3A_10, %dma_start3A_12] : memref<802816x16xf32, #tpu.memory_space<hbm>> -> memref<128x16xf32, #tpu.memory_space<hbm>>
    %dma_start3A_14 = arith.constant 0 : i32
    %dma_start3A_15 = tpu.memref_slice %arg2[%mul3A_10, %dma_start3A_14] : memref<802816x16xf32, #tpu.memory_space<hbm>> -> memref<128x16xf32, #tpu.memory_space<hbm>>
    tpu.enqueue_dma source(%dma_start3A_15 : memref<128x16xf32, #tpu.memory_space<hbm>>) target(%arg11 : memref<128x16xf32, #tpu.memory_space<vmem>>) target_semaphore(%arg14 : memref<!tpu.dma_semaphore, #tpu.memory_space<semaphore_mem>>)
    %add3A = arith.constant 128 : i32
    %add3A_16 = arith.addi %mul3A_10, %add3A : i32
    %dma_start3A_17 = tpu.memref_slice %arg3[%add3A_16] : memref<802816xi32, #tpu.memory_space<hbm>> -> memref<128xi32, #tpu.memory_space<hbm>>
    %dma_start3A_18 = tpu.memref_slice %arg3[%add3A_16] : memref<802816xi32, #tpu.memory_space<hbm>> -> memref<128xi32, #tpu.memory_space<hbm>>
    tpu.enqueue_dma source(%dma_start3A_18 : memref<128xi32, #tpu.memory_space<hbm>>) target(%arg8 : memref<128xi32, #tpu.memory_space<vmem>>) target_semaphore(%arg15 : memref<!tpu.dma_semaphore, #tpu.memory_space<semaphore_mem>>)
    %dma_start3A_19 = arith.constant 0 : i32
    %dma_start3A_20 = tpu.memref_slice %arg2[%add3A_16, %dma_start3A_19] : memref<802816x16xf32, #tpu.memory_space<hbm>> -> memref<128x16xf32, #tpu.memory_space<hbm>>
    %dma_start3A_21 = arith.constant 0 : i32
    %dma_start3A_22 = tpu.memref_slice %arg2[%add3A_16, %dma_start3A_21] : memref<802816x16xf32, #tpu.memory_space<hbm>> -> memref<128x16xf32, #tpu.memory_space<hbm>>
    tpu.enqueue_dma source(%dma_start3A_22 : memref<128x16xf32, #tpu.memory_space<hbm>>) target(%arg12 : memref<128x16xf32, #tpu.memory_space<vmem>>) target_semaphore(%arg15 : memref<!tpu.dma_semaphore, #tpu.memory_space<semaphore_mem>>)
    %scan3A = arith.constant 0 : i32
    %scan3A_23 = arith.constant 0 : i32
    %scan3A_24 = arith.constant 196 : i32
    %scan3A_25 = arith.addi %scan3A_23, %scan3A_24 : i32
    %scan3A_26 = arith.constant 1 : i32
    scf.for %scan3A_39 = %scan3A_23 to %scan3A_25 step %scan3A_26  : i32 {
      %mul3A_40 = arith.constant 2 : i32
      %mul3A_41 = arith.muli %mul3A_40, %scan3A_39 : i32
      %add3A_42 = arith.constant 0 : i32
      %add3A_43 = arith.addi %mul3A_41, %add3A_42 : i32
      %mul3A_44 = arith.constant 128 : i32
      %mul3A_45 = arith.muli %add3A_43, %mul3A_44 : i32
      %add3A_46 = arith.addi %mul3A_10, %mul3A_45 : i32
      %dma_wait3A = arith.constant 0 : i32
      %dma_wait3A_47 = tpu.memref_slice %arg3[%dma_wait3A] : memref<802816xi32, #tpu.memory_space<hbm>> -> memref<128xi32, #tpu.memory_space<hbm>>
      %dma_wait3A_48 = arith.constant 0 : i32
      %dma_wait3A_49 = tpu.memref_slice %arg3[%dma_wait3A_48] : memref<802816xi32, #tpu.memory_space<hbm>> -> memref<128xi32, #tpu.memory_space<hbm>>
      tpu.wait_dma2 semaphore(%arg14 : memref<!tpu.dma_semaphore, #tpu.memory_space<semaphore_mem>>) src(%dma_wait3A_49 : memref<128xi32, #tpu.memory_space<hbm>>) dst(%arg7 : memref<128xi32, #tpu.memory_space<vmem>>)
      %dma_wait3A_50 = arith.constant 0 : i32
      %dma_wait3A_51 = arith.constant 0 : i32
      %dma_wait3A_52 = tpu.memref_slice %arg2[%dma_wait3A_50, %dma_wait3A_51] : memref<802816x16xf32, #tpu.memory_space<hbm>> -> memref<128x16xf32, #tpu.memory_space<hbm>>
      %dma_wait3A_53 = arith.constant 0 : i32
      %dma_wait3A_54 = arith.constant 0 : i32
      %dma_wait3A_55 = tpu.memref_slice %arg2[%dma_wait3A_53, %dma_wait3A_54] : memref<802816x16xf32, #tpu.memory_space<hbm>> -> memref<128x16xf32, #tpu.memory_space<hbm>>
      tpu.wait_dma2 semaphore(%arg14 : memref<!tpu.dma_semaphore, #tpu.memory_space<semaphore_mem>>) src(%dma_wait3A_55 : memref<128x16xf32, #tpu.memory_space<hbm>>) dst(%arg11 : memref<128x16xf32, #tpu.memory_space<vmem>>)
      %scan3A_56 = arith.constant 0 : i32
      %scan3A_57 = arith.constant 0 : i32
      %scan3A_58 = arith.constant 8 : i32
      %scan3A_59 = arith.addi %scan3A_57, %scan3A_58 : i32
      %scan3A_60 = arith.constant 1 : i32
      scf.for %scan3A_95 = %scan3A_57 to %scan3A_59 step %scan3A_60  : i32 {
        %mul3A_96 = arith.constant 16 : i32
        %mul3A_97 = arith.muli %scan3A_95, %mul3A_96 : i32
        %get3A = arith.index_cast %mul3A_97 : i32 to index
        %get3A_98 = tpu.vector_load %arg7[%get3A] {strides = array<i32>} : memref<128xi32, #tpu.memory_space<vmem>>, vector<16xi32>,
        %get3A_99 = vector.shape_cast %get3A_98 : vector<16xi32> to vector<16xi32>
        %sub3A = vector.broadcast %mul3A_0 : i32 to vector<16xi32>
        %sub3A_100 = arith.subi %get3A_99, %sub3A : vector<16xi32>
        %ge3A = arith.constant 0 : i32
        %ge3A_101 = vector.broadcast %ge3A : i32 to vector<16xi32>
        %ge3A_102 = arith.cmpi sge, %sub3A_100, %ge3A_101 : vector<16xi32>
        %lt3A_103 = arith.constant 25000 : i32
        %lt3A_104 = vector.broadcast %lt3A_103 : i32 to vector<16xi32>
        %lt3A_105 = arith.cmpi slt, %sub3A_100, %lt3A_104 : vector<16xi32>
        %and3A = arith.andi %ge3A_102, %lt3A_105 : vector<16xi1>
        %jit3A = arith.constant 25000 : i32
        %broadcast_in_dim3A = vector.broadcast %jit3A : i32 to vector<16xi32>
        %select_n3A = arith.select %and3A, %sub3A_100, %broadcast_in_dim3A : vector<16xi1>, vector<16xi32>
        %mul3A_106 = arith.constant 16 : i32
        %mul3A_107 = arith.muli %scan3A_95, %mul3A_106 : i32
        %swap3A = arith.index_cast %mul3A_107 : i32 to index
        %swap3A_108 = tpu.vector_load %arg9[%swap3A] {strides = array<i32>} : memref<128xi32, #tpu.memory_space<vmem>>, vector<16xi32>,
        %swap3A_109 = vector.shape_cast %swap3A_108 : vector<16xi32> to vector<16xi32>
        %swap3A_110 = vector.shape_cast %select_n3A : vector<16xi32> to vector<16xi32>
        tpu.vector_store %arg9[%swap3A], %swap3A_110 {strides = array<i32>} : memref<128xi32, #tpu.memory_space<vmem>>, vector<16xi32>,
      }
      %scan3A_61 = arith.constant 8 : i32
      "tpu.region"() ({
        %run_scoped3A = tpu.sem_alloc : memref<!tpu.dma_semaphore, #tpu.memory_space<semaphore_mem>>
        %dma_start3A_95 = arith.constant 0 : i32
        %dma_start3A_96 = arith.constant 0 : i32
        %dma_start3A_97 = tpu.memref_slice %arg13[%dma_start3A_95, %dma_start3A_96] : memref<25008x16xf32, #tpu.memory_space<vmem_shared>> -> memref<25008x16xf32, #tpu.memory_space<vmem_shared>>
        tpu.enqueue_indirect_dma source(%arg11 : memref<128x16xf32, #tpu.memory_space<vmem>>) target(%dma_start3A_97 : memref<25008x16xf32, #tpu.memory_space<vmem_shared>>) offsets(%arg9 : memref<128xi32, #tpu.memory_space<vmem>>) semaphore(%run_scoped3A : memref<!tpu.dma_semaphore, #tpu.memory_space<semaphore_mem>>) {add = true}
        %dma_wait3A_98 = arith.constant 0 : i32
        %dma_wait3A_99 = arith.constant 0 : i32
        %dma_wait3A_100 = tpu.memref_slice %arg13[%dma_wait3A_98, %dma_wait3A_99] : memref<25008x16xf32, #tpu.memory_space<vmem_shared>> -> memref<25008x16xf32, #tpu.memory_space<vmem_shared>>
        tpu.wait_indirect_dma semaphore(%run_scoped3A : memref<!tpu.dma_semaphore, #tpu.memory_space<semaphore_mem>>) src(%arg11 : memref<128x16xf32, #tpu.memory_space<vmem>>) dst(%dma_wait3A_100 : memref<25008x16xf32, #tpu.memory_space<vmem_shared>>)
        tpu.yield
      }) : () -> ()
      %lt3A_62 = arith.constant 195 : i32
      %lt3A_63 = arith.cmpi slt, %scan3A_39, %lt3A_62 : i32
      %convert_element_type3A_64 = arith.extui %lt3A_63 : i1 to i32
      %cond3A_65 = arith.constant 0 : i32
      %cond3A_66 = arith.cmpi ne, %convert_element_type3A_64, %cond3A_65 : i32
      scf.if %cond3A_66 {
        %add3A_95 = arith.constant 256 : i32
        %add3A_96 = arith.addi %add3A_46, %add3A_95 : i32
        %dma_start3A_97 = tpu.memref_slice %arg3[%add3A_96] : memref<802816xi32, #tpu.memory_space<hbm>> -> memref<128xi32, #tpu.memory_space<hbm>>
        %dma_start3A_98 = tpu.memref_slice %arg3[%add3A_96] : memref<802816xi32, #tpu.memory_space<hbm>> -> memref<128xi32, #tpu.memory_space<hbm>>
        tpu.enqueue_dma source(%dma_start3A_98 : memref<128xi32, #tpu.memory_space<hbm>>) target(%arg7 : memref<128xi32, #tpu.memory_space<vmem>>) target_semaphore(%arg14 : memref<!tpu.dma_semaphore, #tpu.memory_space<semaphore_mem>>)
        %dma_start3A_99 = arith.constant 0 : i32
        %dma_start3A_100 = tpu.memref_slice %arg2[%add3A_96, %dma_start3A_99] : memref<802816x16xf32, #tpu.memory_space<hbm>> -> memref<128x16xf32, #tpu.memory_space<hbm>>
        %dma_start3A_101 = arith.constant 0 : i32
        %dma_start3A_102 = tpu.memref_slice %arg2[%add3A_96, %dma_start3A_101] : memref<802816x16xf32, #tpu.memory_space<hbm>> -> memref<128x16xf32, #tpu.memory_space<hbm>>
        tpu.enqueue_dma source(%dma_start3A_102 : memref<128x16xf32, #tpu.memory_space<hbm>>) target(%arg11 : memref<128x16xf32, #tpu.memory_space<vmem>>) target_semaphore(%arg14 : memref<!tpu.dma_semaphore, #tpu.memory_space<semaphore_mem>>)
      } else {
      }
      %mul3A_67 = arith.constant 2 : i32
      %mul3A_68 = arith.muli %mul3A_67, %scan3A_39 : i32
      %add3A_69 = arith.constant 1 : i32
      %add3A_70 = arith.addi %mul3A_68, %add3A_69 : i32
      %mul3A_71 = arith.constant 128 : i32
      %mul3A_72 = arith.muli %add3A_70, %mul3A_71 : i32
      %add3A_73 = arith.addi %mul3A_10, %mul3A_72 : i32
      %dma_wait3A_74 = arith.constant 0 : i32
      %dma_wait3A_75 = tpu.memref_slice %arg3[%dma_wait3A_74] : memref<802816xi32, #tpu.memory_space<hbm>> -> memref<128xi32, #tpu.memory_space<hbm>>
      %dma_wait3A_76 = arith.constant 0 : i32
      %dma_wait3A_77 = tpu.memref_slice %arg3[%dma_wait3A_76] : memref<802816xi32, #tpu.memory_space<hbm>> -> memref<128xi32, #tpu.memory_space<hbm>>
      tpu.wait_dma2 semaphore(%arg15 : memref<!tpu.dma_semaphore, #tpu.memory_space<semaphore_mem>>) src(%dma_wait3A_77 : memref<128xi32, #tpu.memory_space<hbm>>) dst(%arg8 : memref<128xi32, #tpu.memory_space<vmem>>)
      %dma_wait3A_78 = arith.constant 0 : i32
      %dma_wait3A_79 = arith.constant 0 : i32
      %dma_wait3A_80 = tpu.memref_slice %arg2[%dma_wait3A_78, %dma_wait3A_79] : memref<802816x16xf32, #tpu.memory_space<hbm>> -> memref<128x16xf32, #tpu.memory_space<hbm>>
      %dma_wait3A_81 = arith.constant 0 : i32
      %dma_wait3A_82 = arith.constant 0 : i32
      %dma_wait3A_83 = tpu.memref_slice %arg2[%dma_wait3A_81, %dma_wait3A_82] : memref<802816x16xf32, #tpu.memory_space<hbm>> -> memref<128x16xf32, #tpu.memory_space<hbm>>
      tpu.wait_dma2 semaphore(%arg15 : memref<!tpu.dma_semaphore, #tpu.memory_space<semaphore_mem>>) src(%dma_wait3A_83 : memref<128x16xf32, #tpu.memory_space<hbm>>) dst(%arg12 : memref<128x16xf32, #tpu.memory_space<vmem>>)
      %scan3A_84 = arith.constant 0 : i32
      %scan3A_85 = arith.constant 0 : i32
      %scan3A_86 = arith.constant 8 : i32
      %scan3A_87 = arith.addi %scan3A_85, %scan3A_86 : i32
      %scan3A_88 = arith.constant 1 : i32
      scf.for %scan3A_95 = %scan3A_85 to %scan3A_87 step %scan3A_88  : i32 {
        %mul3A_96 = arith.constant 16 : i32
        %mul3A_97 = arith.muli %scan3A_95, %mul3A_96 : i32
        %get3A = arith.index_cast %mul3A_97 : i32 to index
        %get3A_98 = tpu.vector_load %arg8[%get3A] {strides = array<i32>} : memref<128xi32, #tpu.memory_space<vmem>>, vector<16xi32>,
        %get3A_99 = vector.shape_cast %get3A_98 : vector<16xi32> to vector<16xi32>
        %sub3A = vector.broadcast %mul3A_0 : i32 to vector<16xi32>
        %sub3A_100 = arith.subi %get3A_99, %sub3A : vector<16xi32>
        %ge3A = arith.constant 0 : i32
        %ge3A_101 = vector.broadcast %ge3A : i32 to vector<16xi32>
        %ge3A_102 = arith.cmpi sge, %sub3A_100, %ge3A_101 : vector<16xi32>
        %lt3A_103 = arith.constant 25000 : i32
        %lt3A_104 = vector.broadcast %lt3A_103 : i32 to vector<16xi32>
        %lt3A_105 = arith.cmpi slt, %sub3A_100, %lt3A_104 : vector<16xi32>
        %and3A = arith.andi %ge3A_102, %lt3A_105 : vector<16xi1>
        %jit3A = arith.constant 25000 : i32
        %broadcast_in_dim3A = vector.broadcast %jit3A : i32 to vector<16xi32>
        %select_n3A = arith.select %and3A, %sub3A_100, %broadcast_in_dim3A : vector<16xi1>, vector<16xi32>
        %mul3A_106 = arith.constant 16 : i32
        %mul3A_107 = arith.muli %scan3A_95, %mul3A_106 : i32
        %swap3A = arith.index_cast %mul3A_107 : i32 to index
        %swap3A_108 = tpu.vector_load %arg10[%swap3A] {strides = array<i32>} : memref<128xi32, #tpu.memory_space<vmem>>, vector<16xi32>,
        %swap3A_109 = vector.shape_cast %swap3A_108 : vector<16xi32> to vector<16xi32>
        %swap3A_110 = vector.shape_cast %select_n3A : vector<16xi32> to vector<16xi32>
        tpu.vector_store %arg10[%swap3A], %swap3A_110 {strides = array<i32>} : memref<128xi32, #tpu.memory_space<vmem>>, vector<16xi32>,
      }
      %scan3A_89 = arith.constant 8 : i32
      "tpu.region"() ({
        %run_scoped3A = tpu.sem_alloc : memref<!tpu.dma_semaphore, #tpu.memory_space<semaphore_mem>>
        %dma_start3A_95 = arith.constant 0 : i32
        %dma_start3A_96 = arith.constant 0 : i32
        %dma_start3A_97 = tpu.memref_slice %arg13[%dma_start3A_95, %dma_start3A_96] : memref<25008x16xf32, #tpu.memory_space<vmem_shared>> -> memref<25008x16xf32, #tpu.memory_space<vmem_shared>>
        tpu.enqueue_indirect_dma source(%arg12 : memref<128x16xf32, #tpu.memory_space<vmem>>) target(%dma_start3A_97 : memref<25008x16xf32, #tpu.memory_space<vmem_shared>>) offsets(%arg10 : memref<128xi32, #tpu.memory_space<vmem>>) semaphore(%run_scoped3A : memref<!tpu.dma_semaphore, #tpu.memory_space<semaphore_mem>>) {add = true}
        %dma_wait3A_98 = arith.constant 0 : i32
        %dma_wait3A_99 = arith.constant 0 : i32
        %dma_wait3A_100 = tpu.memref_slice %arg13[%dma_wait3A_98, %dma_wait3A_99] : memref<25008x16xf32, #tpu.memory_space<vmem_shared>> -> memref<25008x16xf32, #tpu.memory_space<vmem_shared>>
        tpu.wait_indirect_dma semaphore(%run_scoped3A : memref<!tpu.dma_semaphore, #tpu.memory_space<semaphore_mem>>) src(%arg12 : memref<128x16xf32, #tpu.memory_space<vmem>>) dst(%dma_wait3A_100 : memref<25008x16xf32, #tpu.memory_space<vmem_shared>>)
        tpu.yield
      }) : () -> ()
      %lt3A_90 = arith.constant 195 : i32
      %lt3A_91 = arith.cmpi slt, %scan3A_39, %lt3A_90 : i32
      %convert_element_type3A_92 = arith.extui %lt3A_91 : i1 to i32
      %cond3A_93 = arith.constant 0 : i32
      %cond3A_94 = arith.cmpi ne, %convert_element_type3A_92, %cond3A_93 : i32
      scf.if %cond3A_94 {
        %add3A_95 = arith.constant 256 : i32
        %add3A_96 = arith.addi %add3A_73, %add3A_95 : i32
        %dma_start3A_97 = tpu.memref_slice %arg3[%add3A_96] : memref<802816xi32, #tpu.memory_space<hbm>> -> memref<128xi32, #tpu.memory_space<hbm>>
        %dma_start3A_98 = tpu.memref_slice %arg3[%add3A_96] : memref<802816xi32, #tpu.memory_space<hbm>> -> memref<128xi32, #tpu.memory_space<hbm>>
        tpu.enqueue_dma source(%dma_start3A_98 : memref<128xi32, #tpu.memory_space<hbm>>) target(%arg8 : memref<128xi32, #tpu.memory_space<vmem>>) target_semaphore(%arg15 : memref<!tpu.dma_semaphore, #tpu.memory_space<semaphore_mem>>)
        %dma_start3A_99 = arith.constant 0 : i32
        %dma_start3A_100 = tpu.memref_slice %arg2[%add3A_96, %dma_start3A_99] : memref<802816x16xf32, #tpu.memory_space<hbm>> -> memref<128x16xf32, #tpu.memory_space<hbm>>
        %dma_start3A_101 = arith.constant 0 : i32
        %dma_start3A_102 = tpu.memref_slice %arg2[%add3A_96, %dma_start3A_101] : memref<802816x16xf32, #tpu.memory_space<hbm>> -> memref<128x16xf32, #tpu.memory_space<hbm>>
        tpu.enqueue_dma source(%dma_start3A_102 : memref<128x16xf32, #tpu.memory_space<hbm>>) target(%arg12 : memref<128x16xf32, #tpu.memory_space<vmem>>) target_semaphore(%arg15 : memref<!tpu.dma_semaphore, #tpu.memory_space<semaphore_mem>>)
      } else {
      }
    }
    %scan3A_27 = arith.constant 196 : i32
    %barrier3A_28 = arith.constant 0 : index
    tpu.barrier barrier_id(%barrier3A_28)
    %lt3A_29 = arith.constant 15 : i32
    %lt3A_30 = arith.cmpi slt, %arg1, %lt3A_29 : i32
    %convert_element_type3A_31 = arith.extui %lt3A_30 : i1 to i32
    %cond3A_32 = arith.constant 0 : i32
    %cond3A_33 = arith.cmpi ne, %convert_element_type3A_31, %cond3A_32 : i32
    scf.if %cond3A_33 {
      %add3A_39 = arith.addi %mul3A_0, %mul3A_2 : i32
      "tpu.region"() ({
        %run_scoped3A = tpu.sem_alloc : memref<!tpu.dma_semaphore, #tpu.memory_space<semaphore_mem>>
        %dma_start3A_40 = arith.constant 0 : i32
        %dma_start3A_41 = tpu.memref_slice %arg6[%add3A_39, %dma_start3A_40] : memref<50000x16xf32, #tpu.memory_space<hbm>> -> memref<1568x16xf32, #tpu.memory_space<hbm>>
        %dma_start3A_42 = arith.constant 0 : i32
        %dma_start3A_43 = tpu.memref_slice %arg13[%mul3A_2, %dma_start3A_42] : memref<25008x16xf32, #tpu.memory_space<vmem_shared>> -> memref<1568x16xf32, #tpu.memory_space<vmem_shared>>
        tpu.enqueue_dma source(%dma_start3A_43 : memref<1568x16xf32, #tpu.memory_space<vmem_shared>>) target(%dma_start3A_41 : memref<1568x16xf32, #tpu.memory_space<hbm>>) target_semaphore(%run_scoped3A : memref<!tpu.dma_semaphore, #tpu.memory_space<semaphore_mem>>)
        %dma_wait3A = arith.constant 0 : i32
        %dma_wait3A_44 = tpu.memref_slice %arg6[%add3A_39, %dma_wait3A] : memref<50000x16xf32, #tpu.memory_space<hbm>> -> memref<1568x16xf32, #tpu.memory_space<hbm>>
        %dma_wait3A_45 = arith.constant 0 : i32
        %dma_wait3A_46 = tpu.memref_slice %arg13[%mul3A_2, %dma_wait3A_45] : memref<25008x16xf32, #tpu.memory_space<vmem_shared>> -> memref<1568x16xf32, #tpu.memory_space<vmem_shared>>
        tpu.wait_dma2 semaphore(%run_scoped3A : memref<!tpu.dma_semaphore, #tpu.memory_space<semaphore_mem>>) src(%dma_wait3A_46 : memref<1568x16xf32, #tpu.memory_space<vmem_shared>>) dst(%dma_wait3A_44 : memref<1568x16xf32, #tpu.memory_space<hbm>>)
        tpu.yield
      }) : () -> ()
    } else {
    }
    %eq3A_34 = arith.constant 15 : i32
    %eq3A_35 = arith.cmpi eq, %arg1, %eq3A_34 : i32
    %convert_element_type3A_36 = arith.extui %eq3A_35 : i1 to i32
    %cond3A_37 = arith.constant 0 : i32
    %cond3A_38 = arith.cmpi ne, %convert_element_type3A_36, %cond3A_37 : i32
    scf.if %cond3A_38 {
      %add3A_39 = arith.addi %mul3A_0, %mul3A_2 : i32
      "tpu.region"() ({
        %run_scoped3A = tpu.sem_alloc : memref<!tpu.dma_semaphore, #tpu.memory_space<semaphore_mem>>
        %dma_start3A_40 = arith.constant 0 : i32
        %dma_start3A_41 = tpu.memref_slice %arg6[%add3A_39, %dma_start3A_40] : memref<50000x16xf32, #tpu.memory_space<hbm>> -> memref<1480x16xf32, #tpu.memory_space<hbm>>
        %dma_start3A_42 = arith.constant 0 : i32
        %dma_start3A_43 = tpu.memref_slice %arg13[%mul3A_2, %dma_start3A_42] : memref<25008x16xf32, #tpu.memory_space<vmem_shared>> -> memref<1480x16xf32, #tpu.memory_space<vmem_shared>>
        tpu.enqueue_dma source(%dma_start3A_43 : memref<1480x16xf32, #tpu.memory_space<vmem_shared>>) target(%dma_start3A_41 : memref<1480x16xf32, #tpu.memory_space<hbm>>) target_semaphore(%run_scoped3A : memref<!tpu.dma_semaphore, #tpu.memory_space<semaphore_mem>>)
        %dma_wait3A = arith.constant 0 : i32
        %dma_wait3A_44 = tpu.memref_slice %arg6[%add3A_39, %dma_wait3A] : memref<50000x16xf32, #tpu.memory_space<hbm>> -> memref<1480x16xf32, #tpu.memory_space<hbm>>
        %dma_wait3A_45 = arith.constant 0 : i32
        %dma_wait3A_46 = tpu.memref_slice %arg13[%mul3A_2, %dma_wait3A_45] : memref<25008x16xf32, #tpu.memory_space<vmem_shared>> -> memref<1480x16xf32, #tpu.memory_space<vmem_shared>>
        tpu.wait_dma2 semaphore(%run_scoped3A : memref<!tpu.dma_semaphore, #tpu.memory_space<semaphore_mem>>) src(%dma_wait3A_46 : memref<1480x16xf32, #tpu.memory_space<vmem_shared>>) dst(%dma_wait3A_44 : memref<1480x16xf32, #tpu.memory_space<hbm>>)
        tpu.yield
      }) : () -> ()
    } else {
    }
    return
  }
}

module attributes {stable_mosaic.version = 14 : i64} {
  func.func @_embed_body(%arg0: i32, %arg1: memref<5000x1xi32, #tpu.memory_space<vmem>>, %arg2: memref<5000x5xf32, #tpu.memory_space<vmem>>, %arg3: memref<5x64xf32, #tpu.memory_space<vmem>>, %arg4: memref<5x64xf32, #tpu.memory_space<vmem>>, %arg5: memref<1x64xf32, #tpu.memory_space<vmem>>, %arg6: memref<64x64xf32, #tpu.memory_space<vmem>>, %arg7: memref<1x64xf32, #tpu.memory_space<vmem>>, %arg8: memref<64x64xf32, #tpu.memory_space<vmem>>, %arg9: memref<1x64xf32, #tpu.memory_space<vmem>>, %arg10: memref<5000x64xf32, #tpu.memory_space<vmem>>) attributes {dimension_semantics = [#tpu.dimension_semantics<arbitrary>], iteration_bounds = array<i64: 10>, scalar_prefetch = 0 : i64, scratch_operands = 0 : i64, tpu.core_type = #tpu.core_type<tc>, window_params = [{transform_indices = @transform_0, window_bounds = array<i64: 5000, 1>}, {transform_indices = @transform_1, window_bounds = array<i64: 5000, 5>}, {pipeline_mode = #tpu.pipeline_mode<synchronous>, transform_indices = @transform_2, window_bounds = array<i64: 5, 64>}, {pipeline_mode = #tpu.pipeline_mode<synchronous>, transform_indices = @transform_3, window_bounds = array<i64: 5, 64>}, {pipeline_mode = #tpu.pipeline_mode<synchronous>, transform_indices = @transform_4, window_bounds = array<i64: 1, 64>}, {pipeline_mode = #tpu.pipeline_mode<synchronous>, transform_indices = @transform_5, window_bounds = array<i64: 64, 64>}, {pipeline_mode = #tpu.pipeline_mode<synchronous>, transform_indices = @transform_6, window_bounds = array<i64: 1, 64>}, {pipeline_mode = #tpu.pipeline_mode<synchronous>, transform_indices = @transform_7, window_bounds = array<i64: 64, 64>}, {pipeline_mode = #tpu.pipeline_mode<synchronous>, transform_indices = @transform_8, window_bounds = array<i64: 1, 64>}, {transform_indices = @transform_9, window_bounds = array<i64: 5000, 64>}]} {
    %get3A = arith.constant 0 : index
    %get3A_0 = arith.constant 0 : index
    %get3A_1 = vector.load %arg1[%get3A, %get3A_0] : memref<5000x1xi32, #tpu.memory_space<vmem>>, vector<5000x1xi32>
    %iota3A = tpu.iota {dimensions = array<i32: 1>} : vector<5000x5xi32>
    %eq3A = vector.broadcast %get3A_1 : vector<5000x1xi32> to vector<5000x5xi32>
    %eq3A_2 = arith.cmpi eq, %eq3A, %iota3A : vector<5000x5xi32>
    %convert_element_type3A = arith.extui %eq3A_2 : vector<5000x5xi1> to vector<5000x5xi32>
    %convert_element_type3A_3 = arith.sitofp %convert_element_type3A : vector<5000x5xi32> to vector<5000x5xf32>
    %get3A_4 = arith.constant 0 : index
    %get3A_5 = arith.constant 0 : index
    %get3A_6 = vector.load %arg3[%get3A_4, %get3A_5] : memref<5x64xf32, #tpu.memory_space<vmem>>, vector<5x64xf32>
    %dot_general3A = arith.constant dense<0.000000e+00> : vector<5000x64xf32>
    %dot_general3A_7 = tpu.matmul %convert_element_type3A_3, %get3A_6, %dot_general3A {dimension_numbers = #tpu.dot_dimension_numbers<[1], [0], [0], [1], [0, 0, 1, 1], [], []>, transpose_lhs_hint = false} : vector<5000x5xf32>, vector<5x64xf32>, vector<5000x64xf32> -> vector<5000x64xf32>
    %get3A_8 = arith.constant 0 : index
    %get3A_9 = arith.constant 0 : index
    %get3A_10 = vector.load %arg2[%get3A_8, %get3A_9] : memref<5000x5xf32, #tpu.memory_space<vmem>>, vector<5000x5xf32>
    %get3A_11 = arith.constant 0 : index
    %get3A_12 = arith.constant 0 : index
    %get3A_13 = vector.load %arg4[%get3A_11, %get3A_12] : memref<5x64xf32, #tpu.memory_space<vmem>>, vector<5x64xf32>
    %dot_general3A_14 = arith.constant dense<0.000000e+00> : vector<5000x64xf32>
    %dot_general3A_15 = tpu.matmul %get3A_10, %get3A_13, %dot_general3A_14 {dimension_numbers = #tpu.dot_dimension_numbers<[1], [0], [0], [1], [0, 0, 1, 1], [], []>, transpose_lhs_hint = false} : vector<5000x5xf32>, vector<5x64xf32>, vector<5000x64xf32> -> vector<5000x64xf32>
    %get3A_16 = arith.constant 0 : index
    %get3A_17 = arith.constant 0 : index
    %get3A_18 = vector.load %arg5[%get3A_16, %get3A_17] : memref<1x64xf32, #tpu.memory_space<vmem>>, vector<1x64xf32>
    %add3A = vector.broadcast %get3A_18 : vector<1x64xf32> to vector<5000x64xf32>
    %add3A_19 = arith.addf %dot_general3A_15, %add3A : vector<5000x64xf32>
    %logistic3A = arith.negf %add3A_19 : vector<5000x64xf32>
    %logistic3A_20 = math.exp %logistic3A : vector<5000x64xf32>
    %logistic3A_21 = arith.constant 1.000000e+00 : f32
    %logistic3A_22 = vector.broadcast %logistic3A_21 : f32 to vector<5000x64xf32>
    %logistic3A_23 = arith.addf %logistic3A_22, %logistic3A_20 : vector<5000x64xf32>
    %logistic3A_24 = arith.divf %logistic3A_22, %logistic3A_23 : vector<5000x64xf32>
    %mul3A = arith.mulf %add3A_19, %logistic3A_24 : vector<5000x64xf32>
    %get3A_25 = arith.constant 0 : index
    %get3A_26 = arith.constant 0 : index
    %get3A_27 = vector.load %arg6[%get3A_25, %get3A_26] : memref<64x64xf32, #tpu.memory_space<vmem>>, vector<64x64xf32>
    %dot_general3A_28 = arith.constant dense<0.000000e+00> : vector<5000x64xf32>
    %dot_general3A_29 = tpu.matmul %mul3A, %get3A_27, %dot_general3A_28 {dimension_numbers = #tpu.dot_dimension_numbers<[1], [0], [0], [1], [0, 0, 1, 1], [], []>, transpose_lhs_hint = false} : vector<5000x64xf32>, vector<64x64xf32>, vector<5000x64xf32> -> vector<5000x64xf32>
    %get3A_30 = arith.constant 0 : index
    %get3A_31 = arith.constant 0 : index
    %get3A_32 = vector.load %arg7[%get3A_30, %get3A_31] : memref<1x64xf32, #tpu.memory_space<vmem>>, vector<1x64xf32>
    %add3A_33 = vector.broadcast %get3A_32 : vector<1x64xf32> to vector<5000x64xf32>
    %add3A_34 = arith.addf %dot_general3A_29, %add3A_33 : vector<5000x64xf32>
    %logistic3A_35 = arith.negf %add3A_34 : vector<5000x64xf32>
    %logistic3A_36 = math.exp %logistic3A_35 : vector<5000x64xf32>
    %logistic3A_37 = arith.constant 1.000000e+00 : f32
    %logistic3A_38 = vector.broadcast %logistic3A_37 : f32 to vector<5000x64xf32>
    %logistic3A_39 = arith.addf %logistic3A_38, %logistic3A_36 : vector<5000x64xf32>
    %logistic3A_40 = arith.divf %logistic3A_38, %logistic3A_39 : vector<5000x64xf32>
    %mul3A_41 = arith.mulf %add3A_34, %logistic3A_40 : vector<5000x64xf32>
    %get3A_42 = arith.constant 0 : index
    %get3A_43 = arith.constant 0 : index
    %get3A_44 = vector.load %arg8[%get3A_42, %get3A_43] : memref<64x64xf32, #tpu.memory_space<vmem>>, vector<64x64xf32>
    %dot_general3A_45 = arith.constant dense<0.000000e+00> : vector<5000x64xf32>
    %dot_general3A_46 = tpu.matmul %mul3A_41, %get3A_44, %dot_general3A_45 {dimension_numbers = #tpu.dot_dimension_numbers<[1], [0], [0], [1], [0, 0, 1, 1], [], []>, transpose_lhs_hint = false} : vector<5000x64xf32>, vector<64x64xf32>, vector<5000x64xf32> -> vector<5000x64xf32>
    %add3A_47 = arith.addf %dot_general3A_7, %dot_general3A_46 : vector<5000x64xf32>
    %get3A_48 = arith.constant 0 : index
    %get3A_49 = arith.constant 0 : index
    %get3A_50 = vector.load %arg9[%get3A_48, %get3A_49] : memref<1x64xf32, #tpu.memory_space<vmem>>, vector<1x64xf32>
    %add3A_51 = vector.broadcast %get3A_50 : vector<1x64xf32> to vector<5000x64xf32>
    %add3A_52 = arith.addf %add3A_47, %add3A_51 : vector<5000x64xf32>
    %swap3A = arith.constant 0 : index
    %swap3A_53 = arith.constant 0 : index
    %swap3A_54 = vector.load %arg10[%swap3A, %swap3A_53] : memref<5000x64xf32, #tpu.memory_space<vmem>>, vector<5000x64xf32>
    tpu.vector_store %arg10[%swap3A, %swap3A_53], %add3A_52 {strides = array<i32>} : memref<5000x64xf32, #tpu.memory_space<vmem>>, vector<5000x64xf32>,
    return
  }
  func.func @transform_0(%arg0: i32) -> (i32, i32) {
    %c0_i32 = arith.constant 0 : i32
    %c0_i32_0 = arith.constant 0 : i32
    return %arg0, %c0_i32 : i32, i32
  }
  func.func @transform_1(%arg0: i32) -> (i32, i32) {
    %c0_i32 = arith.constant 0 : i32
    %c0_i32_0 = arith.constant 0 : i32
    return %arg0, %c0_i32 : i32, i32
  }
  func.func @transform_2(%arg0: i32) -> (i32, i32) {
    %c0_i32 = arith.constant 0 : i32
    %c0_i32_0 = arith.constant 0 : i32
    %c0_i32_1 = arith.constant 0 : i32
    return %c0_i32, %c0_i32_0 : i32, i32
  }
  func.func @transform_3(%arg0: i32) -> (i32, i32) {
    %c0_i32 = arith.constant 0 : i32
    %c0_i32_0 = arith.constant 0 : i32
    %c0_i32_1 = arith.constant 0 : i32
    return %c0_i32, %c0_i32_0 : i32, i32
  }
  func.func @transform_4(%arg0: i32) -> (i32, i32) {
    %c0_i32 = arith.constant 0 : i32
    %c0_i32_0 = arith.constant 0 : i32
    %c0_i32_1 = arith.constant 0 : i32
    return %c0_i32, %c0_i32_0 : i32, i32
  }
  func.func @transform_5(%arg0: i32) -> (i32, i32) {
    %c0_i32 = arith.constant 0 : i32
    %c0_i32_0 = arith.constant 0 : i32
    %c0_i32_1 = arith.constant 0 : i32
    return %c0_i32, %c0_i32_0 : i32, i32
  }
  func.func @transform_6(%arg0: i32) -> (i32, i32) {
    %c0_i32 = arith.constant 0 : i32
    %c0_i32_0 = arith.constant 0 : i32
    %c0_i32_1 = arith.constant 0 : i32
    return %c0_i32, %c0_i32_0 : i32, i32
  }
  func.func @transform_7(%arg0: i32) -> (i32, i32) {
    %c0_i32 = arith.constant 0 : i32
    %c0_i32_0 = arith.constant 0 : i32
    %c0_i32_1 = arith.constant 0 : i32
    return %c0_i32, %c0_i32_0 : i32, i32
  }
  func.func @transform_8(%arg0: i32) -> (i32, i32) {
    %c0_i32 = arith.constant 0 : i32
    %c0_i32_0 = arith.constant 0 : i32
    %c0_i32_1 = arith.constant 0 : i32
    return %c0_i32, %c0_i32_0 : i32, i32
  }
  func.func @transform_9(%arg0: i32) -> (i32, i32) {
    %c0_i32 = arith.constant 0 : i32
    %c0_i32_0 = arith.constant 0 : i32
    return %arg0, %c0_i32 : i32, i32
  }
}

module attributes {stable_mosaic.version = 14 : i64} {
  func.func @_edge_body(%arg0: i32, %arg1: memref<2048x64xf32, #tpu.memory_space<vmem>>, %arg2: memref<2048x64xf32, #tpu.memory_space<vmem>>, %arg3: memref<2048x16xf32, #tpu.memory_space<vmem>>, %arg4: memref<2048x16xf32, #tpu.memory_space<vmem>>, %arg5: memref<64x64xf32, #tpu.memory_space<vmem>>, %arg6: memref<64x64xf32, #tpu.memory_space<vmem>>, %arg7: memref<1x64xf32, #tpu.memory_space<vmem>>, %arg8: memref<1x64xf32, #tpu.memory_space<vmem>>, %arg9: memref<64x64xf32, #tpu.memory_space<vmem>>, %arg10: memref<1x64xf32, #tpu.memory_space<vmem>>, %arg11: memref<64x64xf32, #tpu.memory_space<vmem>>, %arg12: memref<1x64xf32, #tpu.memory_space<vmem>>, %arg13: memref<64x64xf32, #tpu.memory_space<vmem>>, %arg14: memref<1x64xf32, #tpu.memory_space<vmem>>, %arg15: memref<64x1xf32, #tpu.memory_space<vmem>>, %arg16: memref<1x1xf32, #tpu.memory_space<vmem>>, %arg17: memref<2048x64xf32, #tpu.memory_space<vmem>>, %arg18: memref<2048x16xf32, #tpu.memory_space<vmem>>) attributes {dimension_semantics = [#tpu.dimension_semantics<arbitrary>], iteration_bounds = array<i64: 392>, scalar_prefetch = 0 : i64, scratch_operands = 0 : i64, tpu.core_type = #tpu.core_type<tc>, window_params = [{transform_indices = @transform_0, window_bounds = array<i64: 2048, 64>}, {transform_indices = @transform_1, window_bounds = array<i64: 2048, 64>}, {transform_indices = @transform_2, window_bounds = array<i64: 2048, 16>}, {transform_indices = @transform_3, window_bounds = array<i64: 2048, 16>}, {pipeline_mode = #tpu.pipeline_mode<synchronous>, transform_indices = @transform_4, window_bounds = array<i64: 64, 64>}, {pipeline_mode = #tpu.pipeline_mode<synchronous>, transform_indices = @transform_5, window_bounds = array<i64: 64, 64>}, {pipeline_mode = #tpu.pipeline_mode<synchronous>, transform_indices = @transform_6, window_bounds = array<i64: 1, 64>}, {pipeline_mode = #tpu.pipeline_mode<synchronous>, transform_indices = @transform_7, window_bounds = array<i64: 1, 64>}, {pipeline_mode = #tpu.pipeline_mode<synchronous>, transform_indices = @transform_8, window_bounds = array<i64: 64, 64>}, {pipeline_mode = #tpu.pipeline_mode<synchronous>, transform_indices = @transform_9, window_bounds = array<i64: 1, 64>}, {pipeline_mode = #tpu.pipeline_mode<synchronous>, transform_indices = @transform_10, window_bounds = array<i64: 64, 64>}, {pipeline_mode = #tpu.pipeline_mode<synchronous>, transform_indices = @transform_11, window_bounds = array<i64: 1, 64>}, {pipeline_mode = #tpu.pipeline_mode<synchronous>, transform_indices = @transform_12, window_bounds = array<i64: 64, 64>}, {pipeline_mode = #tpu.pipeline_mode<synchronous>, transform_indices = @transform_13, window_bounds = array<i64: 1, 64>}, {pipeline_mode = #tpu.pipeline_mode<synchronous>, transform_indices = @transform_14, window_bounds = array<i64: 64, 1>}, {pipeline_mode = #tpu.pipeline_mode<synchronous>, transform_indices = @transform_15, window_bounds = array<i64: 1, 1>}, {transform_indices = @transform_16, window_bounds = array<i64: 2048, 64>}, {transform_indices = @transform_17, window_bounds = array<i64: 2048, 16>}]} {
    %get3A = arith.constant 0 : index
    %get3A_0 = arith.constant 0 : index
    %get3A_1 = vector.load %arg3[%get3A, %get3A_0] : memref<2048x16xf32, #tpu.memory_space<vmem>>, vector<2048x16xf32>
    %get3A_2 = arith.constant 0 : index
    %get3A_3 = arith.constant 0 : index
    %get3A_4 = vector.load %arg4[%get3A_2, %get3A_3] : memref<2048x16xf32, #tpu.memory_space<vmem>>, vector<2048x16xf32>
    %sub3A = arith.subf %get3A_1, %get3A_4 : vector<2048x16xf32>
    %mul3A = arith.mulf %sub3A, %sub3A : vector<2048x16xf32>
    %reduce_sum3A = arith.constant dense<0.000000e+00> : vector<2048xf32>
    %reduce_sum3A_5 = vector.multi_reduction <add>, %mul3A, %reduce_sum3A [1] : vector<2048x16xf32> to vector<2048xf32>
    %broadcast_in_dim3A = vector.shape_cast %reduce_sum3A_5 : vector<2048xf32> to vector<2048x1xf32>
    %get3A_6 = arith.constant 0 : index
    %get3A_7 = arith.constant 0 : index
    %get3A_8 = vector.load %arg1[%get3A_6, %get3A_7] : memref<2048x64xf32, #tpu.memory_space<vmem>>, vector<2048x64xf32>
    %get3A_9 = arith.constant 0 : index
    %get3A_10 = arith.constant 0 : index
    %get3A_11 = vector.load %arg5[%get3A_9, %get3A_10] : memref<64x64xf32, #tpu.memory_space<vmem>>, vector<64x64xf32>
    %dot_general3A = arith.constant dense<0.000000e+00> : vector<2048x64xf32>
    %dot_general3A_12 = tpu.matmul %get3A_8, %get3A_11, %dot_general3A {dimension_numbers = #tpu.dot_dimension_numbers<[1], [0], [0], [1], [0, 0, 1, 1], [], []>, transpose_lhs_hint = false} : vector<2048x64xf32>, vector<64x64xf32>, vector<2048x64xf32> -> vector<2048x64xf32>
    %get3A_13 = arith.constant 0 : index
    %get3A_14 = arith.constant 0 : index
    %get3A_15 = vector.load %arg2[%get3A_13, %get3A_14] : memref<2048x64xf32, #tpu.memory_space<vmem>>, vector<2048x64xf32>
    %get3A_16 = arith.constant 0 : index
    %get3A_17 = arith.constant 0 : index
    %get3A_18 = vector.load %arg6[%get3A_16, %get3A_17] : memref<64x64xf32, #tpu.memory_space<vmem>>, vector<64x64xf32>
    %dot_general3A_19 = arith.constant dense<0.000000e+00> : vector<2048x64xf32>
    %dot_general3A_20 = tpu.matmul %get3A_15, %get3A_18, %dot_general3A_19 {dimension_numbers = #tpu.dot_dimension_numbers<[1], [0], [0], [1], [0, 0, 1, 1], [], []>, transpose_lhs_hint = false} : vector<2048x64xf32>, vector<64x64xf32>, vector<2048x64xf32> -> vector<2048x64xf32>
    %add3A = arith.addf %dot_general3A_12, %dot_general3A_20 : vector<2048x64xf32>
    %get3A_21 = arith.constant 0 : index
    %get3A_22 = arith.constant 0 : index
    %get3A_23 = vector.load %arg7[%get3A_21, %get3A_22] : memref<1x64xf32, #tpu.memory_space<vmem>>, vector<1x64xf32>
    %mul3A_24 = vector.broadcast %broadcast_in_dim3A : vector<2048x1xf32> to vector<2048x64xf32>
    %mul3A_25 = vector.broadcast %get3A_23 : vector<1x64xf32> to vector<2048x64xf32>
    %mul3A_26 = arith.mulf %mul3A_24, %mul3A_25 : vector<2048x64xf32>
    %add3A_27 = arith.addf %add3A, %mul3A_26 : vector<2048x64xf32>
    %get3A_28 = arith.constant 0 : index
    %get3A_29 = arith.constant 0 : index
    %get3A_30 = vector.load %arg8[%get3A_28, %get3A_29] : memref<1x64xf32, #tpu.memory_space<vmem>>, vector<1x64xf32>
    %add3A_31 = vector.broadcast %get3A_30 : vector<1x64xf32> to vector<2048x64xf32>
    %add3A_32 = arith.addf %add3A_27, %add3A_31 : vector<2048x64xf32>
    %logistic3A = arith.negf %add3A_32 : vector<2048x64xf32>
    %logistic3A_33 = math.exp %logistic3A : vector<2048x64xf32>
    %logistic3A_34 = arith.constant 1.000000e+00 : f32
    %logistic3A_35 = vector.broadcast %logistic3A_34 : f32 to vector<2048x64xf32>
    %logistic3A_36 = arith.addf %logistic3A_35, %logistic3A_33 : vector<2048x64xf32>
    %logistic3A_37 = arith.divf %logistic3A_35, %logistic3A_36 : vector<2048x64xf32>
    %mul3A_38 = arith.mulf %add3A_32, %logistic3A_37 : vector<2048x64xf32>
    %get3A_39 = arith.constant 0 : index
    %get3A_40 = arith.constant 0 : index
    %get3A_41 = vector.load %arg9[%get3A_39, %get3A_40] : memref<64x64xf32, #tpu.memory_space<vmem>>, vector<64x64xf32>
    %dot_general3A_42 = arith.constant dense<0.000000e+00> : vector<2048x64xf32>
    %dot_general3A_43 = tpu.matmul %mul3A_38, %get3A_41, %dot_general3A_42 {dimension_numbers = #tpu.dot_dimension_numbers<[1], [0], [0], [1], [0, 0, 1, 1], [], []>, transpose_lhs_hint = false} : vector<2048x64xf32>, vector<64x64xf32>, vector<2048x64xf32> -> vector<2048x64xf32>
    %get3A_44 = arith.constant 0 : index
    %get3A_45 = arith.constant 0 : index
    %get3A_46 = vector.load %arg10[%get3A_44, %get3A_45] : memref<1x64xf32, #tpu.memory_space<vmem>>, vector<1x64xf32>
    %add3A_47 = vector.broadcast %get3A_46 : vector<1x64xf32> to vector<2048x64xf32>
    %add3A_48 = arith.addf %dot_general3A_43, %add3A_47 : vector<2048x64xf32>
    %logistic3A_49 = arith.negf %add3A_48 : vector<2048x64xf32>
    %logistic3A_50 = math.exp %logistic3A_49 : vector<2048x64xf32>
    %logistic3A_51 = arith.constant 1.000000e+00 : f32
    %logistic3A_52 = vector.broadcast %logistic3A_51 : f32 to vector<2048x64xf32>
    %logistic3A_53 = arith.addf %logistic3A_52, %logistic3A_50 : vector<2048x64xf32>
    %logistic3A_54 = arith.divf %logistic3A_52, %logistic3A_53 : vector<2048x64xf32>
    %mul3A_55 = arith.mulf %add3A_48, %logistic3A_54 : vector<2048x64xf32>
    %get3A_56 = arith.constant 0 : index
    %get3A_57 = arith.constant 0 : index
    %get3A_58 = vector.load %arg11[%get3A_56, %get3A_57] : memref<64x64xf32, #tpu.memory_space<vmem>>, vector<64x64xf32>
    %dot_general3A_59 = arith.constant dense<0.000000e+00> : vector<2048x64xf32>
    %dot_general3A_60 = tpu.matmul %mul3A_55, %get3A_58, %dot_general3A_59 {dimension_numbers = #tpu.dot_dimension_numbers<[1], [0], [0], [1], [0, 0, 1, 1], [], []>, transpose_lhs_hint = false} : vector<2048x64xf32>, vector<64x64xf32>, vector<2048x64xf32> -> vector<2048x64xf32>
    %get3A_61 = arith.constant 0 : index
    %get3A_62 = arith.constant 0 : index
    %get3A_63 = vector.load %arg12[%get3A_61, %get3A_62] : memref<1x64xf32, #tpu.memory_space<vmem>>, vector<1x64xf32>
    %add3A_64 = vector.broadcast %get3A_63 : vector<1x64xf32> to vector<2048x64xf32>
    %add3A_65 = arith.addf %dot_general3A_60, %add3A_64 : vector<2048x64xf32>
    %get3A_66 = arith.constant 0 : index
    %get3A_67 = arith.constant 0 : index
    %get3A_68 = vector.load %arg13[%get3A_66, %get3A_67] : memref<64x64xf32, #tpu.memory_space<vmem>>, vector<64x64xf32>
    %dot_general3A_69 = arith.constant dense<0.000000e+00> : vector<2048x64xf32>
    %dot_general3A_70 = tpu.matmul %add3A_65, %get3A_68, %dot_general3A_69 {dimension_numbers = #tpu.dot_dimension_numbers<[1], [0], [0], [1], [0, 0, 1, 1], [], []>, transpose_lhs_hint = false} : vector<2048x64xf32>, vector<64x64xf32>, vector<2048x64xf32> -> vector<2048x64xf32>
    %get3A_71 = arith.constant 0 : index
    %get3A_72 = arith.constant 0 : index
    %get3A_73 = vector.load %arg14[%get3A_71, %get3A_72] : memref<1x64xf32, #tpu.memory_space<vmem>>, vector<1x64xf32>
    %add3A_74 = vector.broadcast %get3A_73 : vector<1x64xf32> to vector<2048x64xf32>
    %add3A_75 = arith.addf %dot_general3A_70, %add3A_74 : vector<2048x64xf32>
    %logistic3A_76 = arith.negf %add3A_75 : vector<2048x64xf32>
    %logistic3A_77 = math.exp %logistic3A_76 : vector<2048x64xf32>
    %logistic3A_78 = arith.constant 1.000000e+00 : f32
    %logistic3A_79 = vector.broadcast %logistic3A_78 : f32 to vector<2048x64xf32>
    %logistic3A_80 = arith.addf %logistic3A_79, %logistic3A_77 : vector<2048x64xf32>
    %logistic3A_81 = arith.divf %logistic3A_79, %logistic3A_80 : vector<2048x64xf32>
    %mul3A_82 = arith.mulf %add3A_75, %logistic3A_81 : vector<2048x64xf32>
    %get3A_83 = arith.constant 0 : index
    %get3A_84 = arith.constant 0 : index
    %get3A_85 = vector.load %arg15[%get3A_83, %get3A_84] : memref<64x1xf32, #tpu.memory_space<vmem>>, vector<64x1xf32>
    %dot_general3A_86 = arith.constant dense<0.000000e+00> : vector<2048x1xf32>
    %dot_general3A_87 = tpu.matmul %mul3A_82, %get3A_85, %dot_general3A_86 {dimension_numbers = #tpu.dot_dimension_numbers<[1], [0], [0], [1], [0, 0, 1, 1], [], []>, transpose_lhs_hint = false} : vector<2048x64xf32>, vector<64x1xf32>, vector<2048x1xf32> -> vector<2048x1xf32>
    %get3A_88 = arith.constant 0 : index
    %get3A_89 = arith.constant 0 : index
    %get3A_90 = vector.load %arg16[%get3A_88, %get3A_89] : memref<1x1xf32, #tpu.memory_space<vmem>>, vector<1x1xf32>
    %add3A_91 = vector.broadcast %get3A_90 : vector<1x1xf32> to vector<2048x1xf32>
    %add3A_92 = arith.addf %dot_general3A_87, %add3A_91 : vector<2048x1xf32>
    %tanh3A = math.tanh %add3A_92 : vector<2048x1xf32>
    %swap3A = arith.constant 0 : index
    %swap3A_93 = arith.constant 0 : index
    %swap3A_94 = vector.load %arg17[%swap3A, %swap3A_93] : memref<2048x64xf32, #tpu.memory_space<vmem>>, vector<2048x64xf32>
    tpu.vector_store %arg17[%swap3A, %swap3A_93], %add3A_65 {strides = array<i32>} : memref<2048x64xf32, #tpu.memory_space<vmem>>, vector<2048x64xf32>,
    %mul3A_95 = vector.broadcast %tanh3A : vector<2048x1xf32> to vector<2048x16xf32>
    %mul3A_96 = arith.mulf %sub3A, %mul3A_95 : vector<2048x16xf32>
    %swap3A_97 = arith.constant 0 : index
    %swap3A_98 = arith.constant 0 : index
    %swap3A_99 = vector.load %arg18[%swap3A_97, %swap3A_98] : memref<2048x16xf32, #tpu.memory_space<vmem>>, vector<2048x16xf32>
    tpu.vector_store %arg18[%swap3A_97, %swap3A_98], %mul3A_96 {strides = array<i32>} : memref<2048x16xf32, #tpu.memory_space<vmem>>, vector<2048x16xf32>,
    return
  }
  func.func @transform_0(%arg0: i32) -> (i32, i32) {
    %c0_i32 = arith.constant 0 : i32
    %c0_i32_0 = arith.constant 0 : i32
    return %arg0, %c0_i32 : i32, i32
  }
  func.func @transform_1(%arg0: i32) -> (i32, i32) {
    %c0_i32 = arith.constant 0 : i32
    %c0_i32_0 = arith.constant 0 : i32
    return %arg0, %c0_i32 : i32, i32
  }
  func.func @transform_2(%arg0: i32) -> (i32, i32) {
    %c0_i32 = arith.constant 0 : i32
    %c0_i32_0 = arith.constant 0 : i32
    return %arg0, %c0_i32 : i32, i32
  }
  func.func @transform_3(%arg0: i32) -> (i32, i32) {
    %c0_i32 = arith.constant 0 : i32
    %c0_i32_0 = arith.constant 0 : i32
    return %arg0, %c0_i32 : i32, i32
  }
  func.func @transform_4(%arg0: i32) -> (i32, i32) {
    %c0_i32 = arith.constant 0 : i32
    %c0_i32_0 = arith.constant 0 : i32
    %c0_i32_1 = arith.constant 0 : i32
    return %c0_i32, %c0_i32_0 : i32, i32
  }
  func.func @transform_5(%arg0: i32) -> (i32, i32) {
    %c0_i32 = arith.constant 0 : i32
    %c0_i32_0 = arith.constant 0 : i32
    %c0_i32_1 = arith.constant 0 : i32
    return %c0_i32, %c0_i32_0 : i32, i32
  }
  func.func @transform_6(%arg0: i32) -> (i32, i32) {
    %c0_i32 = arith.constant 0 : i32
    %c0_i32_0 = arith.constant 0 : i32
    %c0_i32_1 = arith.constant 0 : i32
    return %c0_i32, %c0_i32_0 : i32, i32
  }
  func.func @transform_7(%arg0: i32) -> (i32, i32) {
    %c0_i32 = arith.constant 0 : i32
    %c0_i32_0 = arith.constant 0 : i32
    %c0_i32_1 = arith.constant 0 : i32
    return %c0_i32, %c0_i32_0 : i32, i32
  }
  func.func @transform_8(%arg0: i32) -> (i32, i32) {
    %c0_i32 = arith.constant 0 : i32
    %c0_i32_0 = arith.constant 0 : i32
    %c0_i32_1 = arith.constant 0 : i32
    return %c0_i32, %c0_i32_0 : i32, i32
  }
  func.func @transform_9(%arg0: i32) -> (i32, i32) {
    %c0_i32 = arith.constant 0 : i32
    %c0_i32_0 = arith.constant 0 : i32
    %c0_i32_1 = arith.constant 0 : i32
    return %c0_i32, %c0_i32_0 : i32, i32
  }
  func.func @transform_10(%arg0: i32) -> (i32, i32) {
    %c0_i32 = arith.constant 0 : i32
    %c0_i32_0 = arith.constant 0 : i32
    %c0_i32_1 = arith.constant 0 : i32
    return %c0_i32, %c0_i32_0 : i32, i32
  }
  func.func @transform_11(%arg0: i32) -> (i32, i32) {
    %c0_i32 = arith.constant 0 : i32
    %c0_i32_0 = arith.constant 0 : i32
    %c0_i32_1 = arith.constant 0 : i32
    return %c0_i32, %c0_i32_0 : i32, i32
  }
  func.func @transform_12(%arg0: i32) -> (i32, i32) {
    %c0_i32 = arith.constant 0 : i32
    %c0_i32_0 = arith.constant 0 : i32
    %c0_i32_1 = arith.constant 0 : i32
    return %c0_i32, %c0_i32_0 : i32, i32
  }
  func.func @transform_13(%arg0: i32) -> (i32, i32) {
    %c0_i32 = arith.constant 0 : i32
    %c0_i32_0 = arith.constant 0 : i32
    %c0_i32_1 = arith.constant 0 : i32
    return %c0_i32, %c0_i32_0 : i32, i32
  }
  func.func @transform_14(%arg0: i32) -> (i32, i32) {
    %c0_i32 = arith.constant 0 : i32
    %c0_i32_0 = arith.constant 0 : i32
    %c0_i32_1 = arith.constant 0 : i32
    return %c0_i32, %c0_i32_0 : i32, i32
  }
  func.func @transform_15(%arg0: i32) -> (i32, i32) {
    %c0_i32 = arith.constant 0 : i32
    %c0_i32_0 = arith.constant 0 : i32
    %c0_i32_1 = arith.constant 0 : i32
    return %c0_i32, %c0_i32_0 : i32, i32
  }
  func.func @transform_16(%arg0: i32) -> (i32, i32) {
    %c0_i32 = arith.constant 0 : i32
    %c0_i32_0 = arith.constant 0 : i32
    return %arg0, %c0_i32 : i32, i32
  }
  func.func @transform_17(%arg0: i32) -> (i32, i32) {
    %c0_i32 = arith.constant 0 : i32
    %c0_i32_0 = arith.constant 0 : i32
    return %arg0, %c0_i32 : i32, i32
  }
}

module attributes {stable_mosaic.version = 14 : i64} {
  func.func @_node_body(%arg0: i32, %arg1: memref<5000x64xf32, #tpu.memory_space<vmem>>, %arg2: memref<5000x64xf32, #tpu.memory_space<vmem>>, %arg3: memref<5000x16xf32, #tpu.memory_space<vmem>>, %arg4: memref<5000x16xf32, #tpu.memory_space<vmem>>, %arg5: memref<64x64xf32, #tpu.memory_space<vmem>>, %arg6: memref<64x64xf32, #tpu.memory_space<vmem>>, %arg7: memref<1x64xf32, #tpu.memory_space<vmem>>, %arg8: memref<64x64xf32, #tpu.memory_space<vmem>>, %arg9: memref<1x64xf32, #tpu.memory_space<vmem>>, %arg10: memref<64x64xf32, #tpu.memory_space<vmem>>, %arg11: memref<1x64xf32, #tpu.memory_space<vmem>>, %arg12: memref<5000x64xf32, #tpu.memory_space<vmem>>, %arg13: memref<5000x16xf32, #tpu.memory_space<vmem>>) attributes {dimension_semantics = [#tpu.dimension_semantics<arbitrary>], iteration_bounds = array<i64: 10>, scalar_prefetch = 0 : i64, scratch_operands = 0 : i64, tpu.core_type = #tpu.core_type<tc>, window_params = [{transform_indices = @transform_0, window_bounds = array<i64: 5000, 64>}, {transform_indices = @transform_1, window_bounds = array<i64: 5000, 64>}, {transform_indices = @transform_2, window_bounds = array<i64: 5000, 16>}, {transform_indices = @transform_3, window_bounds = array<i64: 5000, 16>}, {pipeline_mode = #tpu.pipeline_mode<synchronous>, transform_indices = @transform_4, window_bounds = array<i64: 64, 64>}, {pipeline_mode = #tpu.pipeline_mode<synchronous>, transform_indices = @transform_5, window_bounds = array<i64: 64, 64>}, {pipeline_mode = #tpu.pipeline_mode<synchronous>, transform_indices = @transform_6, window_bounds = array<i64: 1, 64>}, {pipeline_mode = #tpu.pipeline_mode<synchronous>, transform_indices = @transform_7, window_bounds = array<i64: 64, 64>}, {pipeline_mode = #tpu.pipeline_mode<synchronous>, transform_indices = @transform_8, window_bounds = array<i64: 1, 64>}, {pipeline_mode = #tpu.pipeline_mode<synchronous>, transform_indices = @transform_9, window_bounds = array<i64: 64, 64>}, {pipeline_mode = #tpu.pipeline_mode<synchronous>, transform_indices = @transform_10, window_bounds = array<i64: 1, 64>}, {transform_indices = @transform_11, window_bounds = array<i64: 5000, 64>}, {transform_indices = @transform_12, window_bounds = array<i64: 5000, 16>}]} {
    %get3A = arith.constant 0 : index
    %get3A_0 = arith.constant 0 : index
    %get3A_1 = vector.load %arg1[%get3A, %get3A_0] : memref<5000x64xf32, #tpu.memory_space<vmem>>, vector<5000x64xf32>
    %get3A_2 = arith.constant 0 : index
    %get3A_3 = arith.constant 0 : index
    %get3A_4 = vector.load %arg5[%get3A_2, %get3A_3] : memref<64x64xf32, #tpu.memory_space<vmem>>, vector<64x64xf32>
    %dot_general3A = arith.constant dense<0.000000e+00> : vector<5000x64xf32>
    %dot_general3A_5 = tpu.matmul %get3A_1, %get3A_4, %dot_general3A {dimension_numbers = #tpu.dot_dimension_numbers<[1], [0], [0], [1], [0, 0, 1, 1], [], []>, transpose_lhs_hint = false} : vector<5000x64xf32>, vector<64x64xf32>, vector<5000x64xf32> -> vector<5000x64xf32>
    %get3A_6 = arith.constant 0 : index
    %get3A_7 = arith.constant 0 : index
    %get3A_8 = vector.load %arg2[%get3A_6, %get3A_7] : memref<5000x64xf32, #tpu.memory_space<vmem>>, vector<5000x64xf32>
    %get3A_9 = arith.constant 0 : index
    %get3A_10 = arith.constant 0 : index
    %get3A_11 = vector.load %arg6[%get3A_9, %get3A_10] : memref<64x64xf32, #tpu.memory_space<vmem>>, vector<64x64xf32>
    %dot_general3A_12 = arith.constant dense<0.000000e+00> : vector<5000x64xf32>
    %dot_general3A_13 = tpu.matmul %get3A_8, %get3A_11, %dot_general3A_12 {dimension_numbers = #tpu.dot_dimension_numbers<[1], [0], [0], [1], [0, 0, 1, 1], [], []>, transpose_lhs_hint = false} : vector<5000x64xf32>, vector<64x64xf32>, vector<5000x64xf32> -> vector<5000x64xf32>
    %add3A = arith.addf %dot_general3A_5, %dot_general3A_13 : vector<5000x64xf32>
    %get3A_14 = arith.constant 0 : index
    %get3A_15 = arith.constant 0 : index
    %get3A_16 = vector.load %arg7[%get3A_14, %get3A_15] : memref<1x64xf32, #tpu.memory_space<vmem>>, vector<1x64xf32>
    %add3A_17 = vector.broadcast %get3A_16 : vector<1x64xf32> to vector<5000x64xf32>
    %add3A_18 = arith.addf %add3A, %add3A_17 : vector<5000x64xf32>
    %logistic3A = arith.negf %add3A_18 : vector<5000x64xf32>
    %logistic3A_19 = math.exp %logistic3A : vector<5000x64xf32>
    %logistic3A_20 = arith.constant 1.000000e+00 : f32
    %logistic3A_21 = vector.broadcast %logistic3A_20 : f32 to vector<5000x64xf32>
    %logistic3A_22 = arith.addf %logistic3A_21, %logistic3A_19 : vector<5000x64xf32>
    %logistic3A_23 = arith.divf %logistic3A_21, %logistic3A_22 : vector<5000x64xf32>
    %mul3A = arith.mulf %add3A_18, %logistic3A_23 : vector<5000x64xf32>
    %get3A_24 = arith.constant 0 : index
    %get3A_25 = arith.constant 0 : index
    %get3A_26 = vector.load %arg8[%get3A_24, %get3A_25] : memref<64x64xf32, #tpu.memory_space<vmem>>, vector<64x64xf32>
    %dot_general3A_27 = arith.constant dense<0.000000e+00> : vector<5000x64xf32>
    %dot_general3A_28 = tpu.matmul %mul3A, %get3A_26, %dot_general3A_27 {dimension_numbers = #tpu.dot_dimension_numbers<[1], [0], [0], [1], [0, 0, 1, 1], [], []>, transpose_lhs_hint = false} : vector<5000x64xf32>, vector<64x64xf32>, vector<5000x64xf32> -> vector<5000x64xf32>
    %get3A_29 = arith.constant 0 : index
    %get3A_30 = arith.constant 0 : index
    %get3A_31 = vector.load %arg9[%get3A_29, %get3A_30] : memref<1x64xf32, #tpu.memory_space<vmem>>, vector<1x64xf32>
    %add3A_32 = vector.broadcast %get3A_31 : vector<1x64xf32> to vector<5000x64xf32>
    %add3A_33 = arith.addf %dot_general3A_28, %add3A_32 : vector<5000x64xf32>
    %logistic3A_34 = arith.negf %add3A_33 : vector<5000x64xf32>
    %logistic3A_35 = math.exp %logistic3A_34 : vector<5000x64xf32>
    %logistic3A_36 = arith.constant 1.000000e+00 : f32
    %logistic3A_37 = vector.broadcast %logistic3A_36 : f32 to vector<5000x64xf32>
    %logistic3A_38 = arith.addf %logistic3A_37, %logistic3A_35 : vector<5000x64xf32>
    %logistic3A_39 = arith.divf %logistic3A_37, %logistic3A_38 : vector<5000x64xf32>
    %mul3A_40 = arith.mulf %add3A_33, %logistic3A_39 : vector<5000x64xf32>
    %get3A_41 = arith.constant 0 : index
    %get3A_42 = arith.constant 0 : index
    %get3A_43 = vector.load %arg1[%get3A_41, %get3A_42] : memref<5000x64xf32, #tpu.memory_space<vmem>>, vector<5000x64xf32>
    %get3A_44 = arith.constant 0 : index
    %get3A_45 = arith.constant 0 : index
    %get3A_46 = vector.load %arg10[%get3A_44, %get3A_45] : memref<64x64xf32, #tpu.memory_space<vmem>>, vector<64x64xf32>
    %dot_general3A_47 = arith.constant dense<0.000000e+00> : vector<5000x64xf32>
    %dot_general3A_48 = tpu.matmul %mul3A_40, %get3A_46, %dot_general3A_47 {dimension_numbers = #tpu.dot_dimension_numbers<[1], [0], [0], [1], [0, 0, 1, 1], [], []>, transpose_lhs_hint = false} : vector<5000x64xf32>, vector<64x64xf32>, vector<5000x64xf32> -> vector<5000x64xf32>
    %add3A_49 = arith.addf %get3A_43, %dot_general3A_48 : vector<5000x64xf32>
    %get3A_50 = arith.constant 0 : index
    %get3A_51 = arith.constant 0 : index
    %get3A_52 = vector.load %arg11[%get3A_50, %get3A_51] : memref<1x64xf32, #tpu.memory_space<vmem>>, vector<1x64xf32>
    %add3A_53 = vector.broadcast %get3A_52 : vector<1x64xf32> to vector<5000x64xf32>
    %add3A_54 = arith.addf %add3A_49, %add3A_53 : vector<5000x64xf32>
    %swap3A = arith.constant 0 : index
    %swap3A_55 = arith.constant 0 : index
    %swap3A_56 = vector.load %arg12[%swap3A, %swap3A_55] : memref<5000x64xf32, #tpu.memory_space<vmem>>, vector<5000x64xf32>
    tpu.vector_store %arg12[%swap3A, %swap3A_55], %add3A_54 {strides = array<i32>} : memref<5000x64xf32, #tpu.memory_space<vmem>>, vector<5000x64xf32>,
    %get3A_57 = arith.constant 0 : index
    %get3A_58 = arith.constant 0 : index
    %get3A_59 = vector.load %arg3[%get3A_57, %get3A_58] : memref<5000x16xf32, #tpu.memory_space<vmem>>, vector<5000x16xf32>
    %get3A_60 = arith.constant 0 : index
    %get3A_61 = arith.constant 0 : index
    %get3A_62 = vector.load %arg4[%get3A_60, %get3A_61] : memref<5000x16xf32, #tpu.memory_space<vmem>>, vector<5000x16xf32>
    %add3A_63 = arith.addf %get3A_59, %get3A_62 : vector<5000x16xf32>
    %swap3A_64 = arith.constant 0 : index
    %swap3A_65 = arith.constant 0 : index
    %swap3A_66 = vector.load %arg13[%swap3A_64, %swap3A_65] : memref<5000x16xf32, #tpu.memory_space<vmem>>, vector<5000x16xf32>
    tpu.vector_store %arg13[%swap3A_64, %swap3A_65], %add3A_63 {strides = array<i32>} : memref<5000x16xf32, #tpu.memory_space<vmem>>, vector<5000x16xf32>,
    return
  }
  func.func @transform_0(%arg0: i32) -> (i32, i32) {
    %c0_i32 = arith.constant 0 : i32
    %c0_i32_0 = arith.constant 0 : i32
    return %arg0, %c0_i32 : i32, i32
  }
  func.func @transform_1(%arg0: i32) -> (i32, i32) {
    %c0_i32 = arith.constant 0 : i32
    %c0_i32_0 = arith.constant 0 : i32
    return %arg0, %c0_i32 : i32, i32
  }
  func.func @transform_2(%arg0: i32) -> (i32, i32) {
    %c0_i32 = arith.constant 0 : i32
    %c0_i32_0 = arith.constant 0 : i32
    return %arg0, %c0_i32 : i32, i32
  }
  func.func @transform_3(%arg0: i32) -> (i32, i32) {
    %c0_i32 = arith.constant 0 : i32
    %c0_i32_0 = arith.constant 0 : i32
    return %arg0, %c0_i32 : i32, i32
  }
  func.func @transform_4(%arg0: i32) -> (i32, i32) {
    %c0_i32 = arith.constant 0 : i32
    %c0_i32_0 = arith.constant 0 : i32
    %c0_i32_1 = arith.constant 0 : i32
    return %c0_i32, %c0_i32_0 : i32, i32
  }
  func.func @transform_5(%arg0: i32) -> (i32, i32) {
    %c0_i32 = arith.constant 0 : i32
    %c0_i32_0 = arith.constant 0 : i32
    %c0_i32_1 = arith.constant 0 : i32
    return %c0_i32, %c0_i32_0 : i32, i32
  }
  func.func @transform_6(%arg0: i32) -> (i32, i32) {
    %c0_i32 = arith.constant 0 : i32
    %c0_i32_0 = arith.constant 0 : i32
    %c0_i32_1 = arith.constant 0 : i32
    return %c0_i32, %c0_i32_0 : i32, i32
  }
  func.func @transform_7(%arg0: i32) -> (i32, i32) {
    %c0_i32 = arith.constant 0 : i32
    %c0_i32_0 = arith.constant 0 : i32
    %c0_i32_1 = arith.constant 0 : i32
    return %c0_i32, %c0_i32_0 : i32, i32
  }
  func.func @transform_8(%arg0: i32) -> (i32, i32) {
    %c0_i32 = arith.constant 0 : i32
    %c0_i32_0 = arith.constant 0 : i32
    %c0_i32_1 = arith.constant 0 : i32
    return %c0_i32, %c0_i32_0 : i32, i32
  }
  func.func @transform_9(%arg0: i32) -> (i32, i32) {
    %c0_i32 = arith.constant 0 : i32
    %c0_i32_0 = arith.constant 0 : i32
    %c0_i32_1 = arith.constant 0 : i32
    return %c0_i32, %c0_i32_0 : i32, i32
  }
  func.func @transform_10(%arg0: i32) -> (i32, i32) {
    %c0_i32 = arith.constant 0 : i32
    %c0_i32_0 = arith.constant 0 : i32
    %c0_i32_1 = arith.constant 0 : i32
    return %c0_i32, %c0_i32_0 : i32, i32
  }
  func.func @transform_11(%arg0: i32) -> (i32, i32) {
    %c0_i32 = arith.constant 0 : i32
    %c0_i32_0 = arith.constant 0 : i32
    return %arg0, %c0_i32 : i32, i32
  }
  func.func @transform_12(%arg0: i32) -> (i32, i32) {
    %c0_i32 = arith.constant 0 : i32
    %c0_i32_0 = arith.constant 0 : i32
    return %arg0, %c0_i32 : i32, i32
  }
}

</mosaic_0001>

<sc_bundles>
// kernel: kernel.18.cloned.1.call-start
scs
__scs_entry_jumppad:
0x0: {  	(pc) =	sbr.rel $0x88, $3  }
0x1: {  	(tag) =	ssettag $0x0;
	lr =	simm.s32 $0x1  }
0x2: {  	[smem:$0x3F66] =	sst lr;
	_ =	strace $0xD0000000  }
0x3: {  	_ = 	snop  }
0x4: {  	_ = 	snop  }
0x5: {  	_ = 	snop  }
0x6: {  	_ = 	snop  }
0x7: {  	_ = 	snop  }
__scs_overlays_trampoline_lowered:
0x8: {  	[smem:$0x3F75] =	sst s0  }
0x9: {  	[smem:$0x3F76] =	sst s1  }
0xa: {  	[smem:$0x3F77] =	sst s2  }
0xb: {  	[smem:$0x3F78] =	sst s3  }
0xc: {  	[smem:$0x3F79] =	sst s4  }
0xd: {  	[smem:$0x3F7A] =	sst s5  }
0xe: {  	[smem:$0x3F7B] =	sst s6  }
0xf: {  	[smem:$0x3F7C] =	sst s7  }
0x10: {  	[smem:$0x3F7D] =	sst s8  }
0x11: {  	[smem:$0x3F7E] =	sst s9;
	s0 =	simm.s32 @!p0 $0x0  }
0x12: {  	s1 =	sld [smem:$0x3F64];
	s0 =	simm.s32 @p0 $0x1  }
0x13: {  	[smem:$0x3F7F] =	sst s0;
	s0 =	simm.s32 @!p1 $0x0  }
0x14: {  	s2 =	sld [smem:$0x3F63];
	s0 =	simm.s32 @p1 $0x1  }
0x15: {  	[smem:$0x3F80] =	sst s0;
	s0 =	simm.s32 @!p2 $0x0  }
0x16: {  	s3 =	sld [smem:$0x3FDB];
	s0 =	simm.s32 @p2 $0x1  }
0x17: {  	s4 =	simm.s32 $0x1BF5;
	[smem:$0x3F82] =	sst s0  }
0x18: {  	s0 =	sld [smem:$0x3F65];
	_ =	swait.ge [sflag:s4], $0x0  }
0x19: {  	s7 =	sld [smem:$0x3F66]  }
0x1a: {  	s8 =	sadd.s32 $0xFFFFE003, lr  }
0x1b: {  	s9 =	sadd.s32 $0xFFFFFEF7, lr;
	s5 =	simm.s32 $0xFFFFFFFF;
	p2 =	slt.u32 s8, $0xFFFFF086  }
0x1c: {  	p1 =	slt.u32 s9, $0xF7A;
	s5 =	simm.s32 @!p2 $0x0  }
0x1d: {  	s5 =	simm.s32 @p1 $0x1;
	p0 =	seq.s32 s7, s2  }
0x1e: {  	s7 =	smul.u32 @!p0 $0xF7A, s2;
	p2 =	seq.s32 @!p0 s5, $0x0  }
0x1f: {  	s9 =	smul.u32 $0xF7A, s1;
	s8 =	simm.s32 @!p0 $0x1BF5;
	p2 =	por !p2, p0  }
0x20: {  	[sflag:s8] =	ssyncset.s32 @!p0 $0xFFFFF086;
	s6 =	sadd.s32 @!p0 s3, s7;
	s7 =	simm.s32 @!p0 $0x108  }
0x21: {  	s3 =	sadd.s32 s3, s9;
	s6 =	sadd.s32 @!p0 $0x88, s6;
	s7 =	simm.s32 @p2 $0x1082  }
0x22: {  	[simem:s7], [sflag:s8] =	dma.local @!p0 [hbm:s6], $0xF7A  }
0x23: {  	s9 =	sor.u32 $0xD0000000, s2;
	s6 =	simm.s32 $0x108;
	_ =	swait.ge @!p0 [sflag:s8], $0x0  }
0x24: {  	s3 =	sadd.s32 $0x88, s3;
	s6 =	simm.s32 @!p1 $0x1082;
	[sflag:s4] =	ssyncset.s32 $0xFFFFF086  }
0x25: {  	[simem:s6], [sflag:s4] =	dma.local [hbm:s3], $0xF7A  }
0x26: {  	[smem:$0x3F66] =	sst s1;
	(tag) =	ssettag s2;
	_ =	strace s9  }
0x27: {  	s1 =	sld [smem:$0x3F76]  }
0x28: {  	s2 =	sld [smem:$0x3F77]  }
0x29: {  	s4 =	sld [smem:$0x3F79]  }
0x2a: {  	p0 =	seq.s32 s5, $0x0;
	s5 =	sld [smem:$0x3F7A]  }
0x2b: {  	s6 =	sld [smem:$0x3F7B]  }
0x2c: {  	s7 =	sld [smem:$0x3F7C]  }
0x2d: {  	s3 =	simm.s32 $0x108;
	s8 =	sld [smem:$0x3F7D]  }
0x2e: {  	s3 =	simm.s32 @!p0 $0x1082;
	s9 =	sld [smem:$0x3F7E]  }
0x2f: {  	lr =	sadd.s32 s0, s3;
	s0 =	sld [smem:$0x3F75]  }
0x30: {  	s3 =	sld [smem:$0x3F78]  }
0x31: {  	[smem:$0x3F81] =	sst s10  }
0x32: {  	s10 =	sld [smem:$0x3F7F];
	_ =	sdelay $0x3  }
0x33: {  	p0 =	seq.s32 s10, $0x1;
	s10 =	sld [smem:$0x3F81];
	_ =	sdelay $0x3  }
0x34: {  	[smem:$0x3F81] =	sst s10  }
0x35: {  	s10 =	sld [smem:$0x3F80];
	_ =	sdelay $0x3  }
0x36: {  	p1 =	seq.s32 s10, $0x1;
	s10 =	sld [smem:$0x3F81];
	_ =	sdelay $0x3  }
0x37: {  	[smem:$0x3F81] =	sst s10  }
0x38: {  	s10 =	sld [smem:$0x3F82]  }
0x39: {  	_ = 	snop;
	(pc) =	sbr.ind lr, $3  }
0x3a: {  	_ = 	snop  }
0x3b: {  	_ = 	snop  }
0x3c: {  	p2 =	seq.s32 s10, $0x1;
	s10 =	sld [smem:$0x3F81]  }
0x3d: {  	_ =	shalt  }
0x3e: {  	_ =	shalt  }
0x3f: {  	_ =	shalt  }
0x40: {  	_ =	shalt  }
0x41: {  	_ =	shalt  }
0x42: {  	_ =	shalt  }
0x43: {  	_ =	shalt  }
0x44: {  	_ =	shalt  }
0x45: {  	_ =	shalt  }
0x46: {  	_ =	shalt  }
0x47: {  	_ =	shalt  }
0x48: {  	_ =	shalt  }
0x49: {  	_ =	shalt  }
0x4a: {  	_ =	shalt  }
0x4b: {  	_ =	shalt  }
0x4c: {  	_ =	shalt  }
0x4d: {  	_ =	shalt  }
0x4e: {  	_ =	shalt  }
0x4f: {  	_ =	shalt  }
0x50: {  	_ =	shalt  }
0x51: {  	_ =	shalt  }
0x52: {  	_ =	shalt  }
0x53: {  	_ =	shalt  }
0x54: {  	_ =	shalt  }
0x55: {  	_ =	shalt  }
0x56: {  	_ =	shalt  }
0x57: {  	_ =	shalt  }
0x58: {  	_ =	shalt  }
0x59: {  	_ =	shalt  }
0x5a: {  	_ =	shalt  }
0x5b: {  	_ =	shalt  }
0x5c: {  	_ =	shalt  }
0x5d: {  	_ =	shalt  }
0x5e: {  	_ =	shalt  }
0x5f: {  	_ =	shalt  }
0x60: {  	_ =	shalt  }
0x61: {  	_ =	shalt  }
0x62: {  	_ =	shalt  }
0x63: {  	_ =	shalt  }
0x64: {  	_ =	shalt  }
0x65: {  	_ =	shalt  }
0x66: {  	_ =	shalt  }
0x67: {  	_ =	shalt  }
0x68: {  	_ =	shalt  }
0x69: {  	_ =	shalt  }
0x6a: {  	_ =	shalt  }
0x6b: {  	_ =	shalt  }
0x6c: {  	_ =	shalt  }
0x6d: {  	_ =	shalt  }
0x6e: {  	_ =	shalt  }
0x6f: {  	_ =	shalt  }
0x70: {  	_ =	shalt  }
0x71: {  	_ =	shalt  }
0x72: {  	_ =	shalt  }
0x73: {  	_ =	shalt  }
0x74: {  	_ =	shalt  }
0x75: {  	_ =	shalt  }
0x76: {  	_ =	shalt  }
0x77: {  	_ =	shalt  }
0x78: {  	_ =	shalt  }
0x79: {  	_ =	shalt  }
0x7a: {  	_ =	shalt  }
0x7b: {  	_ =	shalt  }
0x7c: {  	_ =	shalt  }
0x7d: {  	_ =	shalt  }
0x7e: {  	_ =	shalt  }
0x7f: {  	_ =	shalt  }
0x80: {  	_ =	shalt  }
0x81: {  	_ =	shalt  }
0x82: {  	_ =	shalt  }
0x83: {  	_ =	shalt  }
0x84: {  	_ =	shalt  }
0x85: {  	_ =	shalt  }
0x86: {  	_ =	shalt  }
0x87: {  	_ =	shalt  }
.Lfunc_end0:
.L_simem_size_0:
called_computation_lowered:
.L_overlay_start_0:
0x88: {  	s2 =	sld [smem:$0x3FD9]  }
0x89: {  	s3 =	sld [smem:$0x3FFE];
	_ =	sdelay $0x1  }
0x8a: {  	s1 =	srdreg.scid  }
0x8b: {  	s0 =	sand.u32 $0x1, s1  }
0x8c: {  	s17 =	sshll.u32 s0, $0xA;
	s2 =	sadd.s32 s3, s2  }
0x8d: {  	s2 =	sadd.s32 s2, s17  }
0x8e: {  	[smem:$0x3F8D] =	sst s2  }
0x8f: {  	_ = 	snop  }
0x90: {  	s2 =	sld [smem:$0x3FD0];
	(tm) =	ssettm $0x1  }
0x91: {  	s18 =	sld [smem:$0x3FFB];
	_ =	sdelay $0x3  }
0x92: {  	_ =	strace s18  }
0x93: {  	s3 =	sld [smem:$0x3FFC];
	_ =	sdelay $0x3  }
0x94: {  	_ =	strace s3  }
0x95: {  	s3 =	sld [smem:$0x3FFD];
	_ =	sdelay $0x3  }
0x96: {  	_ =	strace s3  }
0x97: {  	_ =	strace $0x8FFFFFFF  }
0x98: {  	s19 =	sld [smem:$0x3FDB];
	_ =	sdelay $0x1  }
0x99: {  	s4 =	simm.s32 $_scs_section_size  }
0x9a: {  	s5 =	simm.s32 $_size__tile_overlayer_lowered;
	s6 =	simm.s32 $_tile_overlayer_lowered  }
0x9b: {  	s22 =	simm.s32 $0x1BFF;
	s21 =	sshll.u32 s6, $0x1;
	s3 =	sadd.s32 s4, s19  }
0x9c: {  	s7 =	simm.s32 $0x0;
	s20 =	sshll.u32 s5, $0x1;
	s5 =	sadd.s32 s21, s3  }
0x9d: {  	[timem:s7], [sflag:s22] =	dma.local [hbm:s5], s20  }
0x9e: {  	_ =	swait.ge [sflag:s22], s20  }
0x9f: {  	s4 =	ssub.s32 $0x0, s20;
	[sflag:s22] =	ssyncset.done $0x0  }
0xa0: {  	[sflag:s22] =	ssyncadd.s32 s4;
	_ =	sdelay $0x1  }
0xa1: {  	s23 =	simm.s32 $0x1B8B  }
0xa2: {  	_ =	swait.ge [sflag:s23], $0x1  }
0xa3: {  	[sflag:s23] =	ssyncset.done $0x0  }
0xa4: {  	s25 =	simm.s32 $0x1B8E;
	s24 =	sld [smem:$0x3FFE];
	[sflag:s23] =	ssyncadd.s32 $0xFFFFFFFF  }
0xa5: {  	s26 =	simm.s32 $execute0_lowered;
	[smem:$0x3FD2] =	sst s25  }
0xa6: {  	s5 =	sshll.u32 s26, $0x1;
	_ =	strace $0x80000046;
	[dreg:$0x1] =	wrdreg $0xFFFFFFFF  }
0xa7: {  	s28 =	simm.s32 $_size_execute0_lowered;
	s3 =	sadd.s32 s3, s5;
	[dreg:$0x0] =	wrdreg $0x0  }
0xa8: {  	s5 =	sshll.u32 s28, $0x1;
	[dreg:$0x2] =	wrdreg s3  }
0xa9: {  	[dreg:$0x3] =	wrdreg s5  }
0xaa: {  	[dreg:$0x4] =	wrdreg $0xC0  }
0xab: {  	_ =	task [dreg:s7], $0x5FFFF  }
0xac: {  	[dreg:$0x1] =	wrdreg $0xFFFFFFFF  }
0xad: {  	[dreg:$0x0] =	wrdreg $0x60  }
0xae: {  	[dreg:$0x2] =	wrdreg s2  }
0xaf: {  	[dreg:$0x3] =	wrdreg s24  }
0xb0: {  	[dreg:$0x4] =	wrdreg $0x9  }
0xb1: {  	_ =	task.clear_ibuf [dreg:s7], $0x5FFFF;
	_ =	strace $0x90000046  }
0xb2: {  	s29 =	simm.s32 $0x9;
	_ =	strace $0x80000048  }
0xb3: {  	_ =	swait.ge [sflag:s29], $0x1  }
0xb4: {  	[sflag:s29] =	ssyncadd.s32 $0xFFFFFFFF  }
0xb5: {  	_ =	strace $0x90000048  }
0xb6: {  	_ =	sfence  }
0xb7: {  	s30 =	sld [smem:$0x0];
	_ =	sdelay $0x2  }
0xb8: {  	s31 =	sshll.u32 s1, $0xD;
	s1 =	sshrl.u32 s1, $0x2  }
0xb9: {  	s3 =	sand.u32 $0x4000, s31;
	s1 =	sadd.s32 s1, s30  }
0xba: {  	s0 =	sor.u32 s3, s0;
	s1 =	sshll.u32 s1, $0x11  }
0xbb: {  	s0 =	sor.u32 s1, s0  }
0xbc: {  	s0 =	sadd.s32 $0x8F2B, s0  }
0xbd: {  	[sflag:s0] =	ssyncadd.remote.s32 $0x1  }
0xbe: {  	_ =	sfence.sel $0xFFFF  }
0xbf: {  	[dreg:$0x0] =	wrdreg $0xFFFFFFFF;
	(pc) =	sbr.abs _section_cstart, $3  }
0xc0: {  	[dreg:$0x1] =	wrdreg $0xFFFFFFFF  }
0xc1: {  	_ =	task.clear_ibuf [dreg:s7], $0x2FFFF;
	_ =	strace $0x9FFFFFFF  }
0xc2: {  	(tm) =	ssettm $0x7FFFFFFF  }
0xc3: {  	_ =	shalt  }
tec
execute0_lowered:
.L_overlay_start_1:
0x0: {  	(tag) =	ssettag $0x1  }
0x1: {  	s0 =	srdreg.scid;
	s2 =	rddreg [dreg:$0x0]  }
0x2: {  	s11 =	stileid.u32;
	s5 =	rddreg [dreg:$0x1];
	s3 =	simm.s32 $0x0  }
0x3: {  	s28 =	simm.s32 $0x15C00;
	s29 =	simm.s32 $0x1;
	s30 =	simm.s32 $0x2  }
0x4: {  	s31 =	simm.s32 $0x3;
	s0 =	sand.u32 $0x1, s0;
	s6 =	smul.u32 $0xC400, s11  }
0x5: {  	s1 =	sshll.u32 s11, $0x1;
	s4 =	sadd.s32 $0x101800, s5;
	s15 =	sadd.s32 $0xBB8400, s5  }
0x6: {  	[smem:$0x7FF] =	sst s3;
	s13 =	sadd.s32 $0x598400, s5;
	s21 =	smul.u32 $0x18800, s11  }
0x7: {  	s14 =	sadd.s32 $0x410400, s5;
	s22 =	smul.u32 $0x62000, s11;
	s1 =	sor.u32 s0, s1  }
0x8: {  	_ =	strace $0x80000047;
	s7 =	smul.u32 $0x6200, s0;
	s8 =	ssub.s32 $0x2, s0  }
0x9: {  	s1 =	smul.u32 $0x6200, s1;
	s9 =	sshrl.u32 s8, $0x1;
	s24 =	sadd.s32 s21, s14  }
0xa: {  	s25 =	sadd.s32 s22, s13;
	s26 =	sadd.s32 s22, s15;
	s22 =	simm.s32 $0x15400  }
0xb: {  	s6 =	sadd.s32 s7, s6;
	s16 =	ssub.s32 s8, s9;
	s1 =	sshrl.u32 s1, $0x3  }
0xc: {  	s6 =	sor.u32 $0x80, s6;
	s19 =	smax.u32 s16, $0x1;
	s16 =	smul.u32 $0xC400, s0  }
0xd: {  	s0 =	smul.u32 $0x31000, s0;
	s1 =	sadd.s32 s1, s5;
	s5 =	sadd.s32 $0x288400, s5  }
0xe: {  	s18 =	sshrl.u32 s6, $0x7;
	[dreg:$0x5] =	wrdreg s19;
	s19 =	simm.s32 $0xC400  }
0xf: {  	s17 =	sadd.s32 $0xD200, s1;
	s1 =	sadd.s32 $0x11A000, s1;
	s20 =	sshll.u32 s18, $0x8  }
0x10: {  	s23 =	sadd.s32 s21, s5;
	s21 =	simm.s32 $0x14400;
	[dreg:$0x3] =	wrdreg s17  }
0x11: {  	[dreg:$0x4] =	wrdreg s1;
	s8 =	sadd.s32 s20, s14;
	s1 =	sshll.u32 s18, $0xA  }
.Ltmp0:
0x12: {  	s9 =	sadd.s32 s20, s5;
	s12 =	sadd.s32 s16, s23;
	(pc) =	sbr.rel .LBB2_1-.Ltmp0, $4  }
0x13: {  	s14 =	sadd.s32 s0, s25;
	s18 =	simm.s32 $0x80;
	s20 =	simm.s32 $0x10400  }
0x14: {  	s23 =	simm.s32 $0xE400;
	s25 =	simm.s32 $0x12400;
	s10 =	sadd.s32 s1, s15  }
0x15: {  	s11 =	sadd.s32 s1, s13;
	s13 =	sadd.s32 s16, s24;
	s15 =	sadd.s32 s0, s26  }
0x16: {  	s26 =	simm.s32 $0x14C00;
	s1 =	simm.s32 $0x4;
	s0 =	simm.s32 $0x0  }
.LBB2_4:
0x17: {  	s0 =	sadd.s32 $0x1, s0;
	s5 =	rddreg [dreg:$0x5]  }
0x18: {  	p0 =	sne.s32 s0, s5  }
.Ltmp1:
0x19: {  	_ = 	snop;
	(pc) =	sbr.rel @!p0 .LBB2_5-.Ltmp1, $1  }
0x1a: {  	_ =	sdelay $0x3  }
.LBB2_1:
0x1b: {  	s5 =	rddreg [dreg:$0x3];
	s6 =	simm.s32 $0x5  }
0x1c: {  	[tilespmem:s3], [sflag:$0x5] =	stream.linear.gather [hbm4b:s5+s3], $0x6200, $0x38;
	[tilespmem:$0x16400] =	vst v63  }
0x1d: {  	_ =	swait.ge [sflag:s6], $0x6200  }
0x1e: {  	[sflag:s6] =	ssyncset.done $0x0  }
0x1f: {  	s7 =	simm.s32 $0x6200;
	s17 =	rddreg [dreg:$0x4];
	[sflag:s6] =	ssyncadd.s32 $0xFFFF9E00  }
0x20: {  	[tilespmem:s7], [sflag:$0x5] =	stream.linear.gather [hbm4b:s17+s3], $0x6200, $0x38;
	[tilespmem:$0x16400] =	vst v63  }
0x21: {  	_ =	swait.ge [sflag:s6], $0x6200  }
0x22: {  	[sflag:s6] =	ssyncset.done $0x0  }
0x23: {  	[sflag:s6] =	ssyncadd.s32 $0xFFFF9E00  }
0x24: {  	[tilespmem:s19], [sflag:$0x1] =	stream.indirect.gather [hbm4b:s2+s18], $0x40, s3, s18, $0xb8;
	[tilespmem:$0x16400] =	vst v63  }
0x25: {  	_ = 	snop  }
0x26: {  	[tilespmem:s20], [sflag:$0x1] =	stream.indirect.gather [hbm4b:s2+s18], $0x40, s7, s18, $0xb8;
	[tilespmem:$0x16400] =	vst v63  }
0x27: {  	_ = 	snop  }
0x28: {  	[tilespmem:s21], [sflag:$0x1] =	stream.indirect.gather [hbm4b:s4+s18], $0x10, s3, s18, $0xb8;
	[tilespmem:$0x16400] =	vst v63  }
0x29: {  	_ = 	snop  }
0x2a: {  	[tilespmem:s22], [sflag:$0x1] =	stream.indirect.gather [hbm4b:s4+s18], $0x10, s7, s18, $0xb8;
	[tilespmem:$0x16400] =	vst v63  }
0x2b: {  	_ = 	snop  }
0x2c: {  	[tilespmem:s23], [sflag:$0x2] =	stream.indirect.gather [hbm4b:s2+s18], $0x40, s18, s18, $0xb8;
	[tilespmem:$0x16400] =	vst v63  }
0x2d: {  	s24 =	simm.s32 $0x6280  }
0x2e: {  	[tilespmem:s25], [sflag:$0x2] =	stream.indirect.gather [hbm4b:s2+s18], $0x40, s24, s18, $0xb8;
	[tilespmem:$0x16400] =	vst v63  }
0x2f: {  	_ = 	snop  }
0x30: {  	[tilespmem:s26], [sflag:$0x2] =	stream.indirect.gather [hbm4b:s4+s18], $0x10, s18, s18, $0xb8;
	[tilespmem:$0x16400] =	vst v63  }
0x31: {  	s5 =	simm.s32 $0x100  }
0x32: {  	[tilespmem:s28], [sflag:$0x2] =	stream.indirect.gather [hbm4b:s4+s18], $0x10, s24, s18, $0xb8;
	[tilespmem:$0x16400] =	vst v63  }
0x33: {  	s6 =	simm.s32 $0x6300;
	s7 =	simm.s32 $0x0;
	s24 =	simm.s32 $0x0  }
.LBB2_2:
0x34: {  	_ =	swait.ge [sflag:s29], $0x2000  }
0x35: {  	[sflag:s29] =	ssyncset.done $0x0  }
0x36: {  	[sflag:s29] =	ssyncadd.s32 $0xFFFFE000  }
0x37: {  	_ =	swait.ge [sflag:s29], $0x2000  }
0x38: {  	[sflag:s29] =	ssyncset.done $0x0  }
0x39: {  	[sflag:s29] =	ssyncadd.s32 $0xFFFFE000  }
0x3a: {  	_ =	swait.ge [sflag:s29], $0x800  }
0x3b: {  	[sflag:s29] =	ssyncset.done $0x0  }
0x3c: {  	[sflag:s29] =	ssyncadd.s32 $0xFFFFF800  }
0x3d: {  	_ =	swait.ge [sflag:s29], $0x800  }
0x3e: {  	[sflag:s29] =	ssyncset.done $0x0  }
0x3f: {  	s17 =	sadd.s32 s7, s15;
	[sflag:s29] =	ssyncadd.s32 $0xFFFFF800  }
0x40: {  	[hbm4b:s17+s3] =	stream.linear.scatter [tilespmem:s19], [sflag:$0x3], $0x2000, $0x38;
	[tilespmem:$0x16400] =	vst v63  }
0x41: {  	s16 =	sadd.s32 s7, s14  }
0x42: {  	[hbm4b:s16+s3] =	stream.linear.scatter [tilespmem:s20], [sflag:$0x3], $0x2000, $0x38;
	[tilespmem:$0x16400] =	vst v63  }
0x43: {  	s16 =	sadd.s32 s24, s13  }
0x44: {  	[hbm4b:s16+s3] =	stream.linear.scatter [tilespmem:s21], [sflag:$0x3], $0x800, $0x38;
	[tilespmem:$0x16400] =	vst v63  }
0x45: {  	s16 =	sadd.s32 s24, s12  }
0x46: {  	[hbm4b:s16+s3] =	stream.linear.scatter [tilespmem:s22], [sflag:$0x3], $0x800, $0x38;
	[tilespmem:$0x16400] =	vst v63  }
0x47: {  	_ =	swait.ge [sflag:s30], $0x2000  }
0x48: {  	[sflag:s30] =	ssyncset.done $0x0  }
0x49: {  	[sflag:s30] =	ssyncadd.s32 $0xFFFFE000  }
0x4a: {  	_ =	swait.ge [sflag:s30], $0x2000  }
0x4b: {  	[sflag:s30] =	ssyncset.done $0x0  }
0x4c: {  	[sflag:s30] =	ssyncadd.s32 $0xFFFFE000  }
0x4d: {  	_ =	swait.ge [sflag:s30], $0x800  }
0x4e: {  	[sflag:s30] =	ssyncset.done $0x0  }
0x4f: {  	[sflag:s30] =	ssyncadd.s32 $0xFFFFF800  }
0x50: {  	_ =	swait.ge [sflag:s30], $0x800  }
0x51: {  	[sflag:s30] =	ssyncset.done $0x0  }
0x52: {  	s16 =	sadd.s32 s7, s10;
	[sflag:s30] =	ssyncadd.s32 $0xFFFFF800  }
0x53: {  	[hbm4b:s16+s3] =	stream.linear.scatter [tilespmem:s23], [sflag:$0x4], $0x2000, $0x38;
	[tilespmem:$0x16400] =	vst v63  }
0x54: {  	s16 =	sadd.s32 s7, s11  }
0x55: {  	[hbm4b:s16+s3] =	stream.linear.scatter [tilespmem:s25], [sflag:$0x4], $0x2000, $0x38;
	[tilespmem:$0x16400] =	vst v63  }
0x56: {  	s16 =	sadd.s32 s24, s8  }
0x57: {  	[hbm4b:s16+s3] =	stream.linear.scatter [tilespmem:s26], [sflag:$0x4], $0x800, $0x38;
	[tilespmem:$0x16400] =	vst v63  }
0x58: {  	s16 =	sadd.s32 s24, s9  }
0x59: {  	[hbm4b:s16+s3] =	stream.linear.scatter [tilespmem:s28], [sflag:$0x4], $0x800, $0x38;
	[tilespmem:$0x16400] =	vst v63  }
0x5a: {  	_ =	swait.ge [sflag:s31], $0x2000  }
0x5b: {  	[sflag:s31] =	ssyncset.done $0x0  }
0x5c: {  	[sflag:s31] =	ssyncadd.s32 $0xFFFFE000  }
0x5d: {  	_ =	swait.ge [sflag:s31], $0x2000  }
0x5e: {  	[sflag:s31] =	ssyncset.done $0x0  }
0x5f: {  	[sflag:s31] =	ssyncadd.s32 $0xFFFFE000  }
0x60: {  	_ =	swait.ge [sflag:s31], $0x800  }
0x61: {  	[sflag:s31] =	ssyncset.done $0x0  }
0x62: {  	[sflag:s31] =	ssyncadd.s32 $0xFFFFF800  }
0x63: {  	_ =	swait.ge [sflag:s31], $0x800  }
0x64: {  	p0 =	seq.s32 s24, $0xC200;
	[sflag:s31] =	ssyncset.done $0x0  }
0x65: {  	s17 =	simm.s32 @!p0 $0x80;
	s16 =	simm.s32 @!p0 $0xC400;
	[sflag:s31] =	ssyncadd.s32 $0xFFFFF800  }
0x66: {  	[tilespmem:s16], [sflag:$0x1] =	stream.indirect.gather @!p0 [hbm4b:s2+s17], $0x40, s5, s17, $0xb8;
	[tilespmem:$0x16400] =	vst v63  }
0x67: {  	s16 =	simm.s32 @!p0 $0x10400  }
0x68: {  	[tilespmem:s16], [sflag:$0x1] =	stream.indirect.gather @!p0 [hbm4b:s2+s17], $0x40, s6, s17, $0xb8;
	[tilespmem:$0x16400] =	vst v63  }
0x69: {  	s16 =	simm.s32 @!p0 $0x14400  }
0x6a: {  	[tilespmem:s16], [sflag:$0x1] =	stream.indirect.gather @!p0 [hbm4b:s4+s17], $0x10, s5, s17, $0xb8;
	[tilespmem:$0x16400] =	vst v63  }
0x6b: {  	s16 =	simm.s32 @!p0 $0x15400  }
0x6c: {  	[tilespmem:s16], [sflag:$0x1] =	stream.indirect.gather @!p0 [hbm4b:s4+s17], $0x10, s6, s17, $0xb8;
	[tilespmem:$0x16400] =	vst v63  }
0x6d: {  	_ =	swait.ge [sflag:s1], $0x2000  }
0x6e: {  	[sflag:s1] =	ssyncset.done $0x0  }
0x6f: {  	[sflag:s1] =	ssyncadd.s32 $0xFFFFE000  }
0x70: {  	_ =	swait.ge [sflag:s1], $0x2000  }
0x71: {  	[sflag:s1] =	ssyncset.done $0x0  }
0x72: {  	[sflag:s1] =	ssyncadd.s32 $0xFFFFE000  }
0x73: {  	_ =	swait.ge [sflag:s1], $0x800  }
.Ltmp2:
0x74: {  	[sflag:s1] =	ssyncset.done $0x0;
	(pc) =	sbr.rel @p0 .LBB2_4-.Ltmp2, $4  }
0x75: {  	[sflag:s1] =	ssyncadd.s32 $0xFFFFF800  }
0x76: {  	_ =	swait.ge [sflag:s1], $0x800  }
0x77: {  	[sflag:s1] =	ssyncset.done $0x0  }
0x78: {  	[sflag:s1] =	ssyncadd.s32 $0xFFFFF800  }
0x79: {  	s16 =	sadd.s32 $0x80, s5  }
0x7a: {  	[tilespmem:s23], [sflag:$0x2] =	stream.indirect.gather [hbm4b:s2+s18], $0x40, s16, s18, $0xb8;
	[tilespmem:$0x16400] =	vst v63  }
0x7b: {  	s17 =	sadd.s32 $0x80, s6  }
0x7c: {  	[tilespmem:s25], [sflag:$0x2] =	stream.indirect.gather [hbm4b:s2+s18], $0x40, s17, s18, $0xb8;
	[tilespmem:$0x16400] =	vst v63  }
.Ltmp3:
0x7d: {  	_ = 	snop;
	(pc) =	sbr.rel .LBB2_2-.Ltmp3, $4  }
0x7e: {  	s24 =	sadd.s32 $0x200, s24  }
0x7f: {  	[tilespmem:s26], [sflag:$0x2] =	stream.indirect.gather [hbm4b:s4+s18], $0x10, s16, s18, $0xb8;
	[tilespmem:$0x16400] =	vst v63  }
0x80: {  	s7 =	sadd.s32 $0x800, s7;
	s5 =	sadd.s32 $0x100, s5;
	s6 =	sadd.s32 $0x100, s6  }
0x81: {  	[tilespmem:s28], [sflag:$0x2] =	stream.indirect.gather [hbm4b:s4+s18], $0x10, s17, s18, $0xb8;
	[tilespmem:$0x16400] =	vst v63  }
.LBB2_5:
0x82: {  	_ =	sfence.sel $0x180000  }
0x83: {  	[bflag:$0x0] =	sbarrier.arrive $0xFFFF  }
0x84: {  	_ =	strace $0x90000047  }
0x85: {  	s0 =	stileid.u32;
	[bflag:$0x2] =	sbarrier.arrive $0xFFFF  }
0x86: {  	p0 =	sne.s32 s0, $0x0;
	s0 =	rddreg [dreg:$0x2]  }
0x87: {  	s0 =	sadd.s32 @!p0 $0x100000, s0  }
0x88: {  	[sflag:s0] =	ssyncadd.tile.s32 @!p0 $0x1;
	_ =	shalt  }
.Lfunc_end2:
_tile_overlayer_lowered:
.L_overlay_start_2:
0x89: {  	(tag) =	ssettag $0x2  }
0x8a: {  	s0 =	rddreg [dreg:$0x0];
	s2 =	stileid.u32  }
0x8b: {  	s1 =	rddreg [dreg:$0x1];
	p0 =	sne.s32 s2, $0x0  }
0x8c: {  	s3 =	rddreg [dreg:$0x2];
	[bflag:$0x3] =	sbarrier.arrive $0xFFFF;
	s2 =	simm.s32 @!p0 $0x1C05  }
0x8d: {  	[timem:s3], [sflag:s2] =	dma.local @!p0 [hbm:s0], s1  }
0x8e: {  	s0 =	simm.s32 @!p0 $0x5  }
0x8f: {  	_ =	swait.ge @!p0 [sflag:s0], s1  }
0x90: {  	s1 =	ssub.s32 @!p0 $0x0, s1;
	[sflag:s0] =	ssyncset.done @!p0 $0x0  }
0x91: {  	[sflag:s0] =	ssyncadd.s32 @!p0 s1  }
0x92: {  	[bflag:$0x3] =	sbarrier.arrive $0xFFFF  }
0x93: {  	_ =	shalt  }

// kernel: kernel.21.cloned.1.call-start
scs
__scs_entry_jumppad:
0x0: {  	(pc) =	sbr.rel $0x88, $3  }
0x1: {  	(tag) =	ssettag $0x0;
	lr =	simm.s32 $0x1  }
0x2: {  	[smem:$0x3F66] =	sst lr;
	_ =	strace $0xD0000000  }
0x3: {  	_ = 	snop  }
0x4: {  	_ = 	snop  }
0x5: {  	_ = 	snop  }
0x6: {  	_ = 	snop  }
0x7: {  	_ = 	snop  }
__scs_overlays_trampoline_lowered:
0x8: {  	[smem:$0x3F75] =	sst s0  }
0x9: {  	[smem:$0x3F76] =	sst s1  }
0xa: {  	[smem:$0x3F77] =	sst s2  }
0xb: {  	[smem:$0x3F78] =	sst s3  }
0xc: {  	[smem:$0x3F79] =	sst s4  }
0xd: {  	[smem:$0x3F7A] =	sst s5  }
0xe: {  	[smem:$0x3F7B] =	sst s6  }
0xf: {  	[smem:$0x3F7C] =	sst s7  }
0x10: {  	[smem:$0x3F7D] =	sst s8  }
0x11: {  	[smem:$0x3F7E] =	sst s9;
	s0 =	simm.s32 @!p0 $0x0  }
0x12: {  	s1 =	sld [smem:$0x3F64];
	s0 =	simm.s32 @p0 $0x1  }
0x13: {  	[smem:$0x3F7F] =	sst s0;
	s0 =	simm.s32 @!p1 $0x0  }
0x14: {  	s2 =	sld [smem:$0x3F63];
	s0 =	simm.s32 @p1 $0x1  }
0x15: {  	[smem:$0x3F80] =	sst s0;
	s0 =	simm.s32 @!p2 $0x0  }
0x16: {  	s3 =	sld [smem:$0x3FDB];
	s0 =	simm.s32 @p2 $0x1  }
0x17: {  	s4 =	simm.s32 $0x1BF5;
	[smem:$0x3F82] =	sst s0  }
0x18: {  	s0 =	sld [smem:$0x3F65];
	_ =	swait.ge [sflag:s4], $0x0  }
0x19: {  	s7 =	sld [smem:$0x3F66]  }
0x1a: {  	s8 =	sadd.s32 $0xFFFFE003, lr  }
0x1b: {  	s9 =	sadd.s32 $0xFFFFFEF7, lr;
	s5 =	simm.s32 $0xFFFFFFFF;
	p2 =	slt.u32 s8, $0xFFFFF086  }
0x1c: {  	p1 =	slt.u32 s9, $0xF7A;
	s5 =	simm.s32 @!p2 $0x0  }
0x1d: {  	s5 =	simm.s32 @p1 $0x1;
	p0 =	seq.s32 s7, s2  }
0x1e: {  	s7 =	smul.u32 @!p0 $0xF7A, s2;
	p2 =	seq.s32 @!p0 s5, $0x0  }
0x1f: {  	s9 =	smul.u32 $0xF7A, s1;
	s8 =	simm.s32 @!p0 $0x1BF5;
	p2 =	por !p2, p0  }
0x20: {  	[sflag:s8] =	ssyncset.s32 @!p0 $0xFFFFF086;
	s6 =	sadd.s32 @!p0 s3, s7;
	s7 =	simm.s32 @!p0 $0x108  }
0x21: {  	s3 =	sadd.s32 s3, s9;
	s6 =	sadd.s32 @!p0 $0x88, s6;
	s7 =	simm.s32 @p2 $0x1082  }
0x22: {  	[simem:s7], [sflag:s8] =	dma.local @!p0 [hbm:s6], $0xF7A  }
0x23: {  	s9 =	sor.u32 $0xD0000000, s2;
	s6 =	simm.s32 $0x108;
	_ =	swait.ge @!p0 [sflag:s8], $0x0  }
0x24: {  	s3 =	sadd.s32 $0x88, s3;
	s6 =	simm.s32 @!p1 $0x1082;
	[sflag:s4] =	ssyncset.s32 $0xFFFFF086  }
0x25: {  	[simem:s6], [sflag:s4] =	dma.local [hbm:s3], $0xF7A  }
0x26: {  	[smem:$0x3F66] =	sst s1;
	(tag) =	ssettag s2;
	_ =	strace s9  }
0x27: {  	s1 =	sld [smem:$0x3F76]  }
0x28: {  	s2 =	sld [smem:$0x3F77]  }
0x29: {  	s4 =	sld [smem:$0x3F79]  }
0x2a: {  	p0 =	seq.s32 s5, $0x0;
	s5 =	sld [smem:$0x3F7A]  }
0x2b: {  	s6 =	sld [smem:$0x3F7B]  }
0x2c: {  	s7 =	sld [smem:$0x3F7C]  }
0x2d: {  	s3 =	simm.s32 $0x108;
	s8 =	sld [smem:$0x3F7D]  }
0x2e: {  	s3 =	simm.s32 @!p0 $0x1082;
	s9 =	sld [smem:$0x3F7E]  }
0x2f: {  	lr =	sadd.s32 s0, s3;
	s0 =	sld [smem:$0x3F75]  }
0x30: {  	s3 =	sld [smem:$0x3F78]  }
0x31: {  	[smem:$0x3F81] =	sst s10  }
0x32: {  	s10 =	sld [smem:$0x3F7F];
	_ =	sdelay $0x3  }
0x33: {  	p0 =	seq.s32 s10, $0x1;
	s10 =	sld [smem:$0x3F81];
	_ =	sdelay $0x3  }
0x34: {  	[smem:$0x3F81] =	sst s10  }
0x35: {  	s10 =	sld [smem:$0x3F80];
	_ =	sdelay $0x3  }
0x36: {  	p1 =	seq.s32 s10, $0x1;
	s10 =	sld [smem:$0x3F81];
	_ =	sdelay $0x3  }
0x37: {  	[smem:$0x3F81] =	sst s10  }
0x38: {  	s10 =	sld [smem:$0x3F82]  }
0x39: {  	_ = 	snop;
	(pc) =	sbr.ind lr, $3  }
0x3a: {  	_ = 	snop  }
0x3b: {  	_ = 	snop  }
0x3c: {  	p2 =	seq.s32 s10, $0x1;
	s10 =	sld [smem:$0x3F81]  }
0x3d: {  	_ =	shalt  }
0x3e: {  	_ =	shalt  }
0x3f: {  	_ =	shalt  }
0x40: {  	_ =	shalt  }
0x41: {  	_ =	shalt  }
0x42: {  	_ =	shalt  }
0x43: {  	_ =	shalt  }
0x44: {  	_ =	shalt  }
0x45: {  	_ =	shalt  }
0x46: {  	_ =	shalt  }
0x47: {  	_ =	shalt  }
0x48: {  	_ =	shalt  }
0x49: {  	_ =	shalt  }
0x4a: {  	_ =	shalt  }
0x4b: {  	_ =	shalt  }
0x4c: {  	_ =	shalt  }
0x4d: {  	_ =	shalt  }
0x4e: {  	_ =	shalt  }
0x4f: {  	_ =	shalt  }
0x50: {  	_ =	shalt  }
0x51: {  	_ =	shalt  }
0x52: {  	_ =	shalt  }
0x53: {  	_ =	shalt  }
0x54: {  	_ =	shalt  }
0x55: {  	_ =	shalt  }
0x56: {  	_ =	shalt  }
0x57: {  	_ =	shalt  }
0x58: {  	_ =	shalt  }
0x59: {  	_ =	shalt  }
0x5a: {  	_ =	shalt  }
0x5b: {  	_ =	shalt  }
0x5c: {  	_ =	shalt  }
0x5d: {  	_ =	shalt  }
0x5e: {  	_ =	shalt  }
0x5f: {  	_ =	shalt  }
0x60: {  	_ =	shalt  }
0x61: {  	_ =	shalt  }
0x62: {  	_ =	shalt  }
0x63: {  	_ =	shalt  }
0x64: {  	_ =	shalt  }
0x65: {  	_ =	shalt  }
0x66: {  	_ =	shalt  }
0x67: {  	_ =	shalt  }
0x68: {  	_ =	shalt  }
0x69: {  	_ =	shalt  }
0x6a: {  	_ =	shalt  }
0x6b: {  	_ =	shalt  }
0x6c: {  	_ =	shalt  }
0x6d: {  	_ =	shalt  }
0x6e: {  	_ =	shalt  }
0x6f: {  	_ =	shalt  }
0x70: {  	_ =	shalt  }
0x71: {  	_ =	shalt  }
0x72: {  	_ =	shalt  }
0x73: {  	_ =	shalt  }
0x74: {  	_ =	shalt  }
0x75: {  	_ =	shalt  }
0x76: {  	_ =	shalt  }
0x77: {  	_ =	shalt  }
0x78: {  	_ =	shalt  }
0x79: {  	_ =	shalt  }
0x7a: {  	_ =	shalt  }
0x7b: {  	_ =	shalt  }
0x7c: {  	_ =	shalt  }
0x7d: {  	_ =	shalt  }
0x7e: {  	_ =	shalt  }
0x7f: {  	_ =	shalt  }
0x80: {  	_ =	shalt  }
0x81: {  	_ =	shalt  }
0x82: {  	_ =	shalt  }
0x83: {  	_ =	shalt  }
0x84: {  	_ =	shalt  }
0x85: {  	_ =	shalt  }
0x86: {  	_ =	shalt  }
0x87: {  	_ =	shalt  }
.Lfunc_end0:
.L_simem_size_0:
called_computation.1_lowered:
.L_overlay_start_0:
0x88: {  	s2 =	sld [smem:$0x3FD9]  }
0x89: {  	s3 =	sld [smem:$0x3FFE];
	_ =	sdelay $0x1  }
0x8a: {  	s1 =	srdreg.scid  }
0x8b: {  	s0 =	sand.u32 $0x1, s1  }
0x8c: {  	s17 =	sshll.u32 s0, $0xA;
	s2 =	sadd.s32 s3, s2  }
0x8d: {  	s2 =	sadd.s32 s2, s17  }
0x8e: {  	[smem:$0x3F8D] =	sst s2  }
0x8f: {  	_ = 	snop  }
0x90: {  	s2 =	sld [smem:$0x3FD0];
	(tm) =	ssettm $0x1  }
0x91: {  	s18 =	sld [smem:$0x3FFB];
	_ =	sdelay $0x3  }
0x92: {  	_ =	strace s18  }
0x93: {  	s3 =	sld [smem:$0x3FFC];
	_ =	sdelay $0x3  }
0x94: {  	_ =	strace s3  }
0x95: {  	s3 =	sld [smem:$0x3FFD];
	_ =	sdelay $0x3  }
0x96: {  	_ =	strace s3  }
0x97: {  	_ =	strace $0x8FFFFFFF  }
0x98: {  	s19 =	sld [smem:$0x3FDB];
	_ =	sdelay $0x1  }
0x99: {  	s4 =	simm.s32 $_scs_section_size  }
0x9a: {  	s5 =	simm.s32 $_size__tile_overlayer_lowered;
	s6 =	simm.s32 $_tile_overlayer_lowered  }
0x9b: {  	s22 =	simm.s32 $0x1BFF;
	s21 =	sshll.u32 s6, $0x1;
	s3 =	sadd.s32 s4, s19  }
0x9c: {  	s7 =	simm.s32 $0x0;
	s20 =	sshll.u32 s5, $0x1;
	s5 =	sadd.s32 s21, s3  }
0x9d: {  	[timem:s7], [sflag:s22] =	dma.local [hbm:s5], s20  }
0x9e: {  	_ =	swait.ge [sflag:s22], s20  }
0x9f: {  	s4 =	ssub.s32 $0x0, s20;
	[sflag:s22] =	ssyncset.done $0x0  }
0xa0: {  	[sflag:s22] =	ssyncadd.s32 s4;
	_ =	sdelay $0x1  }
0xa1: {  	s23 =	simm.s32 $0x1B8B  }
0xa2: {  	_ =	swait.ge [sflag:s23], $0x1  }
0xa3: {  	[sflag:s23] =	ssyncset.done $0x0  }
0xa4: {  	s25 =	simm.s32 $0x1B8E;
	s24 =	sld [smem:$0x3FFE];
	[sflag:s23] =	ssyncadd.s32 $0xFFFFFFFF  }
0xa5: {  	s26 =	simm.s32 $execute0_lowered;
	[smem:$0x3FD2] =	sst s25  }
0xa6: {  	s5 =	sshll.u32 s26, $0x1;
	_ =	strace $0x80000049;
	[dreg:$0x1] =	wrdreg $0xFFFFFFFF  }
0xa7: {  	s28 =	simm.s32 $_size_execute0_lowered;
	s3 =	sadd.s32 s3, s5;
	[dreg:$0x0] =	wrdreg $0x0  }
0xa8: {  	s5 =	sshll.u32 s28, $0x1;
	[dreg:$0x2] =	wrdreg s3  }
0xa9: {  	[dreg:$0x3] =	wrdreg s5  }
0xaa: {  	[dreg:$0x4] =	wrdreg $0xC0  }
0xab: {  	_ =	task [dreg:s7], $0x5FFFF  }
0xac: {  	[dreg:$0x1] =	wrdreg $0xFFFFFFFF  }
0xad: {  	[dreg:$0x0] =	wrdreg $0x60  }
0xae: {  	[dreg:$0x2] =	wrdreg s24  }
0xaf: {  	[dreg:$0x3] =	wrdreg s2  }
0xb0: {  	[dreg:$0x4] =	wrdreg $0x42000  }
0xb1: {  	[dreg:$0x5] =	wrdreg $0x9  }
0xb2: {  	_ =	task.clear_ibuf [dreg:s7], $0x6FFFF;
	_ =	strace $0x90000049  }
0xb3: {  	s29 =	simm.s32 $0x9;
	_ =	strace $0x8000004B  }
0xb4: {  	_ =	swait.ge [sflag:s29], $0x1  }
0xb5: {  	[sflag:s29] =	ssyncadd.s32 $0xFFFFFFFF  }
0xb6: {  	_ =	strace $0x9000004B  }
0xb7: {  	_ =	sfence  }
0xb8: {  	s30 =	sld [smem:$0x0];
	_ =	sdelay $0x2  }
0xb9: {  	s31 =	sshll.u32 s1, $0xD;
	s1 =	sshrl.u32 s1, $0x2  }
0xba: {  	s3 =	sand.u32 $0x4000, s31;
	s1 =	sadd.s32 s1, s30  }
0xbb: {  	s0 =	sor.u32 s3, s0;
	s1 =	sshll.u32 s1, $0x11  }
0xbc: {  	s0 =	sor.u32 s1, s0  }
0xbd: {  	s0 =	sadd.s32 $0x8F2B, s0  }
0xbe: {  	[sflag:s0] =	ssyncadd.remote.s32 $0x1  }
0xbf: {  	_ =	sfence.sel $0xFFFF  }
0xc0: {  	[dreg:$0x0] =	wrdreg $0xFFFFFFFF;
	(pc) =	sbr.abs _section_cstart, $3  }
0xc1: {  	[dreg:$0x1] =	wrdreg $0xFFFFFFFF  }
0xc2: {  	_ =	task.clear_ibuf [dreg:s7], $0x2FFFF;
	_ =	strace $0x9FFFFFFF  }
0xc3: {  	(tm) =	ssettm $0x7FFFFFFF  }
tec
execute0_lowered:
.L_overlay_start_1:
0x0: {  	(tag) =	ssettag $0x1  }
0x1: {  	s5 =	rddreg [dreg:$0x0]  }
0x2: {  	s10 =	rddreg [dreg:$0x1]  }
0x3: {  	s2 =	rddreg [dreg:$0x2];
	s3 =	simm.s32 $0x0;
	s1 =	stileid.u32  }
0x4: {  	s4 =	srdreg.scid;
	s20 =	simm.s32 $0x1;
	s6 =	smul.u32 $0x18800, s1  }
0x5: {  	s21 =	simm.s32 $0x100;
	s22 =	simm.s32 $0x3;
	s26 =	smul.u32 $0xC400, s1  }
0x6: {  	s23 =	simm.s32 $0x2;
	[smem:$0x7FF] =	sst s3;
	s14 =	smul.u32 $0x620, s1  }
0x7: {  	s8 =	sand.u32 $0x1, s4;
	s9 =	sadd.s32 $0xEC8400, s5;
	s17 =	smul.u32 $0x62000, s1  }
0x8: {  	s13 =	sadd.s32 $0x25A00, s5;
	s15 =	sadd.s32 $0x16F800, s2;
	s31 =	smul.u32 $0x1880, s1  }
0x9: {  	p0 =	seq.s32 s1, $0xF;
	_ =	strace $0x8000004A;
	s24 =	smul.u32 $0x61A8, s8  }
0xa: {  	s4 =	ssub.s32 $0x2, s8;
	s19 =	smul.u32 $0x186A00, s8;
	s7 =	sshrl.u32 s6, $0x3  }
0xb: {  	s11 =	sshrl.u32 s4, $0x1;
	s16 =	sadd.s32 s6, s2;
	s28 =	sshrl.u32 s26, $0x3  }
0xc: {  	s7 =	sadd.s32 s7, s5;
	s12 =	ssub.s32 s4, s11;
	s5 =	sadd.s32 $0x160700, s5  }
0xd: {  	s6 =	sadd.s32 s13, s28;
	s11 =	sor.u32 $0x80, s26;
	s14 =	sadd.s32 s14, s24  }
0xe: {  	s30 =	sshrl.u32 s19, $0x3;
	s16 =	sshrl.u32 @!p0 s16, $0x3;
	s19 =	simm.s32 $0x2200  }
0xf: {  	v0 =	vmov s24;
	s24 =	simm.s32 $0x180;
	s26 =	simm.s32 $0x0;
	s4 =	sadd.s32 $0x132800, s7  }
0x10: {  	s7 =	sadd.s32 s9, s17;
	s18 =	sshrl.u32 s11, $0x3;
	s11 =	sshll.u32 s11, $0x3  }
0x11: {  	s29 =	sshll.u32 s14, $0x3;
	s17 =	sshrl.u32 s17, $0x2;
	s14 =	sadd.s32 s10, s30  }
.Ltmp0:
0x12: {  	s12 =	smax.u32 s12, $0x1;
	s8 =	sadd.s32 s13, s18;
	(pc) =	sbr.rel .LBB2_1-.Ltmp0, $4  }
0x13: {  	s9 =	sadd.s32 s9, s11;
	s10 =	sadd.s32 s10, s29;
	s25 =	sadd.s32 s17, s2  }
0x14: {  	s11 =	sadd.s32 $0x2DF00, s14;
	s13 =	sadd.s32 s31, s13;
	s14 =	sshrl.u32 @p0 s15, $0x3  }
0x15: {  	s15 =	sshll.u32 @!p0 s1, $0x6;
	s17 =	simm.s32 $0x200;
	s18 =	simm.s32 $0x80  }
0x16: {  	s13 =	sadd.s32 $0x30, s13;
	s15 =	sor.u32 @!p0 $0x1C03, s15;
	s25 =	sshrl.u32 @!p0 s25, $0x3  }
.LBB2_4:
0x17: {  	[bflag:$0x0] =	sbarrier.arrive $0xFFFF;
	s0 =	simm.s32 @p0 $0x1FC3  }
0x18: {  	[hbm:s11], [sflag:s0] =	dma.local @p0 [spmem:s14], $0x2E40  }
0x19: {  	s0 =	simm.s32 @p0 $0x3  }
0x1a: {  	s26 =	sadd.s32 $0x1, s26;
	_ =	swait.ge @p0 [sflag:s0], $0x2E40  }
0x1b: {  	p1 =	sne.s32 s26, s12;
	[sflag:s0] =	ssyncset.done @p0 $0x0  }
.Ltmp1:
0x1c: {  	[sflag:s0] =	ssyncadd.s32 @p0 $0xFFFFD1C0;
	s0 =	simm.s32 @!p0 $0x3;
	(pc) =	sbr.rel @!p1 .LBB2_5-.Ltmp1, $4  }
0x1d: {  	[hbm:s10], [sflag:s15] =	dma.local @!p0 [spmem:s25], $0x3100  }
0x1e: {  	_ =	swait.ge @!p0 [sflag:s0], $0x3100  }
0x1f: {  	[sflag:s0] =	ssyncset.done @!p0 $0x0  }
0x20: {  	[sflag:s0] =	ssyncadd.s32 @!p0 $0xFFFFCF00  }
.LBB2_1:
0x21: {  	s28 =	simm.s32 @p0 $0x1FC3  }
0x22: {  	[spmem:s14], [sflag:s28] =	dma.local @p0 [hbm:s5], $0x2E80  }
0x23: {  	s28 =	simm.s32 @p0 $0x3  }
0x24: {  	_ =	swait.ge @p0 [sflag:s28], $0x2E80  }
0x25: {  	[sflag:s28] =	ssyncset.done @p0 $0x0  }
0x26: {  	[sflag:s28] =	ssyncadd.s32 @p0 $0xFFFFD180;
	s28 =	simm.s32 @!p0 $0x3  }
0x27: {  	[spmem:s16], [sflag:s15] =	dma.local @!p0 [hbm:s4], $0x3100  }
0x28: {  	_ =	swait.ge @!p0 [sflag:s28], $0x3100  }
0x29: {  	[sflag:s28] =	ssyncset.done @!p0 $0x0  }
0x2a: {  	[sflag:s28] =	ssyncadd.s32 @!p0 $0xFFFFCF00  }
0x2b: {  	[bflag:$0x0] =	sbarrier.arrive $0xFFFF  }
0x2c: {  	[tilespmem:s3], [sflag:$0x1] =	stream.linear.gather [hbm4b:s6+s3], $0x80, $0x38;
	[tilespmem:$0x1C8C0] =	vst v63  }
0x2d: {  	_ = 	snop  }
0x2e: {  	[tilespmem:s17], [sflag:$0x1] =	stream.linear.gather [hbm4b:s7+s3], $0x2000, $0x38;
	[tilespmem:$0x1C8C0] =	vst v63  }
0x2f: {  	_ = 	snop  }
0x30: {  	[tilespmem:s18], [sflag:$0x2] =	stream.linear.gather [hbm4b:s8+s3], $0x80, $0x38;
	[tilespmem:$0x1C8C0] =	vst v63  }
0x31: {  	s29 =	simm.s32 $0x0;
	s28 =	smov.u32 s13  }
0x32: {  	[tilespmem:s19], [sflag:$0x2] =	stream.linear.gather [hbm4b:s9+s3], $0x2000, $0x38;
	[tilespmem:$0x1C8C0] =	vst v63  }
.LBB2_2:
0x33: {  	_ =	swait.ge [sflag:s20], $0x80  }
0x34: {  	[sflag:s20] =	ssyncset.done $0x0  }
0x35: {  	[sflag:s20] =	ssyncadd.s32 $0xFFFFFF80  }
0x36: {  	_ =	swait.ge [sflag:s20], $0x2000  }
0x37: {  	[sflag:s20] =	ssyncset.done $0x0  }
0x38: {  	[sflag:s20] =	ssyncadd.s32 $0xFFFFE000  }
0x39: {  	v1 =	vld [tilespmem:$0x0]  }
0x3a: {  	v2 =	vld [tilespmem:$0x10]  }
0x3b: {  	v3 =	vld [tilespmem:$0x20]  }
0x3c: {  	v4 =	vld [tilespmem:$0x30]  }
0x3d: {  	v5 =	vld [tilespmem:$0x40]  }
0x3e: {  	v6 =	vld [tilespmem:$0x50];
	v1 =	vsub.s32 v1, v0  }
0x3f: {  	v7 =	vld [tilespmem:$0x60];
	v2 =	vsub.s32 v2, v0;
	v1 =	vmin.u32 v1, $0x61A8  }
0x40: {  	[tilespmem:$0x100] =	vst v1;
	v1 =	vmin.u32 v2, $0x61A8;
	v2 =	vsub.s32 v3, v0;
	v3 =	vld [tilespmem:$0x70]  }
0x41: {  	[tilespmem:$0x110] =	vst v1;
	v1 =	vmin.u32 v2, $0x61A8;
	v2 =	vsub.s32 v4, v0  }
0x42: {  	[tilespmem:$0x120] =	vst v1;
	v1 =	vmin.u32 v2, $0x61A8;
	v2 =	vsub.s32 v5, v0  }
0x43: {  	[tilespmem:$0x130] =	vst v1;
	v1 =	vmin.u32 v2, $0x61A8;
	v2 =	vsub.s32 v6, v0  }
0x44: {  	[tilespmem:$0x140] =	vst v1;
	v1 =	vmin.u32 v2, $0x61A8;
	v2 =	vsub.s32 v7, v0  }
0x45: {  	[tilespmem:$0x150] =	vst v1;
	v1 =	vmin.u32 v2, $0x61A8;
	v2 =	vsub.s32 v3, v0  }
0x46: {  	[tilespmem:$0x160] =	vst v1;
	v1 =	vmin.u32 v2, $0x61A8  }
0x47: {  	[tilespmem:$0x170] =	vst v1  }
0x48: {  	[spmem:s2] =	stream.indirect.scatter.add.f32 [tilespmem:s17], [sflag:$0x3], $0x40, s21, s18, $0xb8;
	[tilespmem:$0x1C8C0] =	vst v63  }
0x49: {  	_ =	swait.ge [sflag:s22], $0x2000  }
0x4a: {  	p1 =	seq.s32 s29, $0x61800;
	[sflag:s22] =	ssyncset.done $0x0  }
0x4b: {  	s30 =	sadd.s32 @!p1 $0xFFFFFFF0, s28;
	s31 =	simm.s32 @!p1 $0x0;
	[sflag:s22] =	ssyncadd.s32 $0xFFFFE000  }
0x4c: {  	[tilespmem:s31], [sflag:$0x1] =	stream.linear.gather @!p1 [hbm4b:s30+s31], $0x80, $0x38;
	[tilespmem:$0x1C8C0] =	vst v63  }
0x4d: {  	s30 =	sadd.s32 @!p1 s29, s7  }
0x4e: {  	s0 =	simm.s32 @!p1 $0x200;
	s30 =	sadd.s32 @!p1 $0x800, s30  }
0x4f: {  	[tilespmem:s0], [sflag:$0x1] =	stream.linear.gather @!p1 [hbm4b:s30+s31], $0x2000, $0x38;
	[tilespmem:$0x1C8C0] =	vst v63  }
0x50: {  	_ =	swait.ge [sflag:s23], $0x80  }
0x51: {  	[sflag:s23] =	ssyncset.done $0x0  }
0x52: {  	[sflag:s23] =	ssyncadd.s32 $0xFFFFFF80  }
0x53: {  	_ =	swait.ge [sflag:s23], $0x2000  }
0x54: {  	[sflag:s23] =	ssyncset.done $0x0  }
0x55: {  	[sflag:s23] =	ssyncadd.s32 $0xFFFFE000  }
0x56: {  	v1 =	vld [tilespmem:$0x80]  }
0x57: {  	v2 =	vld [tilespmem:$0x90]  }
0x58: {  	v3 =	vld [tilespmem:$0xA0]  }
0x59: {  	v60 =	vld [tilespmem:$0xB0]  }
0x5a: {  	v61 =	vld [tilespmem:$0xC0]  }
0x5b: {  	v62 =	vld [tilespmem:$0xD0];
	v1 =	vsub.s32 v1, v0  }
0x5c: {  	v63 =	vld [tilespmem:$0xE0];
	v2 =	vsub.s32 v2, v0;
	v1 =	vmin.u32 v1, $0x61A8  }
0x5d: {  	[tilespmem:$0x180] =	vst v1;
	v1 =	vmin.u32 v2, $0x61A8;
	v2 =	vsub.s32 v3, v0;
	v3 =	vld [tilespmem:$0xF0]  }
0x5e: {  	[tilespmem:$0x190] =	vst v1;
	v1 =	vmin.u32 v2, $0x61A8;
	v2 =	vsub.s32 v60, v0  }
0x5f: {  	[tilespmem:$0x1A0] =	vst v1;
	v1 =	vmin.u32 v2, $0x61A8;
	v2 =	vsub.s32 v61, v0  }
0x60: {  	[tilespmem:$0x1B0] =	vst v1;
	v1 =	vmin.u32 v2, $0x61A8;
	v2 =	vsub.s32 v62, v0  }
0x61: {  	[tilespmem:$0x1C0] =	vst v1;
	v1 =	vmin.u32 v2, $0x61A8;
	v2 =	vsub.s32 v63, v0  }
0x62: {  	[tilespmem:$0x1D0] =	vst v1;
	v1 =	vmin.u32 v2, $0x61A8;
	v2 =	vsub.s32 v3, v0  }
0x63: {  	[tilespmem:$0x1E0] =	vst v1;
	v1 =	vmin.u32 v2, $0x61A8  }
.Ltmp2:
0x64: {  	[tilespmem:$0x1F0] =	vst v1;
	(pc) =	sbr.rel @p1 .LBB2_4-.Ltmp2, $4  }
0x65: {  	[spmem:s2] =	stream.indirect.scatter.add.f32 [tilespmem:s19], [sflag:$0x3], $0x40, s24, s18, $0xb8;
	[tilespmem:$0x1C8C0] =	vst v63  }
0x66: {  	_ =	swait.ge [sflag:s22], $0x2000  }
0x67: {  	[sflag:s22] =	ssyncset.done $0x0  }
0x68: {  	[sflag:s22] =	ssyncadd.s32 $0xFFFFE000  }
.Ltmp3:
0x69: {  	(pc) =	sbr.rel .LBB2_2-.Ltmp3, $4  }
0x6a: {  	[tilespmem:s18], [sflag:$0x2] =	stream.linear.gather [hbm4b:s28+s3], $0x80, $0x38;
	[tilespmem:$0x1C8C0] =	vst v63  }
0x6b: {  	s0 =	sadd.s32 s29, s7  }
0x6c: {  	s29 =	sadd.s32 $0x800, s29;
	s28 =	sadd.s32 $0x20, s28;
	s0 =	sadd.s32 $0xC00, s0  }
0x6d: {  	[tilespmem:s19], [sflag:$0x2] =	stream.linear.gather [hbm4b:s0+s3], $0x2000, $0x38;
	[tilespmem:$0x1C8C0] =	vst v63  }
.LBB2_5:
0x6e: {  	_ =	sfence.sel $0x180000  }
0x6f: {  	[bflag:$0x0] =	sbarrier.arrive $0xFFFF  }
0x70: {  	_ =	strace $0x9000004A  }
0x71: {  	[bflag:$0x2] =	sbarrier.arrive $0xFFFF  }
0x72: {  	p0 =	sne.s32 s1, $0x0;
	s0 =	rddreg [dreg:$0x3]  }
0x73: {  	s0 =	sadd.s32 @!p0 $0x100000, s0  }
0x74: {  	[sflag:s0] =	ssyncadd.tile.s32 @!p0 $0x1;
	_ =	shalt  }
.Lfunc_end2:
_tile_overlayer_lowered:
.L_overlay_start_2:
0x75: {  	(tag) =	ssettag $0x2  }
0x76: {  	s0 =	rddreg [dreg:$0x0];
	s2 =	stileid.u32  }
0x77: {  	s1 =	rddreg [dreg:$0x1];
	p0 =	sne.s32 s2, $0x0  }
0x78: {  	s3 =	rddreg [dreg:$0x2];
	[bflag:$0x3] =	sbarrier.arrive $0xFFFF;
	s2 =	simm.s32 @!p0 $0x1C03  }
0x79: {  	[timem:s3], [sflag:s2] =	dma.local @!p0 [hbm:s0], s1  }
0x7a: {  	s0 =	simm.s32 @!p0 $0x3  }
0x7b: {  	_ =	swait.ge @!p0 [sflag:s0], s1  }
0x7c: {  	s1 =	ssub.s32 @!p0 $0x0, s1;
	[sflag:s0] =	ssyncset.done @!p0 $0x0  }
0x7d: {  	[sflag:s0] =	ssyncadd.s32 @!p0 s1  }
0x7e: {  	[bflag:$0x3] =	sbarrier.arrive $0xFFFF  }
0x7f: {  	_ =	shalt  }

// kernel: kernel.24.cloned.1.call-start
scs
__scs_entry_jumppad:
0x0: {  	(pc) =	sbr.rel $0x88, $3  }
0x1: {  	(tag) =	ssettag $0x0;
	lr =	simm.s32 $0x1  }
0x2: {  	[smem:$0x3F66] =	sst lr;
	_ =	strace $0xD0000000  }
0x3: {  	_ = 	snop  }
0x4: {  	_ = 	snop  }
0x5: {  	_ = 	snop  }
0x6: {  	_ = 	snop  }
0x7: {  	_ = 	snop  }
__scs_overlays_trampoline_lowered:
0x8: {  	[smem:$0x3F75] =	sst s0  }
0x9: {  	[smem:$0x3F76] =	sst s1  }
0xa: {  	[smem:$0x3F77] =	sst s2  }
0xb: {  	[smem:$0x3F78] =	sst s3  }
0xc: {  	[smem:$0x3F79] =	sst s4  }
0xd: {  	[smem:$0x3F7A] =	sst s5  }
0xe: {  	[smem:$0x3F7B] =	sst s6  }
0xf: {  	[smem:$0x3F7C] =	sst s7  }
0x10: {  	[smem:$0x3F7D] =	sst s8  }
0x11: {  	[smem:$0x3F7E] =	sst s9;
	s0 =	simm.s32 @!p0 $0x0  }
0x12: {  	s1 =	sld [smem:$0x3F64];
	s0 =	simm.s32 @p0 $0x1  }
0x13: {  	[smem:$0x3F7F] =	sst s0;
	s0 =	simm.s32 @!p1 $0x0  }
0x14: {  	s2 =	sld [smem:$0x3F63];
	s0 =	simm.s32 @p1 $0x1  }
0x15: {  	[smem:$0x3F80] =	sst s0;
	s0 =	simm.s32 @!p2 $0x0  }
0x16: {  	s3 =	sld [smem:$0x3FDB];
	s0 =	simm.s32 @p2 $0x1  }
0x17: {  	s4 =	simm.s32 $0x1BF5;
	[smem:$0x3F82] =	sst s0  }
0x18: {  	s0 =	sld [smem:$0x3F65];
	_ =	swait.ge [sflag:s4], $0x0  }
0x19: {  	s7 =	sld [smem:$0x3F66]  }
0x1a: {  	s8 =	sadd.s32 $0xFFFFE003, lr  }
0x1b: {  	s9 =	sadd.s32 $0xFFFFFEF7, lr;
	s5 =	simm.s32 $0xFFFFFFFF;
	p2 =	slt.u32 s8, $0xFFFFF086  }
0x1c: {  	p1 =	slt.u32 s9, $0xF7A;
	s5 =	simm.s32 @!p2 $0x0  }
0x1d: {  	s5 =	simm.s32 @p1 $0x1;
	p0 =	seq.s32 s7, s2  }
0x1e: {  	s7 =	smul.u32 @!p0 $0xF7A, s2;
	p2 =	seq.s32 @!p0 s5, $0x0  }
0x1f: {  	s9 =	smul.u32 $0xF7A, s1;
	s8 =	simm.s32 @!p0 $0x1BF5;
	p2 =	por !p2, p0  }
0x20: {  	[sflag:s8] =	ssyncset.s32 @!p0 $0xFFFFF086;
	s6 =	sadd.s32 @!p0 s3, s7;
	s7 =	simm.s32 @!p0 $0x108  }
0x21: {  	s3 =	sadd.s32 s3, s9;
	s6 =	sadd.s32 @!p0 $0x88, s6;
	s7 =	simm.s32 @p2 $0x1082  }
0x22: {  	[simem:s7], [sflag:s8] =	dma.local @!p0 [hbm:s6], $0xF7A  }
0x23: {  	s9 =	sor.u32 $0xD0000000, s2;
	s6 =	simm.s32 $0x108;
	_ =	swait.ge @!p0 [sflag:s8], $0x0  }
0x24: {  	s3 =	sadd.s32 $0x88, s3;
	s6 =	simm.s32 @!p1 $0x1082;
	[sflag:s4] =	ssyncset.s32 $0xFFFFF086  }
0x25: {  	[simem:s6], [sflag:s4] =	dma.local [hbm:s3], $0xF7A  }
0x26: {  	[smem:$0x3F66] =	sst s1;
	(tag) =	ssettag s2;
	_ =	strace s9  }
0x27: {  	s1 =	sld [smem:$0x3F76]  }
0x28: {  	s2 =	sld [smem:$0x3F77]  }
0x29: {  	s4 =	sld [smem:$0x3F79]  }
0x2a: {  	p0 =	seq.s32 s5, $0x0;
	s5 =	sld [smem:$0x3F7A]  }
0x2b: {  	s6 =	sld [smem:$0x3F7B]  }
0x2c: {  	s7 =	sld [smem:$0x3F7C]  }
0x2d: {  	s3 =	simm.s32 $0x108;
	s8 =	sld [smem:$0x3F7D]  }
0x2e: {  	s3 =	simm.s32 @!p0 $0x1082;
	s9 =	sld [smem:$0x3F7E]  }
0x2f: {  	lr =	sadd.s32 s0, s3;
	s0 =	sld [smem:$0x3F75]  }
0x30: {  	s3 =	sld [smem:$0x3F78]  }
0x31: {  	[smem:$0x3F81] =	sst s10  }
0x32: {  	s10 =	sld [smem:$0x3F7F];
	_ =	sdelay $0x3  }
0x33: {  	p0 =	seq.s32 s10, $0x1;
	s10 =	sld [smem:$0x3F81];
	_ =	sdelay $0x3  }
0x34: {  	[smem:$0x3F81] =	sst s10  }
0x35: {  	s10 =	sld [smem:$0x3F80];
	_ =	sdelay $0x3  }
0x36: {  	p1 =	seq.s32 s10, $0x1;
	s10 =	sld [smem:$0x3F81];
	_ =	sdelay $0x3  }
0x37: {  	[smem:$0x3F81] =	sst s10  }
0x38: {  	s10 =	sld [smem:$0x3F82]  }
0x39: {  	_ = 	snop;
	(pc) =	sbr.ind lr, $3  }
0x3a: {  	_ = 	snop  }
0x3b: {  	_ = 	snop  }
0x3c: {  	p2 =	seq.s32 s10, $0x1;
	s10 =	sld [smem:$0x3F81]  }
0x3d: {  	_ =	shalt  }
0x3e: {  	_ =	shalt  }
0x3f: {  	_ =	shalt  }
0x40: {  	_ =	shalt  }
0x41: {  	_ =	shalt  }
0x42: {  	_ =	shalt  }
0x43: {  	_ =	shalt  }
0x44: {  	_ =	shalt  }
0x45: {  	_ =	shalt  }
0x46: {  	_ =	shalt  }
0x47: {  	_ =	shalt  }
0x48: {  	_ =	shalt  }
0x49: {  	_ =	shalt  }
0x4a: {  	_ =	shalt  }
0x4b: {  	_ =	shalt  }
0x4c: {  	_ =	shalt  }
0x4d: {  	_ =	shalt  }
0x4e: {  	_ =	shalt  }
0x4f: {  	_ =	shalt  }
0x50: {  	_ =	shalt  }
0x51: {  	_ =	shalt  }
0x52: {  	_ =	shalt  }
0x53: {  	_ =	shalt  }
0x54: {  	_ =	shalt  }
0x55: {  	_ =	shalt  }
0x56: {  	_ =	shalt  }
0x57: {  	_ =	shalt  }
0x58: {  	_ =	shalt  }
0x59: {  	_ =	shalt  }
0x5a: {  	_ =	shalt  }
0x5b: {  	_ =	shalt  }
0x5c: {  	_ =	shalt  }
0x5d: {  	_ =	shalt  }
0x5e: {  	_ =	shalt  }
0x5f: {  	_ =	shalt  }
0x60: {  	_ =	shalt  }
0x61: {  	_ =	shalt  }
0x62: {  	_ =	shalt  }
0x63: {  	_ =	shalt  }
0x64: {  	_ =	shalt  }
0x65: {  	_ =	shalt  }
0x66: {  	_ =	shalt  }
0x67: {  	_ =	shalt  }
0x68: {  	_ =	shalt  }
0x69: {  	_ =	shalt  }
0x6a: {  	_ =	shalt  }
0x6b: {  	_ =	shalt  }
0x6c: {  	_ =	shalt  }
0x6d: {  	_ =	shalt  }
0x6e: {  	_ =	shalt  }
0x6f: {  	_ =	shalt  }
0x70: {  	_ =	shalt  }
0x71: {  	_ =	shalt  }
0x72: {  	_ =	shalt  }
0x73: {  	_ =	shalt  }
0x74: {  	_ =	shalt  }
0x75: {  	_ =	shalt  }
0x76: {  	_ =	shalt  }
0x77: {  	_ =	shalt  }
0x78: {  	_ =	shalt  }
0x79: {  	_ =	shalt  }
0x7a: {  	_ =	shalt  }
0x7b: {  	_ =	shalt  }
0x7c: {  	_ =	shalt  }
0x7d: {  	_ =	shalt  }
0x7e: {  	_ =	shalt  }
0x7f: {  	_ =	shalt  }
0x80: {  	_ =	shalt  }
0x81: {  	_ =	shalt  }
0x82: {  	_ =	shalt  }
0x83: {  	_ =	shalt  }
0x84: {  	_ =	shalt  }
0x85: {  	_ =	shalt  }
0x86: {  	_ =	shalt  }
0x87: {  	_ =	shalt  }
.Lfunc_end0:
.L_simem_size_0:
called_computation.2_lowered:
.L_overlay_start_0:
0x88: {  	s2 =	sld [smem:$0x3FD9]  }
0x89: {  	s3 =	sld [smem:$0x3FFE];
	_ =	sdelay $0x1  }
0x8a: {  	s1 =	srdreg.scid  }
0x8b: {  	s0 =	sand.u32 $0x1, s1  }
0x8c: {  	s17 =	sshll.u32 s0, $0xA;
	s2 =	sadd.s32 s3, s2  }
0x8d: {  	s2 =	sadd.s32 s2, s17  }
0x8e: {  	[smem:$0x3F8D] =	sst s2  }
0x8f: {  	_ = 	snop  }
0x90: {  	s2 =	sld [smem:$0x3FD0];
	(tm) =	ssettm $0x1  }
0x91: {  	s18 =	sld [smem:$0x3FFB];
	_ =	sdelay $0x3  }
0x92: {  	_ =	strace s18  }
0x93: {  	s3 =	sld [smem:$0x3FFC];
	_ =	sdelay $0x3  }
0x94: {  	_ =	strace s3  }
0x95: {  	s3 =	sld [smem:$0x3FFD];
	_ =	sdelay $0x3  }
0x96: {  	_ =	strace s3  }
0x97: {  	_ =	strace $0x8FFFFFFF  }
0x98: {  	s19 =	sld [smem:$0x3FDB];
	_ =	sdelay $0x1  }
0x99: {  	s4 =	simm.s32 $_scs_section_size  }
0x9a: {  	s5 =	simm.s32 $_size__tile_overlayer_lowered;
	s6 =	simm.s32 $_tile_overlayer_lowered  }
0x9b: {  	s22 =	simm.s32 $0x1BFF;
	s21 =	sshll.u32 s6, $0x1;
	s3 =	sadd.s32 s4, s19  }
0x9c: {  	s7 =	simm.s32 $0x0;
	s20 =	sshll.u32 s5, $0x1;
	s5 =	sadd.s32 s21, s3  }
0x9d: {  	[timem:s7], [sflag:s22] =	dma.local [hbm:s5], s20  }
0x9e: {  	_ =	swait.ge [sflag:s22], s20  }
0x9f: {  	s4 =	ssub.s32 $0x0, s20;
	[sflag:s22] =	ssyncset.done $0x0  }
0xa0: {  	[sflag:s22] =	ssyncadd.s32 s4;
	_ =	sdelay $0x1  }
0xa1: {  	s23 =	simm.s32 $0x1B8B  }
0xa2: {  	_ =	swait.ge [sflag:s23], $0x1  }
0xa3: {  	[sflag:s23] =	ssyncset.done $0x0  }
0xa4: {  	s25 =	simm.s32 $0x1B8E;
	s24 =	sld [smem:$0x3FFE];
	[sflag:s23] =	ssyncadd.s32 $0xFFFFFFFF  }
0xa5: {  	s26 =	simm.s32 $execute0_lowered;
	[smem:$0x3FD2] =	sst s25  }
0xa6: {  	s5 =	sshll.u32 s26, $0x1;
	_ =	strace $0x8000004C;
	[dreg:$0x1] =	wrdreg $0xFFFFFFFF  }
0xa7: {  	s28 =	simm.s32 $_size_execute0_lowered;
	s3 =	sadd.s32 s3, s5;
	[dreg:$0x0] =	wrdreg $0x0  }
0xa8: {  	s5 =	sshll.u32 s28, $0x1;
	[dreg:$0x2] =	wrdreg s3  }
0xa9: {  	[dreg:$0x3] =	wrdreg s5  }
0xaa: {  	[dreg:$0x4] =	wrdreg $0xC0  }
0xab: {  	_ =	task [dreg:s7], $0x5FFFF  }
0xac: {  	[dreg:$0x1] =	wrdreg $0xFFFFFFFF  }
0xad: {  	[dreg:$0x0] =	wrdreg $0x60  }
0xae: {  	[dreg:$0x2] =	wrdreg s24  }
0xaf: {  	[dreg:$0x3] =	wrdreg s2  }
0xb0: {  	[dreg:$0x4] =	wrdreg $0x12000  }
0xb1: {  	[dreg:$0x5] =	wrdreg $0x9  }
0xb2: {  	_ =	task.clear_ibuf [dreg:s7], $0x6FFFF;
	_ =	strace $0x9000004C  }
0xb3: {  	s29 =	simm.s32 $0x9;
	_ =	strace $0x8000004E  }
0xb4: {  	_ =	swait.ge [sflag:s29], $0x1  }
0xb5: {  	[sflag:s29] =	ssyncadd.s32 $0xFFFFFFFF  }
0xb6: {  	_ =	strace $0x9000004E  }
0xb7: {  	_ =	sfence  }
0xb8: {  	s30 =	sld [smem:$0x0];
	_ =	sdelay $0x2  }
0xb9: {  	s31 =	sshll.u32 s1, $0xD;
	s1 =	sshrl.u32 s1, $0x2  }
0xba: {  	s3 =	sand.u32 $0x4000, s31;
	s1 =	sadd.s32 s1, s30  }
0xbb: {  	s0 =	sor.u32 s3, s0;
	s1 =	sshll.u32 s1, $0x11  }
0xbc: {  	s0 =	sor.u32 s1, s0  }
0xbd: {  	s0 =	sadd.s32 $0x8F2B, s0  }
0xbe: {  	[sflag:s0] =	ssyncadd.remote.s32 $0x1  }
0xbf: {  	_ =	sfence.sel $0xFFFF  }
0xc0: {  	[dreg:$0x0] =	wrdreg $0xFFFFFFFF;
	(pc) =	sbr.abs _section_cstart, $3  }
0xc1: {  	[dreg:$0x1] =	wrdreg $0xFFFFFFFF  }
0xc2: {  	_ =	task.clear_ibuf [dreg:s7], $0x2FFFF;
	_ =	strace $0x9FFFFFFF  }
0xc3: {  	(tm) =	ssettm $0x7FFFFFFF  }
tec
execute0_lowered:
.L_overlay_start_1:
0x0: {  	(tag) =	ssettag $0x1  }
0x1: {  	s5 =	rddreg [dreg:$0x0]  }
0x2: {  	s10 =	rddreg [dreg:$0x1]  }
0x3: {  	s2 =	rddreg [dreg:$0x2];
	s3 =	simm.s32 $0x0;
	s1 =	stileid.u32  }
0x4: {  	s4 =	srdreg.scid;
	s20 =	simm.s32 $0x1;
	s6 =	smul.u32 $0x6200, s1  }
0x5: {  	s21 =	simm.s32 $0x100;
	s22 =	simm.s32 $0x3;
	s26 =	smul.u32 $0xC400, s1  }
0x6: {  	s23 =	simm.s32 $0x2;
	[smem:$0x7FF] =	sst s3;
	s14 =	smul.u32 $0x620, s1  }
0x7: {  	s8 =	sand.u32 $0x1, s4;
	s9 =	sadd.s32 $0x288400, s5;
	s17 =	smul.u32 $0x18800, s1  }
0x8: {  	s13 =	sadd.s32 $0x25A00, s5;
	s15 =	sadd.s32 $0x5BE00, s2;
	s31 =	smul.u32 $0x1880, s1  }
0x9: {  	p0 =	seq.s32 s1, $0xF;
	_ =	strace $0x8000004D;
	s24 =	smul.u32 $0x61A8, s8  }
0xa: {  	s4 =	ssub.s32 $0x2, s8;
	s19 =	smul.u32 $0x61A80, s8;
	s7 =	sshrl.u32 s6, $0x3  }
0xb: {  	s11 =	sshrl.u32 s4, $0x1;
	s16 =	sadd.s32 s6, s2;
	s28 =	sshrl.u32 s26, $0x3  }
0xc: {  	s7 =	sadd.s32 s7, s5;
	s12 =	ssub.s32 s4, s11;
	s5 =	sadd.s32 $0x10D1C0, s5  }
0xd: {  	s6 =	sadd.s32 s13, s28;
	s11 =	sor.u32 $0x80, s26;
	s14 =	sadd.s32 s14, s24  }
0xe: {  	s30 =	sshrl.u32 s19, $0x3;
	s16 =	sshrl.u32 @!p0 s16, $0x3;
	s19 =	simm.s32 $0xA00  }
0xf: {  	v0 =	vmov s24;
	s24 =	simm.s32 $0x180;
	s26 =	simm.s32 $0x0;
	s4 =	sadd.s32 $0x101A00, s7  }
0x10: {  	s7 =	sadd.s32 s9, s17;
	s18 =	sshrl.u32 s11, $0x3;
	s11 =	sshll.u32 s11, $0x1  }
0x11: {  	s29 =	sshll.u32 s14, $0x1;
	s17 =	sshrl.u32 s17, $0x2;
	s14 =	sadd.s32 s10, s30  }
.Ltmp0:
0x12: {  	s12 =	smax.u32 s12, $0x1;
	s8 =	sadd.s32 s13, s18;
	(pc) =	sbr.rel .LBB2_1-.Ltmp0, $4  }
0x13: {  	s9 =	sadd.s32 s9, s11;
	s10 =	sadd.s32 s10, s29;
	s25 =	sadd.s32 s17, s2  }
0x14: {  	s11 =	sadd.s32 $0xB7C0, s14;
	s13 =	sadd.s32 s31, s13;
	s14 =	sshrl.u32 @p0 s15, $0x3  }
0x15: {  	s15 =	sshll.u32 @!p0 s1, $0x6;
	s17 =	simm.s32 $0x200;
	s18 =	simm.s32 $0x80  }
0x16: {  	s13 =	sadd.s32 $0x30, s13;
	s15 =	sor.u32 @!p0 $0x1C03, s15;
	s25 =	sshrl.u32 @!p0 s25, $0x3  }
.LBB2_4:
0x17: {  	[bflag:$0x0] =	sbarrier.arrive $0xFFFF;
	s0 =	simm.s32 @p0 $0x1FC3  }
0x18: {  	[hbm:s11], [sflag:s0] =	dma.local @p0 [spmem:s14], $0xB90  }
0x19: {  	s0 =	simm.s32 @p0 $0x3  }
0x1a: {  	s26 =	sadd.s32 $0x1, s26;
	_ =	swait.ge @p0 [sflag:s0], $0xB90  }
0x1b: {  	p1 =	sne.s32 s26, s12;
	[sflag:s0] =	ssyncset.done @p0 $0x0  }
.Ltmp1:
0x1c: {  	[sflag:s0] =	ssyncadd.s32 @p0 $0xFFFFF470;
	s0 =	simm.s32 @!p0 $0x3;
	(pc) =	sbr.rel @!p1 .LBB2_5-.Ltmp1, $4  }
0x1d: {  	[hbm:s10], [sflag:s15] =	dma.local @!p0 [spmem:s25], $0xC40  }
0x1e: {  	_ =	swait.ge @!p0 [sflag:s0], $0xC40  }
0x1f: {  	[sflag:s0] =	ssyncset.done @!p0 $0x0  }
0x20: {  	[sflag:s0] =	ssyncadd.s32 @!p0 $0xFFFFF3C0  }
.LBB2_1:
0x21: {  	s28 =	simm.s32 @p0 $0x1FC3  }
0x22: {  	[spmem:s14], [sflag:s28] =	dma.local @p0 [hbm:s5], $0xBA0  }
0x23: {  	s28 =	simm.s32 @p0 $0x3  }
0x24: {  	_ =	swait.ge @p0 [sflag:s28], $0xBA0  }
0x25: {  	[sflag:s28] =	ssyncset.done @p0 $0x0  }
0x26: {  	[sflag:s28] =	ssyncadd.s32 @p0 $0xFFFFF460;
	s28 =	simm.s32 @!p0 $0x3  }
0x27: {  	[spmem:s16], [sflag:s15] =	dma.local @!p0 [hbm:s4], $0xC40  }
0x28: {  	_ =	swait.ge @!p0 [sflag:s28], $0xC40  }
0x29: {  	[sflag:s28] =	ssyncset.done @!p0 $0x0  }
0x2a: {  	[sflag:s28] =	ssyncadd.s32 @!p0 $0xFFFFF3C0  }
0x2b: {  	[bflag:$0x0] =	sbarrier.arrive $0xFFFF  }
0x2c: {  	[tilespmem:s3], [sflag:$0x1] =	stream.linear.gather [hbm4b:s6+s3], $0x80, $0x38;
	[tilespmem:$0x73B0] =	vst v63  }
0x2d: {  	_ = 	snop  }
0x2e: {  	[tilespmem:s17], [sflag:$0x1] =	stream.linear.gather [hbm4b:s7+s3], $0x800, $0x38;
	[tilespmem:$0x73B0] =	vst v63  }
0x2f: {  	_ = 	snop  }
0x30: {  	[tilespmem:s18], [sflag:$0x2] =	stream.linear.gather [hbm4b:s8+s3], $0x80, $0x38;
	[tilespmem:$0x73B0] =	vst v63  }
0x31: {  	s29 =	simm.s32 $0x0;
	s28 =	smov.u32 s13  }
0x32: {  	[tilespmem:s19], [sflag:$0x2] =	stream.linear.gather [hbm4b:s9+s3], $0x800, $0x38;
	[tilespmem:$0x73B0] =	vst v63  }
.LBB2_2:
0x33: {  	_ =	swait.ge [sflag:s20], $0x80  }
0x34: {  	[sflag:s20] =	ssyncset.done $0x0  }
0x35: {  	[sflag:s20] =	ssyncadd.s32 $0xFFFFFF80  }
0x36: {  	_ =	swait.ge [sflag:s20], $0x800  }
0x37: {  	[sflag:s20] =	ssyncset.done $0x0  }
0x38: {  	[sflag:s20] =	ssyncadd.s32 $0xFFFFF800  }
0x39: {  	v1 =	vld [tilespmem:$0x0]  }
0x3a: {  	v2 =	vld [tilespmem:$0x10]  }
0x3b: {  	v3 =	vld [tilespmem:$0x20]  }
0x3c: {  	v4 =	vld [tilespmem:$0x30]  }
0x3d: {  	v5 =	vld [tilespmem:$0x40]  }
0x3e: {  	v6 =	vld [tilespmem:$0x50];
	v1 =	vsub.s32 v1, v0  }
0x3f: {  	v7 =	vld [tilespmem:$0x60];
	v2 =	vsub.s32 v2, v0;
	v1 =	vmin.u32 v1, $0x61A8  }
0x40: {  	[tilespmem:$0x100] =	vst v1;
	v1 =	vmin.u32 v2, $0x61A8;
	v2 =	vsub.s32 v3, v0;
	v3 =	vld [tilespmem:$0x70]  }
0x41: {  	[tilespmem:$0x110] =	vst v1;
	v1 =	vmin.u32 v2, $0x61A8;
	v2 =	vsub.s32 v4, v0  }
0x42: {  	[tilespmem:$0x120] =	vst v1;
	v1 =	vmin.u32 v2, $0x61A8;
	v2 =	vsub.s32 v5, v0  }
0x43: {  	[tilespmem:$0x130] =	vst v1;
	v1 =	vmin.u32 v2, $0x61A8;
	v2 =	vsub.s32 v6, v0  }
0x44: {  	[tilespmem:$0x140] =	vst v1;
	v1 =	vmin.u32 v2, $0x61A8;
	v2 =	vsub.s32 v7, v0  }
0x45: {  	[tilespmem:$0x150] =	vst v1;
	v1 =	vmin.u32 v2, $0x61A8;
	v2 =	vsub.s32 v3, v0  }
0x46: {  	[tilespmem:$0x160] =	vst v1;
	v1 =	vmin.u32 v2, $0x61A8  }
0x47: {  	[tilespmem:$0x170] =	vst v1  }
0x48: {  	[spmem:s2] =	stream.indirect.scatter.add.f32 [tilespmem:s17], [sflag:$0x3], $0x10, s21, s18, $0xb8;
	[tilespmem:$0x73B0] =	vst v63  }
0x49: {  	_ =	swait.ge [sflag:s22], $0x800  }
0x4a: {  	p1 =	seq.s32 s29, $0x18600;
	[sflag:s22] =	ssyncset.done $0x0  }
0x4b: {  	s30 =	sadd.s32 @!p1 $0xFFFFFFF0, s28;
	s31 =	simm.s32 @!p1 $0x0;
	[sflag:s22] =	ssyncadd.s32 $0xFFFFF800  }
0x4c: {  	[tilespmem:s31], [sflag:$0x1] =	stream.linear.gather @!p1 [hbm4b:s30+s31], $0x80, $0x38;
	[tilespmem:$0x73B0] =	vst v63  }
0x4d: {  	s30 =	sadd.s32 @!p1 s29, s7  }
0x4e: {  	s0 =	simm.s32 @!p1 $0x200;
	s30 =	sadd.s32 @!p1 $0x200, s30  }
0x4f: {  	[tilespmem:s0], [sflag:$0x1] =	stream.linear.gather @!p1 [hbm4b:s30+s31], $0x800, $0x38;
	[tilespmem:$0x73B0] =	vst v63  }
0x50: {  	_ =	swait.ge [sflag:s23], $0x80  }
0x51: {  	[sflag:s23] =	ssyncset.done $0x0  }
0x52: {  	[sflag:s23] =	ssyncadd.s32 $0xFFFFFF80  }
0x53: {  	_ =	swait.ge [sflag:s23], $0x800  }
0x54: {  	[sflag:s23] =	ssyncset.done $0x0  }
0x55: {  	[sflag:s23] =	ssyncadd.s32 $0xFFFFF800  }
0x56: {  	v1 =	vld [tilespmem:$0x80]  }
0x57: {  	v2 =	vld [tilespmem:$0x90]  }
0x58: {  	v3 =	vld [tilespmem:$0xA0]  }
0x59: {  	v60 =	vld [tilespmem:$0xB0]  }
0x5a: {  	v61 =	vld [tilespmem:$0xC0]  }
0x5b: {  	v62 =	vld [tilespmem:$0xD0];
	v1 =	vsub.s32 v1, v0  }
0x5c: {  	v63 =	vld [tilespmem:$0xE0];
	v2 =	vsub.s32 v2, v0;
	v1 =	vmin.u32 v1, $0x61A8  }
0x5d: {  	[tilespmem:$0x180] =	vst v1;
	v1 =	vmin.u32 v2, $0x61A8;
	v2 =	vsub.s32 v3, v0;
	v3 =	vld [tilespmem:$0xF0]  }
0x5e: {  	[tilespmem:$0x190] =	vst v1;
	v1 =	vmin.u32 v2, $0x61A8;
	v2 =	vsub.s32 v60, v0  }
0x5f: {  	[tilespmem:$0x1A0] =	vst v1;
	v1 =	vmin.u32 v2, $0x61A8;
	v2 =	vsub.s32 v61, v0  }
0x60: {  	[tilespmem:$0x1B0] =	vst v1;
	v1 =	vmin.u32 v2, $0x61A8;
	v2 =	vsub.s32 v62, v0  }
0x61: {  	[tilespmem:$0x1C0] =	vst v1;
	v1 =	vmin.u32 v2, $0x61A8;
	v2 =	vsub.s32 v63, v0  }
0x62: {  	[tilespmem:$0x1D0] =	vst v1;
	v1 =	vmin.u32 v2, $0x61A8;
	v2 =	vsub.s32 v3, v0  }
0x63: {  	[tilespmem:$0x1E0] =	vst v1;
	v1 =	vmin.u32 v2, $0x61A8  }
.Ltmp2:
0x64: {  	[tilespmem:$0x1F0] =	vst v1;
	(pc) =	sbr.rel @p1 .LBB2_4-.Ltmp2, $4  }
0x65: {  	[spmem:s2] =	stream.indirect.scatter.add.f32 [tilespmem:s19], [sflag:$0x3], $0x10, s24, s18, $0xb8;
	[tilespmem:$0x73B0] =	vst v63  }
0x66: {  	_ =	swait.ge [sflag:s22], $0x800  }
0x67: {  	[sflag:s22] =	ssyncset.done $0x0  }
0x68: {  	[sflag:s22] =	ssyncadd.s32 $0xFFFFF800  }
.Ltmp3:
0x69: {  	(pc) =	sbr.rel .LBB2_2-.Ltmp3, $4  }
0x6a: {  	[tilespmem:s18], [sflag:$0x2] =	stream.linear.gather [hbm4b:s28+s3], $0x80, $0x38;
	[tilespmem:$0x73B0] =	vst v63  }
0x6b: {  	s0 =	sadd.s32 s29, s7  }
0x6c: {  	s29 =	sadd.s32 $0x200, s29;
	s28 =	sadd.s32 $0x20, s28;
	s0 =	sadd.s32 $0x300, s0  }
0x6d: {  	[tilespmem:s19], [sflag:$0x2] =	stream.linear.gather [hbm4b:s0+s3], $0x800, $0x38;
	[tilespmem:$0x73B0] =	vst v63  }
.LBB2_5:
0x6e: {  	_ =	sfence.sel $0x180000  }
0x6f: {  	[bflag:$0x0] =	sbarrier.arrive $0xFFFF  }
0x70: {  	_ =	strace $0x9000004D  }
0x71: {  	[bflag:$0x2] =	sbarrier.arrive $0xFFFF  }
0x72: {  	p0 =	sne.s32 s1, $0x0;
	s0 =	rddreg [dreg:$0x3]  }
0x73: {  	s0 =	sadd.s32 @!p0 $0x100000, s0  }
0x74: {  	[sflag:s0] =	ssyncadd.tile.s32 @!p0 $0x1;
	_ =	shalt  }
.Lfunc_end2:
_tile_overlayer_lowered:
.L_overlay_start_2:
0x75: {  	(tag) =	ssettag $0x2  }
0x76: {  	s0 =	rddreg [dreg:$0x0];
	s2 =	stileid.u32  }
0x77: {  	s1 =	rddreg [dreg:$0x1];
	p0 =	sne.s32 s2, $0x0  }
0x78: {  	s3 =	rddreg [dreg:$0x2];
	[bflag:$0x3] =	sbarrier.arrive $0xFFFF;
	s2 =	simm.s32 @!p0 $0x1C03  }
0x79: {  	[timem:s3], [sflag:s2] =	dma.local @!p0 [hbm:s0], s1  }
0x7a: {  	s0 =	simm.s32 @!p0 $0x3  }
0x7b: {  	_ =	swait.ge @!p0 [sflag:s0], s1  }
0x7c: {  	s1 =	ssub.s32 @!p0 $0x0, s1;
	[sflag:s0] =	ssyncset.done @!p0 $0x0  }
0x7d: {  	[sflag:s0] =	ssyncadd.s32 @!p0 s1  }
0x7e: {  	[bflag:$0x3] =	sbarrier.arrive $0xFFFF  }
0x7f: {  	_ =	shalt  }

// kernel: kernel.27.cloned.1.call-start
scs
__scs_entry_jumppad:
0x0: {  	(pc) =	sbr.rel $0x88, $3  }
0x1: {  	(tag) =	ssettag $0x0;
	lr =	simm.s32 $0x1  }
0x2: {  	[smem:$0x3F66] =	sst lr;
	_ =	strace $0xD0000000  }
0x3: {  	_ = 	snop  }
0x4: {  	_ = 	snop  }
0x5: {  	_ = 	snop  }
0x6: {  	_ = 	snop  }
0x7: {  	_ = 	snop  }
__scs_overlays_trampoline_lowered:
0x8: {  	[smem:$0x3F75] =	sst s0  }
0x9: {  	[smem:$0x3F76] =	sst s1  }
0xa: {  	[smem:$0x3F77] =	sst s2  }
0xb: {  	[smem:$0x3F78] =	sst s3  }
0xc: {  	[smem:$0x3F79] =	sst s4  }
0xd: {  	[smem:$0x3F7A] =	sst s5  }
0xe: {  	[smem:$0x3F7B] =	sst s6  }
0xf: {  	[smem:$0x3F7C] =	sst s7  }
0x10: {  	[smem:$0x3F7D] =	sst s8  }
0x11: {  	[smem:$0x3F7E] =	sst s9;
	s0 =	simm.s32 @!p0 $0x0  }
0x12: {  	s1 =	sld [smem:$0x3F64];
	s0 =	simm.s32 @p0 $0x1  }
0x13: {  	[smem:$0x3F7F] =	sst s0;
	s0 =	simm.s32 @!p1 $0x0  }
0x14: {  	s2 =	sld [smem:$0x3F63];
	s0 =	simm.s32 @p1 $0x1  }
0x15: {  	[smem:$0x3F80] =	sst s0;
	s0 =	simm.s32 @!p2 $0x0  }
0x16: {  	s3 =	sld [smem:$0x3FDB];
	s0 =	simm.s32 @p2 $0x1  }
0x17: {  	s4 =	simm.s32 $0x1BF5;
	[smem:$0x3F82] =	sst s0  }
0x18: {  	s0 =	sld [smem:$0x3F65];
	_ =	swait.ge [sflag:s4], $0x0  }
0x19: {  	s7 =	sld [smem:$0x3F66]  }
0x1a: {  	s8 =	sadd.s32 $0xFFFFE003, lr  }
0x1b: {  	s9 =	sadd.s32 $0xFFFFFEF7, lr;
	s5 =	simm.s32 $0xFFFFFFFF;
	p2 =	slt.u32 s8, $0xFFFFF086  }
0x1c: {  	p1 =	slt.u32 s9, $0xF7A;
	s5 =	simm.s32 @!p2 $0x0  }
0x1d: {  	s5 =	simm.s32 @p1 $0x1;
	p0 =	seq.s32 s7, s2  }
0x1e: {  	s7 =	smul.u32 @!p0 $0xF7A, s2;
	p2 =	seq.s32 @!p0 s5, $0x0  }
0x1f: {  	s9 =	smul.u32 $0xF7A, s1;
	s8 =	simm.s32 @!p0 $0x1BF5;
	p2 =	por !p2, p0  }
0x20: {  	[sflag:s8] =	ssyncset.s32 @!p0 $0xFFFFF086;
	s6 =	sadd.s32 @!p0 s3, s7;
	s7 =	simm.s32 @!p0 $0x108  }
0x21: {  	s3 =	sadd.s32 s3, s9;
	s6 =	sadd.s32 @!p0 $0x88, s6;
	s7 =	simm.s32 @p2 $0x1082  }
0x22: {  	[simem:s7], [sflag:s8] =	dma.local @!p0 [hbm:s6], $0xF7A  }
0x23: {  	s9 =	sor.u32 $0xD0000000, s2;
	s6 =	simm.s32 $0x108;
	_ =	swait.ge @!p0 [sflag:s8], $0x0  }
0x24: {  	s3 =	sadd.s32 $0x88, s3;
	s6 =	simm.s32 @!p1 $0x1082;
	[sflag:s4] =	ssyncset.s32 $0xFFFFF086  }
0x25: {  	[simem:s6], [sflag:s4] =	dma.local [hbm:s3], $0xF7A  }
0x26: {  	[smem:$0x3F66] =	sst s1;
	(tag) =	ssettag s2;
	_ =	strace s9  }
0x27: {  	s1 =	sld [smem:$0x3F76]  }
0x28: {  	s2 =	sld [smem:$0x3F77]  }
0x29: {  	s4 =	sld [smem:$0x3F79]  }
0x2a: {  	p0 =	seq.s32 s5, $0x0;
	s5 =	sld [smem:$0x3F7A]  }
0x2b: {  	s6 =	sld [smem:$0x3F7B]  }
0x2c: {  	s7 =	sld [smem:$0x3F7C]  }
0x2d: {  	s3 =	simm.s32 $0x108;
	s8 =	sld [smem:$0x3F7D]  }
0x2e: {  	s3 =	simm.s32 @!p0 $0x1082;
	s9 =	sld [smem:$0x3F7E]  }
0x2f: {  	lr =	sadd.s32 s0, s3;
	s0 =	sld [smem:$0x3F75]  }
0x30: {  	s3 =	sld [smem:$0x3F78]  }
0x31: {  	[smem:$0x3F81] =	sst s10  }
0x32: {  	s10 =	sld [smem:$0x3F7F];
	_ =	sdelay $0x3  }
0x33: {  	p0 =	seq.s32 s10, $0x1;
	s10 =	sld [smem:$0x3F81];
	_ =	sdelay $0x3  }
0x34: {  	[smem:$0x3F81] =	sst s10  }
0x35: {  	s10 =	sld [smem:$0x3F80];
	_ =	sdelay $0x3  }
0x36: {  	p1 =	seq.s32 s10, $0x1;
	s10 =	sld [smem:$0x3F81];
	_ =	sdelay $0x3  }
0x37: {  	[smem:$0x3F81] =	sst s10  }
0x38: {  	s10 =	sld [smem:$0x3F82]  }
0x39: {  	_ = 	snop;
	(pc) =	sbr.ind lr, $3  }
0x3a: {  	_ = 	snop  }
0x3b: {  	_ = 	snop  }
0x3c: {  	p2 =	seq.s32 s10, $0x1;
	s10 =	sld [smem:$0x3F81]  }
0x3d: {  	_ =	shalt  }
0x3e: {  	_ =	shalt  }
0x3f: {  	_ =	shalt  }
0x40: {  	_ =	shalt  }
0x41: {  	_ =	shalt  }
0x42: {  	_ =	shalt  }
0x43: {  	_ =	shalt  }
0x44: {  	_ =	shalt  }
0x45: {  	_ =	shalt  }
0x46: {  	_ =	shalt  }
0x47: {  	_ =	shalt  }
0x48: {  	_ =	shalt  }
0x49: {  	_ =	shalt  }
0x4a: {  	_ =	shalt  }
0x4b: {  	_ =	shalt  }
0x4c: {  	_ =	shalt  }
0x4d: {  	_ =	shalt  }
0x4e: {  	_ =	shalt  }
0x4f: {  	_ =	shalt  }
0x50: {  	_ =	shalt  }
0x51: {  	_ =	shalt  }
0x52: {  	_ =	shalt  }
0x53: {  	_ =	shalt  }
0x54: {  	_ =	shalt  }
0x55: {  	_ =	shalt  }
0x56: {  	_ =	shalt  }
0x57: {  	_ =	shalt  }
0x58: {  	_ =	shalt  }
0x59: {  	_ =	shalt  }
0x5a: {  	_ =	shalt  }
0x5b: {  	_ =	shalt  }
0x5c: {  	_ =	shalt  }
0x5d: {  	_ =	shalt  }
0x5e: {  	_ =	shalt  }
0x5f: {  	_ =	shalt  }
0x60: {  	_ =	shalt  }
0x61: {  	_ =	shalt  }
0x62: {  	_ =	shalt  }
0x63: {  	_ =	shalt  }
0x64: {  	_ =	shalt  }
0x65: {  	_ =	shalt  }
0x66: {  	_ =	shalt  }
0x67: {  	_ =	shalt  }
0x68: {  	_ =	shalt  }
0x69: {  	_ =	shalt  }
0x6a: {  	_ =	shalt  }
0x6b: {  	_ =	shalt  }
0x6c: {  	_ =	shalt  }
0x6d: {  	_ =	shalt  }
0x6e: {  	_ =	shalt  }
0x6f: {  	_ =	shalt  }
0x70: {  	_ =	shalt  }
0x71: {  	_ =	shalt  }
0x72: {  	_ =	shalt  }
0x73: {  	_ =	shalt  }
0x74: {  	_ =	shalt  }
0x75: {  	_ =	shalt  }
0x76: {  	_ =	shalt  }
0x77: {  	_ =	shalt  }
0x78: {  	_ =	shalt  }
0x79: {  	_ =	shalt  }
0x7a: {  	_ =	shalt  }
0x7b: {  	_ =	shalt  }
0x7c: {  	_ =	shalt  }
0x7d: {  	_ =	shalt  }
0x7e: {  	_ =	shalt  }
0x7f: {  	_ =	shalt  }
0x80: {  	_ =	shalt  }
0x81: {  	_ =	shalt  }
0x82: {  	_ =	shalt  }
0x83: {  	_ =	shalt  }
0x84: {  	_ =	shalt  }
0x85: {  	_ =	shalt  }
0x86: {  	_ =	shalt  }
0x87: {  	_ =	shalt  }
.Lfunc_end0:
.L_simem_size_0:
called_computation.3_lowered:
.L_overlay_start_0:
0x88: {  	s2 =	sld [smem:$0x3FD9]  }
0x89: {  	s3 =	sld [smem:$0x3FFE];
	_ =	sdelay $0x1  }
0x8a: {  	s1 =	srdreg.scid  }
0x8b: {  	s0 =	sand.u32 $0x1, s1  }
0x8c: {  	s17 =	sshll.u32 s0, $0xA;
	s2 =	sadd.s32 s3, s2  }
0x8d: {  	s2 =	sadd.s32 s2, s17  }
0x8e: {  	[smem:$0x3F8D] =	sst s2  }
0x8f: {  	_ = 	snop  }
0x90: {  	s2 =	sld [smem:$0x3FD0];
	(tm) =	ssettm $0x1  }
0x91: {  	s18 =	sld [smem:$0x3FFB];
	_ =	sdelay $0x3  }
0x92: {  	_ =	strace s18  }
0x93: {  	s3 =	sld [smem:$0x3FFC];
	_ =	sdelay $0x3  }
0x94: {  	_ =	strace s3  }
0x95: {  	s3 =	sld [smem:$0x3FFD];
	_ =	sdelay $0x3  }
0x96: {  	_ =	strace s3  }
0x97: {  	_ =	strace $0x8FFFFFFF  }
0x98: {  	s19 =	sld [smem:$0x3FDB];
	_ =	sdelay $0x1  }
0x99: {  	s4 =	simm.s32 $_scs_section_size  }
0x9a: {  	s5 =	simm.s32 $_size__tile_overlayer_lowered;
	s6 =	simm.s32 $_tile_overlayer_lowered  }
0x9b: {  	s22 =	simm.s32 $0x1BFF;
	s21 =	sshll.u32 s6, $0x1;
	s3 =	sadd.s32 s4, s19  }
0x9c: {  	s7 =	simm.s32 $0x0;
	s20 =	sshll.u32 s5, $0x1;
	s5 =	sadd.s32 s21, s3  }
0x9d: {  	[timem:s7], [sflag:s22] =	dma.local [hbm:s5], s20  }
0x9e: {  	_ =	swait.ge [sflag:s22], s20  }
0x9f: {  	s4 =	ssub.s32 $0x0, s20;
	[sflag:s22] =	ssyncset.done $0x0  }
0xa0: {  	[sflag:s22] =	ssyncadd.s32 s4;
	_ =	sdelay $0x1  }
0xa1: {  	s23 =	simm.s32 $0x1B8B  }
0xa2: {  	_ =	swait.ge [sflag:s23], $0x1  }
0xa3: {  	[sflag:s23] =	ssyncset.done $0x0  }
0xa4: {  	s25 =	simm.s32 $0x1B8E;
	s24 =	sld [smem:$0x3FFE];
	[sflag:s23] =	ssyncadd.s32 $0xFFFFFFFF  }
0xa5: {  	s26 =	simm.s32 $execute0_lowered;
	[smem:$0x3FD2] =	sst s25  }
0xa6: {  	s5 =	sshll.u32 s26, $0x1;
	_ =	strace $0x8000004F;
	[dreg:$0x1] =	wrdreg $0xFFFFFFFF  }
0xa7: {  	s28 =	simm.s32 $_size_execute0_lowered;
	s3 =	sadd.s32 s3, s5;
	[dreg:$0x0] =	wrdreg $0x0  }
0xa8: {  	s5 =	sshll.u32 s28, $0x1;
	[dreg:$0x2] =	wrdreg s3  }
0xa9: {  	[dreg:$0x3] =	wrdreg s5  }
0xaa: {  	[dreg:$0x4] =	wrdreg $0xC0  }
0xab: {  	_ =	task [dreg:s7], $0x5FFFF  }
0xac: {  	[dreg:$0x1] =	wrdreg $0xFFFFFFFF  }
0xad: {  	[dreg:$0x0] =	wrdreg $0x60  }
0xae: {  	[dreg:$0x2] =	wrdreg s2  }
0xaf: {  	[dreg:$0x3] =	wrdreg s24  }
0xb0: {  	[dreg:$0x4] =	wrdreg $0x9  }
0xb1: {  	_ =	task.clear_ibuf [dreg:s7], $0x5FFFF;
	_ =	strace $0x9000004F  }
0xb2: {  	s29 =	simm.s32 $0x9;
	_ =	strace $0x80000051  }
0xb3: {  	_ =	swait.ge [sflag:s29], $0x1  }
0xb4: {  	[sflag:s29] =	ssyncadd.s32 $0xFFFFFFFF  }
0xb5: {  	_ =	strace $0x90000051  }
0xb6: {  	_ =	sfence  }
0xb7: {  	s30 =	sld [smem:$0x0];
	_ =	sdelay $0x2  }
0xb8: {  	s31 =	sshll.u32 s1, $0xD;
	s1 =	sshrl.u32 s1, $0x2  }
0xb9: {  	s3 =	sand.u32 $0x4000, s31;
	s1 =	sadd.s32 s1, s30  }
0xba: {  	s0 =	sor.u32 s3, s0;
	s1 =	sshll.u32 s1, $0x11  }
0xbb: {  	s0 =	sor.u32 s1, s0  }
0xbc: {  	s0 =	sadd.s32 $0x8F2B, s0  }
0xbd: {  	[sflag:s0] =	ssyncadd.remote.s32 $0x1  }
0xbe: {  	_ =	sfence.sel $0xFFFF  }
0xbf: {  	[dreg:$0x0] =	wrdreg $0xFFFFFFFF;
	(pc) =	sbr.abs _section_cstart, $3  }
0xc0: {  	[dreg:$0x1] =	wrdreg $0xFFFFFFFF  }
0xc1: {  	_ =	task.clear_ibuf [dreg:s7], $0x2FFFF;
	_ =	strace $0x9FFFFFFF  }
0xc2: {  	(tm) =	ssettm $0x7FFFFFFF  }
0xc3: {  	_ =	shalt  }
tec
execute0_lowered:
.L_overlay_start_1:
0x0: {  	(tag) =	ssettag $0x1  }
0x1: {  	s0 =	srdreg.scid;
	s2 =	rddreg [dreg:$0x0]  }
0x2: {  	s11 =	stileid.u32;
	s5 =	rddreg [dreg:$0x1];
	s3 =	simm.s32 $0x0  }
0x3: {  	s28 =	simm.s32 $0x15C00;
	s29 =	simm.s32 $0x1;
	s30 =	simm.s32 $0x2  }
0x4: {  	s31 =	simm.s32 $0x3;
	s0 =	sand.u32 $0x1, s0;
	s1 =	sshll.u32 s11, $0x1  }
0x5: {  	[smem:$0x7FF] =	sst s3;
	s6 =	smul.u32 $0xC400, s11;
	s4 =	sadd.s32 $0x3E200, s5  }
0x6: {  	s15 =	sadd.s32 $0xD3F000, s5;
	s13 =	sadd.s32 $0x71F000, s5;
	s21 =	smul.u32 $0x18800, s11  }
0x7: {  	s14 =	sadd.s32 $0x597000, s5;
	s22 =	smul.u32 $0x62000, s11;
	s1 =	sor.u32 s0, s1  }
0x8: {  	_ =	strace $0x80000050;
	s7 =	smul.u32 $0x6200, s0;
	s8 =	ssub.s32 $0x2, s0  }
0x9: {  	s1 =	smul.u32 $0x6200, s1;
	s9 =	sshrl.u32 s8, $0x1;
	s24 =	sadd.s32 s21, s14  }
0xa: {  	s25 =	sadd.s32 s22, s13;
	s26 =	sadd.s32 s22, s15;
	s22 =	simm.s32 $0x15400  }
0xb: {  	s6 =	sadd.s32 s7, s6;
	s16 =	ssub.s32 s8, s9;
	s1 =	sshrl.u32 s1, $0x3  }
0xc: {  	s6 =	sor.u32 $0x80, s6;
	s19 =	smax.u32 s16, $0x1;
	s16 =	smul.u32 $0xC400, s0  }
0xd: {  	s0 =	smul.u32 $0x31000, s0;
	s1 =	sadd.s32 s1, s5;
	s5 =	sadd.s32 $0x163600, s5  }
0xe: {  	s18 =	sshrl.u32 s6, $0x7;
	[dreg:$0x5] =	wrdreg s19;
	s19 =	simm.s32 $0xC400  }
0xf: {  	s17 =	sadd.s32 $0xD200, s1;
	s1 =	sadd.s32 $0x11A000, s1;
	s20 =	sshll.u32 s18, $0x8  }
0x10: {  	s23 =	sadd.s32 s21, s5;
	s21 =	simm.s32 $0x14400;
	[dreg:$0x3] =	wrdreg s17  }
0x11: {  	[dreg:$0x4] =	wrdreg s1;
	s8 =	sadd.s32 s20, s14;
	s1 =	sshll.u32 s18, $0xA  }
.Ltmp0:
0x12: {  	s9 =	sadd.s32 s20, s5;
	s12 =	sadd.s32 s16, s23;
	(pc) =	sbr.rel .LBB2_1-.Ltmp0, $4  }
0x13: {  	s14 =	sadd.s32 s0, s25;
	s18 =	simm.s32 $0x80;
	s20 =	simm.s32 $0x10400  }
0x14: {  	s23 =	simm.s32 $0xE400;
	s25 =	simm.s32 $0x12400;
	s10 =	sadd.s32 s1, s15  }
0x15: {  	s11 =	sadd.s32 s1, s13;
	s13 =	sadd.s32 s16, s24;
	s15 =	sadd.s32 s0, s26  }
0x16: {  	s26 =	simm.s32 $0x14C00;
	s1 =	simm.s32 $0x4;
	s0 =	simm.s32 $0x0  }
.LBB2_4:
0x17: {  	s0 =	sadd.s32 $0x1, s0;
	s5 =	rddreg [dreg:$0x5]  }
0x18: {  	p0 =	sne.s32 s0, s5  }
.Ltmp1:
0x19: {  	_ = 	snop;
	(pc) =	sbr.rel @!p0 .LBB2_5-.Ltmp1, $1  }
0x1a: {  	_ =	sdelay $0x3  }
.LBB2_1:
0x1b: {  	s5 =	rddreg [dreg:$0x3];
	s6 =	simm.s32 $0x5  }
0x1c: {  	[tilespmem:s3], [sflag:$0x5] =	stream.linear.gather [hbm4b:s5+s3], $0x6200, $0x38;
	[tilespmem:$0x16400] =	vst v63  }
0x1d: {  	_ =	swait.ge [sflag:s6], $0x6200  }
0x1e: {  	[sflag:s6] =	ssyncset.done $0x0  }
0x1f: {  	s7 =	simm.s32 $0x6200;
	s17 =	rddreg [dreg:$0x4];
	[sflag:s6] =	ssyncadd.s32 $0xFFFF9E00  }
0x20: {  	[tilespmem:s7], [sflag:$0x5] =	stream.linear.gather [hbm4b:s17+s3], $0x6200, $0x38;
	[tilespmem:$0x16400] =	vst v63  }
0x21: {  	_ =	swait.ge [sflag:s6], $0x6200  }
0x22: {  	[sflag:s6] =	ssyncset.done $0x0  }
0x23: {  	[sflag:s6] =	ssyncadd.s32 $0xFFFF9E00  }
0x24: {  	[tilespmem:s19], [sflag:$0x1] =	stream.indirect.gather [hbm4b:s2+s18], $0x40, s3, s18, $0xb8;
	[tilespmem:$0x16400] =	vst v63  }
0x25: {  	_ = 	snop  }
0x26: {  	[tilespmem:s20], [sflag:$0x1] =	stream.indirect.gather [hbm4b:s2+s18], $0x40, s7, s18, $0xb8;
	[tilespmem:$0x16400] =	vst v63  }
0x27: {  	_ = 	snop  }
0x28: {  	[tilespmem:s21], [sflag:$0x1] =	stream.indirect.gather [hbm4b:s4+s18], $0x10, s3, s18, $0xb8;
	[tilespmem:$0x16400] =	vst v63  }
0x29: {  	_ = 	snop  }
0x2a: {  	[tilespmem:s22], [sflag:$0x1] =	stream.indirect.gather [hbm4b:s4+s18], $0x10, s7, s18, $0xb8;
	[tilespmem:$0x16400] =	vst v63  }
0x2b: {  	_ = 	snop  }
0x2c: {  	[tilespmem:s23], [sflag:$0x2] =	stream.indirect.gather [hbm4b:s2+s18], $0x40, s18, s18, $0xb8;
	[tilespmem:$0x16400] =	vst v63  }
0x2d: {  	s24 =	simm.s32 $0x6280  }
0x2e: {  	[tilespmem:s25], [sflag:$0x2] =	stream.indirect.gather [hbm4b:s2+s18], $0x40, s24, s18, $0xb8;
	[tilespmem:$0x16400] =	vst v63  }
0x2f: {  	_ = 	snop  }
0x30: {  	[tilespmem:s26], [sflag:$0x2] =	stream.indirect.gather [hbm4b:s4+s18], $0x10, s18, s18, $0xb8;
	[tilespmem:$0x16400] =	vst v63  }
0x31: {  	s5 =	simm.s32 $0x100  }
0x32: {  	[tilespmem:s28], [sflag:$0x2] =	stream.indirect.gather [hbm4b:s4+s18], $0x10, s24, s18, $0xb8;
	[tilespmem:$0x16400] =	vst v63  }
0x33: {  	s6 =	simm.s32 $0x6300;
	s7 =	simm.s32 $0x0;
	s24 =	simm.s32 $0x0  }
.LBB2_2:
0x34: {  	_ =	swait.ge [sflag:s29], $0x2000  }
0x35: {  	[sflag:s29] =	ssyncset.done $0x0  }
0x36: {  	[sflag:s29] =	ssyncadd.s32 $0xFFFFE000  }
0x37: {  	_ =	swait.ge [sflag:s29], $0x2000  }
0x38: {  	[sflag:s29] =	ssyncset.done $0x0  }
0x39: {  	[sflag:s29] =	ssyncadd.s32 $0xFFFFE000  }
0x3a: {  	_ =	swait.ge [sflag:s29], $0x800  }
0x3b: {  	[sflag:s29] =	ssyncset.done $0x0  }
0x3c: {  	[sflag:s29] =	ssyncadd.s32 $0xFFFFF800  }
0x3d: {  	_ =	swait.ge [sflag:s29], $0x800  }
0x3e: {  	[sflag:s29] =	ssyncset.done $0x0  }
0x3f: {  	s17 =	sadd.s32 s7, s15;
	[sflag:s29] =	ssyncadd.s32 $0xFFFFF800  }
0x40: {  	[hbm4b:s17+s3] =	stream.linear.scatter [tilespmem:s19], [sflag:$0x3], $0x2000, $0x38;
	[tilespmem:$0x16400] =	vst v63  }
0x41: {  	s16 =	sadd.s32 s7, s14  }
0x42: {  	[hbm4b:s16+s3] =	stream.linear.scatter [tilespmem:s20], [sflag:$0x3], $0x2000, $0x38;
	[tilespmem:$0x16400] =	vst v63  }
0x43: {  	s16 =	sadd.s32 s24, s13  }
0x44: {  	[hbm4b:s16+s3] =	stream.linear.scatter [tilespmem:s21], [sflag:$0x3], $0x800, $0x38;
	[tilespmem:$0x16400] =	vst v63  }
0x45: {  	s16 =	sadd.s32 s24, s12  }
0x46: {  	[hbm4b:s16+s3] =	stream.linear.scatter [tilespmem:s22], [sflag:$0x3], $0x800, $0x38;
	[tilespmem:$0x16400] =	vst v63  }
0x47: {  	_ =	swait.ge [sflag:s30], $0x2000  }
0x48: {  	[sflag:s30] =	ssyncset.done $0x0  }
0x49: {  	[sflag:s30] =	ssyncadd.s32 $0xFFFFE000  }
0x4a: {  	_ =	swait.ge [sflag:s30], $0x2000  }
0x4b: {  	[sflag:s30] =	ssyncset.done $0x0  }
0x4c: {  	[sflag:s30] =	ssyncadd.s32 $0xFFFFE000  }
0x4d: {  	_ =	swait.ge [sflag:s30], $0x800  }
0x4e: {  	[sflag:s30] =	ssyncset.done $0x0  }
0x4f: {  	[sflag:s30] =	ssyncadd.s32 $0xFFFFF800  }
0x50: {  	_ =	swait.ge [sflag:s30], $0x800  }
0x51: {  	[sflag:s30] =	ssyncset.done $0x0  }
0x52: {  	s16 =	sadd.s32 s7, s10;
	[sflag:s30] =	ssyncadd.s32 $0xFFFFF800  }
0x53: {  	[hbm4b:s16+s3] =	stream.linear.scatter [tilespmem:s23], [sflag:$0x4], $0x2000, $0x38;
	[tilespmem:$0x16400] =	vst v63  }
0x54: {  	s16 =	sadd.s32 s7, s11  }
0x55: {  	[hbm4b:s16+s3] =	stream.linear.scatter [tilespmem:s25], [sflag:$0x4], $0x2000, $0x38;
	[tilespmem:$0x16400] =	vst v63  }
0x56: {  	s16 =	sadd.s32 s24, s8  }
0x57: {  	[hbm4b:s16+s3] =	stream.linear.scatter [tilespmem:s26], [sflag:$0x4], $0x800, $0x38;
	[tilespmem:$0x16400] =	vst v63  }
0x58: {  	s16 =	sadd.s32 s24, s9  }
0x59: {  	[hbm4b:s16+s3] =	stream.linear.scatter [tilespmem:s28], [sflag:$0x4], $0x800, $0x38;
	[tilespmem:$0x16400] =	vst v63  }
0x5a: {  	_ =	swait.ge [sflag:s31], $0x2000  }
0x5b: {  	[sflag:s31] =	ssyncset.done $0x0  }
0x5c: {  	[sflag:s31] =	ssyncadd.s32 $0xFFFFE000  }
0x5d: {  	_ =	swait.ge [sflag:s31], $0x2000  }
0x5e: {  	[sflag:s31] =	ssyncset.done $0x0  }
0x5f: {  	[sflag:s31] =	ssyncadd.s32 $0xFFFFE000  }
0x60: {  	_ =	swait.ge [sflag:s31], $0x800  }
0x61: {  	[sflag:s31] =	ssyncset.done $0x0  }
0x62: {  	[sflag:s31] =	ssyncadd.s32 $0xFFFFF800  }
0x63: {  	_ =	swait.ge [sflag:s31], $0x800  }
0x64: {  	p0 =	seq.s32 s24, $0xC200;
	[sflag:s31] =	ssyncset.done $0x0  }
0x65: {  	s17 =	simm.s32 @!p0 $0x80;
	s16 =	simm.s32 @!p0 $0xC400;
	[sflag:s31] =	ssyncadd.s32 $0xFFFFF800  }
0x66: {  	[tilespmem:s16], [sflag:$0x1] =	stream.indirect.gather @!p0 [hbm4b:s2+s17], $0x40, s5, s17, $0xb8;
	[tilespmem:$0x16400] =	vst v63  }
0x67: {  	s16 =	simm.s32 @!p0 $0x10400  }
0x68: {  	[tilespmem:s16], [sflag:$0x1] =	stream.indirect.gather @!p0 [hbm4b:s2+s17], $0x40, s6, s17, $0xb8;
	[tilespmem:$0x16400] =	vst v63  }
0x69: {  	s16 =	simm.s32 @!p0 $0x14400  }
0x6a: {  	[tilespmem:s16], [sflag:$0x1] =	stream.indirect.gather @!p0 [hbm4b:s4+s17], $0x10, s5, s17, $0xb8;
	[tilespmem:$0x16400] =	vst v63  }
0x6b: {  	s16 =	simm.s32 @!p0 $0x15400  }
0x6c: {  	[tilespmem:s16], [sflag:$0x1] =	stream.indirect.gather @!p0 [hbm4b:s4+s17], $0x10, s6, s17, $0xb8;
	[tilespmem:$0x16400] =	vst v63  }
0x6d: {  	_ =	swait.ge [sflag:s1], $0x2000  }
0x6e: {  	[sflag:s1] =	ssyncset.done $0x0  }
0x6f: {  	[sflag:s1] =	ssyncadd.s32 $0xFFFFE000  }
0x70: {  	_ =	swait.ge [sflag:s1], $0x2000  }
0x71: {  	[sflag:s1] =	ssyncset.done $0x0  }
0x72: {  	[sflag:s1] =	ssyncadd.s32 $0xFFFFE000  }
0x73: {  	_ =	swait.ge [sflag:s1], $0x800  }
.Ltmp2:
0x74: {  	[sflag:s1] =	ssyncset.done $0x0;
	(pc) =	sbr.rel @p0 .LBB2_4-.Ltmp2, $4  }
0x75: {  	[sflag:s1] =	ssyncadd.s32 $0xFFFFF800  }
0x76: {  	_ =	swait.ge [sflag:s1], $0x800  }
0x77: {  	[sflag:s1] =	ssyncset.done $0x0  }
0x78: {  	[sflag:s1] =	ssyncadd.s32 $0xFFFFF800  }
0x79: {  	s16 =	sadd.s32 $0x80, s5  }
0x7a: {  	[tilespmem:s23], [sflag:$0x2] =	stream.indirect.gather [hbm4b:s2+s18], $0x40, s16, s18, $0xb8;
	[tilespmem:$0x16400] =	vst v63  }
0x7b: {  	s17 =	sadd.s32 $0x80, s6  }
0x7c: {  	[tilespmem:s25], [sflag:$0x2] =	stream.indirect.gather [hbm4b:s2+s18], $0x40, s17, s18, $0xb8;
	[tilespmem:$0x16400] =	vst v63  }
.Ltmp3:
0x7d: {  	_ = 	snop;
	(pc) =	sbr.rel .LBB2_2-.Ltmp3, $4  }
0x7e: {  	s24 =	sadd.s32 $0x200, s24  }
0x7f: {  	[tilespmem:s26], [sflag:$0x2] =	stream.indirect.gather [hbm4b:s4+s18], $0x10, s16, s18, $0xb8;
	[tilespmem:$0x16400] =	vst v63  }
0x80: {  	s7 =	sadd.s32 $0x800, s7;
	s5 =	sadd.s32 $0x100, s5;
	s6 =	sadd.s32 $0x100, s6  }
0x81: {  	[tilespmem:s28], [sflag:$0x2] =	stream.indirect.gather [hbm4b:s4+s18], $0x10, s17, s18, $0xb8;
	[tilespmem:$0x16400] =	vst v63  }
.LBB2_5:
0x82: {  	_ =	sfence.sel $0x180000  }
0x83: {  	[bflag:$0x0] =	sbarrier.arrive $0xFFFF  }
0x84: {  	_ =	strace $0x90000050  }
0x85: {  	s0 =	stileid.u32;
	[bflag:$0x2] =	sbarrier.arrive $0xFFFF  }
0x86: {  	p0 =	sne.s32 s0, $0x0;
	s0 =	rddreg [dreg:$0x2]  }
0x87: {  	s0 =	sadd.s32 @!p0 $0x100000, s0  }
0x88: {  	[sflag:s0] =	ssyncadd.tile.s32 @!p0 $0x1;
	_ =	shalt  }
.Lfunc_end2:
_tile_overlayer_lowered:
.L_overlay_start_2:
0x89: {  	(tag) =	ssettag $0x2  }
0x8a: {  	s0 =	rddreg [dreg:$0x0];
	s2 =	stileid.u32  }
0x8b: {  	s1 =	rddreg [dreg:$0x1];
	p0 =	sne.s32 s2, $0x0  }
0x8c: {  	s3 =	rddreg [dreg:$0x2];
	[bflag:$0x3] =	sbarrier.arrive $0xFFFF;
	s2 =	simm.s32 @!p0 $0x1C05  }
0x8d: {  	[timem:s3], [sflag:s2] =	dma.local @!p0 [hbm:s0], s1  }
0x8e: {  	s0 =	simm.s32 @!p0 $0x5  }
0x8f: {  	_ =	swait.ge @!p0 [sflag:s0], s1  }
0x90: {  	s1 =	ssub.s32 @!p0 $0x0, s1;
	[sflag:s0] =	ssyncset.done @!p0 $0x0  }
0x91: {  	[sflag:s0] =	ssyncadd.s32 @!p0 s1  }
0x92: {  	[bflag:$0x3] =	sbarrier.arrive $0xFFFF  }
0x93: {  	_ =	shalt  }

// kernel: kernel.30.cloned.1.call-start
scs
__scs_entry_jumppad:
0x0: {  	(pc) =	sbr.rel $0x88, $3  }
0x1: {  	(tag) =	ssettag $0x0;
	lr =	simm.s32 $0x1  }
0x2: {  	[smem:$0x3F66] =	sst lr;
	_ =	strace $0xD0000000  }
0x3: {  	_ = 	snop  }
0x4: {  	_ = 	snop  }
0x5: {  	_ = 	snop  }
0x6: {  	_ = 	snop  }
0x7: {  	_ = 	snop  }
__scs_overlays_trampoline_lowered:
0x8: {  	[smem:$0x3F75] =	sst s0  }
0x9: {  	[smem:$0x3F76] =	sst s1  }
0xa: {  	[smem:$0x3F77] =	sst s2  }
0xb: {  	[smem:$0x3F78] =	sst s3  }
0xc: {  	[smem:$0x3F79] =	sst s4  }
0xd: {  	[smem:$0x3F7A] =	sst s5  }
0xe: {  	[smem:$0x3F7B] =	sst s6  }
0xf: {  	[smem:$0x3F7C] =	sst s7  }
0x10: {  	[smem:$0x3F7D] =	sst s8  }
0x11: {  	[smem:$0x3F7E] =	sst s9;
	s0 =	simm.s32 @!p0 $0x0  }
0x12: {  	s1 =	sld [smem:$0x3F64];
	s0 =	simm.s32 @p0 $0x1  }
0x13: {  	[smem:$0x3F7F] =	sst s0;
	s0 =	simm.s32 @!p1 $0x0  }
0x14: {  	s2 =	sld [smem:$0x3F63];
	s0 =	simm.s32 @p1 $0x1  }
0x15: {  	[smem:$0x3F80] =	sst s0;
	s0 =	simm.s32 @!p2 $0x0  }
0x16: {  	s3 =	sld [smem:$0x3FDB];
	s0 =	simm.s32 @p2 $0x1  }
0x17: {  	s4 =	simm.s32 $0x1BF5;
	[smem:$0x3F82] =	sst s0  }
0x18: {  	s0 =	sld [smem:$0x3F65];
	_ =	swait.ge [sflag:s4], $0x0  }
0x19: {  	s7 =	sld [smem:$0x3F66]  }
0x1a: {  	s8 =	sadd.s32 $0xFFFFE003, lr  }
0x1b: {  	s9 =	sadd.s32 $0xFFFFFEF7, lr;
	s5 =	simm.s32 $0xFFFFFFFF;
	p2 =	slt.u32 s8, $0xFFFFF086  }
0x1c: {  	p1 =	slt.u32 s9, $0xF7A;
	s5 =	simm.s32 @!p2 $0x0  }
0x1d: {  	s5 =	simm.s32 @p1 $0x1;
	p0 =	seq.s32 s7, s2  }
0x1e: {  	s7 =	smul.u32 @!p0 $0xF7A, s2;
	p2 =	seq.s32 @!p0 s5, $0x0  }
0x1f: {  	s9 =	smul.u32 $0xF7A, s1;
	s8 =	simm.s32 @!p0 $0x1BF5;
	p2 =	por !p2, p0  }
0x20: {  	[sflag:s8] =	ssyncset.s32 @!p0 $0xFFFFF086;
	s6 =	sadd.s32 @!p0 s3, s7;
	s7 =	simm.s32 @!p0 $0x108  }
0x21: {  	s3 =	sadd.s32 s3, s9;
	s6 =	sadd.s32 @!p0 $0x88, s6;
	s7 =	simm.s32 @p2 $0x1082  }
0x22: {  	[simem:s7], [sflag:s8] =	dma.local @!p0 [hbm:s6], $0xF7A  }
0x23: {  	s9 =	sor.u32 $0xD0000000, s2;
	s6 =	simm.s32 $0x108;
	_ =	swait.ge @!p0 [sflag:s8], $0x0  }
0x24: {  	s3 =	sadd.s32 $0x88, s3;
	s6 =	simm.s32 @!p1 $0x1082;
	[sflag:s4] =	ssyncset.s32 $0xFFFFF086  }
0x25: {  	[simem:s6], [sflag:s4] =	dma.local [hbm:s3], $0xF7A  }
0x26: {  	[smem:$0x3F66] =	sst s1;
	(tag) =	ssettag s2;
	_ =	strace s9  }
0x27: {  	s1 =	sld [smem:$0x3F76]  }
0x28: {  	s2 =	sld [smem:$0x3F77]  }
0x29: {  	s4 =	sld [smem:$0x3F79]  }
0x2a: {  	p0 =	seq.s32 s5, $0x0;
	s5 =	sld [smem:$0x3F7A]  }
0x2b: {  	s6 =	sld [smem:$0x3F7B]  }
0x2c: {  	s7 =	sld [smem:$0x3F7C]  }
0x2d: {  	s3 =	simm.s32 $0x108;
	s8 =	sld [smem:$0x3F7D]  }
0x2e: {  	s3 =	simm.s32 @!p0 $0x1082;
	s9 =	sld [smem:$0x3F7E]  }
0x2f: {  	lr =	sadd.s32 s0, s3;
	s0 =	sld [smem:$0x3F75]  }
0x30: {  	s3 =	sld [smem:$0x3F78]  }
0x31: {  	[smem:$0x3F81] =	sst s10  }
0x32: {  	s10 =	sld [smem:$0x3F7F];
	_ =	sdelay $0x3  }
0x33: {  	p0 =	seq.s32 s10, $0x1;
	s10 =	sld [smem:$0x3F81];
	_ =	sdelay $0x3  }
0x34: {  	[smem:$0x3F81] =	sst s10  }
0x35: {  	s10 =	sld [smem:$0x3F80];
	_ =	sdelay $0x3  }
0x36: {  	p1 =	seq.s32 s10, $0x1;
	s10 =	sld [smem:$0x3F81];
	_ =	sdelay $0x3  }
0x37: {  	[smem:$0x3F81] =	sst s10  }
0x38: {  	s10 =	sld [smem:$0x3F82]  }
0x39: {  	_ = 	snop;
	(pc) =	sbr.ind lr, $3  }
0x3a: {  	_ = 	snop  }
0x3b: {  	_ = 	snop  }
0x3c: {  	p2 =	seq.s32 s10, $0x1;
	s10 =	sld [smem:$0x3F81]  }
0x3d: {  	_ =	shalt  }
0x3e: {  	_ =	shalt  }
0x3f: {  	_ =	shalt  }
0x40: {  	_ =	shalt  }
0x41: {  	_ =	shalt  }
0x42: {  	_ =	shalt  }
0x43: {  	_ =	shalt  }
0x44: {  	_ =	shalt  }
0x45: {  	_ =	shalt  }
0x46: {  	_ =	shalt  }
0x47: {  	_ =	shalt  }
0x48: {  	_ =	shalt  }
0x49: {  	_ =	shalt  }
0x4a: {  	_ =	shalt  }
0x4b: {  	_ =	shalt  }
0x4c: {  	_ =	shalt  }
0x4d: {  	_ =	shalt  }
0x4e: {  	_ =	shalt  }
0x4f: {  	_ =	shalt  }
0x50: {  	_ =	shalt  }
0x51: {  	_ =	shalt  }
0x52: {  	_ =	shalt  }
0x53: {  	_ =	shalt  }
0x54: {  	_ =	shalt  }
0x55: {  	_ =	shalt  }
0x56: {  	_ =	shalt  }
0x57: {  	_ =	shalt  }
0x58: {  	_ =	shalt  }
0x59: {  	_ =	shalt  }
0x5a: {  	_ =	shalt  }
0x5b: {  	_ =	shalt  }
0x5c: {  	_ =	shalt  }
0x5d: {  	_ =	shalt  }
0x5e: {  	_ =	shalt  }
0x5f: {  	_ =	shalt  }
0x60: {  	_ =	shalt  }
0x61: {  	_ =	shalt  }
0x62: {  	_ =	shalt  }
0x63: {  	_ =	shalt  }
0x64: {  	_ =	shalt  }
0x65: {  	_ =	shalt  }
0x66: {  	_ =	shalt  }
0x67: {  	_ =	shalt  }
0x68: {  	_ =	shalt  }
0x69: {  	_ =	shalt  }
0x6a: {  	_ =	shalt  }
0x6b: {  	_ =	shalt  }
0x6c: {  	_ =	shalt  }
0x6d: {  	_ =	shalt  }
0x6e: {  	_ =	shalt  }
0x6f: {  	_ =	shalt  }
0x70: {  	_ =	shalt  }
0x71: {  	_ =	shalt  }
0x72: {  	_ =	shalt  }
0x73: {  	_ =	shalt  }
0x74: {  	_ =	shalt  }
0x75: {  	_ =	shalt  }
0x76: {  	_ =	shalt  }
0x77: {  	_ =	shalt  }
0x78: {  	_ =	shalt  }
0x79: {  	_ =	shalt  }
0x7a: {  	_ =	shalt  }
0x7b: {  	_ =	shalt  }
0x7c: {  	_ =	shalt  }
0x7d: {  	_ =	shalt  }
0x7e: {  	_ =	shalt  }
0x7f: {  	_ =	shalt  }
0x80: {  	_ =	shalt  }
0x81: {  	_ =	shalt  }
0x82: {  	_ =	shalt  }
0x83: {  	_ =	shalt  }
0x84: {  	_ =	shalt  }
0x85: {  	_ =	shalt  }
0x86: {  	_ =	shalt  }
0x87: {  	_ =	shalt  }
.Lfunc_end0:
.L_simem_size_0:
called_computation.4_lowered:
.L_overlay_start_0:
0x88: {  	s2 =	sld [smem:$0x3FD9]  }
0x89: {  	s3 =	sld [smem:$0x3FFE];
	_ =	sdelay $0x1  }
0x8a: {  	s1 =	srdreg.scid  }
0x8b: {  	s0 =	sand.u32 $0x1, s1  }
0x8c: {  	s17 =	sshll.u32 s0, $0xA;
	s2 =	sadd.s32 s3, s2  }
0x8d: {  	s2 =	sadd.s32 s2, s17  }
0x8e: {  	[smem:$0x3F8D] =	sst s2  }
0x8f: {  	_ = 	snop  }
0x90: {  	s2 =	sld [smem:$0x3FD0];
	(tm) =	ssettm $0x1  }
0x91: {  	s18 =	sld [smem:$0x3FFB];
	_ =	sdelay $0x3  }
0x92: {  	_ =	strace s18  }
0x93: {  	s3 =	sld [smem:$0x3FFC];
	_ =	sdelay $0x3  }
0x94: {  	_ =	strace s3  }
0x95: {  	s3 =	sld [smem:$0x3FFD];
	_ =	sdelay $0x3  }
0x96: {  	_ =	strace s3  }
0x97: {  	_ =	strace $0x8FFFFFFF  }
0x98: {  	s19 =	sld [smem:$0x3FDB];
	_ =	sdelay $0x1  }
0x99: {  	s4 =	simm.s32 $_scs_section_size  }
0x9a: {  	s5 =	simm.s32 $_size__tile_overlayer_lowered;
	s6 =	simm.s32 $_tile_overlayer_lowered  }
0x9b: {  	s22 =	simm.s32 $0x1BFF;
	s21 =	sshll.u32 s6, $0x1;
	s3 =	sadd.s32 s4, s19  }
0x9c: {  	s7 =	simm.s32 $0x0;
	s20 =	sshll.u32 s5, $0x1;
	s5 =	sadd.s32 s21, s3  }
0x9d: {  	[timem:s7], [sflag:s22] =	dma.local [hbm:s5], s20  }
0x9e: {  	_ =	swait.ge [sflag:s22], s20  }
0x9f: {  	s4 =	ssub.s32 $0x0, s20;
	[sflag:s22] =	ssyncset.done $0x0  }
0xa0: {  	[sflag:s22] =	ssyncadd.s32 s4;
	_ =	sdelay $0x1  }
0xa1: {  	s23 =	simm.s32 $0x1B8B  }
0xa2: {  	_ =	swait.ge [sflag:s23], $0x1  }
0xa3: {  	[sflag:s23] =	ssyncset.done $0x0  }
0xa4: {  	s25 =	simm.s32 $0x1B8E;
	s24 =	sld [smem:$0x3FFE];
	[sflag:s23] =	ssyncadd.s32 $0xFFFFFFFF  }
0xa5: {  	s26 =	simm.s32 $execute0_lowered;
	[smem:$0x3FD2] =	sst s25  }
0xa6: {  	s5 =	sshll.u32 s26, $0x1;
	_ =	strace $0x80000052;
	[dreg:$0x1] =	wrdreg $0xFFFFFFFF  }
0xa7: {  	s28 =	simm.s32 $_size_execute0_lowered;
	s3 =	sadd.s32 s3, s5;
	[dreg:$0x0] =	wrdreg $0x0  }
0xa8: {  	s5 =	sshll.u32 s28, $0x1;
	[dreg:$0x2] =	wrdreg s3  }
0xa9: {  	[dreg:$0x3] =	wrdreg s5  }
0xaa: {  	[dreg:$0x4] =	wrdreg $0xC0  }
0xab: {  	_ =	task [dreg:s7], $0x5FFFF  }
0xac: {  	[dreg:$0x1] =	wrdreg $0xFFFFFFFF  }
0xad: {  	[dreg:$0x0] =	wrdreg $0x60  }
0xae: {  	[dreg:$0x2] =	wrdreg s24  }
0xaf: {  	[dreg:$0x3] =	wrdreg s2  }
0xb0: {  	[dreg:$0x4] =	wrdreg $0x42000  }
0xb1: {  	[dreg:$0x5] =	wrdreg $0x9  }
0xb2: {  	_ =	task.clear_ibuf [dreg:s7], $0x6FFFF;
	_ =	strace $0x90000052  }
0xb3: {  	s29 =	simm.s32 $0x9;
	_ =	strace $0x80000054  }
0xb4: {  	_ =	swait.ge [sflag:s29], $0x1  }
0xb5: {  	[sflag:s29] =	ssyncadd.s32 $0xFFFFFFFF  }
0xb6: {  	_ =	strace $0x90000054  }
0xb7: {  	_ =	sfence  }
0xb8: {  	s30 =	sld [smem:$0x0];
	_ =	sdelay $0x2  }
0xb9: {  	s31 =	sshll.u32 s1, $0xD;
	s1 =	sshrl.u32 s1, $0x2  }
0xba: {  	s3 =	sand.u32 $0x4000, s31;
	s1 =	sadd.s32 s1, s30  }
0xbb: {  	s0 =	sor.u32 s3, s0;
	s1 =	sshll.u32 s1, $0x11  }
0xbc: {  	s0 =	sor.u32 s1, s0  }
0xbd: {  	s0 =	sadd.s32 $0x8F2B, s0  }
0xbe: {  	[sflag:s0] =	ssyncadd.remote.s32 $0x1  }
0xbf: {  	_ =	sfence.sel $0xFFFF  }
0xc0: {  	[dreg:$0x0] =	wrdreg $0xFFFFFFFF;
	(pc) =	sbr.abs _section_cstart, $3  }
0xc1: {  	[dreg:$0x1] =	wrdreg $0xFFFFFFFF  }
0xc2: {  	_ =	task.clear_ibuf [dreg:s7], $0x2FFFF;
	_ =	strace $0x9FFFFFFF  }
0xc3: {  	(tm) =	ssettm $0x7FFFFFFF  }
tec
execute0_lowered:
.L_overlay_start_1:
0x0: {  	(tag) =	ssettag $0x1  }
0x1: {  	s5 =	rddreg [dreg:$0x0]  }
0x2: {  	s10 =	rddreg [dreg:$0x1]  }
0x3: {  	s2 =	rddreg [dreg:$0x2];
	s3 =	simm.s32 $0x0;
	s1 =	stileid.u32  }
0x4: {  	s4 =	srdreg.scid;
	s20 =	simm.s32 $0x1;
	s6 =	smul.u32 $0x18800, s1  }
0x5: {  	s21 =	simm.s32 $0x100;
	s22 =	simm.s32 $0x3;
	s26 =	smul.u32 $0xC400, s1  }
0x6: {  	s23 =	simm.s32 $0x2;
	[smem:$0x7FF] =	sst s3;
	s14 =	smul.u32 $0x620, s1  }
0x7: {  	s8 =	sand.u32 $0x1, s4;
	s9 =	sadd.s32 $0x11D7000, s5;
	s17 =	smul.u32 $0x62000, s1  }
0x8: {  	s13 =	sadd.s32 $0x25A00, s5;
	s15 =	sadd.s32 $0x16F800, s2;
	s31 =	smul.u32 $0x1880, s1  }
0x9: {  	p0 =	seq.s32 s1, $0xF;
	_ =	strace $0x80000053;
	s24 =	smul.u32 $0x61A8, s8  }
0xa: {  	s4 =	ssub.s32 $0x2, s8;
	s19 =	smul.u32 $0x186A00, s8;
	s7 =	sshrl.u32 s6, $0x3  }
0xb: {  	s11 =	sshrl.u32 s4, $0x1;
	s16 =	sadd.s32 s6, s2;
	s28 =	sshrl.u32 s26, $0x3  }
0xc: {  	s7 =	sadd.s32 s7, s5;
	s12 =	ssub.s32 s4, s11;
	s5 =	sadd.s32 $0x160700, s5  }
0xd: {  	s6 =	sadd.s32 s13, s28;
	s11 =	sor.u32 $0x80, s26;
	s14 =	sadd.s32 s14, s24  }
0xe: {  	s30 =	sshrl.u32 s19, $0x3;
	s16 =	sshrl.u32 @!p0 s16, $0x3;
	s19 =	simm.s32 $0x2200  }
0xf: {  	v0 =	vmov s24;
	s24 =	simm.s32 $0x180;
	s26 =	simm.s32 $0x0;
	s4 =	sadd.s32 $0x132800, s7  }
0x10: {  	s7 =	sadd.s32 s9, s17;
	s18 =	sshrl.u32 s11, $0x3;
	s11 =	sshll.u32 s11, $0x3  }
0x11: {  	s29 =	sshll.u32 s14, $0x3;
	s17 =	sshrl.u32 s17, $0x2;
	s14 =	sadd.s32 s10, s30  }
.Ltmp0:
0x12: {  	s12 =	smax.u32 s12, $0x1;
	s8 =	sadd.s32 s13, s18;
	(pc) =	sbr.rel .LBB2_1-.Ltmp0, $4  }
0x13: {  	s9 =	sadd.s32 s9, s11;
	s10 =	sadd.s32 s10, s29;
	s25 =	sadd.s32 s17, s2  }
0x14: {  	s11 =	sadd.s32 $0x2DF00, s14;
	s13 =	sadd.s32 s31, s13;
	s14 =	sshrl.u32 @p0 s15, $0x3  }
0x15: {  	s15 =	sshll.u32 @!p0 s1, $0x6;
	s17 =	simm.s32 $0x200;
	s18 =	simm.s32 $0x80  }
0x16: {  	s13 =	sadd.s32 $0x30, s13;
	s15 =	sor.u32 @!p0 $0x1C03, s15;
	s25 =	sshrl.u32 @!p0 s25, $0x3  }
.LBB2_4:
0x17: {  	[bflag:$0x0] =	sbarrier.arrive $0xFFFF;
	s0 =	simm.s32 @p0 $0x1FC3  }
0x18: {  	[hbm:s11], [sflag:s0] =	dma.local @p0 [spmem:s14], $0x2E40  }
0x19: {  	s0 =	simm.s32 @p0 $0x3  }
0x1a: {  	s26 =	sadd.s32 $0x1, s26;
	_ =	swait.ge @p0 [sflag:s0], $0x2E40  }
0x1b: {  	p1 =	sne.s32 s26, s12;
	[sflag:s0] =	ssyncset.done @p0 $0x0  }
.Ltmp1:
0x1c: {  	[sflag:s0] =	ssyncadd.s32 @p0 $0xFFFFD1C0;
	s0 =	simm.s32 @!p0 $0x3;
	(pc) =	sbr.rel @!p1 .LBB2_5-.Ltmp1, $4  }
0x1d: {  	[hbm:s10], [sflag:s15] =	dma.local @!p0 [spmem:s25], $0x3100  }
0x1e: {  	_ =	swait.ge @!p0 [sflag:s0], $0x3100  }
0x1f: {  	[sflag:s0] =	ssyncset.done @!p0 $0x0  }
0x20: {  	[sflag:s0] =	ssyncadd.s32 @!p0 $0xFFFFCF00  }
.LBB2_1:
0x21: {  	s28 =	simm.s32 @p0 $0x1FC3  }
0x22: {  	[spmem:s14], [sflag:s28] =	dma.local @p0 [hbm:s5], $0x2E80  }
0x23: {  	s28 =	simm.s32 @p0 $0x3  }
0x24: {  	_ =	swait.ge @p0 [sflag:s28], $0x2E80  }
0x25: {  	[sflag:s28] =	ssyncset.done @p0 $0x0  }
0x26: {  	[sflag:s28] =	ssyncadd.s32 @p0 $0xFFFFD180;
	s28 =	simm.s32 @!p0 $0x3  }
0x27: {  	[spmem:s16], [sflag:s15] =	dma.local @!p0 [hbm:s4], $0x3100  }
0x28: {  	_ =	swait.ge @!p0 [sflag:s28], $0x3100  }
0x29: {  	[sflag:s28] =	ssyncset.done @!p0 $0x0  }
0x2a: {  	[sflag:s28] =	ssyncadd.s32 @!p0 $0xFFFFCF00  }
0x2b: {  	[bflag:$0x0] =	sbarrier.arrive $0xFFFF  }
0x2c: {  	[tilespmem:s3], [sflag:$0x1] =	stream.linear.gather [hbm4b:s6+s3], $0x80, $0x38;
	[tilespmem:$0x1C8C0] =	vst v63  }
0x2d: {  	_ = 	snop  }
0x2e: {  	[tilespmem:s17], [sflag:$0x1] =	stream.linear.gather [hbm4b:s7+s3], $0x2000, $0x38;
	[tilespmem:$0x1C8C0] =	vst v63  }
0x2f: {  	_ = 	snop  }
0x30: {  	[tilespmem:s18], [sflag:$0x2] =	stream.linear.gather [hbm4b:s8+s3], $0x80, $0x38;
	[tilespmem:$0x1C8C0] =	vst v63  }
0x31: {  	s29 =	simm.s32 $0x0;
	s28 =	smov.u32 s13  }
0x32: {  	[tilespmem:s19], [sflag:$0x2] =	stream.linear.gather [hbm4b:s9+s3], $0x2000, $0x38;
	[tilespmem:$0x1C8C0] =	vst v63  }
.LBB2_2:
0x33: {  	_ =	swait.ge [sflag:s20], $0x80  }
0x34: {  	[sflag:s20] =	ssyncset.done $0x0  }
0x35: {  	[sflag:s20] =	ssyncadd.s32 $0xFFFFFF80  }
0x36: {  	_ =	swait.ge [sflag:s20], $0x2000  }
0x37: {  	[sflag:s20] =	ssyncset.done $0x0  }
0x38: {  	[sflag:s20] =	ssyncadd.s32 $0xFFFFE000  }
0x39: {  	v1 =	vld [tilespmem:$0x0]  }
0x3a: {  	v2 =	vld [tilespmem:$0x10]  }
0x3b: {  	v3 =	vld [tilespmem:$0x20]  }
0x3c: {  	v4 =	vld [tilespmem:$0x30]  }
0x3d: {  	v5 =	vld [tilespmem:$0x40]  }
0x3e: {  	v6 =	vld [tilespmem:$0x50];
	v1 =	vsub.s32 v1, v0  }
0x3f: {  	v7 =	vld [tilespmem:$0x60];
	v2 =	vsub.s32 v2, v0;
	v1 =	vmin.u32 v1, $0x61A8  }
0x40: {  	[tilespmem:$0x100] =	vst v1;
	v1 =	vmin.u32 v2, $0x61A8;
	v2 =	vsub.s32 v3, v0;
	v3 =	vld [tilespmem:$0x70]  }
0x41: {  	[tilespmem:$0x110] =	vst v1;
	v1 =	vmin.u32 v2, $0x61A8;
	v2 =	vsub.s32 v4, v0  }
0x42: {  	[tilespmem:$0x120] =	vst v1;
	v1 =	vmin.u32 v2, $0x61A8;
	v2 =	vsub.s32 v5, v0  }
0x43: {  	[tilespmem:$0x130] =	vst v1;
	v1 =	vmin.u32 v2, $0x61A8;
	v2 =	vsub.s32 v6, v0  }
0x44: {  	[tilespmem:$0x140] =	vst v1;
	v1 =	vmin.u32 v2, $0x61A8;
	v2 =	vsub.s32 v7, v0  }
0x45: {  	[tilespmem:$0x150] =	vst v1;
	v1 =	vmin.u32 v2, $0x61A8;
	v2 =	vsub.s32 v3, v0  }
0x46: {  	[tilespmem:$0x160] =	vst v1;
	v1 =	vmin.u32 v2, $0x61A8  }
0x47: {  	[tilespmem:$0x170] =	vst v1  }
0x48: {  	[spmem:s2] =	stream.indirect.scatter.add.f32 [tilespmem:s17], [sflag:$0x3], $0x40, s21, s18, $0xb8;
	[tilespmem:$0x1C8C0] =	vst v63  }
0x49: {  	_ =	swait.ge [sflag:s22], $0x2000  }
0x4a: {  	p1 =	seq.s32 s29, $0x61800;
	[sflag:s22] =	ssyncset.done $0x0  }
0x4b: {  	s30 =	sadd.s32 @!p1 $0xFFFFFFF0, s28;
	s31 =	simm.s32 @!p1 $0x0;
	[sflag:s22] =	ssyncadd.s32 $0xFFFFE000  }
0x4c: {  	[tilespmem:s31], [sflag:$0x1] =	stream.linear.gather @!p1 [hbm4b:s30+s31], $0x80, $0x38;
	[tilespmem:$0x1C8C0] =	vst v63  }
0x4d: {  	s30 =	sadd.s32 @!p1 s29, s7  }
0x4e: {  	s0 =	simm.s32 @!p1 $0x200;
	s30 =	sadd.s32 @!p1 $0x800, s30  }
0x4f: {  	[tilespmem:s0], [sflag:$0x1] =	stream.linear.gather @!p1 [hbm4b:s30+s31], $0x2000, $0x38;
	[tilespmem:$0x1C8C0] =	vst v63  }
0x50: {  	_ =	swait.ge [sflag:s23], $0x80  }
0x51: {  	[sflag:s23] =	ssyncset.done $0x0  }
0x52: {  	[sflag:s23] =	ssyncadd.s32 $0xFFFFFF80  }
0x53: {  	_ =	swait.ge [sflag:s23], $0x2000  }
0x54: {  	[sflag:s23] =	ssyncset.done $0x0  }
0x55: {  	[sflag:s23] =	ssyncadd.s32 $0xFFFFE000  }
0x56: {  	v1 =	vld [tilespmem:$0x80]  }
0x57: {  	v2 =	vld [tilespmem:$0x90]  }
0x58: {  	v3 =	vld [tilespmem:$0xA0]  }
0x59: {  	v60 =	vld [tilespmem:$0xB0]  }
0x5a: {  	v61 =	vld [tilespmem:$0xC0]  }
0x5b: {  	v62 =	vld [tilespmem:$0xD0];
	v1 =	vsub.s32 v1, v0  }
0x5c: {  	v63 =	vld [tilespmem:$0xE0];
	v2 =	vsub.s32 v2, v0;
	v1 =	vmin.u32 v1, $0x61A8  }
0x5d: {  	[tilespmem:$0x180] =	vst v1;
	v1 =	vmin.u32 v2, $0x61A8;
	v2 =	vsub.s32 v3, v0;
	v3 =	vld [tilespmem:$0xF0]  }
0x5e: {  	[tilespmem:$0x190] =	vst v1;
	v1 =	vmin.u32 v2, $0x61A8;
	v2 =	vsub.s32 v60, v0  }
0x5f: {  	[tilespmem:$0x1A0] =	vst v1;
	v1 =	vmin.u32 v2, $0x61A8;
	v2 =	vsub.s32 v61, v0  }
0x60: {  	[tilespmem:$0x1B0] =	vst v1;
	v1 =	vmin.u32 v2, $0x61A8;
	v2 =	vsub.s32 v62, v0  }
0x61: {  	[tilespmem:$0x1C0] =	vst v1;
	v1 =	vmin.u32 v2, $0x61A8;
	v2 =	vsub.s32 v63, v0  }
0x62: {  	[tilespmem:$0x1D0] =	vst v1;
	v1 =	vmin.u32 v2, $0x61A8;
	v2 =	vsub.s32 v3, v0  }
0x63: {  	[tilespmem:$0x1E0] =	vst v1;
	v1 =	vmin.u32 v2, $0x61A8  }
.Ltmp2:
0x64: {  	[tilespmem:$0x1F0] =	vst v1;
	(pc) =	sbr.rel @p1 .LBB2_4-.Ltmp2, $4  }
0x65: {  	[spmem:s2] =	stream.indirect.scatter.add.f32 [tilespmem:s19], [sflag:$0x3], $0x40, s24, s18, $0xb8;
	[tilespmem:$0x1C8C0] =	vst v63  }
0x66: {  	_ =	swait.ge [sflag:s22], $0x2000  }
0x67: {  	[sflag:s22] =	ssyncset.done $0x0  }
0x68: {  	[sflag:s22] =	ssyncadd.s32 $0xFFFFE000  }
.Ltmp3:
0x69: {  	(pc) =	sbr.rel .LBB2_2-.Ltmp3, $4  }
0x6a: {  	[tilespmem:s18], [sflag:$0x2] =	stream.linear.gather [hbm4b:s28+s3], $0x80, $0x38;
	[tilespmem:$0x1C8C0] =	vst v63  }
0x6b: {  	s0 =	sadd.s32 s29, s7  }
0x6c: {  	s29 =	sadd.s32 $0x800, s29;
	s28 =	sadd.s32 $0x20, s28;
	s0 =	sadd.s32 $0xC00, s0  }
0x6d: {  	[tilespmem:s19], [sflag:$0x2] =	stream.linear.gather [hbm4b:s0+s3], $0x2000, $0x38;
	[tilespmem:$0x1C8C0] =	vst v63  }
.LBB2_5:
0x6e: {  	_ =	sfence.sel $0x180000  }
0x6f: {  	[bflag:$0x0] =	sbarrier.arrive $0xFFFF  }
0x70: {  	_ =	strace $0x90000053  }
0x71: {  	[bflag:$0x2] =	sbarrier.arrive $0xFFFF  }
0x72: {  	p0 =	sne.s32 s1, $0x0;
	s0 =	rddreg [dreg:$0x3]  }
0x73: {  	s0 =	sadd.s32 @!p0 $0x100000, s0  }
0x74: {  	[sflag:s0] =	ssyncadd.tile.s32 @!p0 $0x1;
	_ =	shalt  }
.Lfunc_end2:
_tile_overlayer_lowered:
.L_overlay_start_2:
0x75: {  	(tag) =	ssettag $0x2  }
0x76: {  	s0 =	rddreg [dreg:$0x0];
	s2 =	stileid.u32  }
0x77: {  	s1 =	rddreg [dreg:$0x1];
	p0 =	sne.s32 s2, $0x0  }
0x78: {  	s3 =	rddreg [dreg:$0x2];
	[bflag:$0x3] =	sbarrier.arrive $0xFFFF;
	s2 =	simm.s32 @!p0 $0x1C03  }
0x79: {  	[timem:s3], [sflag:s2] =	dma.local @!p0 [hbm:s0], s1  }
0x7a: {  	s0 =	simm.s32 @!p0 $0x3  }
0x7b: {  	_ =	swait.ge @!p0 [sflag:s0], s1  }
0x7c: {  	s1 =	ssub.s32 @!p0 $0x0, s1;
	[sflag:s0] =	ssyncset.done @!p0 $0x0  }
0x7d: {  	[sflag:s0] =	ssyncadd.s32 @!p0 s1  }
0x7e: {  	[bflag:$0x3] =	sbarrier.arrive $0xFFFF  }
0x7f: {  	_ =	shalt  }

// kernel: kernel.33.cloned.1.call-start
scs
__scs_entry_jumppad:
0x0: {  	(pc) =	sbr.rel $0x88, $3  }
0x1: {  	(tag) =	ssettag $0x0;
	lr =	simm.s32 $0x1  }
0x2: {  	[smem:$0x3F66] =	sst lr;
	_ =	strace $0xD0000000  }
0x3: {  	_ = 	snop  }
0x4: {  	_ = 	snop  }
0x5: {  	_ = 	snop  }
0x6: {  	_ = 	snop  }
0x7: {  	_ = 	snop  }
__scs_overlays_trampoline_lowered:
0x8: {  	[smem:$0x3F75] =	sst s0  }
0x9: {  	[smem:$0x3F76] =	sst s1  }
0xa: {  	[smem:$0x3F77] =	sst s2  }
0xb: {  	[smem:$0x3F78] =	sst s3  }
0xc: {  	[smem:$0x3F79] =	sst s4  }
0xd: {  	[smem:$0x3F7A] =	sst s5  }
0xe: {  	[smem:$0x3F7B] =	sst s6  }
0xf: {  	[smem:$0x3F7C] =	sst s7  }
0x10: {  	[smem:$0x3F7D] =	sst s8  }
0x11: {  	[smem:$0x3F7E] =	sst s9;
	s0 =	simm.s32 @!p0 $0x0  }
0x12: {  	s1 =	sld [smem:$0x3F64];
	s0 =	simm.s32 @p0 $0x1  }
0x13: {  	[smem:$0x3F7F] =	sst s0;
	s0 =	simm.s32 @!p1 $0x0  }
0x14: {  	s2 =	sld [smem:$0x3F63];
	s0 =	simm.s32 @p1 $0x1  }
0x15: {  	[smem:$0x3F80] =	sst s0;
	s0 =	simm.s32 @!p2 $0x0  }
0x16: {  	s3 =	sld [smem:$0x3FDB];
	s0 =	simm.s32 @p2 $0x1  }
0x17: {  	s4 =	simm.s32 $0x1BF5;
	[smem:$0x3F82] =	sst s0  }
0x18: {  	s0 =	sld [smem:$0x3F65];
	_ =	swait.ge [sflag:s4], $0x0  }
0x19: {  	s7 =	sld [smem:$0x3F66]  }
0x1a: {  	s8 =	sadd.s32 $0xFFFFE003, lr  }
0x1b: {  	s9 =	sadd.s32 $0xFFFFFEF7, lr;
	s5 =	simm.s32 $0xFFFFFFFF;
	p2 =	slt.u32 s8, $0xFFFFF086  }
0x1c: {  	p1 =	slt.u32 s9, $0xF7A;
	s5 =	simm.s32 @!p2 $0x0  }
0x1d: {  	s5 =	simm.s32 @p1 $0x1;
	p0 =	seq.s32 s7, s2  }
0x1e: {  	s7 =	smul.u32 @!p0 $0xF7A, s2;
	p2 =	seq.s32 @!p0 s5, $0x0  }
0x1f: {  	s9 =	smul.u32 $0xF7A, s1;
	s8 =	simm.s32 @!p0 $0x1BF5;
	p2 =	por !p2, p0  }
0x20: {  	[sflag:s8] =	ssyncset.s32 @!p0 $0xFFFFF086;
	s6 =	sadd.s32 @!p0 s3, s7;
	s7 =	simm.s32 @!p0 $0x108  }
0x21: {  	s3 =	sadd.s32 s3, s9;
	s6 =	sadd.s32 @!p0 $0x88, s6;
	s7 =	simm.s32 @p2 $0x1082  }
0x22: {  	[simem:s7], [sflag:s8] =	dma.local @!p0 [hbm:s6], $0xF7A  }
0x23: {  	s9 =	sor.u32 $0xD0000000, s2;
	s6 =	simm.s32 $0x108;
	_ =	swait.ge @!p0 [sflag:s8], $0x0  }
0x24: {  	s3 =	sadd.s32 $0x88, s3;
	s6 =	simm.s32 @!p1 $0x1082;
	[sflag:s4] =	ssyncset.s32 $0xFFFFF086  }
0x25: {  	[simem:s6], [sflag:s4] =	dma.local [hbm:s3], $0xF7A  }
0x26: {  	[smem:$0x3F66] =	sst s1;
	(tag) =	ssettag s2;
	_ =	strace s9  }
0x27: {  	s1 =	sld [smem:$0x3F76]  }
0x28: {  	s2 =	sld [smem:$0x3F77]  }
0x29: {  	s4 =	sld [smem:$0x3F79]  }
0x2a: {  	p0 =	seq.s32 s5, $0x0;
	s5 =	sld [smem:$0x3F7A]  }
0x2b: {  	s6 =	sld [smem:$0x3F7B]  }
0x2c: {  	s7 =	sld [smem:$0x3F7C]  }
0x2d: {  	s3 =	simm.s32 $0x108;
	s8 =	sld [smem:$0x3F7D]  }
0x2e: {  	s3 =	simm.s32 @!p0 $0x1082;
	s9 =	sld [smem:$0x3F7E]  }
0x2f: {  	lr =	sadd.s32 s0, s3;
	s0 =	sld [smem:$0x3F75]  }
0x30: {  	s3 =	sld [smem:$0x3F78]  }
0x31: {  	[smem:$0x3F81] =	sst s10  }
0x32: {  	s10 =	sld [smem:$0x3F7F];
	_ =	sdelay $0x3  }
0x33: {  	p0 =	seq.s32 s10, $0x1;
	s10 =	sld [smem:$0x3F81];
	_ =	sdelay $0x3  }
0x34: {  	[smem:$0x3F81] =	sst s10  }
0x35: {  	s10 =	sld [smem:$0x3F80];
	_ =	sdelay $0x3  }
0x36: {  	p1 =	seq.s32 s10, $0x1;
	s10 =	sld [smem:$0x3F81];
	_ =	sdelay $0x3  }
0x37: {  	[smem:$0x3F81] =	sst s10  }
0x38: {  	s10 =	sld [smem:$0x3F82]  }
0x39: {  	_ = 	snop;
	(pc) =	sbr.ind lr, $3  }
0x3a: {  	_ = 	snop  }
0x3b: {  	_ = 	snop  }
0x3c: {  	p2 =	seq.s32 s10, $0x1;
	s10 =	sld [smem:$0x3F81]  }
0x3d: {  	_ =	shalt  }
0x3e: {  	_ =	shalt  }
0x3f: {  	_ =	shalt  }
0x40: {  	_ =	shalt  }
0x41: {  	_ =	shalt  }
0x42: {  	_ =	shalt  }
0x43: {  	_ =	shalt  }
0x44: {  	_ =	shalt  }
0x45: {  	_ =	shalt  }
0x46: {  	_ =	shalt  }
0x47: {  	_ =	shalt  }
0x48: {  	_ =	shalt  }
0x49: {  	_ =	shalt  }
0x4a: {  	_ =	shalt  }
0x4b: {  	_ =	shalt  }
0x4c: {  	_ =	shalt  }
0x4d: {  	_ =	shalt  }
0x4e: {  	_ =	shalt  }
0x4f: {  	_ =	shalt  }
0x50: {  	_ =	shalt  }
0x51: {  	_ =	shalt  }
0x52: {  	_ =	shalt  }
0x53: {  	_ =	shalt  }
0x54: {  	_ =	shalt  }
0x55: {  	_ =	shalt  }
0x56: {  	_ =	shalt  }
0x57: {  	_ =	shalt  }
0x58: {  	_ =	shalt  }
0x59: {  	_ =	shalt  }
0x5a: {  	_ =	shalt  }
0x5b: {  	_ =	shalt  }
0x5c: {  	_ =	shalt  }
0x5d: {  	_ =	shalt  }
0x5e: {  	_ =	shalt  }
0x5f: {  	_ =	shalt  }
0x60: {  	_ =	shalt  }
0x61: {  	_ =	shalt  }
0x62: {  	_ =	shalt  }
0x63: {  	_ =	shalt  }
0x64: {  	_ =	shalt  }
0x65: {  	_ =	shalt  }
0x66: {  	_ =	shalt  }
0x67: {  	_ =	shalt  }
0x68: {  	_ =	shalt  }
0x69: {  	_ =	shalt  }
0x6a: {  	_ =	shalt  }
0x6b: {  	_ =	shalt  }
0x6c: {  	_ =	shalt  }
0x6d: {  	_ =	shalt  }
0x6e: {  	_ =	shalt  }
0x6f: {  	_ =	shalt  }
0x70: {  	_ =	shalt  }
0x71: {  	_ =	shalt  }
0x72: {  	_ =	shalt  }
0x73: {  	_ =	shalt  }
0x74: {  	_ =	shalt  }
0x75: {  	_ =	shalt  }
0x76: {  	_ =	shalt  }
0x77: {  	_ =	shalt  }
0x78: {  	_ =	shalt  }
0x79: {  	_ =	shalt  }
0x7a: {  	_ =	shalt  }
0x7b: {  	_ =	shalt  }
0x7c: {  	_ =	shalt  }
0x7d: {  	_ =	shalt  }
0x7e: {  	_ =	shalt  }
0x7f: {  	_ =	shalt  }
0x80: {  	_ =	shalt  }
0x81: {  	_ =	shalt  }
0x82: {  	_ =	shalt  }
0x83: {  	_ =	shalt  }
0x84: {  	_ =	shalt  }
0x85: {  	_ =	shalt  }
0x86: {  	_ =	shalt  }
0x87: {  	_ =	shalt  }
.Lfunc_end0:
.L_simem_size_0:
called_computation.5_lowered:
.L_overlay_start_0:
0x88: {  	s2 =	sld [smem:$0x3FD9]  }
0x89: {  	s3 =	sld [smem:$0x3FFE];
	_ =	sdelay $0x1  }
0x8a: {  	s1 =	srdreg.scid  }
0x8b: {  	s0 =	sand.u32 $0x1, s1  }
0x8c: {  	s17 =	sshll.u32 s0, $0xA;
	s2 =	sadd.s32 s3, s2  }
0x8d: {  	s2 =	sadd.s32 s2, s17  }
0x8e: {  	[smem:$0x3F8D] =	sst s2  }
0x8f: {  	_ = 	snop  }
0x90: {  	s2 =	sld [smem:$0x3FD0];
	(tm) =	ssettm $0x1  }
0x91: {  	s18 =	sld [smem:$0x3FFB];
	_ =	sdelay $0x3  }
0x92: {  	_ =	strace s18  }
0x93: {  	s3 =	sld [smem:$0x3FFC];
	_ =	sdelay $0x3  }
0x94: {  	_ =	strace s3  }
0x95: {  	s3 =	sld [smem:$0x3FFD];
	_ =	sdelay $0x3  }
0x96: {  	_ =	strace s3  }
0x97: {  	_ =	strace $0x8FFFFFFF  }
0x98: {  	s19 =	sld [smem:$0x3FDB];
	_ =	sdelay $0x1  }
0x99: {  	s4 =	simm.s32 $_scs_section_size  }
0x9a: {  	s5 =	simm.s32 $_size__tile_overlayer_lowered;
	s6 =	simm.s32 $_tile_overlayer_lowered  }
0x9b: {  	s22 =	simm.s32 $0x1BFF;
	s21 =	sshll.u32 s6, $0x1;
	s3 =	sadd.s32 s4, s19  }
0x9c: {  	s7 =	simm.s32 $0x0;
	s20 =	sshll.u32 s5, $0x1;
	s5 =	sadd.s32 s21, s3  }
0x9d: {  	[timem:s7], [sflag:s22] =	dma.local [hbm:s5], s20  }
0x9e: {  	_ =	swait.ge [sflag:s22], s20  }
0x9f: {  	s4 =	ssub.s32 $0x0, s20;
	[sflag:s22] =	ssyncset.done $0x0  }
0xa0: {  	[sflag:s22] =	ssyncadd.s32 s4;
	_ =	sdelay $0x1  }
0xa1: {  	s23 =	simm.s32 $0x1B8B  }
0xa2: {  	_ =	swait.ge [sflag:s23], $0x1  }
0xa3: {  	[sflag:s23] =	ssyncset.done $0x0  }
0xa4: {  	s25 =	simm.s32 $0x1B8E;
	s24 =	sld [smem:$0x3FFE];
	[sflag:s23] =	ssyncadd.s32 $0xFFFFFFFF  }
0xa5: {  	s26 =	simm.s32 $execute0_lowered;
	[smem:$0x3FD2] =	sst s25  }
0xa6: {  	s5 =	sshll.u32 s26, $0x1;
	_ =	strace $0x80000055;
	[dreg:$0x1] =	wrdreg $0xFFFFFFFF  }
0xa7: {  	s28 =	simm.s32 $_size_execute0_lowered;
	s3 =	sadd.s32 s3, s5;
	[dreg:$0x0] =	wrdreg $0x0  }
0xa8: {  	s5 =	sshll.u32 s28, $0x1;
	[dreg:$0x2] =	wrdreg s3  }
0xa9: {  	[dreg:$0x3] =	wrdreg s5  }
0xaa: {  	[dreg:$0x4] =	wrdreg $0xC0  }
0xab: {  	_ =	task [dreg:s7], $0x5FFFF  }
0xac: {  	[dreg:$0x1] =	wrdreg $0xFFFFFFFF  }
0xad: {  	[dreg:$0x0] =	wrdreg $0x60  }
0xae: {  	[dreg:$0x2] =	wrdreg s24  }
0xaf: {  	[dreg:$0x3] =	wrdreg s2  }
0xb0: {  	[dreg:$0x4] =	wrdreg $0x12000  }
0xb1: {  	[dreg:$0x5] =	wrdreg $0x9  }
0xb2: {  	_ =	task.clear_ibuf [dreg:s7], $0x6FFFF;
	_ =	strace $0x90000055  }
0xb3: {  	s29 =	simm.s32 $0x9;
	_ =	strace $0x80000057  }
0xb4: {  	_ =	swait.ge [sflag:s29], $0x1  }
0xb5: {  	[sflag:s29] =	ssyncadd.s32 $0xFFFFFFFF  }
0xb6: {  	_ =	strace $0x90000057  }
0xb7: {  	_ =	sfence  }
0xb8: {  	s30 =	sld [smem:$0x0];
	_ =	sdelay $0x2  }
0xb9: {  	s31 =	sshll.u32 s1, $0xD;
	s1 =	sshrl.u32 s1, $0x2  }
0xba: {  	s3 =	sand.u32 $0x4000, s31;
	s1 =	sadd.s32 s1, s30  }
0xbb: {  	s0 =	sor.u32 s3, s0;
	s1 =	sshll.u32 s1, $0x11  }
0xbc: {  	s0 =	sor.u32 s1, s0  }
0xbd: {  	s0 =	sadd.s32 $0x8F2B, s0  }
0xbe: {  	[sflag:s0] =	ssyncadd.remote.s32 $0x1  }
0xbf: {  	_ =	sfence.sel $0xFFFF  }
0xc0: {  	[dreg:$0x0] =	wrdreg $0xFFFFFFFF;
	(pc) =	sbr.abs _section_cstart, $3  }
0xc1: {  	[dreg:$0x1] =	wrdreg $0xFFFFFFFF  }
0xc2: {  	_ =	task.clear_ibuf [dreg:s7], $0x2FFFF;
	_ =	strace $0x9FFFFFFF  }
0xc3: {  	(tm) =	ssettm $0x7FFFFFFF  }
tec
execute0_lowered:
.L_overlay_start_1:
0x0: {  	(tag) =	ssettag $0x1  }
0x1: {  	s5 =	rddreg [dreg:$0x0]  }
0x2: {  	s10 =	rddreg [dreg:$0x1]  }
0x3: {  	s2 =	rddreg [dreg:$0x2];
	s3 =	simm.s32 $0x0;
	s1 =	stileid.u32  }
0x4: {  	s4 =	srdreg.scid;
	s20 =	simm.s32 $0x1;
	s6 =	smul.u32 $0x6200, s1  }
0x5: {  	s21 =	simm.s32 $0x100;
	s22 =	simm.s32 $0x3;
	s26 =	smul.u32 $0xC400, s1  }
0x6: {  	s23 =	simm.s32 $0x2;
	[smem:$0x7FF] =	sst s3;
	s14 =	smul.u32 $0x620, s1  }
0x7: {  	s8 =	sand.u32 $0x1, s4;
	s9 =	sadd.s32 $0x163600, s5;
	s17 =	smul.u32 $0x18800, s1  }
0x8: {  	s13 =	sadd.s32 $0x25A00, s5;
	s15 =	sadd.s32 $0x5BE00, s2;
	s31 =	smul.u32 $0x1880, s1  }
0x9: {  	p0 =	seq.s32 s1, $0xF;
	_ =	strace $0x80000056;
	s24 =	smul.u32 $0x61A8, s8  }
0xa: {  	s4 =	ssub.s32 $0x2, s8;
	s19 =	smul.u32 $0x61A80, s8;
	s7 =	sshrl.u32 s6, $0x3  }
0xb: {  	s11 =	sshrl.u32 s4, $0x1;
	s16 =	sadd.s32 s6, s2;
	s28 =	sshrl.u32 s26, $0x3  }
0xc: {  	s7 =	sadd.s32 s7, s5;
	s12 =	ssub.s32 s4, s11;
	s5 =	sadd.s32 $0x10D1C0, s5  }
0xd: {  	s6 =	sadd.s32 s13, s28;
	s11 =	sor.u32 $0x80, s26;
	s14 =	sadd.s32 s14, s24  }
0xe: {  	s30 =	sshrl.u32 s19, $0x3;
	s16 =	sshrl.u32 @!p0 s16, $0x3;
	s19 =	simm.s32 $0xA00  }
0xf: {  	v0 =	vmov s24;
	s24 =	simm.s32 $0x180;
	s26 =	simm.s32 $0x0;
	s4 =	sadd.s32 $0x101A00, s7  }
0x10: {  	s7 =	sadd.s32 s9, s17;
	s18 =	sshrl.u32 s11, $0x3;
	s11 =	sshll.u32 s11, $0x1  }
0x11: {  	s29 =	sshll.u32 s14, $0x1;
	s17 =	sshrl.u32 s17, $0x2;
	s14 =	sadd.s32 s10, s30  }
.Ltmp0:
0x12: {  	s12 =	smax.u32 s12, $0x1;
	s8 =	sadd.s32 s13, s18;
	(pc) =	sbr.rel .LBB2_1-.Ltmp0, $4  }
0x13: {  	s9 =	sadd.s32 s9, s11;
	s10 =	sadd.s32 s10, s29;
	s25 =	sadd.s32 s17, s2  }
0x14: {  	s11 =	sadd.s32 $0xB7C0, s14;
	s13 =	sadd.s32 s31, s13;
	s14 =	sshrl.u32 @p0 s15, $0x3  }
0x15: {  	s15 =	sshll.u32 @!p0 s1, $0x6;
	s17 =	simm.s32 $0x200;
	s18 =	simm.s32 $0x80  }
0x16: {  	s13 =	sadd.s32 $0x30, s13;
	s15 =	sor.u32 @!p0 $0x1C03, s15;
	s25 =	sshrl.u32 @!p0 s25, $0x3  }
.LBB2_4:
0x17: {  	[bflag:$0x0] =	sbarrier.arrive $0xFFFF;
	s0 =	simm.s32 @p0 $0x1FC3  }
0x18: {  	[hbm:s11], [sflag:s0] =	dma.local @p0 [spmem:s14], $0xB90  }
0x19: {  	s0 =	simm.s32 @p0 $0x3  }
0x1a: {  	s26 =	sadd.s32 $0x1, s26;
	_ =	swait.ge @p0 [sflag:s0], $0xB90  }
0x1b: {  	p1 =	sne.s32 s26, s12;
	[sflag:s0] =	ssyncset.done @p0 $0x0  }
.Ltmp1:
0x1c: {  	[sflag:s0] =	ssyncadd.s32 @p0 $0xFFFFF470;
	s0 =	simm.s32 @!p0 $0x3;
	(pc) =	sbr.rel @!p1 .LBB2_5-.Ltmp1, $4  }
0x1d: {  	[hbm:s10], [sflag:s15] =	dma.local @!p0 [spmem:s25], $0xC40  }
0x1e: {  	_ =	swait.ge @!p0 [sflag:s0], $0xC40  }
0x1f: {  	[sflag:s0] =	ssyncset.done @!p0 $0x0  }
0x20: {  	[sflag:s0] =	ssyncadd.s32 @!p0 $0xFFFFF3C0  }
.LBB2_1:
0x21: {  	s28 =	simm.s32 @p0 $0x1FC3  }
0x22: {  	[spmem:s14], [sflag:s28] =	dma.local @p0 [hbm:s5], $0xBA0  }
0x23: {  	s28 =	simm.s32 @p0 $0x3  }
0x24: {  	_ =	swait.ge @p0 [sflag:s28], $0xBA0  }
0x25: {  	[sflag:s28] =	ssyncset.done @p0 $0x0  }
0x26: {  	[sflag:s28] =	ssyncadd.s32 @p0 $0xFFFFF460;
	s28 =	simm.s32 @!p0 $0x3  }
0x27: {  	[spmem:s16], [sflag:s15] =	dma.local @!p0 [hbm:s4], $0xC40  }
0x28: {  	_ =	swait.ge @!p0 [sflag:s28], $0xC40  }
0x29: {  	[sflag:s28] =	ssyncset.done @!p0 $0x0  }
0x2a: {  	[sflag:s28] =	ssyncadd.s32 @!p0 $0xFFFFF3C0  }
0x2b: {  	[bflag:$0x0] =	sbarrier.arrive $0xFFFF  }
0x2c: {  	[tilespmem:s3], [sflag:$0x1] =	stream.linear.gather [hbm4b:s6+s3], $0x80, $0x38;
	[tilespmem:$0x73B0] =	vst v63  }
0x2d: {  	_ = 	snop  }
0x2e: {  	[tilespmem:s17], [sflag:$0x1] =	stream.linear.gather [hbm4b:s7+s3], $0x800, $0x38;
	[tilespmem:$0x73B0] =	vst v63  }
0x2f: {  	_ = 	snop  }
0x30: {  	[tilespmem:s18], [sflag:$0x2] =	stream.linear.gather [hbm4b:s8+s3], $0x80, $0x38;
	[tilespmem:$0x73B0] =	vst v63  }
0x31: {  	s29 =	simm.s32 $0x0;
	s28 =	smov.u32 s13  }
0x32: {  	[tilespmem:s19], [sflag:$0x2] =	stream.linear.gather [hbm4b:s9+s3], $0x800, $0x38;
	[tilespmem:$0x73B0] =	vst v63  }
.LBB2_2:
0x33: {  	_ =	swait.ge [sflag:s20], $0x80  }
0x34: {  	[sflag:s20] =	ssyncset.done $0x0  }
0x35: {  	[sflag:s20] =	ssyncadd.s32 $0xFFFFFF80  }
0x36: {  	_ =	swait.ge [sflag:s20], $0x800  }
0x37: {  	[sflag:s20] =	ssyncset.done $0x0  }
0x38: {  	[sflag:s20] =	ssyncadd.s32 $0xFFFFF800  }
0x39: {  	v1 =	vld [tilespmem:$0x0]  }
0x3a: {  	v2 =	vld [tilespmem:$0x10]  }
0x3b: {  	v3 =	vld [tilespmem:$0x20]  }
0x3c: {  	v4 =	vld [tilespmem:$0x30]  }
0x3d: {  	v5 =	vld [tilespmem:$0x40]  }
0x3e: {  	v6 =	vld [tilespmem:$0x50];
	v1 =	vsub.s32 v1, v0  }
0x3f: {  	v7 =	vld [tilespmem:$0x60];
	v2 =	vsub.s32 v2, v0;
	v1 =	vmin.u32 v1, $0x61A8  }
0x40: {  	[tilespmem:$0x100] =	vst v1;
	v1 =	vmin.u32 v2, $0x61A8;
	v2 =	vsub.s32 v3, v0;
	v3 =	vld [tilespmem:$0x70]  }
0x41: {  	[tilespmem:$0x110] =	vst v1;
	v1 =	vmin.u32 v2, $0x61A8;
	v2 =	vsub.s32 v4, v0  }
0x42: {  	[tilespmem:$0x120] =	vst v1;
	v1 =	vmin.u32 v2, $0x61A8;
	v2 =	vsub.s32 v5, v0  }
0x43: {  	[tilespmem:$0x130] =	vst v1;
	v1 =	vmin.u32 v2, $0x61A8;
	v2 =	vsub.s32 v6, v0  }
0x44: {  	[tilespmem:$0x140] =	vst v1;
	v1 =	vmin.u32 v2, $0x61A8;
	v2 =	vsub.s32 v7, v0  }
0x45: {  	[tilespmem:$0x150] =	vst v1;
	v1 =	vmin.u32 v2, $0x61A8;
	v2 =	vsub.s32 v3, v0  }
0x46: {  	[tilespmem:$0x160] =	vst v1;
	v1 =	vmin.u32 v2, $0x61A8  }
0x47: {  	[tilespmem:$0x170] =	vst v1  }
0x48: {  	[spmem:s2] =	stream.indirect.scatter.add.f32 [tilespmem:s17], [sflag:$0x3], $0x10, s21, s18, $0xb8;
	[tilespmem:$0x73B0] =	vst v63  }
0x49: {  	_ =	swait.ge [sflag:s22], $0x800  }
0x4a: {  	p1 =	seq.s32 s29, $0x18600;
	[sflag:s22] =	ssyncset.done $0x0  }
0x4b: {  	s30 =	sadd.s32 @!p1 $0xFFFFFFF0, s28;
	s31 =	simm.s32 @!p1 $0x0;
	[sflag:s22] =	ssyncadd.s32 $0xFFFFF800  }
0x4c: {  	[tilespmem:s31], [sflag:$0x1] =	stream.linear.gather @!p1 [hbm4b:s30+s31], $0x80, $0x38;
	[tilespmem:$0x73B0] =	vst v63  }
0x4d: {  	s30 =	sadd.s32 @!p1 s29, s7  }
0x4e: {  	s0 =	simm.s32 @!p1 $0x200;
	s30 =	sadd.s32 @!p1 $0x200, s30  }
0x4f: {  	[tilespmem:s0], [sflag:$0x1] =	stream.linear.gather @!p1 [hbm4b:s30+s31], $0x800, $0x38;
	[tilespmem:$0x73B0] =	vst v63  }
0x50: {  	_ =	swait.ge [sflag:s23], $0x80  }
0x51: {  	[sflag:s23] =	ssyncset.done $0x0  }
0x52: {  	[sflag:s23] =	ssyncadd.s32 $0xFFFFFF80  }
0x53: {  	_ =	swait.ge [sflag:s23], $0x800  }
0x54: {  	[sflag:s23] =	ssyncset.done $0x0  }
0x55: {  	[sflag:s23] =	ssyncadd.s32 $0xFFFFF800  }
0x56: {  	v1 =	vld [tilespmem:$0x80]  }
0x57: {  	v2 =	vld [tilespmem:$0x90]  }
0x58: {  	v3 =	vld [tilespmem:$0xA0]  }
0x59: {  	v60 =	vld [tilespmem:$0xB0]  }
0x5a: {  	v61 =	vld [tilespmem:$0xC0]  }
0x5b: {  	v62 =	vld [tilespmem:$0xD0];
	v1 =	vsub.s32 v1, v0  }
0x5c: {  	v63 =	vld [tilespmem:$0xE0];
	v2 =	vsub.s32 v2, v0;
	v1 =	vmin.u32 v1, $0x61A8  }
0x5d: {  	[tilespmem:$0x180] =	vst v1;
	v1 =	vmin.u32 v2, $0x61A8;
	v2 =	vsub.s32 v3, v0;
	v3 =	vld [tilespmem:$0xF0]  }
0x5e: {  	[tilespmem:$0x190] =	vst v1;
	v1 =	vmin.u32 v2, $0x61A8;
	v2 =	vsub.s32 v60, v0  }
0x5f: {  	[tilespmem:$0x1A0] =	vst v1;
	v1 =	vmin.u32 v2, $0x61A8;
	v2 =	vsub.s32 v61, v0  }
0x60: {  	[tilespmem:$0x1B0] =	vst v1;
	v1 =	vmin.u32 v2, $0x61A8;
	v2 =	vsub.s32 v62, v0  }
0x61: {  	[tilespmem:$0x1C0] =	vst v1;
	v1 =	vmin.u32 v2, $0x61A8;
	v2 =	vsub.s32 v63, v0  }
0x62: {  	[tilespmem:$0x1D0] =	vst v1;
	v1 =	vmin.u32 v2, $0x61A8;
	v2 =	vsub.s32 v3, v0  }
0x63: {  	[tilespmem:$0x1E0] =	vst v1;
	v1 =	vmin.u32 v2, $0x61A8  }
.Ltmp2:
0x64: {  	[tilespmem:$0x1F0] =	vst v1;
	(pc) =	sbr.rel @p1 .LBB2_4-.Ltmp2, $4  }
0x65: {  	[spmem:s2] =	stream.indirect.scatter.add.f32 [tilespmem:s19], [sflag:$0x3], $0x10, s24, s18, $0xb8;
	[tilespmem:$0x73B0] =	vst v63  }
0x66: {  	_ =	swait.ge [sflag:s22], $0x800  }
0x67: {  	[sflag:s22] =	ssyncset.done $0x0  }
0x68: {  	[sflag:s22] =	ssyncadd.s32 $0xFFFFF800  }
.Ltmp3:
0x69: {  	(pc) =	sbr.rel .LBB2_2-.Ltmp3, $4  }
0x6a: {  	[tilespmem:s18], [sflag:$0x2] =	stream.linear.gather [hbm4b:s28+s3], $0x80, $0x38;
	[tilespmem:$0x73B0] =	vst v63  }
0x6b: {  	s0 =	sadd.s32 s29, s7  }
0x6c: {  	s29 =	sadd.s32 $0x200, s29;
	s28 =	sadd.s32 $0x20, s28;
	s0 =	sadd.s32 $0x300, s0  }
0x6d: {  	[tilespmem:s19], [sflag:$0x2] =	stream.linear.gather [hbm4b:s0+s3], $0x800, $0x38;
	[tilespmem:$0x73B0] =	vst v63  }
.LBB2_5:
0x6e: {  	_ =	sfence.sel $0x180000  }
0x6f: {  	[bflag:$0x0] =	sbarrier.arrive $0xFFFF  }
0x70: {  	_ =	strace $0x90000056  }
0x71: {  	[bflag:$0x2] =	sbarrier.arrive $0xFFFF  }
0x72: {  	p0 =	sne.s32 s1, $0x0;
	s0 =	rddreg [dreg:$0x3]  }
0x73: {  	s0 =	sadd.s32 @!p0 $0x100000, s0  }
0x74: {  	[sflag:s0] =	ssyncadd.tile.s32 @!p0 $0x1;
	_ =	shalt  }
.Lfunc_end2:
_tile_overlayer_lowered:
.L_overlay_start_2:
0x75: {  	(tag) =	ssettag $0x2  }
0x76: {  	s0 =	rddreg [dreg:$0x0];
	s2 =	stileid.u32  }
0x77: {  	s1 =	rddreg [dreg:$0x1];
	p0 =	sne.s32 s2, $0x0  }
0x78: {  	s3 =	rddreg [dreg:$0x2];
	[bflag:$0x3] =	sbarrier.arrive $0xFFFF;
	s2 =	simm.s32 @!p0 $0x1C03  }
0x79: {  	[timem:s3], [sflag:s2] =	dma.local @!p0 [hbm:s0], s1  }
0x7a: {  	s0 =	simm.s32 @!p0 $0x3  }
0x7b: {  	_ =	swait.ge @!p0 [sflag:s0], s1  }
0x7c: {  	s1 =	ssub.s32 @!p0 $0x0, s1;
	[sflag:s0] =	ssyncset.done @!p0 $0x0  }
0x7d: {  	[sflag:s0] =	ssyncadd.s32 @!p0 s1  }
0x7e: {  	[bflag:$0x3] =	sbarrier.arrive $0xFFFF  }
0x7f: {  	_ =	shalt  }

// kernel: kernel.36.cloned.1.call-start
scs
__scs_entry_jumppad:
0x0: {  	(pc) =	sbr.rel $0x88, $3  }
0x1: {  	(tag) =	ssettag $0x0;
	lr =	simm.s32 $0x1  }
0x2: {  	[smem:$0x3F66] =	sst lr;
	_ =	strace $0xD0000000  }
0x3: {  	_ = 	snop  }
0x4: {  	_ = 	snop  }
0x5: {  	_ = 	snop  }
0x6: {  	_ = 	snop  }
0x7: {  	_ = 	snop  }
__scs_overlays_trampoline_lowered:
0x8: {  	[smem:$0x3F75] =	sst s0  }
0x9: {  	[smem:$0x3F76] =	sst s1  }
0xa: {  	[smem:$0x3F77] =	sst s2  }
0xb: {  	[smem:$0x3F78] =	sst s3  }
0xc: {  	[smem:$0x3F79] =	sst s4  }
0xd: {  	[smem:$0x3F7A] =	sst s5  }
0xe: {  	[smem:$0x3F7B] =	sst s6  }
0xf: {  	[smem:$0x3F7C] =	sst s7  }
0x10: {  	[smem:$0x3F7D] =	sst s8  }
0x11: {  	[smem:$0x3F7E] =	sst s9;
	s0 =	simm.s32 @!p0 $0x0  }
0x12: {  	s1 =	sld [smem:$0x3F64];
	s0 =	simm.s32 @p0 $0x1  }
0x13: {  	[smem:$0x3F7F] =	sst s0;
	s0 =	simm.s32 @!p1 $0x0  }
0x14: {  	s2 =	sld [smem:$0x3F63];
	s0 =	simm.s32 @p1 $0x1  }
0x15: {  	[smem:$0x3F80] =	sst s0;
	s0 =	simm.s32 @!p2 $0x0  }
0x16: {  	s3 =	sld [smem:$0x3FDB];
	s0 =	simm.s32 @p2 $0x1  }
0x17: {  	s4 =	simm.s32 $0x1BF5;
	[smem:$0x3F82] =	sst s0  }
0x18: {  	s0 =	sld [smem:$0x3F65];
	_ =	swait.ge [sflag:s4], $0x0  }
0x19: {  	s7 =	sld [smem:$0x3F66]  }
0x1a: {  	s8 =	sadd.s32 $0xFFFFE003, lr  }
0x1b: {  	s9 =	sadd.s32 $0xFFFFFEF7, lr;
	s5 =	simm.s32 $0xFFFFFFFF;
	p2 =	slt.u32 s8, $0xFFFFF086  }
0x1c: {  	p1 =	slt.u32 s9, $0xF7A;
	s5 =	simm.s32 @!p2 $0x0  }
0x1d: {  	s5 =	simm.s32 @p1 $0x1;
	p0 =	seq.s32 s7, s2  }
0x1e: {  	s7 =	smul.u32 @!p0 $0xF7A, s2;
	p2 =	seq.s32 @!p0 s5, $0x0  }
0x1f: {  	s9 =	smul.u32 $0xF7A, s1;
	s8 =	simm.s32 @!p0 $0x1BF5;
	p2 =	por !p2, p0  }
0x20: {  	[sflag:s8] =	ssyncset.s32 @!p0 $0xFFFFF086;
	s6 =	sadd.s32 @!p0 s3, s7;
	s7 =	simm.s32 @!p0 $0x108  }
0x21: {  	s3 =	sadd.s32 s3, s9;
	s6 =	sadd.s32 @!p0 $0x88, s6;
	s7 =	simm.s32 @p2 $0x1082  }
0x22: {  	[simem:s7], [sflag:s8] =	dma.local @!p0 [hbm:s6], $0xF7A  }
0x23: {  	s9 =	sor.u32 $0xD0000000, s2;
	s6 =	simm.s32 $0x108;
	_ =	swait.ge @!p0 [sflag:s8], $0x0  }
0x24: {  	s3 =	sadd.s32 $0x88, s3;
	s6 =	simm.s32 @!p1 $0x1082;
	[sflag:s4] =	ssyncset.s32 $0xFFFFF086  }
0x25: {  	[simem:s6], [sflag:s4] =	dma.local [hbm:s3], $0xF7A  }
0x26: {  	[smem:$0x3F66] =	sst s1;
	(tag) =	ssettag s2;
	_ =	strace s9  }
0x27: {  	s1 =	sld [smem:$0x3F76]  }
0x28: {  	s2 =	sld [smem:$0x3F77]  }
0x29: {  	s4 =	sld [smem:$0x3F79]  }
0x2a: {  	p0 =	seq.s32 s5, $0x0;
	s5 =	sld [smem:$0x3F7A]  }
0x2b: {  	s6 =	sld [smem:$0x3F7B]  }
0x2c: {  	s7 =	sld [smem:$0x3F7C]  }
0x2d: {  	s3 =	simm.s32 $0x108;
	s8 =	sld [smem:$0x3F7D]  }
0x2e: {  	s3 =	simm.s32 @!p0 $0x1082;
	s9 =	sld [smem:$0x3F7E]  }
0x2f: {  	lr =	sadd.s32 s0, s3;
	s0 =	sld [smem:$0x3F75]  }
0x30: {  	s3 =	sld [smem:$0x3F78]  }
0x31: {  	[smem:$0x3F81] =	sst s10  }
0x32: {  	s10 =	sld [smem:$0x3F7F];
	_ =	sdelay $0x3  }
0x33: {  	p0 =	seq.s32 s10, $0x1;
	s10 =	sld [smem:$0x3F81];
	_ =	sdelay $0x3  }
0x34: {  	[smem:$0x3F81] =	sst s10  }
0x35: {  	s10 =	sld [smem:$0x3F80];
	_ =	sdelay $0x3  }
0x36: {  	p1 =	seq.s32 s10, $0x1;
	s10 =	sld [smem:$0x3F81];
	_ =	sdelay $0x3  }
0x37: {  	[smem:$0x3F81] =	sst s10  }
0x38: {  	s10 =	sld [smem:$0x3F82]  }
0x39: {  	_ = 	snop;
	(pc) =	sbr.ind lr, $3  }
0x3a: {  	_ = 	snop  }
0x3b: {  	_ = 	snop  }
0x3c: {  	p2 =	seq.s32 s10, $0x1;
	s10 =	sld [smem:$0x3F81]  }
0x3d: {  	_ =	shalt  }
0x3e: {  	_ =	shalt  }
0x3f: {  	_ =	shalt  }
0x40: {  	_ =	shalt  }
0x41: {  	_ =	shalt  }
0x42: {  	_ =	shalt  }
0x43: {  	_ =	shalt  }
0x44: {  	_ =	shalt  }
0x45: {  	_ =	shalt  }
0x46: {  	_ =	shalt  }
0x47: {  	_ =	shalt  }
0x48: {  	_ =	shalt  }
0x49: {  	_ =	shalt  }
0x4a: {  	_ =	shalt  }
0x4b: {  	_ =	shalt  }
0x4c: {  	_ =	shalt  }
0x4d: {  	_ =	shalt  }
0x4e: {  	_ =	shalt  }
0x4f: {  	_ =	shalt  }
0x50: {  	_ =	shalt  }
0x51: {  	_ =	shalt  }
0x52: {  	_ =	shalt  }
0x53: {  	_ =	shalt  }
0x54: {  	_ =	shalt  }
0x55: {  	_ =	shalt  }
0x56: {  	_ =	shalt  }
0x57: {  	_ =	shalt  }
0x58: {  	_ =	shalt  }
0x59: {  	_ =	shalt  }
0x5a: {  	_ =	shalt  }
0x5b: {  	_ =	shalt  }
0x5c: {  	_ =	shalt  }
0x5d: {  	_ =	shalt  }
0x5e: {  	_ =	shalt  }
0x5f: {  	_ =	shalt  }
0x60: {  	_ =	shalt  }
0x61: {  	_ =	shalt  }
0x62: {  	_ =	shalt  }
0x63: {  	_ =	shalt  }
0x64: {  	_ =	shalt  }
0x65: {  	_ =	shalt  }
0x66: {  	_ =	shalt  }
0x67: {  	_ =	shalt  }
0x68: {  	_ =	shalt  }
0x69: {  	_ =	shalt  }
0x6a: {  	_ =	shalt  }
0x6b: {  	_ =	shalt  }
0x6c: {  	_ =	shalt  }
0x6d: {  	_ =	shalt  }
0x6e: {  	_ =	shalt  }
0x6f: {  	_ =	shalt  }
0x70: {  	_ =	shalt  }
0x71: {  	_ =	shalt  }
0x72: {  	_ =	shalt  }
0x73: {  	_ =	shalt  }
0x74: {  	_ =	shalt  }
0x75: {  	_ =	shalt  }
0x76: {  	_ =	shalt  }
0x77: {  	_ =	shalt  }
0x78: {  	_ =	shalt  }
0x79: {  	_ =	shalt  }
0x7a: {  	_ =	shalt  }
0x7b: {  	_ =	shalt  }
0x7c: {  	_ =	shalt  }
0x7d: {  	_ =	shalt  }
0x7e: {  	_ =	shalt  }
0x7f: {  	_ =	shalt  }
0x80: {  	_ =	shalt  }
0x81: {  	_ =	shalt  }
0x82: {  	_ =	shalt  }
0x83: {  	_ =	shalt  }
0x84: {  	_ =	shalt  }
0x85: {  	_ =	shalt  }
0x86: {  	_ =	shalt  }
0x87: {  	_ =	shalt  }
.Lfunc_end0:
.L_simem_size_0:
called_computation.6_lowered:
.L_overlay_start_0:
0x88: {  	s2 =	sld [smem:$0x3FD9]  }
0x89: {  	s3 =	sld [smem:$0x3FFE];
	_ =	sdelay $0x1  }
0x8a: {  	s1 =	srdreg.scid  }
0x8b: {  	s0 =	sand.u32 $0x1, s1  }
0x8c: {  	s17 =	sshll.u32 s0, $0xA;
	s2 =	sadd.s32 s3, s2  }
0x8d: {  	s2 =	sadd.s32 s2, s17  }
0x8e: {  	[smem:$0x3F8D] =	sst s2  }
0x8f: {  	_ = 	snop  }
0x90: {  	s2 =	sld [smem:$0x3FD0];
	(tm) =	ssettm $0x1  }
0x91: {  	s18 =	sld [smem:$0x3FFB];
	_ =	sdelay $0x3  }
0x92: {  	_ =	strace s18  }
0x93: {  	s3 =	sld [smem:$0x3FFC];
	_ =	sdelay $0x3  }
0x94: {  	_ =	strace s3  }
0x95: {  	s3 =	sld [smem:$0x3FFD];
	_ =	sdelay $0x3  }
0x96: {  	_ =	strace s3  }
0x97: {  	_ =	strace $0x8FFFFFFF  }
0x98: {  	s19 =	sld [smem:$0x3FDB];
	_ =	sdelay $0x1  }
0x99: {  	s4 =	simm.s32 $_scs_section_size  }
0x9a: {  	s5 =	simm.s32 $_size__tile_overlayer_lowered;
	s6 =	simm.s32 $_tile_overlayer_lowered  }
0x9b: {  	s22 =	simm.s32 $0x1BFF;
	s21 =	sshll.u32 s6, $0x1;
	s3 =	sadd.s32 s4, s19  }
0x9c: {  	s7 =	simm.s32 $0x0;
	s20 =	sshll.u32 s5, $0x1;
	s5 =	sadd.s32 s21, s3  }
0x9d: {  	[timem:s7], [sflag:s22] =	dma.local [hbm:s5], s20  }
0x9e: {  	_ =	swait.ge [sflag:s22], s20  }
0x9f: {  	s4 =	ssub.s32 $0x0, s20;
	[sflag:s22] =	ssyncset.done $0x0  }
0xa0: {  	[sflag:s22] =	ssyncadd.s32 s4;
	_ =	sdelay $0x1  }
0xa1: {  	s23 =	simm.s32 $0x1B8B  }
0xa2: {  	_ =	swait.ge [sflag:s23], $0x1  }
0xa3: {  	[sflag:s23] =	ssyncset.done $0x0  }
0xa4: {  	s25 =	simm.s32 $0x1B8E;
	s24 =	sld [smem:$0x3FFE];
	[sflag:s23] =	ssyncadd.s32 $0xFFFFFFFF  }
0xa5: {  	s26 =	simm.s32 $execute0_lowered;
	[smem:$0x3FD2] =	sst s25  }
0xa6: {  	s5 =	sshll.u32 s26, $0x1;
	_ =	strace $0x80000058;
	[dreg:$0x1] =	wrdreg $0xFFFFFFFF  }
0xa7: {  	s28 =	simm.s32 $_size_execute0_lowered;
	s3 =	sadd.s32 s3, s5;
	[dreg:$0x0] =	wrdreg $0x0  }
0xa8: {  	s5 =	sshll.u32 s28, $0x1;
	[dreg:$0x2] =	wrdreg s3  }
0xa9: {  	[dreg:$0x3] =	wrdreg s5  }
0xaa: {  	[dreg:$0x4] =	wrdreg $0xC0  }
0xab: {  	_ =	task [dreg:s7], $0x5FFFF  }
0xac: {  	[dreg:$0x1] =	wrdreg $0xFFFFFFFF  }
0xad: {  	[dreg:$0x0] =	wrdreg $0x60  }
0xae: {  	[dreg:$0x2] =	wrdreg s2  }
0xaf: {  	[dreg:$0x3] =	wrdreg s24  }
0xb0: {  	[dreg:$0x4] =	wrdreg $0x9  }
0xb1: {  	_ =	task.clear_ibuf [dreg:s7], $0x5FFFF;
	_ =	strace $0x90000058  }
0xb2: {  	s29 =	simm.s32 $0x9;
	_ =	strace $0x8000005A  }
0xb3: {  	_ =	swait.ge [sflag:s29], $0x1  }
0xb4: {  	[sflag:s29] =	ssyncadd.s32 $0xFFFFFFFF  }
0xb5: {  	_ =	strace $0x9000005A  }
0xb6: {  	_ =	sfence  }
0xb7: {  	s30 =	sld [smem:$0x0];
	_ =	sdelay $0x2  }
0xb8: {  	s31 =	sshll.u32 s1, $0xD;
	s1 =	sshrl.u32 s1, $0x2  }
0xb9: {  	s3 =	sand.u32 $0x4000, s31;
	s1 =	sadd.s32 s1, s30  }
0xba: {  	s0 =	sor.u32 s3, s0;
	s1 =	sshll.u32 s1, $0x11  }
0xbb: {  	s0 =	sor.u32 s1, s0  }
0xbc: {  	s0 =	sadd.s32 $0x8F2B, s0  }
0xbd: {  	[sflag:s0] =	ssyncadd.remote.s32 $0x1  }
0xbe: {  	_ =	sfence.sel $0xFFFF  }
0xbf: {  	[dreg:$0x0] =	wrdreg $0xFFFFFFFF;
	(pc) =	sbr.abs _section_cstart, $3  }
0xc0: {  	[dreg:$0x1] =	wrdreg $0xFFFFFFFF  }
0xc1: {  	_ =	task.clear_ibuf [dreg:s7], $0x2FFFF;
	_ =	strace $0x9FFFFFFF  }
0xc2: {  	(tm) =	ssettm $0x7FFFFFFF  }
0xc3: {  	_ =	shalt  }
tec
execute0_lowered:
.L_overlay_start_1:
0x0: {  	(tag) =	ssettag $0x1  }
0x1: {  	s0 =	srdreg.scid;
	s2 =	rddreg [dreg:$0x0]  }
0x2: {  	s11 =	stileid.u32;
	s5 =	rddreg [dreg:$0x1];
	s3 =	simm.s32 $0x0  }
0x3: {  	s28 =	simm.s32 $0x15C00;
	s29 =	simm.s32 $0x1;
	s30 =	simm.s32 $0x2  }
0x4: {  	s31 =	simm.s32 $0x3;
	s0 =	sand.u32 $0x1, s0;
	s1 =	sshll.u32 s11, $0x1  }
0x5: {  	[smem:$0x7FF] =	sst s3;
	s6 =	smul.u32 $0xC400, s11;
	s15 =	sadd.s32 $0xA92200, s5  }
0x6: {  	s4 =	sadd.s32 $0x3E200, s5;
	s13 =	sadd.s32 $0x472200, s5;
	s21 =	smul.u32 $0x18800, s11  }
0x7: {  	s14 =	sadd.s32 $0x2EA200, s5;
	s22 =	smul.u32 $0x62000, s11;
	s1 =	sor.u32 s0, s1  }
0x8: {  	_ =	strace $0x80000059;
	s7 =	smul.u32 $0x6200, s0;
	s8 =	ssub.s32 $0x2, s0  }
0x9: {  	s1 =	smul.u32 $0x6200, s1;
	s9 =	sshrl.u32 s8, $0x1;
	s24 =	sadd.s32 s21, s14  }
0xa: {  	s25 =	sadd.s32 s22, s13;
	s26 =	sadd.s32 s22, s15;
	s22 =	simm.s32 $0x15400  }
0xb: {  	s6 =	sadd.s32 s7, s6;
	s16 =	ssub.s32 s8, s9;
	s1 =	sshrl.u32 s1, $0x3  }
0xc: {  	s6 =	sor.u32 $0x80, s6;
	s19 =	smax.u32 s16, $0x1;
	s16 =	smul.u32 $0xC400, s0  }
0xd: {  	s0 =	smul.u32 $0x31000, s0;
	s1 =	sadd.s32 s1, s5;
	s5 =	sadd.s32 $0x10B2200, s5  }
0xe: {  	s18 =	sshrl.u32 s6, $0x7;
	[dreg:$0x5] =	wrdreg s19;
	s19 =	simm.s32 $0xC400  }
0xf: {  	s17 =	sadd.s32 $0xD200, s1;
	s1 =	sadd.s32 $0x11A000, s1;
	s20 =	sshll.u32 s18, $0x8  }
0x10: {  	s23 =	sadd.s32 s21, s5;
	s21 =	simm.s32 $0x14400;
	[dreg:$0x3] =	wrdreg s17  }
0x11: {  	[dreg:$0x4] =	wrdreg s1;
	s8 =	sadd.s32 s20, s14;
	s1 =	sshll.u32 s18, $0xA  }
.Ltmp0:
0x12: {  	s9 =	sadd.s32 s20, s5;
	s12 =	sadd.s32 s16, s23;
	(pc) =	sbr.rel .LBB2_1-.Ltmp0, $4  }
0x13: {  	s14 =	sadd.s32 s0, s25;
	s18 =	simm.s32 $0x80;
	s20 =	simm.s32 $0x10400  }
0x14: {  	s23 =	simm.s32 $0xE400;
	s25 =	simm.s32 $0x12400;
	s10 =	sadd.s32 s1, s15  }
0x15: {  	s11 =	sadd.s32 s1, s13;
	s13 =	sadd.s32 s16, s24;
	s15 =	sadd.s32 s0, s26  }
0x16: {  	s26 =	simm.s32 $0x14C00;
	s1 =	simm.s32 $0x4;
	s0 =	simm.s32 $0x0  }
.LBB2_4:
0x17: {  	s0 =	sadd.s32 $0x1, s0;
	s5 =	rddreg [dreg:$0x5]  }
0x18: {  	p0 =	sne.s32 s0, s5  }
.Ltmp1:
0x19: {  	_ = 	snop;
	(pc) =	sbr.rel @!p0 .LBB2_5-.Ltmp1, $1  }
0x1a: {  	_ =	sdelay $0x3  }
.LBB2_1:
0x1b: {  	s5 =	rddreg [dreg:$0x3];
	s6 =	simm.s32 $0x5  }
0x1c: {  	[tilespmem:s3], [sflag:$0x5] =	stream.linear.gather [hbm4b:s5+s3], $0x6200, $0x38;
	[tilespmem:$0x16400] =	vst v63  }
0x1d: {  	_ =	swait.ge [sflag:s6], $0x6200  }
0x1e: {  	[sflag:s6] =	ssyncset.done $0x0  }
0x1f: {  	s7 =	simm.s32 $0x6200;
	s17 =	rddreg [dreg:$0x4];
	[sflag:s6] =	ssyncadd.s32 $0xFFFF9E00  }
0x20: {  	[tilespmem:s7], [sflag:$0x5] =	stream.linear.gather [hbm4b:s17+s3], $0x6200, $0x38;
	[tilespmem:$0x16400] =	vst v63  }
0x21: {  	_ =	swait.ge [sflag:s6], $0x6200  }
0x22: {  	[sflag:s6] =	ssyncset.done $0x0  }
0x23: {  	[sflag:s6] =	ssyncadd.s32 $0xFFFF9E00  }
0x24: {  	[tilespmem:s19], [sflag:$0x1] =	stream.indirect.gather [hbm4b:s2+s18], $0x40, s3, s18, $0xb8;
	[tilespmem:$0x16400] =	vst v63  }
0x25: {  	_ = 	snop  }
0x26: {  	[tilespmem:s20], [sflag:$0x1] =	stream.indirect.gather [hbm4b:s2+s18], $0x40, s7, s18, $0xb8;
	[tilespmem:$0x16400] =	vst v63  }
0x27: {  	_ = 	snop  }
0x28: {  	[tilespmem:s21], [sflag:$0x1] =	stream.indirect.gather [hbm4b:s4+s18], $0x10, s3, s18, $0xb8;
	[tilespmem:$0x16400] =	vst v63  }
0x29: {  	_ = 	snop  }
0x2a: {  	[tilespmem:s22], [sflag:$0x1] =	stream.indirect.gather [hbm4b:s4+s18], $0x10, s7, s18, $0xb8;
	[tilespmem:$0x16400] =	vst v63  }
0x2b: {  	_ = 	snop  }
0x2c: {  	[tilespmem:s23], [sflag:$0x2] =	stream.indirect.gather [hbm4b:s2+s18], $0x40, s18, s18, $0xb8;
	[tilespmem:$0x16400] =	vst v63  }
0x2d: {  	s24 =	simm.s32 $0x6280  }
0x2e: {  	[tilespmem:s25], [sflag:$0x2] =	stream.indirect.gather [hbm4b:s2+s18], $0x40, s24, s18, $0xb8;
	[tilespmem:$0x16400] =	vst v63  }
0x2f: {  	_ = 	snop  }
0x30: {  	[tilespmem:s26], [sflag:$0x2] =	stream.indirect.gather [hbm4b:s4+s18], $0x10, s18, s18, $0xb8;
	[tilespmem:$0x16400] =	vst v63  }
0x31: {  	s5 =	simm.s32 $0x100  }
0x32: {  	[tilespmem:s28], [sflag:$0x2] =	stream.indirect.gather [hbm4b:s4+s18], $0x10, s24, s18, $0xb8;
	[tilespmem:$0x16400] =	vst v63  }
0x33: {  	s6 =	simm.s32 $0x6300;
	s7 =	simm.s32 $0x0;
	s24 =	simm.s32 $0x0  }
.LBB2_2:
0x34: {  	_ =	swait.ge [sflag:s29], $0x2000  }
0x35: {  	[sflag:s29] =	ssyncset.done $0x0  }
0x36: {  	[sflag:s29] =	ssyncadd.s32 $0xFFFFE000  }
0x37: {  	_ =	swait.ge [sflag:s29], $0x2000  }
0x38: {  	[sflag:s29] =	ssyncset.done $0x0  }
0x39: {  	[sflag:s29] =	ssyncadd.s32 $0xFFFFE000  }
0x3a: {  	_ =	swait.ge [sflag:s29], $0x800  }
0x3b: {  	[sflag:s29] =	ssyncset.done $0x0  }
0x3c: {  	[sflag:s29] =	ssyncadd.s32 $0xFFFFF800  }
0x3d: {  	_ =	swait.ge [sflag:s29], $0x800  }
0x3e: {  	[sflag:s29] =	ssyncset.done $0x0  }
0x3f: {  	s17 =	sadd.s32 s7, s15;
	[sflag:s29] =	ssyncadd.s32 $0xFFFFF800  }
0x40: {  	[hbm4b:s17+s3] =	stream.linear.scatter [tilespmem:s19], [sflag:$0x3], $0x2000, $0x38;
	[tilespmem:$0x16400] =	vst v63  }
0x41: {  	s16 =	sadd.s32 s7, s14  }
0x42: {  	[hbm4b:s16+s3] =	stream.linear.scatter [tilespmem:s20], [sflag:$0x3], $0x2000, $0x38;
	[tilespmem:$0x16400] =	vst v63  }
0x43: {  	s16 =	sadd.s32 s24, s13  }
0x44: {  	[hbm4b:s16+s3] =	stream.linear.scatter [tilespmem:s21], [sflag:$0x3], $0x800, $0x38;
	[tilespmem:$0x16400] =	vst v63  }
0x45: {  	s16 =	sadd.s32 s24, s12  }
0x46: {  	[hbm4b:s16+s3] =	stream.linear.scatter [tilespmem:s22], [sflag:$0x3], $0x800, $0x38;
	[tilespmem:$0x16400] =	vst v63  }
0x47: {  	_ =	swait.ge [sflag:s30], $0x2000  }
0x48: {  	[sflag:s30] =	ssyncset.done $0x0  }
0x49: {  	[sflag:s30] =	ssyncadd.s32 $0xFFFFE000  }
0x4a: {  	_ =	swait.ge [sflag:s30], $0x2000  }
0x4b: {  	[sflag:s30] =	ssyncset.done $0x0  }
0x4c: {  	[sflag:s30] =	ssyncadd.s32 $0xFFFFE000  }
0x4d: {  	_ =	swait.ge [sflag:s30], $0x800  }
0x4e: {  	[sflag:s30] =	ssyncset.done $0x0  }
0x4f: {  	[sflag:s30] =	ssyncadd.s32 $0xFFFFF800  }
0x50: {  	_ =	swait.ge [sflag:s30], $0x800  }
0x51: {  	[sflag:s30] =	ssyncset.done $0x0  }
0x52: {  	s16 =	sadd.s32 s7, s10;
	[sflag:s30] =	ssyncadd.s32 $0xFFFFF800  }
0x53: {  	[hbm4b:s16+s3] =	stream.linear.scatter [tilespmem:s23], [sflag:$0x4], $0x2000, $0x38;
	[tilespmem:$0x16400] =	vst v63  }
0x54: {  	s16 =	sadd.s32 s7, s11  }
0x55: {  	[hbm4b:s16+s3] =	stream.linear.scatter [tilespmem:s25], [sflag:$0x4], $0x2000, $0x38;
	[tilespmem:$0x16400] =	vst v63  }
0x56: {  	s16 =	sadd.s32 s24, s8  }
0x57: {  	[hbm4b:s16+s3] =	stream.linear.scatter [tilespmem:s26], [sflag:$0x4], $0x800, $0x38;
	[tilespmem:$0x16400] =	vst v63  }
0x58: {  	s16 =	sadd.s32 s24, s9  }
0x59: {  	[hbm4b:s16+s3] =	stream.linear.scatter [tilespmem:s28], [sflag:$0x4], $0x800, $0x38;
	[tilespmem:$0x16400] =	vst v63  }
0x5a: {  	_ =	swait.ge [sflag:s31], $0x2000  }
0x5b: {  	[sflag:s31] =	ssyncset.done $0x0  }
0x5c: {  	[sflag:s31] =	ssyncadd.s32 $0xFFFFE000  }
0x5d: {  	_ =	swait.ge [sflag:s31], $0x2000  }
0x5e: {  	[sflag:s31] =	ssyncset.done $0x0  }
0x5f: {  	[sflag:s31] =	ssyncadd.s32 $0xFFFFE000  }
0x60: {  	_ =	swait.ge [sflag:s31], $0x800  }
0x61: {  	[sflag:s31] =	ssyncset.done $0x0  }
0x62: {  	[sflag:s31] =	ssyncadd.s32 $0xFFFFF800  }
0x63: {  	_ =	swait.ge [sflag:s31], $0x800  }
0x64: {  	p0 =	seq.s32 s24, $0xC200;
	[sflag:s31] =	ssyncset.done $0x0  }
0x65: {  	s17 =	simm.s32 @!p0 $0x80;
	s16 =	simm.s32 @!p0 $0xC400;
	[sflag:s31] =	ssyncadd.s32 $0xFFFFF800  }
0x66: {  	[tilespmem:s16], [sflag:$0x1] =	stream.indirect.gather @!p0 [hbm4b:s2+s17], $0x40, s5, s17, $0xb8;
	[tilespmem:$0x16400] =	vst v63  }
0x67: {  	s16 =	simm.s32 @!p0 $0x10400  }
0x68: {  	[tilespmem:s16], [sflag:$0x1] =	stream.indirect.gather @!p0 [hbm4b:s2+s17], $0x40, s6, s17, $0xb8;
	[tilespmem:$0x16400] =	vst v63  }
0x69: {  	s16 =	simm.s32 @!p0 $0x14400  }
0x6a: {  	[tilespmem:s16], [sflag:$0x1] =	stream.indirect.gather @!p0 [hbm4b:s4+s17], $0x10, s5, s17, $0xb8;
	[tilespmem:$0x16400] =	vst v63  }
0x6b: {  	s16 =	simm.s32 @!p0 $0x15400  }
0x6c: {  	[tilespmem:s16], [sflag:$0x1] =	stream.indirect.gather @!p0 [hbm4b:s4+s17], $0x10, s6, s17, $0xb8;
	[tilespmem:$0x16400] =	vst v63  }
0x6d: {  	_ =	swait.ge [sflag:s1], $0x2000  }
0x6e: {  	[sflag:s1] =	ssyncset.done $0x0  }
0x6f: {  	[sflag:s1] =	ssyncadd.s32 $0xFFFFE000  }
0x70: {  	_ =	swait.ge [sflag:s1], $0x2000  }
0x71: {  	[sflag:s1] =	ssyncset.done $0x0  }
0x72: {  	[sflag:s1] =	ssyncadd.s32 $0xFFFFE000  }
0x73: {  	_ =	swait.ge [sflag:s1], $0x800  }
.Ltmp2:
0x74: {  	[sflag:s1] =	ssyncset.done $0x0;
	(pc) =	sbr.rel @p0 .LBB2_4-.Ltmp2, $4  }
0x75: {  	[sflag:s1] =	ssyncadd.s32 $0xFFFFF800  }
0x76: {  	_ =	swait.ge [sflag:s1], $0x800  }
0x77: {  	[sflag:s1] =	ssyncset.done $0x0  }
0x78: {  	[sflag:s1] =	ssyncadd.s32 $0xFFFFF800  }
0x79: {  	s16 =	sadd.s32 $0x80, s5  }
0x7a: {  	[tilespmem:s23], [sflag:$0x2] =	stream.indirect.gather [hbm4b:s2+s18], $0x40, s16, s18, $0xb8;
	[tilespmem:$0x16400] =	vst v63  }
0x7b: {  	s17 =	sadd.s32 $0x80, s6  }
0x7c: {  	[tilespmem:s25], [sflag:$0x2] =	stream.indirect.gather [hbm4b:s2+s18], $0x40, s17, s18, $0xb8;
	[tilespmem:$0x16400] =	vst v63  }
.Ltmp3:
0x7d: {  	_ = 	snop;
	(pc) =	sbr.rel .LBB2_2-.Ltmp3, $4  }
0x7e: {  	s24 =	sadd.s32 $0x200, s24  }
0x7f: {  	[tilespmem:s26], [sflag:$0x2] =	stream.indirect.gather [hbm4b:s4+s18], $0x10, s16, s18, $0xb8;
	[tilespmem:$0x16400] =	vst v63  }
0x80: {  	s7 =	sadd.s32 $0x800, s7;
	s5 =	sadd.s32 $0x100, s5;
	s6 =	sadd.s32 $0x100, s6  }
0x81: {  	[tilespmem:s28], [sflag:$0x2] =	stream.indirect.gather [hbm4b:s4+s18], $0x10, s17, s18, $0xb8;
	[tilespmem:$0x16400] =	vst v63  }
.LBB2_5:
0x82: {  	_ =	sfence.sel $0x180000  }
0x83: {  	[bflag:$0x0] =	sbarrier.arrive $0xFFFF  }
0x84: {  	_ =	strace $0x90000059  }
0x85: {  	s0 =	stileid.u32;
	[bflag:$0x2] =	sbarrier.arrive $0xFFFF  }
0x86: {  	p0 =	sne.s32 s0, $0x0;
	s0 =	rddreg [dreg:$0x2]  }
0x87: {  	s0 =	sadd.s32 @!p0 $0x100000, s0  }
0x88: {  	[sflag:s0] =	ssyncadd.tile.s32 @!p0 $0x1;
	_ =	shalt  }
.Lfunc_end2:
_tile_overlayer_lowered:
.L_overlay_start_2:
0x89: {  	(tag) =	ssettag $0x2  }
0x8a: {  	s0 =	rddreg [dreg:$0x0];
	s2 =	stileid.u32  }
0x8b: {  	s1 =	rddreg [dreg:$0x1];
	p0 =	sne.s32 s2, $0x0  }
0x8c: {  	s3 =	rddreg [dreg:$0x2];
	[bflag:$0x3] =	sbarrier.arrive $0xFFFF;
	s2 =	simm.s32 @!p0 $0x1C05  }
0x8d: {  	[timem:s3], [sflag:s2] =	dma.local @!p0 [hbm:s0], s1  }
0x8e: {  	s0 =	simm.s32 @!p0 $0x5  }
0x8f: {  	_ =	swait.ge @!p0 [sflag:s0], s1  }
0x90: {  	s1 =	ssub.s32 @!p0 $0x0, s1;
	[sflag:s0] =	ssyncset.done @!p0 $0x0  }
0x91: {  	[sflag:s0] =	ssyncadd.s32 @!p0 s1  }
0x92: {  	[bflag:$0x3] =	sbarrier.arrive $0xFFFF  }
0x93: {  	_ =	shalt  }

// kernel: kernel.39.cloned.1.call-start
scs
__scs_entry_jumppad:
0x0: {  	(pc) =	sbr.rel $0x88, $3  }
0x1: {  	(tag) =	ssettag $0x0;
	lr =	simm.s32 $0x1  }
0x2: {  	[smem:$0x3F66] =	sst lr;
	_ =	strace $0xD0000000  }
0x3: {  	_ = 	snop  }
0x4: {  	_ = 	snop  }
0x5: {  	_ = 	snop  }
0x6: {  	_ = 	snop  }
0x7: {  	_ = 	snop  }
__scs_overlays_trampoline_lowered:
0x8: {  	[smem:$0x3F75] =	sst s0  }
0x9: {  	[smem:$0x3F76] =	sst s1  }
0xa: {  	[smem:$0x3F77] =	sst s2  }
0xb: {  	[smem:$0x3F78] =	sst s3  }
0xc: {  	[smem:$0x3F79] =	sst s4  }
0xd: {  	[smem:$0x3F7A] =	sst s5  }
0xe: {  	[smem:$0x3F7B] =	sst s6  }
0xf: {  	[smem:$0x3F7C] =	sst s7  }
0x10: {  	[smem:$0x3F7D] =	sst s8  }
0x11: {  	[smem:$0x3F7E] =	sst s9;
	s0 =	simm.s32 @!p0 $0x0  }
0x12: {  	s1 =	sld [smem:$0x3F64];
	s0 =	simm.s32 @p0 $0x1  }
0x13: {  	[smem:$0x3F7F] =	sst s0;
	s0 =	simm.s32 @!p1 $0x0  }
0x14: {  	s2 =	sld [smem:$0x3F63];
	s0 =	simm.s32 @p1 $0x1  }
0x15: {  	[smem:$0x3F80] =	sst s0;
	s0 =	simm.s32 @!p2 $0x0  }
0x16: {  	s3 =	sld [smem:$0x3FDB];
	s0 =	simm.s32 @p2 $0x1  }
0x17: {  	s4 =	simm.s32 $0x1BF5;
	[smem:$0x3F82] =	sst s0  }
0x18: {  	s0 =	sld [smem:$0x3F65];
	_ =	swait.ge [sflag:s4], $0x0  }
0x19: {  	s7 =	sld [smem:$0x3F66]  }
0x1a: {  	s8 =	sadd.s32 $0xFFFFE003, lr  }
0x1b: {  	s9 =	sadd.s32 $0xFFFFFEF7, lr;
	s5 =	simm.s32 $0xFFFFFFFF;
	p2 =	slt.u32 s8, $0xFFFFF086  }
0x1c: {  	p1 =	slt.u32 s9, $0xF7A;
	s5 =	simm.s32 @!p2 $0x0  }
0x1d: {  	s5 =	simm.s32 @p1 $0x1;
	p0 =	seq.s32 s7, s2  }
0x1e: {  	s7 =	smul.u32 @!p0 $0xF7A, s2;
	p2 =	seq.s32 @!p0 s5, $0x0  }
0x1f: {  	s9 =	smul.u32 $0xF7A, s1;
	s8 =	simm.s32 @!p0 $0x1BF5;
	p2 =	por !p2, p0  }
0x20: {  	[sflag:s8] =	ssyncset.s32 @!p0 $0xFFFFF086;
	s6 =	sadd.s32 @!p0 s3, s7;
	s7 =	simm.s32 @!p0 $0x108  }
0x21: {  	s3 =	sadd.s32 s3, s9;
	s6 =	sadd.s32 @!p0 $0x88, s6;
	s7 =	simm.s32 @p2 $0x1082  }
0x22: {  	[simem:s7], [sflag:s8] =	dma.local @!p0 [hbm:s6], $0xF7A  }
0x23: {  	s9 =	sor.u32 $0xD0000000, s2;
	s6 =	simm.s32 $0x108;
	_ =	swait.ge @!p0 [sflag:s8], $0x0  }
0x24: {  	s3 =	sadd.s32 $0x88, s3;
	s6 =	simm.s32 @!p1 $0x1082;
	[sflag:s4] =	ssyncset.s32 $0xFFFFF086  }
0x25: {  	[simem:s6], [sflag:s4] =	dma.local [hbm:s3], $0xF7A  }
0x26: {  	[smem:$0x3F66] =	sst s1;
	(tag) =	ssettag s2;
	_ =	strace s9  }
0x27: {  	s1 =	sld [smem:$0x3F76]  }
0x28: {  	s2 =	sld [smem:$0x3F77]  }
0x29: {  	s4 =	sld [smem:$0x3F79]  }
0x2a: {  	p0 =	seq.s32 s5, $0x0;
	s5 =	sld [smem:$0x3F7A]  }
0x2b: {  	s6 =	sld [smem:$0x3F7B]  }
0x2c: {  	s7 =	sld [smem:$0x3F7C]  }
0x2d: {  	s3 =	simm.s32 $0x108;
	s8 =	sld [smem:$0x3F7D]  }
0x2e: {  	s3 =	simm.s32 @!p0 $0x1082;
	s9 =	sld [smem:$0x3F7E]  }
0x2f: {  	lr =	sadd.s32 s0, s3;
	s0 =	sld [smem:$0x3F75]  }
0x30: {  	s3 =	sld [smem:$0x3F78]  }
0x31: {  	[smem:$0x3F81] =	sst s10  }
0x32: {  	s10 =	sld [smem:$0x3F7F];
	_ =	sdelay $0x3  }
0x33: {  	p0 =	seq.s32 s10, $0x1;
	s10 =	sld [smem:$0x3F81];
	_ =	sdelay $0x3  }
0x34: {  	[smem:$0x3F81] =	sst s10  }
0x35: {  	s10 =	sld [smem:$0x3F80];
	_ =	sdelay $0x3  }
0x36: {  	p1 =	seq.s32 s10, $0x1;
	s10 =	sld [smem:$0x3F81];
	_ =	sdelay $0x3  }
0x37: {  	[smem:$0x3F81] =	sst s10  }
0x38: {  	s10 =	sld [smem:$0x3F82]  }
0x39: {  	_ = 	snop;
	(pc) =	sbr.ind lr, $3  }
0x3a: {  	_ = 	snop  }
0x3b: {  	_ = 	snop  }
0x3c: {  	p2 =	seq.s32 s10, $0x1;
	s10 =	sld [smem:$0x3F81]  }
0x3d: {  	_ =	shalt  }
0x3e: {  	_ =	shalt  }
0x3f: {  	_ =	shalt  }
0x40: {  	_ =	shalt  }
0x41: {  	_ =	shalt  }
0x42: {  	_ =	shalt  }
0x43: {  	_ =	shalt  }
0x44: {  	_ =	shalt  }
0x45: {  	_ =	shalt  }
0x46: {  	_ =	shalt  }
0x47: {  	_ =	shalt  }
0x48: {  	_ =	shalt  }
0x49: {  	_ =	shalt  }
0x4a: {  	_ =	shalt  }
0x4b: {  	_ =	shalt  }
0x4c: {  	_ =	shalt  }
0x4d: {  	_ =	shalt  }
0x4e: {  	_ =	shalt  }
0x4f: {  	_ =	shalt  }
0x50: {  	_ =	shalt  }
0x51: {  	_ =	shalt  }
0x52: {  	_ =	shalt  }
0x53: {  	_ =	shalt  }
0x54: {  	_ =	shalt  }
0x55: {  	_ =	shalt  }
0x56: {  	_ =	shalt  }
0x57: {  	_ =	shalt  }
0x58: {  	_ =	shalt  }
0x59: {  	_ =	shalt  }
0x5a: {  	_ =	shalt  }
0x5b: {  	_ =	shalt  }
0x5c: {  	_ =	shalt  }
0x5d: {  	_ =	shalt  }
0x5e: {  	_ =	shalt  }
0x5f: {  	_ =	shalt  }
0x60: {  	_ =	shalt  }
0x61: {  	_ =	shalt  }
0x62: {  	_ =	shalt  }
0x63: {  	_ =	shalt  }
0x64: {  	_ =	shalt  }
0x65: {  	_ =	shalt  }
0x66: {  	_ =	shalt  }
0x67: {  	_ =	shalt  }
0x68: {  	_ =	shalt  }
0x69: {  	_ =	shalt  }
0x6a: {  	_ =	shalt  }
0x6b: {  	_ =	shalt  }
0x6c: {  	_ =	shalt  }
0x6d: {  	_ =	shalt  }
0x6e: {  	_ =	shalt  }
0x6f: {  	_ =	shalt  }
0x70: {  	_ =	shalt  }
0x71: {  	_ =	shalt  }
0x72: {  	_ =	shalt  }
0x73: {  	_ =	shalt  }
0x74: {  	_ =	shalt  }
0x75: {  	_ =	shalt  }
0x76: {  	_ =	shalt  }
0x77: {  	_ =	shalt  }
0x78: {  	_ =	shalt  }
0x79: {  	_ =	shalt  }
0x7a: {  	_ =	shalt  }
0x7b: {  	_ =	shalt  }
0x7c: {  	_ =	shalt  }
0x7d: {  	_ =	shalt  }
0x7e: {  	_ =	shalt  }
0x7f: {  	_ =	shalt  }
0x80: {  	_ =	shalt  }
0x81: {  	_ =	shalt  }
0x82: {  	_ =	shalt  }
0x83: {  	_ =	shalt  }
0x84: {  	_ =	shalt  }
0x85: {  	_ =	shalt  }
0x86: {  	_ =	shalt  }
0x87: {  	_ =	shalt  }
.Lfunc_end0:
.L_simem_size_0:
called_computation.7_lowered:
.L_overlay_start_0:
0x88: {  	s2 =	sld [smem:$0x3FD9]  }
0x89: {  	s3 =	sld [smem:$0x3FFE];
	_ =	sdelay $0x1  }
0x8a: {  	s1 =	srdreg.scid  }
0x8b: {  	s0 =	sand.u32 $0x1, s1  }
0x8c: {  	s17 =	sshll.u32 s0, $0xA;
	s2 =	sadd.s32 s3, s2  }
0x8d: {  	s2 =	sadd.s32 s2, s17  }
0x8e: {  	[smem:$0x3F8D] =	sst s2  }
0x8f: {  	_ = 	snop  }
0x90: {  	s2 =	sld [smem:$0x3FD0];
	(tm) =	ssettm $0x1  }
0x91: {  	s18 =	sld [smem:$0x3FFB];
	_ =	sdelay $0x3  }
0x92: {  	_ =	strace s18  }
0x93: {  	s3 =	sld [smem:$0x3FFC];
	_ =	sdelay $0x3  }
0x94: {  	_ =	strace s3  }
0x95: {  	s3 =	sld [smem:$0x3FFD];
	_ =	sdelay $0x3  }
0x96: {  	_ =	strace s3  }
0x97: {  	_ =	strace $0x8FFFFFFF  }
0x98: {  	s19 =	sld [smem:$0x3FDB];
	_ =	sdelay $0x1  }
0x99: {  	s4 =	simm.s32 $_scs_section_size  }
0x9a: {  	s5 =	simm.s32 $_size__tile_overlayer_lowered;
	s6 =	simm.s32 $_tile_overlayer_lowered  }
0x9b: {  	s22 =	simm.s32 $0x1BFF;
	s21 =	sshll.u32 s6, $0x1;
	s3 =	sadd.s32 s4, s19  }
0x9c: {  	s7 =	simm.s32 $0x0;
	s20 =	sshll.u32 s5, $0x1;
	s5 =	sadd.s32 s21, s3  }
0x9d: {  	[timem:s7], [sflag:s22] =	dma.local [hbm:s5], s20  }
0x9e: {  	_ =	swait.ge [sflag:s22], s20  }
0x9f: {  	s4 =	ssub.s32 $0x0, s20;
	[sflag:s22] =	ssyncset.done $0x0  }
0xa0: {  	[sflag:s22] =	ssyncadd.s32 s4;
	_ =	sdelay $0x1  }
0xa1: {  	s23 =	simm.s32 $0x1B8B  }
0xa2: {  	_ =	swait.ge [sflag:s23], $0x1  }
0xa3: {  	[sflag:s23] =	ssyncset.done $0x0  }
0xa4: {  	s25 =	simm.s32 $0x1B8E;
	s24 =	sld [smem:$0x3FFE];
	[sflag:s23] =	ssyncadd.s32 $0xFFFFFFFF  }
0xa5: {  	s26 =	simm.s32 $execute0_lowered;
	[smem:$0x3FD2] =	sst s25  }
0xa6: {  	s5 =	sshll.u32 s26, $0x1;
	_ =	strace $0x8000005B;
	[dreg:$0x1] =	wrdreg $0xFFFFFFFF  }
0xa7: {  	s28 =	simm.s32 $_size_execute0_lowered;
	s3 =	sadd.s32 s3, s5;
	[dreg:$0x0] =	wrdreg $0x0  }
0xa8: {  	s5 =	sshll.u32 s28, $0x1;
	[dreg:$0x2] =	wrdreg s3  }
0xa9: {  	[dreg:$0x3] =	wrdreg s5  }
0xaa: {  	[dreg:$0x4] =	wrdreg $0xC0  }
0xab: {  	_ =	task [dreg:s7], $0x5FFFF  }
0xac: {  	[dreg:$0x1] =	wrdreg $0xFFFFFFFF  }
0xad: {  	[dreg:$0x0] =	wrdreg $0x60  }
0xae: {  	[dreg:$0x2] =	wrdreg s24  }
0xaf: {  	[dreg:$0x3] =	wrdreg s2  }
0xb0: {  	[dreg:$0x4] =	wrdreg $0x42000  }
0xb1: {  	[dreg:$0x5] =	wrdreg $0x9  }
0xb2: {  	_ =	task.clear_ibuf [dreg:s7], $0x6FFFF;
	_ =	strace $0x9000005B  }
0xb3: {  	s29 =	simm.s32 $0x9;
	_ =	strace $0x8000005D  }
0xb4: {  	_ =	swait.ge [sflag:s29], $0x1  }
0xb5: {  	[sflag:s29] =	ssyncadd.s32 $0xFFFFFFFF  }
0xb6: {  	_ =	strace $0x9000005D  }
0xb7: {  	_ =	sfence  }
0xb8: {  	s30 =	sld [smem:$0x0];
	_ =	sdelay $0x2  }
0xb9: {  	s31 =	sshll.u32 s1, $0xD;
	s1 =	sshrl.u32 s1, $0x2  }
0xba: {  	s3 =	sand.u32 $0x4000, s31;
	s1 =	sadd.s32 s1, s30  }
0xbb: {  	s0 =	sor.u32 s3, s0;
	s1 =	sshll.u32 s1, $0x11  }
0xbc: {  	s0 =	sor.u32 s1, s0  }
0xbd: {  	s0 =	sadd.s32 $0x8F2B, s0  }
0xbe: {  	[sflag:s0] =	ssyncadd.remote.s32 $0x1  }
0xbf: {  	_ =	sfence.sel $0xFFFF  }
0xc0: {  	[dreg:$0x0] =	wrdreg $0xFFFFFFFF;
	(pc) =	sbr.abs _section_cstart, $3  }
0xc1: {  	[dreg:$0x1] =	wrdreg $0xFFFFFFFF  }
0xc2: {  	_ =	task.clear_ibuf [dreg:s7], $0x2FFFF;
	_ =	strace $0x9FFFFFFF  }
0xc3: {  	(tm) =	ssettm $0x7FFFFFFF  }
tec
execute0_lowered:
.L_overlay_start_1:
0x0: {  	(tag) =	ssettag $0x1  }
0x1: {  	s5 =	rddreg [dreg:$0x0]  }
0x2: {  	s10 =	rddreg [dreg:$0x1]  }
0x3: {  	s2 =	rddreg [dreg:$0x2];
	s3 =	simm.s32 $0x0;
	s1 =	stileid.u32  }
0x4: {  	s4 =	srdreg.scid;
	s20 =	simm.s32 $0x1;
	s6 =	smul.u32 $0x18800, s1  }
0x5: {  	s21 =	simm.s32 $0x100;
	s22 =	simm.s32 $0x3;
	s26 =	smul.u32 $0xC400, s1  }
0x6: {  	s23 =	simm.s32 $0x2;
	[smem:$0x7FF] =	sst s3;
	s14 =	smul.u32 $0x620, s1  }
0x7: {  	s8 =	sand.u32 $0x1, s4;
	s9 =	sadd.s32 $0x2EA200, s5;
	s17 =	smul.u32 $0x62000, s1  }
0x8: {  	s13 =	sadd.s32 $0x25A00, s5;
	s15 =	sadd.s32 $0x16F800, s2;
	s31 =	smul.u32 $0x1880, s1  }
0x9: {  	p0 =	seq.s32 s1, $0xF;
	_ =	strace $0x8000005C;
	s24 =	smul.u32 $0x61A8, s8  }
0xa: {  	s4 =	ssub.s32 $0x2, s8;
	s19 =	smul.u32 $0x186A00, s8;
	s7 =	sshrl.u32 s6, $0x3  }
0xb: {  	s11 =	sshrl.u32 s4, $0x1;
	s16 =	sadd.s32 s6, s2;
	s28 =	sshrl.u32 s26, $0x3  }
0xc: {  	s7 =	sadd.s32 s7, s5;
	s12 =	ssub.s32 s4, s11;
	s5 =	sadd.s32 $0x160700, s5  }
0xd: {  	s6 =	sadd.s32 s13, s28;
	s11 =	sor.u32 $0x80, s26;
	s14 =	sadd.s32 s14, s24  }
0xe: {  	s30 =	sshrl.u32 s19, $0x3;
	s16 =	sshrl.u32 @!p0 s16, $0x3;
	s19 =	simm.s32 $0x2200  }
0xf: {  	v0 =	vmov s24;
	s24 =	simm.s32 $0x180;
	s26 =	simm.s32 $0x0;
	s4 =	sadd.s32 $0x132800, s7  }
0x10: {  	s7 =	sadd.s32 s9, s17;
	s18 =	sshrl.u32 s11, $0x3;
	s11 =	sshll.u32 s11, $0x3  }
0x11: {  	s29 =	sshll.u32 s14, $0x3;
	s17 =	sshrl.u32 s17, $0x2;
	s14 =	sadd.s32 s10, s30  }
.Ltmp0:
0x12: {  	s12 =	smax.u32 s12, $0x1;
	s8 =	sadd.s32 s13, s18;
	(pc) =	sbr.rel .LBB2_1-.Ltmp0, $4  }
0x13: {  	s9 =	sadd.s32 s9, s11;
	s10 =	sadd.s32 s10, s29;
	s25 =	sadd.s32 s17, s2  }
0x14: {  	s11 =	sadd.s32 $0x2DF00, s14;
	s13 =	sadd.s32 s31, s13;
	s14 =	sshrl.u32 @p0 s15, $0x3  }
0x15: {  	s15 =	sshll.u32 @!p0 s1, $0x6;
	s17 =	simm.s32 $0x200;
	s18 =	simm.s32 $0x80  }
0x16: {  	s13 =	sadd.s32 $0x30, s13;
	s15 =	sor.u32 @!p0 $0x1C03, s15;
	s25 =	sshrl.u32 @!p0 s25, $0x3  }
.LBB2_4:
0x17: {  	[bflag:$0x0] =	sbarrier.arrive $0xFFFF;
	s0 =	simm.s32 @p0 $0x1FC3  }
0x18: {  	[hbm:s11], [sflag:s0] =	dma.local @p0 [spmem:s14], $0x2E40  }
0x19: {  	s0 =	simm.s32 @p0 $0x3  }
0x1a: {  	s26 =	sadd.s32 $0x1, s26;
	_ =	swait.ge @p0 [sflag:s0], $0x2E40  }
0x1b: {  	p1 =	sne.s32 s26, s12;
	[sflag:s0] =	ssyncset.done @p0 $0x0  }
.Ltmp1:
0x1c: {  	[sflag:s0] =	ssyncadd.s32 @p0 $0xFFFFD1C0;
	s0 =	simm.s32 @!p0 $0x3;
	(pc) =	sbr.rel @!p1 .LBB2_5-.Ltmp1, $4  }
0x1d: {  	[hbm:s10], [sflag:s15] =	dma.local @!p0 [spmem:s25], $0x3100  }
0x1e: {  	_ =	swait.ge @!p0 [sflag:s0], $0x3100  }
0x1f: {  	[sflag:s0] =	ssyncset.done @!p0 $0x0  }
0x20: {  	[sflag:s0] =	ssyncadd.s32 @!p0 $0xFFFFCF00  }
.LBB2_1:
0x21: {  	s28 =	simm.s32 @p0 $0x1FC3  }
0x22: {  	[spmem:s14], [sflag:s28] =	dma.local @p0 [hbm:s5], $0x2E80  }
0x23: {  	s28 =	simm.s32 @p0 $0x3  }
0x24: {  	_ =	swait.ge @p0 [sflag:s28], $0x2E80  }
0x25: {  	[sflag:s28] =	ssyncset.done @p0 $0x0  }
0x26: {  	[sflag:s28] =	ssyncadd.s32 @p0 $0xFFFFD180;
	s28 =	simm.s32 @!p0 $0x3  }
0x27: {  	[spmem:s16], [sflag:s15] =	dma.local @!p0 [hbm:s4], $0x3100  }
0x28: {  	_ =	swait.ge @!p0 [sflag:s28], $0x3100  }
0x29: {  	[sflag:s28] =	ssyncset.done @!p0 $0x0  }
0x2a: {  	[sflag:s28] =	ssyncadd.s32 @!p0 $0xFFFFCF00  }
0x2b: {  	[bflag:$0x0] =	sbarrier.arrive $0xFFFF  }
0x2c: {  	[tilespmem:s3], [sflag:$0x1] =	stream.linear.gather [hbm4b:s6+s3], $0x80, $0x38;
	[tilespmem:$0x1C8C0] =	vst v63  }
0x2d: {  	_ = 	snop  }
0x2e: {  	[tilespmem:s17], [sflag:$0x1] =	stream.linear.gather [hbm4b:s7+s3], $0x2000, $0x38;
	[tilespmem:$0x1C8C0] =	vst v63  }
0x2f: {  	_ = 	snop  }
0x30: {  	[tilespmem:s18], [sflag:$0x2] =	stream.linear.gather [hbm4b:s8+s3], $0x80, $0x38;
	[tilespmem:$0x1C8C0] =	vst v63  }
0x31: {  	s29 =	simm.s32 $0x0;
	s28 =	smov.u32 s13  }
0x32: {  	[tilespmem:s19], [sflag:$0x2] =	stream.linear.gather [hbm4b:s9+s3], $0x2000, $0x38;
	[tilespmem:$0x1C8C0] =	vst v63  }
.LBB2_2:
0x33: {  	_ =	swait.ge [sflag:s20], $0x80  }
0x34: {  	[sflag:s20] =	ssyncset.done $0x0  }
0x35: {  	[sflag:s20] =	ssyncadd.s32 $0xFFFFFF80  }
0x36: {  	_ =	swait.ge [sflag:s20], $0x2000  }
0x37: {  	[sflag:s20] =	ssyncset.done $0x0  }
0x38: {  	[sflag:s20] =	ssyncadd.s32 $0xFFFFE000  }
0x39: {  	v1 =	vld [tilespmem:$0x0]  }
0x3a: {  	v2 =	vld [tilespmem:$0x10]  }
0x3b: {  	v3 =	vld [tilespmem:$0x20]  }
0x3c: {  	v4 =	vld [tilespmem:$0x30]  }
0x3d: {  	v5 =	vld [tilespmem:$0x40]  }
0x3e: {  	v6 =	vld [tilespmem:$0x50];
	v1 =	vsub.s32 v1, v0  }
0x3f: {  	v7 =	vld [tilespmem:$0x60];
	v2 =	vsub.s32 v2, v0;
	v1 =	vmin.u32 v1, $0x61A8  }
0x40: {  	[tilespmem:$0x100] =	vst v1;
	v1 =	vmin.u32 v2, $0x61A8;
	v2 =	vsub.s32 v3, v0;
	v3 =	vld [tilespmem:$0x70]  }
0x41: {  	[tilespmem:$0x110] =	vst v1;
	v1 =	vmin.u32 v2, $0x61A8;
	v2 =	vsub.s32 v4, v0  }
0x42: {  	[tilespmem:$0x120] =	vst v1;
	v1 =	vmin.u32 v2, $0x61A8;
	v2 =	vsub.s32 v5, v0  }
0x43: {  	[tilespmem:$0x130] =	vst v1;
	v1 =	vmin.u32 v2, $0x61A8;
	v2 =	vsub.s32 v6, v0  }
0x44: {  	[tilespmem:$0x140] =	vst v1;
	v1 =	vmin.u32 v2, $0x61A8;
	v2 =	vsub.s32 v7, v0  }
0x45: {  	[tilespmem:$0x150] =	vst v1;
	v1 =	vmin.u32 v2, $0x61A8;
	v2 =	vsub.s32 v3, v0  }
0x46: {  	[tilespmem:$0x160] =	vst v1;
	v1 =	vmin.u32 v2, $0x61A8  }
0x47: {  	[tilespmem:$0x170] =	vst v1  }
0x48: {  	[spmem:s2] =	stream.indirect.scatter.add.f32 [tilespmem:s17], [sflag:$0x3], $0x40, s21, s18, $0xb8;
	[tilespmem:$0x1C8C0] =	vst v63  }
0x49: {  	_ =	swait.ge [sflag:s22], $0x2000  }
0x4a: {  	p1 =	seq.s32 s29, $0x61800;
	[sflag:s22] =	ssyncset.done $0x0  }
0x4b: {  	s30 =	sadd.s32 @!p1 $0xFFFFFFF0, s28;
	s31 =	simm.s32 @!p1 $0x0;
	[sflag:s22] =	ssyncadd.s32 $0xFFFFE000  }
0x4c: {  	[tilespmem:s31], [sflag:$0x1] =	stream.linear.gather @!p1 [hbm4b:s30+s31], $0x80, $0x38;
	[tilespmem:$0x1C8C0] =	vst v63  }
0x4d: {  	s30 =	sadd.s32 @!p1 s29, s7  }
0x4e: {  	s0 =	simm.s32 @!p1 $0x200;
	s30 =	sadd.s32 @!p1 $0x800, s30  }
0x4f: {  	[tilespmem:s0], [sflag:$0x1] =	stream.linear.gather @!p1 [hbm4b:s30+s31], $0x2000, $0x38;
	[tilespmem:$0x1C8C0] =	vst v63  }
0x50: {  	_ =	swait.ge [sflag:s23], $0x80  }
0x51: {  	[sflag:s23] =	ssyncset.done $0x0  }
0x52: {  	[sflag:s23] =	ssyncadd.s32 $0xFFFFFF80  }
0x53: {  	_ =	swait.ge [sflag:s23], $0x2000  }
0x54: {  	[sflag:s23] =	ssyncset.done $0x0  }
0x55: {  	[sflag:s23] =	ssyncadd.s32 $0xFFFFE000  }
0x56: {  	v1 =	vld [tilespmem:$0x80]  }
0x57: {  	v2 =	vld [tilespmem:$0x90]  }
0x58: {  	v3 =	vld [tilespmem:$0xA0]  }
0x59: {  	v60 =	vld [tilespmem:$0xB0]  }
0x5a: {  	v61 =	vld [tilespmem:$0xC0]  }
0x5b: {  	v62 =	vld [tilespmem:$0xD0];
	v1 =	vsub.s32 v1, v0  }
0x5c: {  	v63 =	vld [tilespmem:$0xE0];
	v2 =	vsub.s32 v2, v0;
	v1 =	vmin.u32 v1, $0x61A8  }
0x5d: {  	[tilespmem:$0x180] =	vst v1;
	v1 =	vmin.u32 v2, $0x61A8;
	v2 =	vsub.s32 v3, v0;
	v3 =	vld [tilespmem:$0xF0]  }
0x5e: {  	[tilespmem:$0x190] =	vst v1;
	v1 =	vmin.u32 v2, $0x61A8;
	v2 =	vsub.s32 v60, v0  }
0x5f: {  	[tilespmem:$0x1A0] =	vst v1;
	v1 =	vmin.u32 v2, $0x61A8;
	v2 =	vsub.s32 v61, v0  }
0x60: {  	[tilespmem:$0x1B0] =	vst v1;
	v1 =	vmin.u32 v2, $0x61A8;
	v2 =	vsub.s32 v62, v0  }
0x61: {  	[tilespmem:$0x1C0] =	vst v1;
	v1 =	vmin.u32 v2, $0x61A8;
	v2 =	vsub.s32 v63, v0  }
0x62: {  	[tilespmem:$0x1D0] =	vst v1;
	v1 =	vmin.u32 v2, $0x61A8;
	v2 =	vsub.s32 v3, v0  }
0x63: {  	[tilespmem:$0x1E0] =	vst v1;
	v1 =	vmin.u32 v2, $0x61A8  }
.Ltmp2:
0x64: {  	[tilespmem:$0x1F0] =	vst v1;
	(pc) =	sbr.rel @p1 .LBB2_4-.Ltmp2, $4  }
0x65: {  	[spmem:s2] =	stream.indirect.scatter.add.f32 [tilespmem:s19], [sflag:$0x3], $0x40, s24, s18, $0xb8;
	[tilespmem:$0x1C8C0] =	vst v63  }
0x66: {  	_ =	swait.ge [sflag:s22], $0x2000  }
0x67: {  	[sflag:s22] =	ssyncset.done $0x0  }
0x68: {  	[sflag:s22] =	ssyncadd.s32 $0xFFFFE000  }
.Ltmp3:
0x69: {  	(pc) =	sbr.rel .LBB2_2-.Ltmp3, $4  }
0x6a: {  	[tilespmem:s18], [sflag:$0x2] =	stream.linear.gather [hbm4b:s28+s3], $0x80, $0x38;
	[tilespmem:$0x1C8C0] =	vst v63  }
0x6b: {  	s0 =	sadd.s32 s29, s7  }
0x6c: {  	s29 =	sadd.s32 $0x800, s29;
	s28 =	sadd.s32 $0x20, s28;
	s0 =	sadd.s32 $0xC00, s0  }
0x6d: {  	[tilespmem:s19], [sflag:$0x2] =	stream.linear.gather [hbm4b:s0+s3], $0x2000, $0x38;
	[tilespmem:$0x1C8C0] =	vst v63  }
.LBB2_5:
0x6e: {  	_ =	sfence.sel $0x180000  }
0x6f: {  	[bflag:$0x0] =	sbarrier.arrive $0xFFFF  }
0x70: {  	_ =	strace $0x9000005C  }
0x71: {  	[bflag:$0x2] =	sbarrier.arrive $0xFFFF  }
0x72: {  	p0 =	sne.s32 s1, $0x0;
	s0 =	rddreg [dreg:$0x3]  }
0x73: {  	s0 =	sadd.s32 @!p0 $0x100000, s0  }
0x74: {  	[sflag:s0] =	ssyncadd.tile.s32 @!p0 $0x1;
	_ =	shalt  }
.Lfunc_end2:
_tile_overlayer_lowered:
.L_overlay_start_2:
0x75: {  	(tag) =	ssettag $0x2  }
0x76: {  	s0 =	rddreg [dreg:$0x0];
	s2 =	stileid.u32  }
0x77: {  	s1 =	rddreg [dreg:$0x1];
	p0 =	sne.s32 s2, $0x0  }
0x78: {  	s3 =	rddreg [dreg:$0x2];
	[bflag:$0x3] =	sbarrier.arrive $0xFFFF;
	s2 =	simm.s32 @!p0 $0x1C03  }
0x79: {  	[timem:s3], [sflag:s2] =	dma.local @!p0 [hbm:s0], s1  }
0x7a: {  	s0 =	simm.s32 @!p0 $0x3  }
0x7b: {  	_ =	swait.ge @!p0 [sflag:s0], s1  }
0x7c: {  	s1 =	ssub.s32 @!p0 $0x0, s1;
	[sflag:s0] =	ssyncset.done @!p0 $0x0  }
0x7d: {  	[sflag:s0] =	ssyncadd.s32 @!p0 s1  }
0x7e: {  	[bflag:$0x3] =	sbarrier.arrive $0xFFFF  }
0x7f: {  	_ =	shalt  }

// kernel: kernel.42.cloned.1.call-start
scs
__scs_entry_jumppad:
0x0: {  	(pc) =	sbr.rel $0x88, $3  }
0x1: {  	(tag) =	ssettag $0x0;
	lr =	simm.s32 $0x1  }
0x2: {  	[smem:$0x3F66] =	sst lr;
	_ =	strace $0xD0000000  }
0x3: {  	_ = 	snop  }
0x4: {  	_ = 	snop  }
0x5: {  	_ = 	snop  }
0x6: {  	_ = 	snop  }
0x7: {  	_ = 	snop  }
__scs_overlays_trampoline_lowered:
0x8: {  	[smem:$0x3F75] =	sst s0  }
0x9: {  	[smem:$0x3F76] =	sst s1  }
0xa: {  	[smem:$0x3F77] =	sst s2  }
0xb: {  	[smem:$0x3F78] =	sst s3  }
0xc: {  	[smem:$0x3F79] =	sst s4  }
0xd: {  	[smem:$0x3F7A] =	sst s5  }
0xe: {  	[smem:$0x3F7B] =	sst s6  }
0xf: {  	[smem:$0x3F7C] =	sst s7  }
0x10: {  	[smem:$0x3F7D] =	sst s8  }
0x11: {  	[smem:$0x3F7E] =	sst s9;
	s0 =	simm.s32 @!p0 $0x0  }
0x12: {  	s1 =	sld [smem:$0x3F64];
	s0 =	simm.s32 @p0 $0x1  }
0x13: {  	[smem:$0x3F7F] =	sst s0;
	s0 =	simm.s32 @!p1 $0x0  }
0x14: {  	s2 =	sld [smem:$0x3F63];
	s0 =	simm.s32 @p1 $0x1  }
0x15: {  	[smem:$0x3F80] =	sst s0;
	s0 =	simm.s32 @!p2 $0x0  }
0x16: {  	s3 =	sld [smem:$0x3FDB];
	s0 =	simm.s32 @p2 $0x1  }
0x17: {  	s4 =	simm.s32 $0x1BF5;
	[smem:$0x3F82] =	sst s0  }
0x18: {  	s0 =	sld [smem:$0x3F65];
	_ =	swait.ge [sflag:s4], $0x0  }
0x19: {  	s7 =	sld [smem:$0x3F66]  }
0x1a: {  	s8 =	sadd.s32 $0xFFFFE003, lr  }
0x1b: {  	s9 =	sadd.s32 $0xFFFFFEF7, lr;
	s5 =	simm.s32 $0xFFFFFFFF;
	p2 =	slt.u32 s8, $0xFFFFF086  }
0x1c: {  	p1 =	slt.u32 s9, $0xF7A;
	s5 =	simm.s32 @!p2 $0x0  }
0x1d: {  	s5 =	simm.s32 @p1 $0x1;
	p0 =	seq.s32 s7, s2  }
0x1e: {  	s7 =	smul.u32 @!p0 $0xF7A, s2;
	p2 =	seq.s32 @!p0 s5, $0x0  }
0x1f: {  	s9 =	smul.u32 $0xF7A, s1;
	s8 =	simm.s32 @!p0 $0x1BF5;
	p2 =	por !p2, p0  }
0x20: {  	[sflag:s8] =	ssyncset.s32 @!p0 $0xFFFFF086;
	s6 =	sadd.s32 @!p0 s3, s7;
	s7 =	simm.s32 @!p0 $0x108  }
0x21: {  	s3 =	sadd.s32 s3, s9;
	s6 =	sadd.s32 @!p0 $0x88, s6;
	s7 =	simm.s32 @p2 $0x1082  }
0x22: {  	[simem:s7], [sflag:s8] =	dma.local @!p0 [hbm:s6], $0xF7A  }
0x23: {  	s9 =	sor.u32 $0xD0000000, s2;
	s6 =	simm.s32 $0x108;
	_ =	swait.ge @!p0 [sflag:s8], $0x0  }
0x24: {  	s3 =	sadd.s32 $0x88, s3;
	s6 =	simm.s32 @!p1 $0x1082;
	[sflag:s4] =	ssyncset.s32 $0xFFFFF086  }
0x25: {  	[simem:s6], [sflag:s4] =	dma.local [hbm:s3], $0xF7A  }
0x26: {  	[smem:$0x3F66] =	sst s1;
	(tag) =	ssettag s2;
	_ =	strace s9  }
0x27: {  	s1 =	sld [smem:$0x3F76]  }
0x28: {  	s2 =	sld [smem:$0x3F77]  }
0x29: {  	s4 =	sld [smem:$0x3F79]  }
0x2a: {  	p0 =	seq.s32 s5, $0x0;
	s5 =	sld [smem:$0x3F7A]  }
0x2b: {  	s6 =	sld [smem:$0x3F7B]  }
0x2c: {  	s7 =	sld [smem:$0x3F7C]  }
0x2d: {  	s3 =	simm.s32 $0x108;
	s8 =	sld [smem:$0x3F7D]  }
0x2e: {  	s3 =	simm.s32 @!p0 $0x1082;
	s9 =	sld [smem:$0x3F7E]  }
0x2f: {  	lr =	sadd.s32 s0, s3;
	s0 =	sld [smem:$0x3F75]  }
0x30: {  	s3 =	sld [smem:$0x3F78]  }
0x31: {  	[smem:$0x3F81] =	sst s10  }
0x32: {  	s10 =	sld [smem:$0x3F7F];
	_ =	sdelay $0x3  }
0x33: {  	p0 =	seq.s32 s10, $0x1;
	s10 =	sld [smem:$0x3F81];
	_ =	sdelay $0x3  }
0x34: {  	[smem:$0x3F81] =	sst s10  }
0x35: {  	s10 =	sld [smem:$0x3F80];
	_ =	sdelay $0x3  }
0x36: {  	p1 =	seq.s32 s10, $0x1;
	s10 =	sld [smem:$0x3F81];
	_ =	sdelay $0x3  }
0x37: {  	[smem:$0x3F81] =	sst s10  }
0x38: {  	s10 =	sld [smem:$0x3F82]  }
0x39: {  	_ = 	snop;
	(pc) =	sbr.ind lr, $3  }
0x3a: {  	_ = 	snop  }
0x3b: {  	_ = 	snop  }
0x3c: {  	p2 =	seq.s32 s10, $0x1;
	s10 =	sld [smem:$0x3F81]  }
0x3d: {  	_ =	shalt  }
0x3e: {  	_ =	shalt  }
0x3f: {  	_ =	shalt  }
0x40: {  	_ =	shalt  }
0x41: {  	_ =	shalt  }
0x42: {  	_ =	shalt  }
0x43: {  	_ =	shalt  }
0x44: {  	_ =	shalt  }
0x45: {  	_ =	shalt  }
0x46: {  	_ =	shalt  }
0x47: {  	_ =	shalt  }
0x48: {  	_ =	shalt  }
0x49: {  	_ =	shalt  }
0x4a: {  	_ =	shalt  }
0x4b: {  	_ =	shalt  }
0x4c: {  	_ =	shalt  }
0x4d: {  	_ =	shalt  }
0x4e: {  	_ =	shalt  }
0x4f: {  	_ =	shalt  }
0x50: {  	_ =	shalt  }
0x51: {  	_ =	shalt  }
0x52: {  	_ =	shalt  }
0x53: {  	_ =	shalt  }
0x54: {  	_ =	shalt  }
0x55: {  	_ =	shalt  }
0x56: {  	_ =	shalt  }
0x57: {  	_ =	shalt  }
0x58: {  	_ =	shalt  }
0x59: {  	_ =	shalt  }
0x5a: {  	_ =	shalt  }
0x5b: {  	_ =	shalt  }
0x5c: {  	_ =	shalt  }
0x5d: {  	_ =	shalt  }
0x5e: {  	_ =	shalt  }
0x5f: {  	_ =	shalt  }
0x60: {  	_ =	shalt  }
0x61: {  	_ =	shalt  }
0x62: {  	_ =	shalt  }
0x63: {  	_ =	shalt  }
0x64: {  	_ =	shalt  }
0x65: {  	_ =	shalt  }
0x66: {  	_ =	shalt  }
0x67: {  	_ =	shalt  }
0x68: {  	_ =	shalt  }
0x69: {  	_ =	shalt  }
0x6a: {  	_ =	shalt  }
0x6b: {  	_ =	shalt  }
0x6c: {  	_ =	shalt  }
0x6d: {  	_ =	shalt  }
0x6e: {  	_ =	shalt  }
0x6f: {  	_ =	shalt  }
0x70: {  	_ =	shalt  }
0x71: {  	_ =	shalt  }
0x72: {  	_ =	shalt  }
0x73: {  	_ =	shalt  }
0x74: {  	_ =	shalt  }
0x75: {  	_ =	shalt  }
0x76: {  	_ =	shalt  }
0x77: {  	_ =	shalt  }
0x78: {  	_ =	shalt  }
0x79: {  	_ =	shalt  }
0x7a: {  	_ =	shalt  }
0x7b: {  	_ =	shalt  }
0x7c: {  	_ =	shalt  }
0x7d: {  	_ =	shalt  }
0x7e: {  	_ =	shalt  }
0x7f: {  	_ =	shalt  }
0x80: {  	_ =	shalt  }
0x81: {  	_ =	shalt  }
0x82: {  	_ =	shalt  }
0x83: {  	_ =	shalt  }
0x84: {  	_ =	shalt  }
0x85: {  	_ =	shalt  }
0x86: {  	_ =	shalt  }
0x87: {  	_ =	shalt  }
.Lfunc_end0:
.L_simem_size_0:
called_computation.8_lowered:
.L_overlay_start_0:
0x88: {  	s2 =	sld [smem:$0x3FD9]  }
0x89: {  	s3 =	sld [smem:$0x3FFE];
	_ =	sdelay $0x1  }
0x8a: {  	s1 =	srdreg.scid  }
0x8b: {  	s0 =	sand.u32 $0x1, s1  }
0x8c: {  	s17 =	sshll.u32 s0, $0xA;
	s2 =	sadd.s32 s3, s2  }
0x8d: {  	s2 =	sadd.s32 s2, s17  }
0x8e: {  	[smem:$0x3F8D] =	sst s2  }
0x8f: {  	_ = 	snop  }
0x90: {  	s2 =	sld [smem:$0x3FD0];
	(tm) =	ssettm $0x1  }
0x91: {  	s18 =	sld [smem:$0x3FFB];
	_ =	sdelay $0x3  }
0x92: {  	_ =	strace s18  }
0x93: {  	s3 =	sld [smem:$0x3FFC];
	_ =	sdelay $0x3  }
0x94: {  	_ =	strace s3  }
0x95: {  	s3 =	sld [smem:$0x3FFD];
	_ =	sdelay $0x3  }
0x96: {  	_ =	strace s3  }
0x97: {  	_ =	strace $0x8FFFFFFF  }
0x98: {  	s19 =	sld [smem:$0x3FDB];
	_ =	sdelay $0x1  }
0x99: {  	s4 =	simm.s32 $_scs_section_size  }
0x9a: {  	s5 =	simm.s32 $_size__tile_overlayer_lowered;
	s6 =	simm.s32 $_tile_overlayer_lowered  }
0x9b: {  	s22 =	simm.s32 $0x1BFF;
	s21 =	sshll.u32 s6, $0x1;
	s3 =	sadd.s32 s4, s19  }
0x9c: {  	s7 =	simm.s32 $0x0;
	s20 =	sshll.u32 s5, $0x1;
	s5 =	sadd.s32 s21, s3  }
0x9d: {  	[timem:s7], [sflag:s22] =	dma.local [hbm:s5], s20  }
0x9e: {  	_ =	swait.ge [sflag:s22], s20  }
0x9f: {  	s4 =	ssub.s32 $0x0, s20;
	[sflag:s22] =	ssyncset.done $0x0  }
0xa0: {  	[sflag:s22] =	ssyncadd.s32 s4;
	_ =	sdelay $0x1  }
0xa1: {  	s23 =	simm.s32 $0x1B8B  }
0xa2: {  	_ =	swait.ge [sflag:s23], $0x1  }
0xa3: {  	[sflag:s23] =	ssyncset.done $0x0  }
0xa4: {  	s25 =	simm.s32 $0x1B8E;
	s24 =	sld [smem:$0x3FFE];
	[sflag:s23] =	ssyncadd.s32 $0xFFFFFFFF  }
0xa5: {  	s26 =	simm.s32 $execute0_lowered;
	[smem:$0x3FD2] =	sst s25  }
0xa6: {  	s5 =	sshll.u32 s26, $0x1;
	_ =	strace $0x8000005E;
	[dreg:$0x1] =	wrdreg $0xFFFFFFFF  }
0xa7: {  	s28 =	simm.s32 $_size_execute0_lowered;
	s3 =	sadd.s32 s3, s5;
	[dreg:$0x0] =	wrdreg $0x0  }
0xa8: {  	s5 =	sshll.u32 s28, $0x1;
	[dreg:$0x2] =	wrdreg s3  }
0xa9: {  	[dreg:$0x3] =	wrdreg s5  }
0xaa: {  	[dreg:$0x4] =	wrdreg $0xC0  }
0xab: {  	_ =	task [dreg:s7], $0x5FFFF  }
0xac: {  	[dreg:$0x1] =	wrdreg $0xFFFFFFFF  }
0xad: {  	[dreg:$0x0] =	wrdreg $0x60  }
0xae: {  	[dreg:$0x2] =	wrdreg s24  }
0xaf: {  	[dreg:$0x3] =	wrdreg s2  }
0xb0: {  	[dreg:$0x4] =	wrdreg $0x12000  }
0xb1: {  	[dreg:$0x5] =	wrdreg $0x9  }
0xb2: {  	_ =	task.clear_ibuf [dreg:s7], $0x6FFFF;
	_ =	strace $0x9000005E  }
0xb3: {  	s29 =	simm.s32 $0x9;
	_ =	strace $0x80000060  }
0xb4: {  	_ =	swait.ge [sflag:s29], $0x1  }
0xb5: {  	[sflag:s29] =	ssyncadd.s32 $0xFFFFFFFF  }
0xb6: {  	_ =	strace $0x90000060  }
0xb7: {  	_ =	sfence  }
0xb8: {  	s30 =	sld [smem:$0x0];
	_ =	sdelay $0x2  }
0xb9: {  	s31 =	sshll.u32 s1, $0xD;
	s1 =	sshrl.u32 s1, $0x2  }
0xba: {  	s3 =	sand.u32 $0x4000, s31;
	s1 =	sadd.s32 s1, s30  }
0xbb: {  	s0 =	sor.u32 s3, s0;
	s1 =	sshll.u32 s1, $0x11  }
0xbc: {  	s0 =	sor.u32 s1, s0  }
0xbd: {  	s0 =	sadd.s32 $0x8F2B, s0  }
0xbe: {  	[sflag:s0] =	ssyncadd.remote.s32 $0x1  }
0xbf: {  	_ =	sfence.sel $0xFFFF  }
0xc0: {  	[dreg:$0x0] =	wrdreg $0xFFFFFFFF;
	(pc) =	sbr.abs _section_cstart, $3  }
0xc1: {  	[dreg:$0x1] =	wrdreg $0xFFFFFFFF  }
0xc2: {  	_ =	task.clear_ibuf [dreg:s7], $0x2FFFF;
	_ =	strace $0x9FFFFFFF  }
0xc3: {  	(tm) =	ssettm $0x7FFFFFFF  }
tec
execute0_lowered:
.L_overlay_start_1:
0x0: {  	(tag) =	ssettag $0x1  }
0x1: {  	s5 =	rddreg [dreg:$0x0]  }
0x2: {  	s10 =	rddreg [dreg:$0x1]  }
0x3: {  	s2 =	rddreg [dreg:$0x2];
	s3 =	simm.s32 $0x0;
	s1 =	stileid.u32  }
0x4: {  	s4 =	srdreg.scid;
	s20 =	simm.s32 $0x1;
	s6 =	smul.u32 $0x6200, s1  }
0x5: {  	s21 =	simm.s32 $0x100;
	s22 =	simm.s32 $0x3;
	s26 =	smul.u32 $0xC400, s1  }
0x6: {  	s23 =	simm.s32 $0x2;
	[smem:$0x7FF] =	sst s3;
	s14 =	smul.u32 $0x620, s1  }
0x7: {  	s8 =	sand.u32 $0x1, s4;
	s9 =	sadd.s32 $0x90A200, s5;
	s17 =	smul.u32 $0x18800, s1  }
0x8: {  	s13 =	sadd.s32 $0x25A00, s5;
	s15 =	sadd.s32 $0x5BE00, s2;
	s31 =	smul.u32 $0x1880, s1  }
0x9: {  	p0 =	seq.s32 s1, $0xF;
	_ =	strace $0x8000005F;
	s24 =	smul.u32 $0x61A8, s8  }
0xa: {  	s4 =	ssub.s32 $0x2, s8;
	s19 =	smul.u32 $0x61A80, s8;
	s7 =	sshrl.u32 s6, $0x3  }
0xb: {  	s11 =	sshrl.u32 s4, $0x1;
	s16 =	sadd.s32 s6, s2;
	s28 =	sshrl.u32 s26, $0x3  }
0xc: {  	s7 =	sadd.s32 s7, s5;
	s12 =	ssub.s32 s4, s11;
	s5 =	sadd.s32 $0x10D1C0, s5  }
0xd: {  	s6 =	sadd.s32 s13, s28;
	s11 =	sor.u32 $0x80, s26;
	s14 =	sadd.s32 s14, s24  }
0xe: {  	s30 =	sshrl.u32 s19, $0x3;
	s16 =	sshrl.u32 @!p0 s16, $0x3;
	s19 =	simm.s32 $0xA00  }
0xf: {  	v0 =	vmov s24;
	s24 =	simm.s32 $0x180;
	s26 =	simm.s32 $0x0;
	s4 =	sadd.s32 $0x101A00, s7  }
0x10: {  	s7 =	sadd.s32 s9, s17;
	s18 =	sshrl.u32 s11, $0x3;
	s11 =	sshll.u32 s11, $0x1  }
0x11: {  	s29 =	sshll.u32 s14, $0x1;
	s17 =	sshrl.u32 s17, $0x2;
	s14 =	sadd.s32 s10, s30  }
.Ltmp0:
0x12: {  	s12 =	smax.u32 s12, $0x1;
	s8 =	sadd.s32 s13, s18;
	(pc) =	sbr.rel .LBB2_1-.Ltmp0, $4  }
0x13: {  	s9 =	sadd.s32 s9, s11;
	s10 =	sadd.s32 s10, s29;
	s25 =	sadd.s32 s17, s2  }
0x14: {  	s11 =	sadd.s32 $0xB7C0, s14;
	s13 =	sadd.s32 s31, s13;
	s14 =	sshrl.u32 @p0 s15, $0x3  }
0x15: {  	s15 =	sshll.u32 @!p0 s1, $0x6;
	s17 =	simm.s32 $0x200;
	s18 =	simm.s32 $0x80  }
0x16: {  	s13 =	sadd.s32 $0x30, s13;
	s15 =	sor.u32 @!p0 $0x1C03, s15;
	s25 =	sshrl.u32 @!p0 s25, $0x3  }
.LBB2_4:
0x17: {  	[bflag:$0x0] =	sbarrier.arrive $0xFFFF;
	s0 =	simm.s32 @p0 $0x1FC3  }
0x18: {  	[hbm:s11], [sflag:s0] =	dma.local @p0 [spmem:s14], $0xB90  }
0x19: {  	s0 =	simm.s32 @p0 $0x3  }
0x1a: {  	s26 =	sadd.s32 $0x1, s26;
	_ =	swait.ge @p0 [sflag:s0], $0xB90  }
0x1b: {  	p1 =	sne.s32 s26, s12;
	[sflag:s0] =	ssyncset.done @p0 $0x0  }
.Ltmp1:
0x1c: {  	[sflag:s0] =	ssyncadd.s32 @p0 $0xFFFFF470;
	s0 =	simm.s32 @!p0 $0x3;
	(pc) =	sbr.rel @!p1 .LBB2_5-.Ltmp1, $4  }
0x1d: {  	[hbm:s10], [sflag:s15] =	dma.local @!p0 [spmem:s25], $0xC40  }
0x1e: {  	_ =	swait.ge @!p0 [sflag:s0], $0xC40  }
0x1f: {  	[sflag:s0] =	ssyncset.done @!p0 $0x0  }
0x20: {  	[sflag:s0] =	ssyncadd.s32 @!p0 $0xFFFFF3C0  }
.LBB2_1:
0x21: {  	s28 =	simm.s32 @p0 $0x1FC3  }
0x22: {  	[spmem:s14], [sflag:s28] =	dma.local @p0 [hbm:s5], $0xBA0  }
0x23: {  	s28 =	simm.s32 @p0 $0x3  }
0x24: {  	_ =	swait.ge @p0 [sflag:s28], $0xBA0  }
0x25: {  	[sflag:s28] =	ssyncset.done @p0 $0x0  }
0x26: {  	[sflag:s28] =	ssyncadd.s32 @p0 $0xFFFFF460;
	s28 =	simm.s32 @!p0 $0x3  }
0x27: {  	[spmem:s16], [sflag:s15] =	dma.local @!p0 [hbm:s4], $0xC40  }
0x28: {  	_ =	swait.ge @!p0 [sflag:s28], $0xC40  }
0x29: {  	[sflag:s28] =	ssyncset.done @!p0 $0x0  }
0x2a: {  	[sflag:s28] =	ssyncadd.s32 @!p0 $0xFFFFF3C0  }
0x2b: {  	[bflag:$0x0] =	sbarrier.arrive $0xFFFF  }
0x2c: {  	[tilespmem:s3], [sflag:$0x1] =	stream.linear.gather [hbm4b:s6+s3], $0x80, $0x38;
	[tilespmem:$0x73B0] =	vst v63  }
0x2d: {  	_ = 	snop  }
0x2e: {  	[tilespmem:s17], [sflag:$0x1] =	stream.linear.gather [hbm4b:s7+s3], $0x800, $0x38;
	[tilespmem:$0x73B0] =	vst v63  }
0x2f: {  	_ = 	snop  }
0x30: {  	[tilespmem:s18], [sflag:$0x2] =	stream.linear.gather [hbm4b:s8+s3], $0x80, $0x38;
	[tilespmem:$0x73B0] =	vst v63  }
0x31: {  	s29 =	simm.s32 $0x0;
	s28 =	smov.u32 s13  }
0x32: {  	[tilespmem:s19], [sflag:$0x2] =	stream.linear.gather [hbm4b:s9+s3], $0x800, $0x38;
	[tilespmem:$0x73B0] =	vst v63  }
.LBB2_2:
0x33: {  	_ =	swait.ge [sflag:s20], $0x80  }
0x34: {  	[sflag:s20] =	ssyncset.done $0x0  }
0x35: {  	[sflag:s20] =	ssyncadd.s32 $0xFFFFFF80  }
0x36: {  	_ =	swait.ge [sflag:s20], $0x800  }
0x37: {  	[sflag:s20] =	ssyncset.done $0x0  }
0x38: {  	[sflag:s20] =	ssyncadd.s32 $0xFFFFF800  }
0x39: {  	v1 =	vld [tilespmem:$0x0]  }
0x3a: {  	v2 =	vld [tilespmem:$0x10]  }
0x3b: {  	v3 =	vld [tilespmem:$0x20]  }
0x3c: {  	v4 =	vld [tilespmem:$0x30]  }
0x3d: {  	v5 =	vld [tilespmem:$0x40]  }
0x3e: {  	v6 =	vld [tilespmem:$0x50];
	v1 =	vsub.s32 v1, v0  }
0x3f: {  	v7 =	vld [tilespmem:$0x60];
	v2 =	vsub.s32 v2, v0;
	v1 =	vmin.u32 v1, $0x61A8  }
0x40: {  	[tilespmem:$0x100] =	vst v1;
	v1 =	vmin.u32 v2, $0x61A8;
	v2 =	vsub.s32 v3, v0;
	v3 =	vld [tilespmem:$0x70]  }
0x41: {  	[tilespmem:$0x110] =	vst v1;
	v1 =	vmin.u32 v2, $0x61A8;
	v2 =	vsub.s32 v4, v0  }
0x42: {  	[tilespmem:$0x120] =	vst v1;
	v1 =	vmin.u32 v2, $0x61A8;
	v2 =	vsub.s32 v5, v0  }
0x43: {  	[tilespmem:$0x130] =	vst v1;
	v1 =	vmin.u32 v2, $0x61A8;
	v2 =	vsub.s32 v6, v0  }
0x44: {  	[tilespmem:$0x140] =	vst v1;
	v1 =	vmin.u32 v2, $0x61A8;
	v2 =	vsub.s32 v7, v0  }
0x45: {  	[tilespmem:$0x150] =	vst v1;
	v1 =	vmin.u32 v2, $0x61A8;
	v2 =	vsub.s32 v3, v0  }
0x46: {  	[tilespmem:$0x160] =	vst v1;
	v1 =	vmin.u32 v2, $0x61A8  }
0x47: {  	[tilespmem:$0x170] =	vst v1  }
0x48: {  	[spmem:s2] =	stream.indirect.scatter.add.f32 [tilespmem:s17], [sflag:$0x3], $0x10, s21, s18, $0xb8;
	[tilespmem:$0x73B0] =	vst v63  }
0x49: {  	_ =	swait.ge [sflag:s22], $0x800  }
0x4a: {  	p1 =	seq.s32 s29, $0x18600;
	[sflag:s22] =	ssyncset.done $0x0  }
0x4b: {  	s30 =	sadd.s32 @!p1 $0xFFFFFFF0, s28;
	s31 =	simm.s32 @!p1 $0x0;
	[sflag:s22] =	ssyncadd.s32 $0xFFFFF800  }
0x4c: {  	[tilespmem:s31], [sflag:$0x1] =	stream.linear.gather @!p1 [hbm4b:s30+s31], $0x80, $0x38;
	[tilespmem:$0x73B0] =	vst v63  }
0x4d: {  	s30 =	sadd.s32 @!p1 s29, s7  }
0x4e: {  	s0 =	simm.s32 @!p1 $0x200;
	s30 =	sadd.s32 @!p1 $0x200, s30  }
0x4f: {  	[tilespmem:s0], [sflag:$0x1] =	stream.linear.gather @!p1 [hbm4b:s30+s31], $0x800, $0x38;
	[tilespmem:$0x73B0] =	vst v63  }
0x50: {  	_ =	swait.ge [sflag:s23], $0x80  }
0x51: {  	[sflag:s23] =	ssyncset.done $0x0  }
0x52: {  	[sflag:s23] =	ssyncadd.s32 $0xFFFFFF80  }
0x53: {  	_ =	swait.ge [sflag:s23], $0x800  }
0x54: {  	[sflag:s23] =	ssyncset.done $0x0  }
0x55: {  	[sflag:s23] =	ssyncadd.s32 $0xFFFFF800  }
0x56: {  	v1 =	vld [tilespmem:$0x80]  }
0x57: {  	v2 =	vld [tilespmem:$0x90]  }
0x58: {  	v3 =	vld [tilespmem:$0xA0]  }
0x59: {  	v60 =	vld [tilespmem:$0xB0]  }
0x5a: {  	v61 =	vld [tilespmem:$0xC0]  }
0x5b: {  	v62 =	vld [tilespmem:$0xD0];
	v1 =	vsub.s32 v1, v0  }
0x5c: {  	v63 =	vld [tilespmem:$0xE0];
	v2 =	vsub.s32 v2, v0;
	v1 =	vmin.u32 v1, $0x61A8  }
0x5d: {  	[tilespmem:$0x180] =	vst v1;
	v1 =	vmin.u32 v2, $0x61A8;
	v2 =	vsub.s32 v3, v0;
	v3 =	vld [tilespmem:$0xF0]  }
0x5e: {  	[tilespmem:$0x190] =	vst v1;
	v1 =	vmin.u32 v2, $0x61A8;
	v2 =	vsub.s32 v60, v0  }
0x5f: {  	[tilespmem:$0x1A0] =	vst v1;
	v1 =	vmin.u32 v2, $0x61A8;
	v2 =	vsub.s32 v61, v0  }
0x60: {  	[tilespmem:$0x1B0] =	vst v1;
	v1 =	vmin.u32 v2, $0x61A8;
	v2 =	vsub.s32 v62, v0  }
0x61: {  	[tilespmem:$0x1C0] =	vst v1;
	v1 =	vmin.u32 v2, $0x61A8;
	v2 =	vsub.s32 v63, v0  }
0x62: {  	[tilespmem:$0x1D0] =	vst v1;
	v1 =	vmin.u32 v2, $0x61A8;
	v2 =	vsub.s32 v3, v0  }
0x63: {  	[tilespmem:$0x1E0] =	vst v1;
	v1 =	vmin.u32 v2, $0x61A8  }
.Ltmp2:
0x64: {  	[tilespmem:$0x1F0] =	vst v1;
	(pc) =	sbr.rel @p1 .LBB2_4-.Ltmp2, $4  }
0x65: {  	[spmem:s2] =	stream.indirect.scatter.add.f32 [tilespmem:s19], [sflag:$0x3], $0x10, s24, s18, $0xb8;
	[tilespmem:$0x73B0] =	vst v63  }
0x66: {  	_ =	swait.ge [sflag:s22], $0x800  }
0x67: {  	[sflag:s22] =	ssyncset.done $0x0  }
0x68: {  	[sflag:s22] =	ssyncadd.s32 $0xFFFFF800  }
.Ltmp3:
0x69: {  	(pc) =	sbr.rel .LBB2_2-.Ltmp3, $4  }
0x6a: {  	[tilespmem:s18], [sflag:$0x2] =	stream.linear.gather [hbm4b:s28+s3], $0x80, $0x38;
	[tilespmem:$0x73B0] =	vst v63  }
0x6b: {  	s0 =	sadd.s32 s29, s7  }
0x6c: {  	s29 =	sadd.s32 $0x200, s29;
	s28 =	sadd.s32 $0x20, s28;
	s0 =	sadd.s32 $0x300, s0  }
0x6d: {  	[tilespmem:s19], [sflag:$0x2] =	stream.linear.gather [hbm4b:s0+s3], $0x800, $0x38;
	[tilespmem:$0x73B0] =	vst v63  }
.LBB2_5:
0x6e: {  	_ =	sfence.sel $0x180000  }
0x6f: {  	[bflag:$0x0] =	sbarrier.arrive $0xFFFF  }
0x70: {  	_ =	strace $0x9000005F  }
0x71: {  	[bflag:$0x2] =	sbarrier.arrive $0xFFFF  }
0x72: {  	p0 =	sne.s32 s1, $0x0;
	s0 =	rddreg [dreg:$0x3]  }
0x73: {  	s0 =	sadd.s32 @!p0 $0x100000, s0  }
0x74: {  	[sflag:s0] =	ssyncadd.tile.s32 @!p0 $0x1;
	_ =	shalt  }
.Lfunc_end2:
_tile_overlayer_lowered:
.L_overlay_start_2:
0x75: {  	(tag) =	ssettag $0x2  }
0x76: {  	s0 =	rddreg [dreg:$0x0];
	s2 =	stileid.u32  }
0x77: {  	s1 =	rddreg [dreg:$0x1];
	p0 =	sne.s32 s2, $0x0  }
0x78: {  	s3 =	rddreg [dreg:$0x2];
	[bflag:$0x3] =	sbarrier.arrive $0xFFFF;
	s2 =	simm.s32 @!p0 $0x1C03  }
0x79: {  	[timem:s3], [sflag:s2] =	dma.local @!p0 [hbm:s0], s1  }
0x7a: {  	s0 =	simm.s32 @!p0 $0x3  }
0x7b: {  	_ =	swait.ge @!p0 [sflag:s0], s1  }
0x7c: {  	s1 =	ssub.s32 @!p0 $0x0, s1;
	[sflag:s0] =	ssyncset.done @!p0 $0x0  }
0x7d: {  	[sflag:s0] =	ssyncadd.s32 @!p0 s1  }
0x7e: {  	[bflag:$0x3] =	sbarrier.arrive $0xFFFF  }
0x7f: {  	_ =	shalt  }

</sc_bundles>
